<compile_context>
chip_gen: v7x
topology: tpu7x:2x2x1
jax: 0.10.2.dev20260603
libtpu: 0.0.44.dev20260713+nightly
codegen_flags: <defaults>
</compile_context>

<pallas_src>
import dataclasses
import functools

import jax
import jax.numpy as jnp
from jax import lax
from jax.experimental import pallas as pl
from jax.experimental.pallas import tpu as pltpu
from jax.experimental.pallas import tpu_sc as plsc

N = 100000
D = 128
S = 1024
NC = 2
NS = 16
NW = NC * NS
BLK = 128
NFULL = N // BLK
TAIL = N - NFULL * BLK
KPW = NFULL // NW
REM = NFULL % NW
KMAX = KPW + 1
SEG_PER_TILE = S // NS
L = 16

_mesh = plsc.VectorSubcoreMesh(core_axis_name="c", subcore_axis_name="s")

_cp = pltpu.CompilerParams()
if "needs_layout_passes" in pltpu.CompilerParams.__dataclass_fields__:
    _cp = dataclasses.replace(_cp, needs_layout_passes=False)


@functools.partial(
    pl.kernel,
    compiler_params=_cp,
    out_type=(
        jax.ShapeDtypeStruct((NC, S, D), jnp.float32),
        jax.ShapeDtypeStruct((NW, S), jnp.float32),
    ),
    mesh=_mesh,
    scratch_types=[
        pltpu.VMEM((1, BLK), jnp.int32),
        pltpu.VMEM((1, BLK), jnp.int32),
        pltpu.VMEM((1, BLK), jnp.int32),
        pltpu.VMEM((1, BLK), jnp.int32),
        pltpu.VMEM((BLK, D), jnp.float32),
        pltpu.VMEM((BLK, D), jnp.float32),
        pltpu.VMEM((BLK, D), jnp.float32),
        pltpu.VMEM((BLK, D), jnp.float32),
        pltpu.VMEM((1, TAIL), jnp.int32),
        pltpu.VMEM((TAIL, D), jnp.float32),
        pltpu.VMEM((S,), jnp.float32),
        pltpu.VMEM((SEG_PER_TILE, D), jnp.float32),
        pltpu.VMEM_SHARED((S, D), jnp.float32),
        pltpu.SemaphoreType.DMA,
        pltpu.SemaphoreType.DMA,
        pltpu.SemaphoreType.DMA,
        pltpu.SemaphoreType.DMA,
        pltpu.SemaphoreType.DMA,
        pltpu.SemaphoreType.DMA,
        pltpu.SemaphoreType.DMA,
        pltpu.SemaphoreType.DMA,
        pltpu.SemaphoreType.DMA,
        pltpu.SemaphoreType.DMA,
        pltpu.SemaphoreType.DMA,
        pltpu.SemaphoreType.DMA,
    ],
)
def _segsum_sc(h_hbm, ids_hbm, psum_hbm, pcnt_hbm,
               id0_v, id1_v, id2_v, id3_v, rows0_v, rows1_v, rows2_v, rows3_v,
               idt_v, rowt_v, hist_v, zsum_v,
               sums_sh, si0, si1, si2, si3, sr0, sr1, sr2, sr3,
               ss0, ss1, ss2, ss3):
    cid = lax.axis_index("c")
    sid = lax.axis_index("s")
    wid = cid * NS + sid
    start_w = wid * KPW + jnp.minimum(wid, REM)
    cnt_w = jnp.where(wid < REM, KPW + 1, KPW)

    zero16 = jnp.zeros((L,), jnp.float32)
    one16 = jnp.ones((L,), jnp.float32)

    NB = 4
    ids_v = (id0_v, id1_v, id2_v, id3_v)
    rows_v = (rows0_v, rows1_v, rows2_v, rows3_v)
    sem_id = (si0, si1, si2, si3)
    sem_in = (sr0, sr1, sr2, sr3)
    sem_sc = (ss0, ss1, ss2, ss3)

    def _id_desc(k):
        return pltpu.make_async_copy(
            ids_hbm.at[pl.ds((start_w + k) * BLK, BLK)], ids_v[k % NB].at[0],
            sem_id[k % NB])

    def _in_desc(k):
        return pltpu.make_async_copy(
            h_hbm.at[pl.ds((start_w + k) * BLK, BLK)], rows_v[k % NB],
            sem_in[k % NB])

    def _sc_desc(k):
        return pltpu.make_async_copy(
            rows_v[k % NB], sums_sh.at[ids_v[k % NB].at[0]], sem_sc[k % NB])

    def start_in(k):
        @pl.when(k < cnt_w)
        def _():
            _id_desc(k).start()
            _in_desc(k).start()

    def wait_sc(k):
        @pl.when(k < cnt_w)
        def _():
            _sc_desc(k).wait()

    start_in(0)
    start_in(1)
    start_in(2)

    @pl.loop(0, S, step=L)
    def _(i):
        hist_v[pl.ds(i, L)] = zero16

    @pl.loop(0, SEG_PER_TILE)
    def _(i):
        @pl.loop(0, D, step=L)
        def _(j):
            zsum_v[i, pl.ds(j, L)] = zero16

    pltpu.sync_copy(zsum_v, sums_sh.at[pl.ds(sid * SEG_PER_TILE, SEG_PER_TILE)])

    plsc.subcore_barrier()

    for k in range(KMAX):
        if k + 3 < KMAX:
            if k >= 1:
                wait_sc(k - 1)
            start_in(k + 3)

        @pl.when(k < cnt_w)
        def _(k=k):
            _id_desc(k).wait()
            _in_desc(k).wait()
            pltpu.async_copy(rows_v[k % NB], sums_sh.at[ids_v[k % NB].at[0]],
                             sem_sc[k % NB], add=True)

            @pl.loop(0, BLK, step=L)
            def _(l):
                idx = ids_v[k % NB][0, pl.ds(l, L)]
                plsc.addupdate_scatter(hist_v, [idx], one16)
    wait_sc(KMAX - 4)
    wait_sc(KMAX - 3)
    wait_sc(KMAX - 2)
    wait_sc(KMAX - 1)

    @pl.when(wid == NW - 1)
    def _():
        base = NFULL * BLK
        pltpu.sync_copy(ids_hbm.at[pl.ds(base, TAIL)], idt_v.at[0])
        pltpu.sync_copy(h_hbm.at[pl.ds(base, TAIL)], rowt_v)
        pltpu.sync_copy(rowt_v, sums_sh.at[idt_v.at[0]], add=True)

        @pl.loop(0, TAIL, step=L)
        def _(l):
            idx = idt_v[0, pl.ds(l, L)]
            plsc.addupdate_scatter(hist_v, [idx], one16)

    plsc.subcore_barrier()

    lo = sid * SEG_PER_TILE
    pltpu.sync_copy(sums_sh.at[pl.ds(lo, SEG_PER_TILE)],
                    psum_hbm.at[cid, pl.ds(lo, SEG_PER_TILE)])
    pltpu.sync_copy(hist_v, pcnt_hbm.at[wid])


def _combine_tc(psum_ref, pcnt_ref, out_ref):
    sums = psum_ref[0] + psum_ref[1]
    cnt = jnp.maximum(jnp.sum(pcnt_ref[...], axis=0), 1.0)
    out_ref[...] = sums / cnt[:, None]


@jax.jit
def kernel(h, segment_ids):
    ids = segment_ids.astype(jnp.int32)
    psum, pcnt = _segsum_sc(h, ids)
    return pl.pallas_call(
        _combine_tc,
        out_shape=jax.ShapeDtypeStruct((S, D), jnp.float32),
    )(psum, pcnt)

# --- scband reference (transcript-rebuilt; emitter-appended) ---
"""Pipeline reference for scband-mean-readout-87840671138167 (READ-ONLY COPY).

The authoritative reference and input builder live on the scoring server;
editing this copy changes nothing except your own understanding.
"""

import jax, jax.numpy as jnp
import numpy as np

NUM_SEGMENTS = 1024

def setup_inputs(seed: int = 0) -> dict:
    key = jax.random.key(seed)
    k1, k2 = jax.random.split(key)
    h = jax.random.normal(k1, (100000, 128), dtype=jnp.float32)
    segment_ids = jnp.sort(jax.random.randint(k2, (100000,), 0, NUM_SEGMENTS, dtype=jnp.int64))
    return {"h": h, "segment_ids": segment_ids}

def reference(h, segment_ids):
    # dgl.mean_nodes(g, 'h'): per-graph mean of node feature 'h'.
    sums = jax.ops.segment_sum(h, segment_ids, num_segments=NUM_SEGMENTS)
    counts = jax.ops.segment_sum(jnp.ones((h.shape[0],), dtype=h.dtype), segment_ids, num_segments=NUM_SEGMENTS)
    counts = jnp.maximum(counts, 1.0)
    return sums / counts[:, None]

if __name__ == "__main__":
    import jax
    _d = setup_inputs()
    print(jax.jit(kernel)(*tuple(_d.values())))

</pallas_src>

<mosaic_0001>
#map = affine_map<(d0, d1) -> (0, 0)>
#map1 = affine_map<(d0, d1) -> (0)>
#map2 = affine_map<(d0, d1) -> (0, 0, 0)>
module attributes {stable_mosaic.version = 14 : i64} {
  func.func @_segsum_sc(%arg0: i32, %arg1: i32, %arg2: memref<100000x128xf32, #tpu.memory_space<hbm>>, %arg3: memref<100000xi32, #tpu.memory_space<hbm>>, %arg4: memref<2x1024x128xf32, #tpu.memory_space<hbm>>, %arg5: memref<32x1024xf32, #tpu.memory_space<hbm>>, %arg6: memref<1x128xi32, #tpu.memory_space<vmem>>, %arg7: memref<1x128xi32, #tpu.memory_space<vmem>>, %arg8: memref<1x128xi32, #tpu.memory_space<vmem>>, %arg9: memref<1x128xi32, #tpu.memory_space<vmem>>, %arg10: memref<128x128xf32, #tpu.memory_space<vmem>>, %arg11: memref<128x128xf32, #tpu.memory_space<vmem>>, %arg12: memref<128x128xf32, #tpu.memory_space<vmem>>, %arg13: memref<128x128xf32, #tpu.memory_space<vmem>>, %arg14: memref<1x32xi32, #tpu.memory_space<vmem>>, %arg15: memref<32x128xf32, #tpu.memory_space<vmem>>, %arg16: memref<1024xf32, #tpu.memory_space<vmem>>, %arg17: memref<64x128xf32, #tpu.memory_space<vmem>>, %arg18: memref<1024x128xf32, #tpu.memory_space<vmem_shared>>, %arg19: memref<!tpu.dma_semaphore, #tpu.memory_space<semaphore_mem>>, %arg20: memref<!tpu.dma_semaphore, #tpu.memory_space<semaphore_mem>>, %arg21: memref<!tpu.dma_semaphore, #tpu.memory_space<semaphore_mem>>, %arg22: memref<!tpu.dma_semaphore, #tpu.memory_space<semaphore_mem>>, %arg23: memref<!tpu.dma_semaphore, #tpu.memory_space<semaphore_mem>>, %arg24: memref<!tpu.dma_semaphore, #tpu.memory_space<semaphore_mem>>, %arg25: memref<!tpu.dma_semaphore, #tpu.memory_space<semaphore_mem>>, %arg26: memref<!tpu.dma_semaphore, #tpu.memory_space<semaphore_mem>>, %arg27: memref<!tpu.dma_semaphore, #tpu.memory_space<semaphore_mem>>, %arg28: memref<!tpu.dma_semaphore, #tpu.memory_space<semaphore_mem>>, %arg29: memref<!tpu.dma_semaphore, #tpu.memory_space<semaphore_mem>>, %arg30: memref<!tpu.dma_semaphore, #tpu.memory_space<semaphore_mem>>) attributes {dimension_semantics = [#tpu.dimension_semantics<core_parallel>, #tpu.dimension_semantics<subcore_parallel>], iteration_bounds = array<i64: 2, 16>, scalar_prefetch = 0 : i64, scratch_operands = 25 : i64, tpu.core_type = #tpu.core_type<sc_vector_subcore>, window_params = [{transform_indices = #map}, {transform_indices = #map1}, {transform_indices = #map2}, {transform_indices = #map}]} {
    %mul3A = arith.constant 16 : i32
    %mul3A_0 = arith.muli %arg0, %mul3A : i32
    %add3A = arith.addi %mul3A_0, %arg1 : i32
    %mul3A_1 = arith.constant 24 : i32
    %mul3A_2 = arith.muli %add3A, %mul3A_1 : i32
    %min3A = arith.constant 13 : i32
    %min3A_3 = arith.minsi %add3A, %min3A : i32
    %add3A_4 = arith.addi %mul3A_2, %min3A_3 : i32
    %lt3A = arith.constant 13 : i32
    %lt3A_5 = arith.cmpi slt, %add3A, %lt3A : i32
    %jit3A = arith.constant 25 : i32
    %jit3A_6 = arith.constant 24 : i32
    %select_n3A = arith.select %lt3A_5, %jit3A, %jit3A_6 : i32
    %broadcast_in_dim3A = arith.constant 0.000000e+00 : f32
    %broadcast_in_dim3A_7 = vector.broadcast %broadcast_in_dim3A : f32 to vector<16xf32>
    %broadcast_in_dim3A_8 = arith.constant 1.000000e+00 : f32
    %broadcast_in_dim3A_9 = vector.broadcast %broadcast_in_dim3A_8 : f32 to vector<16xf32>
    %gt3A = arith.constant 0 : i32
    %gt3A_10 = arith.cmpi sgt, %select_n3A, %gt3A : i32
    %convert_element_type3A = arith.extui %gt3A_10 : i1 to i32
    %cond3A = arith.constant 0 : i32
    %cond3A_11 = arith.cmpi ne, %convert_element_type3A, %cond3A : i32
    scf.if %cond3A_11 {
      %add3A_400 = arith.constant 0 : i32
      %add3A_401 = arith.addi %add3A_4, %add3A_400 : i32
      %mul3A_402 = arith.constant 128 : i32
      %mul3A_403 = arith.muli %add3A_401, %mul3A_402 : i32
      %dma_start3A = arith.constant 0 : i32
      %dma_start3A_404 = arith.constant 0 : i32
      %dma_start3A_405 = tpu.memref_slice %arg6[%dma_start3A, %dma_start3A_404] : memref<1x128xi32, #tpu.memory_space<vmem>> -> memref<1x128xi32, #tpu.memory_space<vmem>>
      %dma_start3A_406 = tpu.memref_squeeze %dma_start3A_405 : memref<1x128xi32, #tpu.memory_space<vmem>> -> memref<128xi32, #tpu.memory_space<vmem>>
      %dma_start3A_407 = tpu.memref_slice %arg3[%mul3A_403] : memref<100000xi32, #tpu.memory_space<hbm>> -> memref<128xi32, #tpu.memory_space<hbm>>
      %dma_start3A_408 = arith.constant 0 : i32
      %dma_start3A_409 = tpu.memref_slice %arg6[%dma_start3A, %dma_start3A_408] : memref<1x128xi32, #tpu.memory_space<vmem>> -> memref<1x128xi32, #tpu.memory_space<vmem>>
      %dma_start3A_410 = tpu.memref_squeeze %dma_start3A_409 : memref<1x128xi32, #tpu.memory_space<vmem>> -> memref<128xi32, #tpu.memory_space<vmem>>
      %dma_start3A_411 = tpu.memref_slice %arg3[%mul3A_403] : memref<100000xi32, #tpu.memory_space<hbm>> -> memref<128xi32, #tpu.memory_space<hbm>>
      tpu.enqueue_dma source(%dma_start3A_411 : memref<128xi32, #tpu.memory_space<hbm>>) target(%dma_start3A_410 : memref<128xi32, #tpu.memory_space<vmem>>) target_semaphore(%arg19 : memref<!tpu.dma_semaphore, #tpu.memory_space<semaphore_mem>>)
      %add3A_412 = arith.constant 0 : i32
      %add3A_413 = arith.addi %add3A_4, %add3A_412 : i32
      %mul3A_414 = arith.constant 128 : i32
      %mul3A_415 = arith.muli %add3A_413, %mul3A_414 : i32
      %dma_start3A_416 = arith.constant 0 : i32
      %dma_start3A_417 = tpu.memref_slice %arg2[%mul3A_415, %dma_start3A_416] : memref<100000x128xf32, #tpu.memory_space<hbm>> -> memref<128x128xf32, #tpu.memory_space<hbm>>
      %dma_start3A_418 = arith.constant 0 : i32
      %dma_start3A_419 = tpu.memref_slice %arg2[%mul3A_415, %dma_start3A_418] : memref<100000x128xf32, #tpu.memory_space<hbm>> -> memref<128x128xf32, #tpu.memory_space<hbm>>
      tpu.enqueue_dma source(%dma_start3A_419 : memref<128x128xf32, #tpu.memory_space<hbm>>) target(%arg10 : memref<128x128xf32, #tpu.memory_space<vmem>>) target_semaphore(%arg23 : memref<!tpu.dma_semaphore, #tpu.memory_space<semaphore_mem>>)
    } else {
    }
    %gt3A_12 = arith.constant 1 : i32
    %gt3A_13 = arith.cmpi sgt, %select_n3A, %gt3A_12 : i32
    %convert_element_type3A_14 = arith.extui %gt3A_13 : i1 to i32
    %cond3A_15 = arith.constant 0 : i32
    %cond3A_16 = arith.cmpi ne, %convert_element_type3A_14, %cond3A_15 : i32
    scf.if %cond3A_16 {
      %add3A_400 = arith.constant 1 : i32
      %add3A_401 = arith.addi %add3A_4, %add3A_400 : i32
      %mul3A_402 = arith.constant 128 : i32
      %mul3A_403 = arith.muli %add3A_401, %mul3A_402 : i32
      %dma_start3A = arith.constant 0 : i32
      %dma_start3A_404 = arith.constant 0 : i32
      %dma_start3A_405 = tpu.memref_slice %arg7[%dma_start3A, %dma_start3A_404] : memref<1x128xi32, #tpu.memory_space<vmem>> -> memref<1x128xi32, #tpu.memory_space<vmem>>
      %dma_start3A_406 = tpu.memref_squeeze %dma_start3A_405 : memref<1x128xi32, #tpu.memory_space<vmem>> -> memref<128xi32, #tpu.memory_space<vmem>>
      %dma_start3A_407 = tpu.memref_slice %arg3[%mul3A_403] : memref<100000xi32, #tpu.memory_space<hbm>> -> memref<128xi32, #tpu.memory_space<hbm>>
      %dma_start3A_408 = arith.constant 0 : i32
      %dma_start3A_409 = tpu.memref_slice %arg7[%dma_start3A, %dma_start3A_408] : memref<1x128xi32, #tpu.memory_space<vmem>> -> memref<1x128xi32, #tpu.memory_space<vmem>>
      %dma_start3A_410 = tpu.memref_squeeze %dma_start3A_409 : memref<1x128xi32, #tpu.memory_space<vmem>> -> memref<128xi32, #tpu.memory_space<vmem>>
      %dma_start3A_411 = tpu.memref_slice %arg3[%mul3A_403] : memref<100000xi32, #tpu.memory_space<hbm>> -> memref<128xi32, #tpu.memory_space<hbm>>
      tpu.enqueue_dma source(%dma_start3A_411 : memref<128xi32, #tpu.memory_space<hbm>>) target(%dma_start3A_410 : memref<128xi32, #tpu.memory_space<vmem>>) target_semaphore(%arg20 : memref<!tpu.dma_semaphore, #tpu.memory_space<semaphore_mem>>)
      %add3A_412 = arith.constant 1 : i32
      %add3A_413 = arith.addi %add3A_4, %add3A_412 : i32
      %mul3A_414 = arith.constant 128 : i32
      %mul3A_415 = arith.muli %add3A_413, %mul3A_414 : i32
      %dma_start3A_416 = arith.constant 0 : i32
      %dma_start3A_417 = tpu.memref_slice %arg2[%mul3A_415, %dma_start3A_416] : memref<100000x128xf32, #tpu.memory_space<hbm>> -> memref<128x128xf32, #tpu.memory_space<hbm>>
      %dma_start3A_418 = arith.constant 0 : i32
      %dma_start3A_419 = tpu.memref_slice %arg2[%mul3A_415, %dma_start3A_418] : memref<100000x128xf32, #tpu.memory_space<hbm>> -> memref<128x128xf32, #tpu.memory_space<hbm>>
      tpu.enqueue_dma source(%dma_start3A_419 : memref<128x128xf32, #tpu.memory_space<hbm>>) target(%arg11 : memref<128x128xf32, #tpu.memory_space<vmem>>) target_semaphore(%arg24 : memref<!tpu.dma_semaphore, #tpu.memory_space<semaphore_mem>>)
    } else {
    }
    %gt3A_17 = arith.constant 2 : i32
    %gt3A_18 = arith.cmpi sgt, %select_n3A, %gt3A_17 : i32
    %convert_element_type3A_19 = arith.extui %gt3A_18 : i1 to i32
    %cond3A_20 = arith.constant 0 : i32
    %cond3A_21 = arith.cmpi ne, %convert_element_type3A_19, %cond3A_20 : i32
    scf.if %cond3A_21 {
      %add3A_400 = arith.constant 2 : i32
      %add3A_401 = arith.addi %add3A_4, %add3A_400 : i32
      %mul3A_402 = arith.constant 128 : i32
      %mul3A_403 = arith.muli %add3A_401, %mul3A_402 : i32
      %dma_start3A = arith.constant 0 : i32
      %dma_start3A_404 = arith.constant 0 : i32
      %dma_start3A_405 = tpu.memref_slice %arg8[%dma_start3A, %dma_start3A_404] : memref<1x128xi32, #tpu.memory_space<vmem>> -> memref<1x128xi32, #tpu.memory_space<vmem>>
      %dma_start3A_406 = tpu.memref_squeeze %dma_start3A_405 : memref<1x128xi32, #tpu.memory_space<vmem>> -> memref<128xi32, #tpu.memory_space<vmem>>
      %dma_start3A_407 = tpu.memref_slice %arg3[%mul3A_403] : memref<100000xi32, #tpu.memory_space<hbm>> -> memref<128xi32, #tpu.memory_space<hbm>>
      %dma_start3A_408 = arith.constant 0 : i32
      %dma_start3A_409 = tpu.memref_slice %arg8[%dma_start3A, %dma_start3A_408] : memref<1x128xi32, #tpu.memory_space<vmem>> -> memref<1x128xi32, #tpu.memory_space<vmem>>
      %dma_start3A_410 = tpu.memref_squeeze %dma_start3A_409 : memref<1x128xi32, #tpu.memory_space<vmem>> -> memref<128xi32, #tpu.memory_space<vmem>>
      %dma_start3A_411 = tpu.memref_slice %arg3[%mul3A_403] : memref<100000xi32, #tpu.memory_space<hbm>> -> memref<128xi32, #tpu.memory_space<hbm>>
      tpu.enqueue_dma source(%dma_start3A_411 : memref<128xi32, #tpu.memory_space<hbm>>) target(%dma_start3A_410 : memref<128xi32, #tpu.memory_space<vmem>>) target_semaphore(%arg21 : memref<!tpu.dma_semaphore, #tpu.memory_space<semaphore_mem>>)
      %add3A_412 = arith.constant 2 : i32
      %add3A_413 = arith.addi %add3A_4, %add3A_412 : i32
      %mul3A_414 = arith.constant 128 : i32
      %mul3A_415 = arith.muli %add3A_413, %mul3A_414 : i32
      %dma_start3A_416 = arith.constant 0 : i32
      %dma_start3A_417 = tpu.memref_slice %arg2[%mul3A_415, %dma_start3A_416] : memref<100000x128xf32, #tpu.memory_space<hbm>> -> memref<128x128xf32, #tpu.memory_space<hbm>>
      %dma_start3A_418 = arith.constant 0 : i32
      %dma_start3A_419 = tpu.memref_slice %arg2[%mul3A_415, %dma_start3A_418] : memref<100000x128xf32, #tpu.memory_space<hbm>> -> memref<128x128xf32, #tpu.memory_space<hbm>>
      tpu.enqueue_dma source(%dma_start3A_419 : memref<128x128xf32, #tpu.memory_space<hbm>>) target(%arg12 : memref<128x128xf32, #tpu.memory_space<vmem>>) target_semaphore(%arg25 : memref<!tpu.dma_semaphore, #tpu.memory_space<semaphore_mem>>)
    } else {
    }
    %scan3A = arith.constant 0 : i32
    %scan3A_22 = arith.constant 64 : i32
    %scan3A_23 = arith.addi %scan3A, %scan3A_22 : i32
    %scan3A_24 = arith.constant 1 : i32
    scf.for %scan3A_400 = %scan3A to %scan3A_23 step %scan3A_24  : i32 {
      %mul3A_401 = arith.constant 16 : i32
      %mul3A_402 = arith.muli %scan3A_400, %mul3A_401 : i32
      %add3A_403 = arith.constant 0 : i32
      %add3A_404 = arith.addi %add3A_403, %mul3A_402 : i32
      %swap3A = arith.index_cast %add3A_404 : i32 to index
      %swap3A_405 = tpu.vector_load %arg16[%swap3A] {strides = array<i32>} : memref<1024xf32, #tpu.memory_space<vmem>>, vector<16xf32>,
      tpu.vector_store %arg16[%swap3A], %broadcast_in_dim3A_7 {strides = array<i32>} : memref<1024xf32, #tpu.memory_space<vmem>>, vector<16xf32>,
    }
    %scan3A_25 = arith.constant 64 : i32
    %scan3A_26 = arith.constant 0 : i32
    %scan3A_27 = arith.constant 64 : i32
    %scan3A_28 = arith.addi %scan3A_26, %scan3A_27 : i32
    %scan3A_29 = arith.constant 1 : i32
    scf.for %scan3A_400 = %scan3A_26 to %scan3A_28 step %scan3A_29  : i32 {
      %mul3A_401 = arith.constant 1 : i32
      %mul3A_402 = arith.muli %scan3A_400, %mul3A_401 : i32
      %add3A_403 = arith.constant 0 : i32
      %add3A_404 = arith.addi %add3A_403, %mul3A_402 : i32
      %scan3A_405 = arith.constant 0 : i32
      %scan3A_406 = arith.constant 8 : i32
      %scan3A_407 = arith.addi %scan3A_405, %scan3A_406 : i32
      %scan3A_408 = arith.constant 1 : i32
      scf.for %scan3A_410 = %scan3A_405 to %scan3A_407 step %scan3A_408  : i32 {
        %mul3A_411 = arith.constant 16 : i32
        %mul3A_412 = arith.muli %scan3A_410, %mul3A_411 : i32
        %add3A_413 = arith.constant 0 : i32
        %add3A_414 = arith.addi %add3A_413, %mul3A_412 : i32
        %swap3A = arith.index_cast %add3A_404 : i32 to index
        %swap3A_415 = arith.index_cast %add3A_414 : i32 to index
        %swap3A_416 = tpu.vector_load %arg17[%swap3A, %swap3A_415] {strides = array<i32>} : memref<64x128xf32, #tpu.memory_space<vmem>>, vector<16xf32>,
        tpu.vector_store %arg17[%swap3A, %swap3A_415], %broadcast_in_dim3A_7 {strides = array<i32>} : memref<64x128xf32, #tpu.memory_space<vmem>>, vector<16xf32>,
      }
      %scan3A_409 = arith.constant 8 : i32
    }
    %scan3A_30 = arith.constant 64 : i32
    %mul3A_31 = arith.constant 64 : i32
    %mul3A_32 = arith.muli %arg1, %mul3A_31 : i32
    "tpu.region"() ({
      %run_scoped3A = tpu.sem_alloc : memref<!tpu.dma_semaphore, #tpu.memory_space<semaphore_mem>>
      %dma_start3A = arith.constant 0 : i32
      %dma_start3A_400 = tpu.memref_slice %arg18[%mul3A_32, %dma_start3A] : memref<1024x128xf32, #tpu.memory_space<vmem_shared>> -> memref<64x128xf32, #tpu.memory_space<vmem_shared>>
      %dma_start3A_401 = arith.constant 0 : i32
      %dma_start3A_402 = tpu.memref_slice %arg18[%mul3A_32, %dma_start3A_401] : memref<1024x128xf32, #tpu.memory_space<vmem_shared>> -> memref<64x128xf32, #tpu.memory_space<vmem_shared>>
      tpu.enqueue_dma source(%arg17 : memref<64x128xf32, #tpu.memory_space<vmem>>) target(%dma_start3A_402 : memref<64x128xf32, #tpu.memory_space<vmem_shared>>) target_semaphore(%run_scoped3A : memref<!tpu.dma_semaphore, #tpu.memory_space<semaphore_mem>>)
      %dma_wait3A = arith.constant 0 : i32
      %dma_wait3A_403 = tpu.memref_slice %arg18[%mul3A_32, %dma_wait3A] : memref<1024x128xf32, #tpu.memory_space<vmem_shared>> -> memref<64x128xf32, #tpu.memory_space<vmem_shared>>
      %dma_wait3A_404 = arith.constant 0 : i32
      %dma_wait3A_405 = tpu.memref_slice %arg18[%mul3A_32, %dma_wait3A_404] : memref<1024x128xf32, #tpu.memory_space<vmem_shared>> -> memref<64x128xf32, #tpu.memory_space<vmem_shared>>
      tpu.wait_dma2 semaphore(%run_scoped3A : memref<!tpu.dma_semaphore, #tpu.memory_space<semaphore_mem>>) src(%arg17 : memref<64x128xf32, #tpu.memory_space<vmem>>) dst(%dma_wait3A_405 : memref<64x128xf32, #tpu.memory_space<vmem_shared>>)
      tpu.yield
    }) : () -> ()
    %barrier3A = arith.constant 0 : index
    tpu.barrier barrier_id(%barrier3A)
    %gt3A_33 = arith.constant 3 : i32
    %gt3A_34 = arith.cmpi sgt, %select_n3A, %gt3A_33 : i32
    %convert_element_type3A_35 = arith.extui %gt3A_34 : i1 to i32
    %cond3A_36 = arith.constant 0 : i32
    %cond3A_37 = arith.cmpi ne, %convert_element_type3A_35, %cond3A_36 : i32
    scf.if %cond3A_37 {
      %add3A_400 = arith.constant 3 : i32
      %add3A_401 = arith.addi %add3A_4, %add3A_400 : i32
      %mul3A_402 = arith.constant 128 : i32
      %mul3A_403 = arith.muli %add3A_401, %mul3A_402 : i32
      %dma_start3A = arith.constant 0 : i32
      %dma_start3A_404 = arith.constant 0 : i32
      %dma_start3A_405 = tpu.memref_slice %arg9[%dma_start3A, %dma_start3A_404] : memref<1x128xi32, #tpu.memory_space<vmem>> -> memref<1x128xi32, #tpu.memory_space<vmem>>
      %dma_start3A_406 = tpu.memref_squeeze %dma_start3A_405 : memref<1x128xi32, #tpu.memory_space<vmem>> -> memref<128xi32, #tpu.memory_space<vmem>>
      %dma_start3A_407 = tpu.memref_slice %arg3[%mul3A_403] : memref<100000xi32, #tpu.memory_space<hbm>> -> memref<128xi32, #tpu.memory_space<hbm>>
      %dma_start3A_408 = arith.constant 0 : i32
      %dma_start3A_409 = tpu.memref_slice %arg9[%dma_start3A, %dma_start3A_408] : memref<1x128xi32, #tpu.memory_space<vmem>> -> memref<1x128xi32, #tpu.memory_space<vmem>>
      %dma_start3A_410 = tpu.memref_squeeze %dma_start3A_409 : memref<1x128xi32, #tpu.memory_space<vmem>> -> memref<128xi32, #tpu.memory_space<vmem>>
      %dma_start3A_411 = tpu.memref_slice %arg3[%mul3A_403] : memref<100000xi32, #tpu.memory_space<hbm>> -> memref<128xi32, #tpu.memory_space<hbm>>
      tpu.enqueue_dma source(%dma_start3A_411 : memref<128xi32, #tpu.memory_space<hbm>>) target(%dma_start3A_410 : memref<128xi32, #tpu.memory_space<vmem>>) target_semaphore(%arg22 : memref<!tpu.dma_semaphore, #tpu.memory_space<semaphore_mem>>)
      %add3A_412 = arith.constant 3 : i32
      %add3A_413 = arith.addi %add3A_4, %add3A_412 : i32
      %mul3A_414 = arith.constant 128 : i32
      %mul3A_415 = arith.muli %add3A_413, %mul3A_414 : i32
      %dma_start3A_416 = arith.constant 0 : i32
      %dma_start3A_417 = tpu.memref_slice %arg2[%mul3A_415, %dma_start3A_416] : memref<100000x128xf32, #tpu.memory_space<hbm>> -> memref<128x128xf32, #tpu.memory_space<hbm>>
      %dma_start3A_418 = arith.constant 0 : i32
      %dma_start3A_419 = tpu.memref_slice %arg2[%mul3A_415, %dma_start3A_418] : memref<100000x128xf32, #tpu.memory_space<hbm>> -> memref<128x128xf32, #tpu.memory_space<hbm>>
      tpu.enqueue_dma source(%dma_start3A_419 : memref<128x128xf32, #tpu.memory_space<hbm>>) target(%arg13 : memref<128x128xf32, #tpu.memory_space<vmem>>) target_semaphore(%arg26 : memref<!tpu.dma_semaphore, #tpu.memory_space<semaphore_mem>>)
    } else {
    }
    %gt3A_38 = arith.constant 0 : i32
    %gt3A_39 = arith.cmpi sgt, %select_n3A, %gt3A_38 : i32
    %convert_element_type3A_40 = arith.extui %gt3A_39 : i1 to i32
    %cond3A_41 = arith.constant 0 : i32
    %cond3A_42 = arith.cmpi ne, %convert_element_type3A_40, %cond3A_41 : i32
    scf.if %cond3A_42 {
      %add3A_400 = arith.constant 0 : i32
      %add3A_401 = arith.addi %add3A_4, %add3A_400 : i32
      %mul3A_402 = arith.constant 128 : i32
      %mul3A_403 = arith.muli %add3A_401, %mul3A_402 : i32
      %dma_wait3A = arith.constant 0 : i32
      %dma_wait3A_404 = arith.constant 0 : i32
      %dma_wait3A_405 = tpu.memref_slice %arg6[%dma_wait3A, %dma_wait3A_404] : memref<1x128xi32, #tpu.memory_space<vmem>> -> memref<1x128xi32, #tpu.memory_space<vmem>>
      %dma_wait3A_406 = tpu.memref_squeeze %dma_wait3A_405 : memref<1x128xi32, #tpu.memory_space<vmem>> -> memref<128xi32, #tpu.memory_space<vmem>>
      %dma_wait3A_407 = tpu.memref_slice %arg3[%mul3A_403] : memref<100000xi32, #tpu.memory_space<hbm>> -> memref<128xi32, #tpu.memory_space<hbm>>
      %dma_wait3A_408 = arith.constant 0 : i32
      %dma_wait3A_409 = tpu.memref_slice %arg6[%dma_wait3A, %dma_wait3A_408] : memref<1x128xi32, #tpu.memory_space<vmem>> -> memref<1x128xi32, #tpu.memory_space<vmem>>
      %dma_wait3A_410 = tpu.memref_squeeze %dma_wait3A_409 : memref<1x128xi32, #tpu.memory_space<vmem>> -> memref<128xi32, #tpu.memory_space<vmem>>
      %dma_wait3A_411 = tpu.memref_slice %arg3[%mul3A_403] : memref<100000xi32, #tpu.memory_space<hbm>> -> memref<128xi32, #tpu.memory_space<hbm>>
      tpu.wait_dma2 semaphore(%arg19 : memref<!tpu.dma_semaphore, #tpu.memory_space<semaphore_mem>>) src(%dma_wait3A_411 : memref<128xi32, #tpu.memory_space<hbm>>) dst(%dma_wait3A_410 : memref<128xi32, #tpu.memory_space<vmem>>)
      %add3A_412 = arith.constant 0 : i32
      %add3A_413 = arith.addi %add3A_4, %add3A_412 : i32
      %mul3A_414 = arith.constant 128 : i32
      %mul3A_415 = arith.muli %add3A_413, %mul3A_414 : i32
      %dma_wait3A_416 = arith.constant 0 : i32
      %dma_wait3A_417 = tpu.memref_slice %arg2[%mul3A_415, %dma_wait3A_416] : memref<100000x128xf32, #tpu.memory_space<hbm>> -> memref<128x128xf32, #tpu.memory_space<hbm>>
      %dma_wait3A_418 = arith.constant 0 : i32
      %dma_wait3A_419 = tpu.memref_slice %arg2[%mul3A_415, %dma_wait3A_418] : memref<100000x128xf32, #tpu.memory_space<hbm>> -> memref<128x128xf32, #tpu.memory_space<hbm>>
      tpu.wait_dma2 semaphore(%arg23 : memref<!tpu.dma_semaphore, #tpu.memory_space<semaphore_mem>>) src(%dma_wait3A_419 : memref<128x128xf32, #tpu.memory_space<hbm>>) dst(%arg10 : memref<128x128xf32, #tpu.memory_space<vmem>>)
      %dma_start3A = arith.constant 0 : i32
      %dma_start3A_420 = arith.constant 0 : i32
      %dma_start3A_421 = tpu.memref_slice %arg6[%dma_start3A, %dma_start3A_420] : memref<1x128xi32, #tpu.memory_space<vmem>> -> memref<1x128xi32, #tpu.memory_space<vmem>>
      %dma_start3A_422 = tpu.memref_squeeze %dma_start3A_421 : memref<1x128xi32, #tpu.memory_space<vmem>> -> memref<128xi32, #tpu.memory_space<vmem>>
      %dma_start3A_423 = arith.constant 0 : i32
      %dma_start3A_424 = arith.constant 0 : i32
      %dma_start3A_425 = tpu.memref_slice %arg18[%dma_start3A_423, %dma_start3A_424] : memref<1024x128xf32, #tpu.memory_space<vmem_shared>> -> memref<1024x128xf32, #tpu.memory_space<vmem_shared>>
      tpu.enqueue_indirect_dma source(%arg10 : memref<128x128xf32, #tpu.memory_space<vmem>>) target(%dma_start3A_425 : memref<1024x128xf32, #tpu.memory_space<vmem_shared>>) offsets(%dma_start3A_422 : memref<128xi32, #tpu.memory_space<vmem>>) semaphore(%arg27 : memref<!tpu.dma_semaphore, #tpu.memory_space<semaphore_mem>>) {add = true}
      %scan3A_426 = arith.constant 0 : i32
      %scan3A_427 = arith.constant 8 : i32
      %scan3A_428 = arith.addi %scan3A_426, %scan3A_427 : i32
      %scan3A_429 = arith.constant 1 : i32
      scf.for %scan3A_431 = %scan3A_426 to %scan3A_428 step %scan3A_429  : i32 {
        %mul3A_432 = arith.constant 16 : i32
        %mul3A_433 = arith.muli %scan3A_431, %mul3A_432 : i32
        %add3A_434 = arith.constant 0 : i32
        %add3A_435 = arith.addi %add3A_434, %mul3A_433 : i32
        %get3A = arith.constant 0 : i32
        %get3A_436 = arith.index_cast %get3A : i32 to index
        %get3A_437 = arith.index_cast %add3A_435 : i32 to index
        %get3A_438 = tpu.vector_load %arg6[%get3A_436, %get3A_437] {strides = array<i32>} : memref<1x128xi32, #tpu.memory_space<vmem>>, vector<16xi32>,
        tpu.vector_store_idx %arg16[%get3A_438], %broadcast_in_dim3A_9 {add = true} : memref<1024xf32, #tpu.memory_space<vmem>>[vector<16xi32>], vector<16xf32>,
      }
      %scan3A_430 = arith.constant 8 : i32
    } else {
    }
    %gt3A_43 = arith.constant 0 : i32
    %gt3A_44 = arith.cmpi sgt, %select_n3A, %gt3A_43 : i32
    %convert_element_type3A_45 = arith.extui %gt3A_44 : i1 to i32
    %cond3A_46 = arith.constant 0 : i32
    %cond3A_47 = arith.cmpi ne, %convert_element_type3A_45, %cond3A_46 : i32
    scf.if %cond3A_47 {
      %dma_wait3A = arith.constant 0 : i32
      %dma_wait3A_400 = arith.constant 0 : i32
      %dma_wait3A_401 = tpu.memref_slice %arg6[%dma_wait3A, %dma_wait3A_400] : memref<1x128xi32, #tpu.memory_space<vmem>> -> memref<1x128xi32, #tpu.memory_space<vmem>>
      %dma_wait3A_402 = tpu.memref_squeeze %dma_wait3A_401 : memref<1x128xi32, #tpu.memory_space<vmem>> -> memref<128xi32, #tpu.memory_space<vmem>>
      %dma_wait3A_403 = arith.constant 0 : i32
      %dma_wait3A_404 = arith.constant 0 : i32
      %dma_wait3A_405 = tpu.memref_slice %arg18[%dma_wait3A_403, %dma_wait3A_404] : memref<1024x128xf32, #tpu.memory_space<vmem_shared>> -> memref<1024x128xf32, #tpu.memory_space<vmem_shared>>
      tpu.wait_indirect_dma semaphore(%arg27 : memref<!tpu.dma_semaphore, #tpu.memory_space<semaphore_mem>>) src(%arg10 : memref<128x128xf32, #tpu.memory_space<vmem>>) dst(%dma_wait3A_405 : memref<1024x128xf32, #tpu.memory_space<vmem_shared>>)
    } else {
    }
    %gt3A_48 = arith.constant 4 : i32
    %gt3A_49 = arith.cmpi sgt, %select_n3A, %gt3A_48 : i32
    %convert_element_type3A_50 = arith.extui %gt3A_49 : i1 to i32
    %cond3A_51 = arith.constant 0 : i32
    %cond3A_52 = arith.cmpi ne, %convert_element_type3A_50, %cond3A_51 : i32
    scf.if %cond3A_52 {
      %add3A_400 = arith.constant 4 : i32
      %add3A_401 = arith.addi %add3A_4, %add3A_400 : i32
      %mul3A_402 = arith.constant 128 : i32
      %mul3A_403 = arith.muli %add3A_401, %mul3A_402 : i32
      %dma_start3A = arith.constant 0 : i32
      %dma_start3A_404 = arith.constant 0 : i32
      %dma_start3A_405 = tpu.memref_slice %arg6[%dma_start3A, %dma_start3A_404] : memref<1x128xi32, #tpu.memory_space<vmem>> -> memref<1x128xi32, #tpu.memory_space<vmem>>
      %dma_start3A_406 = tpu.memref_squeeze %dma_start3A_405 : memref<1x128xi32, #tpu.memory_space<vmem>> -> memref<128xi32, #tpu.memory_space<vmem>>
      %dma_start3A_407 = tpu.memref_slice %arg3[%mul3A_403] : memref<100000xi32, #tpu.memory_space<hbm>> -> memref<128xi32, #tpu.memory_space<hbm>>
      %dma_start3A_408 = arith.constant 0 : i32
      %dma_start3A_409 = tpu.memref_slice %arg6[%dma_start3A, %dma_start3A_408] : memref<1x128xi32, #tpu.memory_space<vmem>> -> memref<1x128xi32, #tpu.memory_space<vmem>>
      %dma_start3A_410 = tpu.memref_squeeze %dma_start3A_409 : memref<1x128xi32, #tpu.memory_space<vmem>> -> memref<128xi32, #tpu.memory_space<vmem>>
      %dma_start3A_411 = tpu.memref_slice %arg3[%mul3A_403] : memref<100000xi32, #tpu.memory_space<hbm>> -> memref<128xi32, #tpu.memory_space<hbm>>
      tpu.enqueue_dma source(%dma_start3A_411 : memref<128xi32, #tpu.memory_space<hbm>>) target(%dma_start3A_410 : memref<128xi32, #tpu.memory_space<vmem>>) target_semaphore(%arg19 : memref<!tpu.dma_semaphore, #tpu.memory_space<semaphore_mem>>)
      %add3A_412 = arith.constant 4 : i32
      %add3A_413 = arith.addi %add3A_4, %add3A_412 : i32
      %mul3A_414 = arith.constant 128 : i32
      %mul3A_415 = arith.muli %add3A_413, %mul3A_414 : i32
      %dma_start3A_416 = arith.constant 0 : i32
      %dma_start3A_417 = tpu.memref_slice %arg2[%mul3A_415, %dma_start3A_416] : memref<100000x128xf32, #tpu.memory_space<hbm>> -> memref<128x128xf32, #tpu.memory_space<hbm>>
      %dma_start3A_418 = arith.constant 0 : i32
      %dma_start3A_419 = tpu.memref_slice %arg2[%mul3A_415, %dma_start3A_418] : memref<100000x128xf32, #tpu.memory_space<hbm>> -> memref<128x128xf32, #tpu.memory_space<hbm>>
      tpu.enqueue_dma source(%dma_start3A_419 : memref<128x128xf32, #tpu.memory_space<hbm>>) target(%arg10 : memref<128x128xf32, #tpu.memory_space<vmem>>) target_semaphore(%arg23 : memref<!tpu.dma_semaphore, #tpu.memory_space<semaphore_mem>>)
    } else {
    }
    %gt3A_53 = arith.constant 1 : i32
    %gt3A_54 = arith.cmpi sgt, %select_n3A, %gt3A_53 : i32
    %convert_element_type3A_55 = arith.extui %gt3A_54 : i1 to i32
    %cond3A_56 = arith.constant 0 : i32
    %cond3A_57 = arith.cmpi ne, %convert_element_type3A_55, %cond3A_56 : i32
    scf.if %cond3A_57 {
      %add3A_400 = arith.constant 1 : i32
      %add3A_401 = arith.addi %add3A_4, %add3A_400 : i32
      %mul3A_402 = arith.constant 128 : i32
      %mul3A_403 = arith.muli %add3A_401, %mul3A_402 : i32
      %dma_wait3A = arith.constant 0 : i32
      %dma_wait3A_404 = arith.constant 0 : i32
      %dma_wait3A_405 = tpu.memref_slice %arg7[%dma_wait3A, %dma_wait3A_404] : memref<1x128xi32, #tpu.memory_space<vmem>> -> memref<1x128xi32, #tpu.memory_space<vmem>>
      %dma_wait3A_406 = tpu.memref_squeeze %dma_wait3A_405 : memref<1x128xi32, #tpu.memory_space<vmem>> -> memref<128xi32, #tpu.memory_space<vmem>>
      %dma_wait3A_407 = tpu.memref_slice %arg3[%mul3A_403] : memref<100000xi32, #tpu.memory_space<hbm>> -> memref<128xi32, #tpu.memory_space<hbm>>
      %dma_wait3A_408 = arith.constant 0 : i32
      %dma_wait3A_409 = tpu.memref_slice %arg7[%dma_wait3A, %dma_wait3A_408] : memref<1x128xi32, #tpu.memory_space<vmem>> -> memref<1x128xi32, #tpu.memory_space<vmem>>
      %dma_wait3A_410 = tpu.memref_squeeze %dma_wait3A_409 : memref<1x128xi32, #tpu.memory_space<vmem>> -> memref<128xi32, #tpu.memory_space<vmem>>
      %dma_wait3A_411 = tpu.memref_slice %arg3[%mul3A_403] : memref<100000xi32, #tpu.memory_space<hbm>> -> memref<128xi32, #tpu.memory_space<hbm>>
      tpu.wait_dma2 semaphore(%arg20 : memref<!tpu.dma_semaphore, #tpu.memory_space<semaphore_mem>>) src(%dma_wait3A_411 : memref<128xi32, #tpu.memory_space<hbm>>) dst(%dma_wait3A_410 : memref<128xi32, #tpu.memory_space<vmem>>)
      %add3A_412 = arith.constant 1 : i32
      %add3A_413 = arith.addi %add3A_4, %add3A_412 : i32
      %mul3A_414 = arith.constant 128 : i32
      %mul3A_415 = arith.muli %add3A_413, %mul3A_414 : i32
      %dma_wait3A_416 = arith.constant 0 : i32
      %dma_wait3A_417 = tpu.memref_slice %arg2[%mul3A_415, %dma_wait3A_416] : memref<100000x128xf32, #tpu.memory_space<hbm>> -> memref<128x128xf32, #tpu.memory_space<hbm>>
      %dma_wait3A_418 = arith.constant 0 : i32
      %dma_wait3A_419 = tpu.memref_slice %arg2[%mul3A_415, %dma_wait3A_418] : memref<100000x128xf32, #tpu.memory_space<hbm>> -> memref<128x128xf32, #tpu.memory_space<hbm>>
      tpu.wait_dma2 semaphore(%arg24 : memref<!tpu.dma_semaphore, #tpu.memory_space<semaphore_mem>>) src(%dma_wait3A_419 : memref<128x128xf32, #tpu.memory_space<hbm>>) dst(%arg11 : memref<128x128xf32, #tpu.memory_space<vmem>>)
      %dma_start3A = arith.constant 0 : i32
      %dma_start3A_420 = arith.constant 0 : i32
      %dma_start3A_421 = tpu.memref_slice %arg7[%dma_start3A, %dma_start3A_420] : memref<1x128xi32, #tpu.memory_space<vmem>> -> memref<1x128xi32, #tpu.memory_space<vmem>>
      %dma_start3A_422 = tpu.memref_squeeze %dma_start3A_421 : memref<1x128xi32, #tpu.memory_space<vmem>> -> memref<128xi32, #tpu.memory_space<vmem>>
      %dma_start3A_423 = arith.constant 0 : i32
      %dma_start3A_424 = arith.constant 0 : i32
      %dma_start3A_425 = tpu.memref_slice %arg18[%dma_start3A_423, %dma_start3A_424] : memref<1024x128xf32, #tpu.memory_space<vmem_shared>> -> memref<1024x128xf32, #tpu.memory_space<vmem_shared>>
      tpu.enqueue_indirect_dma source(%arg11 : memref<128x128xf32, #tpu.memory_space<vmem>>) target(%dma_start3A_425 : memref<1024x128xf32, #tpu.memory_space<vmem_shared>>) offsets(%dma_start3A_422 : memref<128xi32, #tpu.memory_space<vmem>>) semaphore(%arg28 : memref<!tpu.dma_semaphore, #tpu.memory_space<semaphore_mem>>) {add = true}
      %scan3A_426 = arith.constant 0 : i32
      %scan3A_427 = arith.constant 8 : i32
      %scan3A_428 = arith.addi %scan3A_426, %scan3A_427 : i32
      %scan3A_429 = arith.constant 1 : i32
      scf.for %scan3A_431 = %scan3A_426 to %scan3A_428 step %scan3A_429  : i32 {
        %mul3A_432 = arith.constant 16 : i32
        %mul3A_433 = arith.muli %scan3A_431, %mul3A_432 : i32
        %add3A_434 = arith.constant 0 : i32
        %add3A_435 = arith.addi %add3A_434, %mul3A_433 : i32
        %get3A = arith.constant 0 : i32
        %get3A_436 = arith.index_cast %get3A : i32 to index
        %get3A_437 = arith.index_cast %add3A_435 : i32 to index
        %get3A_438 = tpu.vector_load %arg7[%get3A_436, %get3A_437] {strides = array<i32>} : memref<1x128xi32, #tpu.memory_space<vmem>>, vector<16xi32>,
        tpu.vector_store_idx %arg16[%get3A_438], %broadcast_in_dim3A_9 {add = true} : memref<1024xf32, #tpu.memory_space<vmem>>[vector<16xi32>], vector<16xf32>,
      }
      %scan3A_430 = arith.constant 8 : i32
    } else {
    }
    %gt3A_58 = arith.constant 1 : i32
    %gt3A_59 = arith.cmpi sgt, %select_n3A, %gt3A_58 : i32
    %convert_element_type3A_60 = arith.extui %gt3A_59 : i1 to i32
    %cond3A_61 = arith.constant 0 : i32
    %cond3A_62 = arith.cmpi ne, %convert_element_type3A_60, %cond3A_61 : i32
    scf.if %cond3A_62 {
      %dma_wait3A = arith.constant 0 : i32
      %dma_wait3A_400 = arith.constant 0 : i32
      %dma_wait3A_401 = tpu.memref_slice %arg7[%dma_wait3A, %dma_wait3A_400] : memref<1x128xi32, #tpu.memory_space<vmem>> -> memref<1x128xi32, #tpu.memory_space<vmem>>
      %dma_wait3A_402 = tpu.memref_squeeze %dma_wait3A_401 : memref<1x128xi32, #tpu.memory_space<vmem>> -> memref<128xi32, #tpu.memory_space<vmem>>
      %dma_wait3A_403 = arith.constant 0 : i32
      %dma_wait3A_404 = arith.constant 0 : i32
      %dma_wait3A_405 = tpu.memref_slice %arg18[%dma_wait3A_403, %dma_wait3A_404] : memref<1024x128xf32, #tpu.memory_space<vmem_shared>> -> memref<1024x128xf32, #tpu.memory_space<vmem_shared>>
      tpu.wait_indirect_dma semaphore(%arg28 : memref<!tpu.dma_semaphore, #tpu.memory_space<semaphore_mem>>) src(%arg11 : memref<128x128xf32, #tpu.memory_space<vmem>>) dst(%dma_wait3A_405 : memref<1024x128xf32, #tpu.memory_space<vmem_shared>>)
    } else {
    }
    %gt3A_63 = arith.constant 5 : i32
    %gt3A_64 = arith.cmpi sgt, %select_n3A, %gt3A_63 : i32
    %convert_element_type3A_65 = arith.extui %gt3A_64 : i1 to i32
    %cond3A_66 = arith.constant 0 : i32
    %cond3A_67 = arith.cmpi ne, %convert_element_type3A_65, %cond3A_66 : i32
    scf.if %cond3A_67 {
      %add3A_400 = arith.constant 5 : i32
      %add3A_401 = arith.addi %add3A_4, %add3A_400 : i32
      %mul3A_402 = arith.constant 128 : i32
      %mul3A_403 = arith.muli %add3A_401, %mul3A_402 : i32
      %dma_start3A = arith.constant 0 : i32
      %dma_start3A_404 = arith.constant 0 : i32
      %dma_start3A_405 = tpu.memref_slice %arg7[%dma_start3A, %dma_start3A_404] : memref<1x128xi32, #tpu.memory_space<vmem>> -> memref<1x128xi32, #tpu.memory_space<vmem>>
      %dma_start3A_406 = tpu.memref_squeeze %dma_start3A_405 : memref<1x128xi32, #tpu.memory_space<vmem>> -> memref<128xi32, #tpu.memory_space<vmem>>
      %dma_start3A_407 = tpu.memref_slice %arg3[%mul3A_403] : memref<100000xi32, #tpu.memory_space<hbm>> -> memref<128xi32, #tpu.memory_space<hbm>>
      %dma_start3A_408 = arith.constant 0 : i32
      %dma_start3A_409 = tpu.memref_slice %arg7[%dma_start3A, %dma_start3A_408] : memref<1x128xi32, #tpu.memory_space<vmem>> -> memref<1x128xi32, #tpu.memory_space<vmem>>
      %dma_start3A_410 = tpu.memref_squeeze %dma_start3A_409 : memref<1x128xi32, #tpu.memory_space<vmem>> -> memref<128xi32, #tpu.memory_space<vmem>>
      %dma_start3A_411 = tpu.memref_slice %arg3[%mul3A_403] : memref<100000xi32, #tpu.memory_space<hbm>> -> memref<128xi32, #tpu.memory_space<hbm>>
      tpu.enqueue_dma source(%dma_start3A_411 : memref<128xi32, #tpu.memory_space<hbm>>) target(%dma_start3A_410 : memref<128xi32, #tpu.memory_space<vmem>>) target_semaphore(%arg20 : memref<!tpu.dma_semaphore, #tpu.memory_space<semaphore_mem>>)
      %add3A_412 = arith.constant 5 : i32
      %add3A_413 = arith.addi %add3A_4, %add3A_412 : i32
      %mul3A_414 = arith.constant 128 : i32
      %mul3A_415 = arith.muli %add3A_413, %mul3A_414 : i32
      %dma_start3A_416 = arith.constant 0 : i32
      %dma_start3A_417 = tpu.memref_slice %arg2[%mul3A_415, %dma_start3A_416] : memref<100000x128xf32, #tpu.memory_space<hbm>> -> memref<128x128xf32, #tpu.memory_space<hbm>>
      %dma_start3A_418 = arith.constant 0 : i32
      %dma_start3A_419 = tpu.memref_slice %arg2[%mul3A_415, %dma_start3A_418] : memref<100000x128xf32, #tpu.memory_space<hbm>> -> memref<128x128xf32, #tpu.memory_space<hbm>>
      tpu.enqueue_dma source(%dma_start3A_419 : memref<128x128xf32, #tpu.memory_space<hbm>>) target(%arg11 : memref<128x128xf32, #tpu.memory_space<vmem>>) target_semaphore(%arg24 : memref<!tpu.dma_semaphore, #tpu.memory_space<semaphore_mem>>)
    } else {
    }
    %gt3A_68 = arith.constant 2 : i32
    %gt3A_69 = arith.cmpi sgt, %select_n3A, %gt3A_68 : i32
    %convert_element_type3A_70 = arith.extui %gt3A_69 : i1 to i32
    %cond3A_71 = arith.constant 0 : i32
    %cond3A_72 = arith.cmpi ne, %convert_element_type3A_70, %cond3A_71 : i32
    scf.if %cond3A_72 {
      %add3A_400 = arith.constant 2 : i32
      %add3A_401 = arith.addi %add3A_4, %add3A_400 : i32
      %mul3A_402 = arith.constant 128 : i32
      %mul3A_403 = arith.muli %add3A_401, %mul3A_402 : i32
      %dma_wait3A = arith.constant 0 : i32
      %dma_wait3A_404 = arith.constant 0 : i32
      %dma_wait3A_405 = tpu.memref_slice %arg8[%dma_wait3A, %dma_wait3A_404] : memref<1x128xi32, #tpu.memory_space<vmem>> -> memref<1x128xi32, #tpu.memory_space<vmem>>
      %dma_wait3A_406 = tpu.memref_squeeze %dma_wait3A_405 : memref<1x128xi32, #tpu.memory_space<vmem>> -> memref<128xi32, #tpu.memory_space<vmem>>
      %dma_wait3A_407 = tpu.memref_slice %arg3[%mul3A_403] : memref<100000xi32, #tpu.memory_space<hbm>> -> memref<128xi32, #tpu.memory_space<hbm>>
      %dma_wait3A_408 = arith.constant 0 : i32
      %dma_wait3A_409 = tpu.memref_slice %arg8[%dma_wait3A, %dma_wait3A_408] : memref<1x128xi32, #tpu.memory_space<vmem>> -> memref<1x128xi32, #tpu.memory_space<vmem>>
      %dma_wait3A_410 = tpu.memref_squeeze %dma_wait3A_409 : memref<1x128xi32, #tpu.memory_space<vmem>> -> memref<128xi32, #tpu.memory_space<vmem>>
      %dma_wait3A_411 = tpu.memref_slice %arg3[%mul3A_403] : memref<100000xi32, #tpu.memory_space<hbm>> -> memref<128xi32, #tpu.memory_space<hbm>>
      tpu.wait_dma2 semaphore(%arg21 : memref<!tpu.dma_semaphore, #tpu.memory_space<semaphore_mem>>) src(%dma_wait3A_411 : memref<128xi32, #tpu.memory_space<hbm>>) dst(%dma_wait3A_410 : memref<128xi32, #tpu.memory_space<vmem>>)
      %add3A_412 = arith.constant 2 : i32
      %add3A_413 = arith.addi %add3A_4, %add3A_412 : i32
      %mul3A_414 = arith.constant 128 : i32
      %mul3A_415 = arith.muli %add3A_413, %mul3A_414 : i32
      %dma_wait3A_416 = arith.constant 0 : i32
      %dma_wait3A_417 = tpu.memref_slice %arg2[%mul3A_415, %dma_wait3A_416] : memref<100000x128xf32, #tpu.memory_space<hbm>> -> memref<128x128xf32, #tpu.memory_space<hbm>>
      %dma_wait3A_418 = arith.constant 0 : i32
      %dma_wait3A_419 = tpu.memref_slice %arg2[%mul3A_415, %dma_wait3A_418] : memref<100000x128xf32, #tpu.memory_space<hbm>> -> memref<128x128xf32, #tpu.memory_space<hbm>>
      tpu.wait_dma2 semaphore(%arg25 : memref<!tpu.dma_semaphore, #tpu.memory_space<semaphore_mem>>) src(%dma_wait3A_419 : memref<128x128xf32, #tpu.memory_space<hbm>>) dst(%arg12 : memref<128x128xf32, #tpu.memory_space<vmem>>)
      %dma_start3A = arith.constant 0 : i32
      %dma_start3A_420 = arith.constant 0 : i32
      %dma_start3A_421 = tpu.memref_slice %arg8[%dma_start3A, %dma_start3A_420] : memref<1x128xi32, #tpu.memory_space<vmem>> -> memref<1x128xi32, #tpu.memory_space<vmem>>
      %dma_start3A_422 = tpu.memref_squeeze %dma_start3A_421 : memref<1x128xi32, #tpu.memory_space<vmem>> -> memref<128xi32, #tpu.memory_space<vmem>>
      %dma_start3A_423 = arith.constant 0 : i32
      %dma_start3A_424 = arith.constant 0 : i32
      %dma_start3A_425 = tpu.memref_slice %arg18[%dma_start3A_423, %dma_start3A_424] : memref<1024x128xf32, #tpu.memory_space<vmem_shared>> -> memref<1024x128xf32, #tpu.memory_space<vmem_shared>>
      tpu.enqueue_indirect_dma source(%arg12 : memref<128x128xf32, #tpu.memory_space<vmem>>) target(%dma_start3A_425 : memref<1024x128xf32, #tpu.memory_space<vmem_shared>>) offsets(%dma_start3A_422 : memref<128xi32, #tpu.memory_space<vmem>>) semaphore(%arg29 : memref<!tpu.dma_semaphore, #tpu.memory_space<semaphore_mem>>) {add = true}
      %scan3A_426 = arith.constant 0 : i32
      %scan3A_427 = arith.constant 8 : i32
      %scan3A_428 = arith.addi %scan3A_426, %scan3A_427 : i32
      %scan3A_429 = arith.constant 1 : i32
      scf.for %scan3A_431 = %scan3A_426 to %scan3A_428 step %scan3A_429  : i32 {
        %mul3A_432 = arith.constant 16 : i32
        %mul3A_433 = arith.muli %scan3A_431, %mul3A_432 : i32
        %add3A_434 = arith.constant 0 : i32
        %add3A_435 = arith.addi %add3A_434, %mul3A_433 : i32
        %get3A = arith.constant 0 : i32
        %get3A_436 = arith.index_cast %get3A : i32 to index
        %get3A_437 = arith.index_cast %add3A_435 : i32 to index
        %get3A_438 = tpu.vector_load %arg8[%get3A_436, %get3A_437] {strides = array<i32>} : memref<1x128xi32, #tpu.memory_space<vmem>>, vector<16xi32>,
        tpu.vector_store_idx %arg16[%get3A_438], %broadcast_in_dim3A_9 {add = true} : memref<1024xf32, #tpu.memory_space<vmem>>[vector<16xi32>], vector<16xf32>,
      }
      %scan3A_430 = arith.constant 8 : i32
    } else {
    }
    %gt3A_73 = arith.constant 2 : i32
    %gt3A_74 = arith.cmpi sgt, %select_n3A, %gt3A_73 : i32
    %convert_element_type3A_75 = arith.extui %gt3A_74 : i1 to i32
    %cond3A_76 = arith.constant 0 : i32
    %cond3A_77 = arith.cmpi ne, %convert_element_type3A_75, %cond3A_76 : i32
    scf.if %cond3A_77 {
      %dma_wait3A = arith.constant 0 : i32
      %dma_wait3A_400 = arith.constant 0 : i32
      %dma_wait3A_401 = tpu.memref_slice %arg8[%dma_wait3A, %dma_wait3A_400] : memref<1x128xi32, #tpu.memory_space<vmem>> -> memref<1x128xi32, #tpu.memory_space<vmem>>
      %dma_wait3A_402 = tpu.memref_squeeze %dma_wait3A_401 : memref<1x128xi32, #tpu.memory_space<vmem>> -> memref<128xi32, #tpu.memory_space<vmem>>
      %dma_wait3A_403 = arith.constant 0 : i32
      %dma_wait3A_404 = arith.constant 0 : i32
      %dma_wait3A_405 = tpu.memref_slice %arg18[%dma_wait3A_403, %dma_wait3A_404] : memref<1024x128xf32, #tpu.memory_space<vmem_shared>> -> memref<1024x128xf32, #tpu.memory_space<vmem_shared>>
      tpu.wait_indirect_dma semaphore(%arg29 : memref<!tpu.dma_semaphore, #tpu.memory_space<semaphore_mem>>) src(%arg12 : memref<128x128xf32, #tpu.memory_space<vmem>>) dst(%dma_wait3A_405 : memref<1024x128xf32, #tpu.memory_space<vmem_shared>>)
    } else {
    }
    %gt3A_78 = arith.constant 6 : i32
    %gt3A_79 = arith.cmpi sgt, %select_n3A, %gt3A_78 : i32
    %convert_element_type3A_80 = arith.extui %gt3A_79 : i1 to i32
    %cond3A_81 = arith.constant 0 : i32
    %cond3A_82 = arith.cmpi ne, %convert_element_type3A_80, %cond3A_81 : i32
    scf.if %cond3A_82 {
      %add3A_400 = arith.constant 6 : i32
      %add3A_401 = arith.addi %add3A_4, %add3A_400 : i32
      %mul3A_402 = arith.constant 128 : i32
      %mul3A_403 = arith.muli %add3A_401, %mul3A_402 : i32
      %dma_start3A = arith.constant 0 : i32
      %dma_start3A_404 = arith.constant 0 : i32
      %dma_start3A_405 = tpu.memref_slice %arg8[%dma_start3A, %dma_start3A_404] : memref<1x128xi32, #tpu.memory_space<vmem>> -> memref<1x128xi32, #tpu.memory_space<vmem>>
      %dma_start3A_406 = tpu.memref_squeeze %dma_start3A_405 : memref<1x128xi32, #tpu.memory_space<vmem>> -> memref<128xi32, #tpu.memory_space<vmem>>
      %dma_start3A_407 = tpu.memref_slice %arg3[%mul3A_403] : memref<100000xi32, #tpu.memory_space<hbm>> -> memref<128xi32, #tpu.memory_space<hbm>>
      %dma_start3A_408 = arith.constant 0 : i32
      %dma_start3A_409 = tpu.memref_slice %arg8[%dma_start3A, %dma_start3A_408] : memref<1x128xi32, #tpu.memory_space<vmem>> -> memref<1x128xi32, #tpu.memory_space<vmem>>
      %dma_start3A_410 = tpu.memref_squeeze %dma_start3A_409 : memref<1x128xi32, #tpu.memory_space<vmem>> -> memref<128xi32, #tpu.memory_space<vmem>>
      %dma_start3A_411 = tpu.memref_slice %arg3[%mul3A_403] : memref<100000xi32, #tpu.memory_space<hbm>> -> memref<128xi32, #tpu.memory_space<hbm>>
      tpu.enqueue_dma source(%dma_start3A_411 : memref<128xi32, #tpu.memory_space<hbm>>) target(%dma_start3A_410 : memref<128xi32, #tpu.memory_space<vmem>>) target_semaphore(%arg21 : memref<!tpu.dma_semaphore, #tpu.memory_space<semaphore_mem>>)
      %add3A_412 = arith.constant 6 : i32
      %add3A_413 = arith.addi %add3A_4, %add3A_412 : i32
      %mul3A_414 = arith.constant 128 : i32
      %mul3A_415 = arith.muli %add3A_413, %mul3A_414 : i32
      %dma_start3A_416 = arith.constant 0 : i32
      %dma_start3A_417 = tpu.memref_slice %arg2[%mul3A_415, %dma_start3A_416] : memref<100000x128xf32, #tpu.memory_space<hbm>> -> memref<128x128xf32, #tpu.memory_space<hbm>>
      %dma_start3A_418 = arith.constant 0 : i32
      %dma_start3A_419 = tpu.memref_slice %arg2[%mul3A_415, %dma_start3A_418] : memref<100000x128xf32, #tpu.memory_space<hbm>> -> memref<128x128xf32, #tpu.memory_space<hbm>>
      tpu.enqueue_dma source(%dma_start3A_419 : memref<128x128xf32, #tpu.memory_space<hbm>>) target(%arg12 : memref<128x128xf32, #tpu.memory_space<vmem>>) target_semaphore(%arg25 : memref<!tpu.dma_semaphore, #tpu.memory_space<semaphore_mem>>)
    } else {
    }
    %gt3A_83 = arith.constant 3 : i32
    %gt3A_84 = arith.cmpi sgt, %select_n3A, %gt3A_83 : i32
    %convert_element_type3A_85 = arith.extui %gt3A_84 : i1 to i32
    %cond3A_86 = arith.constant 0 : i32
    %cond3A_87 = arith.cmpi ne, %convert_element_type3A_85, %cond3A_86 : i32
    scf.if %cond3A_87 {
      %add3A_400 = arith.constant 3 : i32
      %add3A_401 = arith.addi %add3A_4, %add3A_400 : i32
      %mul3A_402 = arith.constant 128 : i32
      %mul3A_403 = arith.muli %add3A_401, %mul3A_402 : i32
      %dma_wait3A = arith.constant 0 : i32
      %dma_wait3A_404 = arith.constant 0 : i32
      %dma_wait3A_405 = tpu.memref_slice %arg9[%dma_wait3A, %dma_wait3A_404] : memref<1x128xi32, #tpu.memory_space<vmem>> -> memref<1x128xi32, #tpu.memory_space<vmem>>
      %dma_wait3A_406 = tpu.memref_squeeze %dma_wait3A_405 : memref<1x128xi32, #tpu.memory_space<vmem>> -> memref<128xi32, #tpu.memory_space<vmem>>
      %dma_wait3A_407 = tpu.memref_slice %arg3[%mul3A_403] : memref<100000xi32, #tpu.memory_space<hbm>> -> memref<128xi32, #tpu.memory_space<hbm>>
      %dma_wait3A_408 = arith.constant 0 : i32
      %dma_wait3A_409 = tpu.memref_slice %arg9[%dma_wait3A, %dma_wait3A_408] : memref<1x128xi32, #tpu.memory_space<vmem>> -> memref<1x128xi32, #tpu.memory_space<vmem>>
      %dma_wait3A_410 = tpu.memref_squeeze %dma_wait3A_409 : memref<1x128xi32, #tpu.memory_space<vmem>> -> memref<128xi32, #tpu.memory_space<vmem>>
      %dma_wait3A_411 = tpu.memref_slice %arg3[%mul3A_403] : memref<100000xi32, #tpu.memory_space<hbm>> -> memref<128xi32, #tpu.memory_space<hbm>>
      tpu.wait_dma2 semaphore(%arg22 : memref<!tpu.dma_semaphore, #tpu.memory_space<semaphore_mem>>) src(%dma_wait3A_411 : memref<128xi32, #tpu.memory_space<hbm>>) dst(%dma_wait3A_410 : memref<128xi32, #tpu.memory_space<vmem>>)
      %add3A_412 = arith.constant 3 : i32
      %add3A_413 = arith.addi %add3A_4, %add3A_412 : i32
      %mul3A_414 = arith.constant 128 : i32
      %mul3A_415 = arith.muli %add3A_413, %mul3A_414 : i32
      %dma_wait3A_416 = arith.constant 0 : i32
      %dma_wait3A_417 = tpu.memref_slice %arg2[%mul3A_415, %dma_wait3A_416] : memref<100000x128xf32, #tpu.memory_space<hbm>> -> memref<128x128xf32, #tpu.memory_space<hbm>>
      %dma_wait3A_418 = arith.constant 0 : i32
      %dma_wait3A_419 = tpu.memref_slice %arg2[%mul3A_415, %dma_wait3A_418] : memref<100000x128xf32, #tpu.memory_space<hbm>> -> memref<128x128xf32, #tpu.memory_space<hbm>>
      tpu.wait_dma2 semaphore(%arg26 : memref<!tpu.dma_semaphore, #tpu.memory_space<semaphore_mem>>) src(%dma_wait3A_419 : memref<128x128xf32, #tpu.memory_space<hbm>>) dst(%arg13 : memref<128x128xf32, #tpu.memory_space<vmem>>)
      %dma_start3A = arith.constant 0 : i32
      %dma_start3A_420 = arith.constant 0 : i32
      %dma_start3A_421 = tpu.memref_slice %arg9[%dma_start3A, %dma_start3A_420] : memref<1x128xi32, #tpu.memory_space<vmem>> -> memref<1x128xi32, #tpu.memory_space<vmem>>
      %dma_start3A_422 = tpu.memref_squeeze %dma_start3A_421 : memref<1x128xi32, #tpu.memory_space<vmem>> -> memref<128xi32, #tpu.memory_space<vmem>>
      %dma_start3A_423 = arith.constant 0 : i32
      %dma_start3A_424 = arith.constant 0 : i32
      %dma_start3A_425 = tpu.memref_slice %arg18[%dma_start3A_423, %dma_start3A_424] : memref<1024x128xf32, #tpu.memory_space<vmem_shared>> -> memref<1024x128xf32, #tpu.memory_space<vmem_shared>>
      tpu.enqueue_indirect_dma source(%arg13 : memref<128x128xf32, #tpu.memory_space<vmem>>) target(%dma_start3A_425 : memref<1024x128xf32, #tpu.memory_space<vmem_shared>>) offsets(%dma_start3A_422 : memref<128xi32, #tpu.memory_space<vmem>>) semaphore(%arg30 : memref<!tpu.dma_semaphore, #tpu.memory_space<semaphore_mem>>) {add = true}
      %scan3A_426 = arith.constant 0 : i32
      %scan3A_427 = arith.constant 8 : i32
      %scan3A_428 = arith.addi %scan3A_426, %scan3A_427 : i32
      %scan3A_429 = arith.constant 1 : i32
      scf.for %scan3A_431 = %scan3A_426 to %scan3A_428 step %scan3A_429  : i32 {
        %mul3A_432 = arith.constant 16 : i32
        %mul3A_433 = arith.muli %scan3A_431, %mul3A_432 : i32
        %add3A_434 = arith.constant 0 : i32
        %add3A_435 = arith.addi %add3A_434, %mul3A_433 : i32
        %get3A = arith.constant 0 : i32
        %get3A_436 = arith.index_cast %get3A : i32 to index
        %get3A_437 = arith.index_cast %add3A_435 : i32 to index
        %get3A_438 = tpu.vector_load %arg9[%get3A_436, %get3A_437] {strides = array<i32>} : memref<1x128xi32, #tpu.memory_space<vmem>>, vector<16xi32>,
        tpu.vector_store_idx %arg16[%get3A_438], %broadcast_in_dim3A_9 {add = true} : memref<1024xf32, #tpu.memory_space<vmem>>[vector<16xi32>], vector<16xf32>,
      }
      %scan3A_430 = arith.constant 8 : i32
    } else {
    }
    %gt3A_88 = arith.constant 3 : i32
    %gt3A_89 = arith.cmpi sgt, %select_n3A, %gt3A_88 : i32
    %convert_element_type3A_90 = arith.extui %gt3A_89 : i1 to i32
    %cond3A_91 = arith.constant 0 : i32
    %cond3A_92 = arith.cmpi ne, %convert_element_type3A_90, %cond3A_91 : i32
    scf.if %cond3A_92 {
      %dma_wait3A = arith.constant 0 : i32
      %dma_wait3A_400 = arith.constant 0 : i32
      %dma_wait3A_401 = tpu.memref_slice %arg9[%dma_wait3A, %dma_wait3A_400] : memref<1x128xi32, #tpu.memory_space<vmem>> -> memref<1x128xi32, #tpu.memory_space<vmem>>
      %dma_wait3A_402 = tpu.memref_squeeze %dma_wait3A_401 : memref<1x128xi32, #tpu.memory_space<vmem>> -> memref<128xi32, #tpu.memory_space<vmem>>
      %dma_wait3A_403 = arith.constant 0 : i32
      %dma_wait3A_404 = arith.constant 0 : i32
      %dma_wait3A_405 = tpu.memref_slice %arg18[%dma_wait3A_403, %dma_wait3A_404] : memref<1024x128xf32, #tpu.memory_space<vmem_shared>> -> memref<1024x128xf32, #tpu.memory_space<vmem_shared>>
      tpu.wait_indirect_dma semaphore(%arg30 : memref<!tpu.dma_semaphore, #tpu.memory_space<semaphore_mem>>) src(%arg13 : memref<128x128xf32, #tpu.memory_space<vmem>>) dst(%dma_wait3A_405 : memref<1024x128xf32, #tpu.memory_space<vmem_shared>>)
    } else {
    }
    %gt3A_93 = arith.constant 7 : i32
    %gt3A_94 = arith.cmpi sgt, %select_n3A, %gt3A_93 : i32
    %convert_element_type3A_95 = arith.extui %gt3A_94 : i1 to i32
    %cond3A_96 = arith.constant 0 : i32
    %cond3A_97 = arith.cmpi ne, %convert_element_type3A_95, %cond3A_96 : i32
    scf.if %cond3A_97 {
      %add3A_400 = arith.constant 7 : i32
      %add3A_401 = arith.addi %add3A_4, %add3A_400 : i32
      %mul3A_402 = arith.constant 128 : i32
      %mul3A_403 = arith.muli %add3A_401, %mul3A_402 : i32
      %dma_start3A = arith.constant 0 : i32
      %dma_start3A_404 = arith.constant 0 : i32
      %dma_start3A_405 = tpu.memref_slice %arg9[%dma_start3A, %dma_start3A_404] : memref<1x128xi32, #tpu.memory_space<vmem>> -> memref<1x128xi32, #tpu.memory_space<vmem>>
      %dma_start3A_406 = tpu.memref_squeeze %dma_start3A_405 : memref<1x128xi32, #tpu.memory_space<vmem>> -> memref<128xi32, #tpu.memory_space<vmem>>
      %dma_start3A_407 = tpu.memref_slice %arg3[%mul3A_403] : memref<100000xi32, #tpu.memory_space<hbm>> -> memref<128xi32, #tpu.memory_space<hbm>>
      %dma_start3A_408 = arith.constant 0 : i32
      %dma_start3A_409 = tpu.memref_slice %arg9[%dma_start3A, %dma_start3A_408] : memref<1x128xi32, #tpu.memory_space<vmem>> -> memref<1x128xi32, #tpu.memory_space<vmem>>
      %dma_start3A_410 = tpu.memref_squeeze %dma_start3A_409 : memref<1x128xi32, #tpu.memory_space<vmem>> -> memref<128xi32, #tpu.memory_space<vmem>>
      %dma_start3A_411 = tpu.memref_slice %arg3[%mul3A_403] : memref<100000xi32, #tpu.memory_space<hbm>> -> memref<128xi32, #tpu.memory_space<hbm>>
      tpu.enqueue_dma source(%dma_start3A_411 : memref<128xi32, #tpu.memory_space<hbm>>) target(%dma_start3A_410 : memref<128xi32, #tpu.memory_space<vmem>>) target_semaphore(%arg22 : memref<!tpu.dma_semaphore, #tpu.memory_space<semaphore_mem>>)
      %add3A_412 = arith.constant 7 : i32
      %add3A_413 = arith.addi %add3A_4, %add3A_412 : i32
      %mul3A_414 = arith.constant 128 : i32
      %mul3A_415 = arith.muli %add3A_413, %mul3A_414 : i32
      %dma_start3A_416 = arith.constant 0 : i32
      %dma_start3A_417 = tpu.memref_slice %arg2[%mul3A_415, %dma_start3A_416] : memref<100000x128xf32, #tpu.memory_space<hbm>> -> memref<128x128xf32, #tpu.memory_space<hbm>>
      %dma_start3A_418 = arith.constant 0 : i32
      %dma_start3A_419 = tpu.memref_slice %arg2[%mul3A_415, %dma_start3A_418] : memref<100000x128xf32, #tpu.memory_space<hbm>> -> memref<128x128xf32, #tpu.memory_space<hbm>>
      tpu.enqueue_dma source(%dma_start3A_419 : memref<128x128xf32, #tpu.memory_space<hbm>>) target(%arg13 : memref<128x128xf32, #tpu.memory_space<vmem>>) target_semaphore(%arg26 : memref<!tpu.dma_semaphore, #tpu.memory_space<semaphore_mem>>)
    } else {
    }
    %gt3A_98 = arith.constant 4 : i32
    %gt3A_99 = arith.cmpi sgt, %select_n3A, %gt3A_98 : i32
    %convert_element_type3A_100 = arith.extui %gt3A_99 : i1 to i32
    %cond3A_101 = arith.constant 0 : i32
    %cond3A_102 = arith.cmpi ne, %convert_element_type3A_100, %cond3A_101 : i32
    scf.if %cond3A_102 {
      %add3A_400 = arith.constant 4 : i32
      %add3A_401 = arith.addi %add3A_4, %add3A_400 : i32
      %mul3A_402 = arith.constant 128 : i32
      %mul3A_403 = arith.muli %add3A_401, %mul3A_402 : i32
      %dma_wait3A = arith.constant 0 : i32
      %dma_wait3A_404 = arith.constant 0 : i32
      %dma_wait3A_405 = tpu.memref_slice %arg6[%dma_wait3A, %dma_wait3A_404] : memref<1x128xi32, #tpu.memory_space<vmem>> -> memref<1x128xi32, #tpu.memory_space<vmem>>
      %dma_wait3A_406 = tpu.memref_squeeze %dma_wait3A_405 : memref<1x128xi32, #tpu.memory_space<vmem>> -> memref<128xi32, #tpu.memory_space<vmem>>
      %dma_wait3A_407 = tpu.memref_slice %arg3[%mul3A_403] : memref<100000xi32, #tpu.memory_space<hbm>> -> memref<128xi32, #tpu.memory_space<hbm>>
      %dma_wait3A_408 = arith.constant 0 : i32
      %dma_wait3A_409 = tpu.memref_slice %arg6[%dma_wait3A, %dma_wait3A_408] : memref<1x128xi32, #tpu.memory_space<vmem>> -> memref<1x128xi32, #tpu.memory_space<vmem>>
      %dma_wait3A_410 = tpu.memref_squeeze %dma_wait3A_409 : memref<1x128xi32, #tpu.memory_space<vmem>> -> memref<128xi32, #tpu.memory_space<vmem>>
      %dma_wait3A_411 = tpu.memref_slice %arg3[%mul3A_403] : memref<100000xi32, #tpu.memory_space<hbm>> -> memref<128xi32, #tpu.memory_space<hbm>>
      tpu.wait_dma2 semaphore(%arg19 : memref<!tpu.dma_semaphore, #tpu.memory_space<semaphore_mem>>) src(%dma_wait3A_411 : memref<128xi32, #tpu.memory_space<hbm>>) dst(%dma_wait3A_410 : memref<128xi32, #tpu.memory_space<vmem>>)
      %add3A_412 = arith.constant 4 : i32
      %add3A_413 = arith.addi %add3A_4, %add3A_412 : i32
      %mul3A_414 = arith.constant 128 : i32
      %mul3A_415 = arith.muli %add3A_413, %mul3A_414 : i32
      %dma_wait3A_416 = arith.constant 0 : i32
      %dma_wait3A_417 = tpu.memref_slice %arg2[%mul3A_415, %dma_wait3A_416] : memref<100000x128xf32, #tpu.memory_space<hbm>> -> memref<128x128xf32, #tpu.memory_space<hbm>>
      %dma_wait3A_418 = arith.constant 0 : i32
      %dma_wait3A_419 = tpu.memref_slice %arg2[%mul3A_415, %dma_wait3A_418] : memref<100000x128xf32, #tpu.memory_space<hbm>> -> memref<128x128xf32, #tpu.memory_space<hbm>>
      tpu.wait_dma2 semaphore(%arg23 : memref<!tpu.dma_semaphore, #tpu.memory_space<semaphore_mem>>) src(%dma_wait3A_419 : memref<128x128xf32, #tpu.memory_space<hbm>>) dst(%arg10 : memref<128x128xf32, #tpu.memory_space<vmem>>)
      %dma_start3A = arith.constant 0 : i32
      %dma_start3A_420 = arith.constant 0 : i32
      %dma_start3A_421 = tpu.memref_slice %arg6[%dma_start3A, %dma_start3A_420] : memref<1x128xi32, #tpu.memory_space<vmem>> -> memref<1x128xi32, #tpu.memory_space<vmem>>
      %dma_start3A_422 = tpu.memref_squeeze %dma_start3A_421 : memref<1x128xi32, #tpu.memory_space<vmem>> -> memref<128xi32, #tpu.memory_space<vmem>>
      %dma_start3A_423 = arith.constant 0 : i32
      %dma_start3A_424 = arith.constant 0 : i32
      %dma_start3A_425 = tpu.memref_slice %arg18[%dma_start3A_423, %dma_start3A_424] : memref<1024x128xf32, #tpu.memory_space<vmem_shared>> -> memref<1024x128xf32, #tpu.memory_space<vmem_shared>>
      tpu.enqueue_indirect_dma source(%arg10 : memref<128x128xf32, #tpu.memory_space<vmem>>) target(%dma_start3A_425 : memref<1024x128xf32, #tpu.memory_space<vmem_shared>>) offsets(%dma_start3A_422 : memref<128xi32, #tpu.memory_space<vmem>>) semaphore(%arg27 : memref<!tpu.dma_semaphore, #tpu.memory_space<semaphore_mem>>) {add = true}
      %scan3A_426 = arith.constant 0 : i32
      %scan3A_427 = arith.constant 8 : i32
      %scan3A_428 = arith.addi %scan3A_426, %scan3A_427 : i32
      %scan3A_429 = arith.constant 1 : i32
      scf.for %scan3A_431 = %scan3A_426 to %scan3A_428 step %scan3A_429  : i32 {
        %mul3A_432 = arith.constant 16 : i32
        %mul3A_433 = arith.muli %scan3A_431, %mul3A_432 : i32
        %add3A_434 = arith.constant 0 : i32
        %add3A_435 = arith.addi %add3A_434, %mul3A_433 : i32
        %get3A = arith.constant 0 : i32
        %get3A_436 = arith.index_cast %get3A : i32 to index
        %get3A_437 = arith.index_cast %add3A_435 : i32 to index
        %get3A_438 = tpu.vector_load %arg6[%get3A_436, %get3A_437] {strides = array<i32>} : memref<1x128xi32, #tpu.memory_space<vmem>>, vector<16xi32>,
        tpu.vector_store_idx %arg16[%get3A_438], %broadcast_in_dim3A_9 {add = true} : memref<1024xf32, #tpu.memory_space<vmem>>[vector<16xi32>], vector<16xf32>,
      }
      %scan3A_430 = arith.constant 8 : i32
    } else {
    }
    %gt3A_103 = arith.constant 4 : i32
    %gt3A_104 = arith.cmpi sgt, %select_n3A, %gt3A_103 : i32
    %convert_element_type3A_105 = arith.extui %gt3A_104 : i1 to i32
    %cond3A_106 = arith.constant 0 : i32
    %cond3A_107 = arith.cmpi ne, %convert_element_type3A_105, %cond3A_106 : i32
    scf.if %cond3A_107 {
      %dma_wait3A = arith.constant 0 : i32
      %dma_wait3A_400 = arith.constant 0 : i32
      %dma_wait3A_401 = tpu.memref_slice %arg6[%dma_wait3A, %dma_wait3A_400] : memref<1x128xi32, #tpu.memory_space<vmem>> -> memref<1x128xi32, #tpu.memory_space<vmem>>
      %dma_wait3A_402 = tpu.memref_squeeze %dma_wait3A_401 : memref<1x128xi32, #tpu.memory_space<vmem>> -> memref<128xi32, #tpu.memory_space<vmem>>
      %dma_wait3A_403 = arith.constant 0 : i32
      %dma_wait3A_404 = arith.constant 0 : i32
      %dma_wait3A_405 = tpu.memref_slice %arg18[%dma_wait3A_403, %dma_wait3A_404] : memref<1024x128xf32, #tpu.memory_space<vmem_shared>> -> memref<1024x128xf32, #tpu.memory_space<vmem_shared>>
      tpu.wait_indirect_dma semaphore(%arg27 : memref<!tpu.dma_semaphore, #tpu.memory_space<semaphore_mem>>) src(%arg10 : memref<128x128xf32, #tpu.memory_space<vmem>>) dst(%dma_wait3A_405 : memref<1024x128xf32, #tpu.memory_space<vmem_shared>>)
    } else {
    }
    %gt3A_108 = arith.constant 8 : i32
    %gt3A_109 = arith.cmpi sgt, %select_n3A, %gt3A_108 : i32
    %convert_element_type3A_110 = arith.extui %gt3A_109 : i1 to i32
    %cond3A_111 = arith.constant 0 : i32
    %cond3A_112 = arith.cmpi ne, %convert_element_type3A_110, %cond3A_111 : i32
    scf.if %cond3A_112 {
      %add3A_400 = arith.constant 8 : i32
      %add3A_401 = arith.addi %add3A_4, %add3A_400 : i32
      %mul3A_402 = arith.constant 128 : i32
      %mul3A_403 = arith.muli %add3A_401, %mul3A_402 : i32
      %dma_start3A = arith.constant 0 : i32
      %dma_start3A_404 = arith.constant 0 : i32
      %dma_start3A_405 = tpu.memref_slice %arg6[%dma_start3A, %dma_start3A_404] : memref<1x128xi32, #tpu.memory_space<vmem>> -> memref<1x128xi32, #tpu.memory_space<vmem>>
      %dma_start3A_406 = tpu.memref_squeeze %dma_start3A_405 : memref<1x128xi32, #tpu.memory_space<vmem>> -> memref<128xi32, #tpu.memory_space<vmem>>
      %dma_start3A_407 = tpu.memref_slice %arg3[%mul3A_403] : memref<100000xi32, #tpu.memory_space<hbm>> -> memref<128xi32, #tpu.memory_space<hbm>>
      %dma_start3A_408 = arith.constant 0 : i32
      %dma_start3A_409 = tpu.memref_slice %arg6[%dma_start3A, %dma_start3A_408] : memref<1x128xi32, #tpu.memory_space<vmem>> -> memref<1x128xi32, #tpu.memory_space<vmem>>
      %dma_start3A_410 = tpu.memref_squeeze %dma_start3A_409 : memref<1x128xi32, #tpu.memory_space<vmem>> -> memref<128xi32, #tpu.memory_space<vmem>>
      %dma_start3A_411 = tpu.memref_slice %arg3[%mul3A_403] : memref<100000xi32, #tpu.memory_space<hbm>> -> memref<128xi32, #tpu.memory_space<hbm>>
      tpu.enqueue_dma source(%dma_start3A_411 : memref<128xi32, #tpu.memory_space<hbm>>) target(%dma_start3A_410 : memref<128xi32, #tpu.memory_space<vmem>>) target_semaphore(%arg19 : memref<!tpu.dma_semaphore, #tpu.memory_space<semaphore_mem>>)
      %add3A_412 = arith.constant 8 : i32
      %add3A_413 = arith.addi %add3A_4, %add3A_412 : i32
      %mul3A_414 = arith.constant 128 : i32
      %mul3A_415 = arith.muli %add3A_413, %mul3A_414 : i32
      %dma_start3A_416 = arith.constant 0 : i32
      %dma_start3A_417 = tpu.memref_slice %arg2[%mul3A_415, %dma_start3A_416] : memref<100000x128xf32, #tpu.memory_space<hbm>> -> memref<128x128xf32, #tpu.memory_space<hbm>>
      %dma_start3A_418 = arith.constant 0 : i32
      %dma_start3A_419 = tpu.memref_slice %arg2[%mul3A_415, %dma_start3A_418] : memref<100000x128xf32, #tpu.memory_space<hbm>> -> memref<128x128xf32, #tpu.memory_space<hbm>>
      tpu.enqueue_dma source(%dma_start3A_419 : memref<128x128xf32, #tpu.memory_space<hbm>>) target(%arg10 : memref<128x128xf32, #tpu.memory_space<vmem>>) target_semaphore(%arg23 : memref<!tpu.dma_semaphore, #tpu.memory_space<semaphore_mem>>)
    } else {
    }
    %gt3A_113 = arith.constant 5 : i32
    %gt3A_114 = arith.cmpi sgt, %select_n3A, %gt3A_113 : i32
    %convert_element_type3A_115 = arith.extui %gt3A_114 : i1 to i32
    %cond3A_116 = arith.constant 0 : i32
    %cond3A_117 = arith.cmpi ne, %convert_element_type3A_115, %cond3A_116 : i32
    scf.if %cond3A_117 {
      %add3A_400 = arith.constant 5 : i32
      %add3A_401 = arith.addi %add3A_4, %add3A_400 : i32
      %mul3A_402 = arith.constant 128 : i32
      %mul3A_403 = arith.muli %add3A_401, %mul3A_402 : i32
      %dma_wait3A = arith.constant 0 : i32
      %dma_wait3A_404 = arith.constant 0 : i32
      %dma_wait3A_405 = tpu.memref_slice %arg7[%dma_wait3A, %dma_wait3A_404] : memref<1x128xi32, #tpu.memory_space<vmem>> -> memref<1x128xi32, #tpu.memory_space<vmem>>
      %dma_wait3A_406 = tpu.memref_squeeze %dma_wait3A_405 : memref<1x128xi32, #tpu.memory_space<vmem>> -> memref<128xi32, #tpu.memory_space<vmem>>
      %dma_wait3A_407 = tpu.memref_slice %arg3[%mul3A_403] : memref<100000xi32, #tpu.memory_space<hbm>> -> memref<128xi32, #tpu.memory_space<hbm>>
      %dma_wait3A_408 = arith.constant 0 : i32
      %dma_wait3A_409 = tpu.memref_slice %arg7[%dma_wait3A, %dma_wait3A_408] : memref<1x128xi32, #tpu.memory_space<vmem>> -> memref<1x128xi32, #tpu.memory_space<vmem>>
      %dma_wait3A_410 = tpu.memref_squeeze %dma_wait3A_409 : memref<1x128xi32, #tpu.memory_space<vmem>> -> memref<128xi32, #tpu.memory_space<vmem>>
      %dma_wait3A_411 = tpu.memref_slice %arg3[%mul3A_403] : memref<100000xi32, #tpu.memory_space<hbm>> -> memref<128xi32, #tpu.memory_space<hbm>>
      tpu.wait_dma2 semaphore(%arg20 : memref<!tpu.dma_semaphore, #tpu.memory_space<semaphore_mem>>) src(%dma_wait3A_411 : memref<128xi32, #tpu.memory_space<hbm>>) dst(%dma_wait3A_410 : memref<128xi32, #tpu.memory_space<vmem>>)
      %add3A_412 = arith.constant 5 : i32
      %add3A_413 = arith.addi %add3A_4, %add3A_412 : i32
      %mul3A_414 = arith.constant 128 : i32
      %mul3A_415 = arith.muli %add3A_413, %mul3A_414 : i32
      %dma_wait3A_416 = arith.constant 0 : i32
      %dma_wait3A_417 = tpu.memref_slice %arg2[%mul3A_415, %dma_wait3A_416] : memref<100000x128xf32, #tpu.memory_space<hbm>> -> memref<128x128xf32, #tpu.memory_space<hbm>>
      %dma_wait3A_418 = arith.constant 0 : i32
      %dma_wait3A_419 = tpu.memref_slice %arg2[%mul3A_415, %dma_wait3A_418] : memref<100000x128xf32, #tpu.memory_space<hbm>> -> memref<128x128xf32, #tpu.memory_space<hbm>>
      tpu.wait_dma2 semaphore(%arg24 : memref<!tpu.dma_semaphore, #tpu.memory_space<semaphore_mem>>) src(%dma_wait3A_419 : memref<128x128xf32, #tpu.memory_space<hbm>>) dst(%arg11 : memref<128x128xf32, #tpu.memory_space<vmem>>)
      %dma_start3A = arith.constant 0 : i32
      %dma_start3A_420 = arith.constant 0 : i32
      %dma_start3A_421 = tpu.memref_slice %arg7[%dma_start3A, %dma_start3A_420] : memref<1x128xi32, #tpu.memory_space<vmem>> -> memref<1x128xi32, #tpu.memory_space<vmem>>
      %dma_start3A_422 = tpu.memref_squeeze %dma_start3A_421 : memref<1x128xi32, #tpu.memory_space<vmem>> -> memref<128xi32, #tpu.memory_space<vmem>>
      %dma_start3A_423 = arith.constant 0 : i32
      %dma_start3A_424 = arith.constant 0 : i32
      %dma_start3A_425 = tpu.memref_slice %arg18[%dma_start3A_423, %dma_start3A_424] : memref<1024x128xf32, #tpu.memory_space<vmem_shared>> -> memref<1024x128xf32, #tpu.memory_space<vmem_shared>>
      tpu.enqueue_indirect_dma source(%arg11 : memref<128x128xf32, #tpu.memory_space<vmem>>) target(%dma_start3A_425 : memref<1024x128xf32, #tpu.memory_space<vmem_shared>>) offsets(%dma_start3A_422 : memref<128xi32, #tpu.memory_space<vmem>>) semaphore(%arg28 : memref<!tpu.dma_semaphore, #tpu.memory_space<semaphore_mem>>) {add = true}
      %scan3A_426 = arith.constant 0 : i32
      %scan3A_427 = arith.constant 8 : i32
      %scan3A_428 = arith.addi %scan3A_426, %scan3A_427 : i32
      %scan3A_429 = arith.constant 1 : i32
      scf.for %scan3A_431 = %scan3A_426 to %scan3A_428 step %scan3A_429  : i32 {
        %mul3A_432 = arith.constant 16 : i32
        %mul3A_433 = arith.muli %scan3A_431, %mul3A_432 : i32
        %add3A_434 = arith.constant 0 : i32
        %add3A_435 = arith.addi %add3A_434, %mul3A_433 : i32
        %get3A = arith.constant 0 : i32
        %get3A_436 = arith.index_cast %get3A : i32 to index
        %get3A_437 = arith.index_cast %add3A_435 : i32 to index
        %get3A_438 = tpu.vector_load %arg7[%get3A_436, %get3A_437] {strides = array<i32>} : memref<1x128xi32, #tpu.memory_space<vmem>>, vector<16xi32>,
        tpu.vector_store_idx %arg16[%get3A_438], %broadcast_in_dim3A_9 {add = true} : memref<1024xf32, #tpu.memory_space<vmem>>[vector<16xi32>], vector<16xf32>,
      }
      %scan3A_430 = arith.constant 8 : i32
    } else {
    }
    %gt3A_118 = arith.constant 5 : i32
    %gt3A_119 = arith.cmpi sgt, %select_n3A, %gt3A_118 : i32
    %convert_element_type3A_120 = arith.extui %gt3A_119 : i1 to i32
    %cond3A_121 = arith.constant 0 : i32
    %cond3A_122 = arith.cmpi ne, %convert_element_type3A_120, %cond3A_121 : i32
    scf.if %cond3A_122 {
      %dma_wait3A = arith.constant 0 : i32
      %dma_wait3A_400 = arith.constant 0 : i32
      %dma_wait3A_401 = tpu.memref_slice %arg7[%dma_wait3A, %dma_wait3A_400] : memref<1x128xi32, #tpu.memory_space<vmem>> -> memref<1x128xi32, #tpu.memory_space<vmem>>
      %dma_wait3A_402 = tpu.memref_squeeze %dma_wait3A_401 : memref<1x128xi32, #tpu.memory_space<vmem>> -> memref<128xi32, #tpu.memory_space<vmem>>
      %dma_wait3A_403 = arith.constant 0 : i32
      %dma_wait3A_404 = arith.constant 0 : i32
      %dma_wait3A_405 = tpu.memref_slice %arg18[%dma_wait3A_403, %dma_wait3A_404] : memref<1024x128xf32, #tpu.memory_space<vmem_shared>> -> memref<1024x128xf32, #tpu.memory_space<vmem_shared>>
      tpu.wait_indirect_dma semaphore(%arg28 : memref<!tpu.dma_semaphore, #tpu.memory_space<semaphore_mem>>) src(%arg11 : memref<128x128xf32, #tpu.memory_space<vmem>>) dst(%dma_wait3A_405 : memref<1024x128xf32, #tpu.memory_space<vmem_shared>>)
    } else {
    }
    %gt3A_123 = arith.constant 9 : i32
    %gt3A_124 = arith.cmpi sgt, %select_n3A, %gt3A_123 : i32
    %convert_element_type3A_125 = arith.extui %gt3A_124 : i1 to i32
    %cond3A_126 = arith.constant 0 : i32
    %cond3A_127 = arith.cmpi ne, %convert_element_type3A_125, %cond3A_126 : i32
    scf.if %cond3A_127 {
      %add3A_400 = arith.constant 9 : i32
      %add3A_401 = arith.addi %add3A_4, %add3A_400 : i32
      %mul3A_402 = arith.constant 128 : i32
      %mul3A_403 = arith.muli %add3A_401, %mul3A_402 : i32
      %dma_start3A = arith.constant 0 : i32
      %dma_start3A_404 = arith.constant 0 : i32
      %dma_start3A_405 = tpu.memref_slice %arg7[%dma_start3A, %dma_start3A_404] : memref<1x128xi32, #tpu.memory_space<vmem>> -> memref<1x128xi32, #tpu.memory_space<vmem>>
      %dma_start3A_406 = tpu.memref_squeeze %dma_start3A_405 : memref<1x128xi32, #tpu.memory_space<vmem>> -> memref<128xi32, #tpu.memory_space<vmem>>
      %dma_start3A_407 = tpu.memref_slice %arg3[%mul3A_403] : memref<100000xi32, #tpu.memory_space<hbm>> -> memref<128xi32, #tpu.memory_space<hbm>>
      %dma_start3A_408 = arith.constant 0 : i32
      %dma_start3A_409 = tpu.memref_slice %arg7[%dma_start3A, %dma_start3A_408] : memref<1x128xi32, #tpu.memory_space<vmem>> -> memref<1x128xi32, #tpu.memory_space<vmem>>
      %dma_start3A_410 = tpu.memref_squeeze %dma_start3A_409 : memref<1x128xi32, #tpu.memory_space<vmem>> -> memref<128xi32, #tpu.memory_space<vmem>>
      %dma_start3A_411 = tpu.memref_slice %arg3[%mul3A_403] : memref<100000xi32, #tpu.memory_space<hbm>> -> memref<128xi32, #tpu.memory_space<hbm>>
      tpu.enqueue_dma source(%dma_start3A_411 : memref<128xi32, #tpu.memory_space<hbm>>) target(%dma_start3A_410 : memref<128xi32, #tpu.memory_space<vmem>>) target_semaphore(%arg20 : memref<!tpu.dma_semaphore, #tpu.memory_space<semaphore_mem>>)
      %add3A_412 = arith.constant 9 : i32
      %add3A_413 = arith.addi %add3A_4, %add3A_412 : i32
      %mul3A_414 = arith.constant 128 : i32
      %mul3A_415 = arith.muli %add3A_413, %mul3A_414 : i32
      %dma_start3A_416 = arith.constant 0 : i32
      %dma_start3A_417 = tpu.memref_slice %arg2[%mul3A_415, %dma_start3A_416] : memref<100000x128xf32, #tpu.memory_space<hbm>> -> memref<128x128xf32, #tpu.memory_space<hbm>>
      %dma_start3A_418 = arith.constant 0 : i32
      %dma_start3A_419 = tpu.memref_slice %arg2[%mul3A_415, %dma_start3A_418] : memref<100000x128xf32, #tpu.memory_space<hbm>> -> memref<128x128xf32, #tpu.memory_space<hbm>>
      tpu.enqueue_dma source(%dma_start3A_419 : memref<128x128xf32, #tpu.memory_space<hbm>>) target(%arg11 : memref<128x128xf32, #tpu.memory_space<vmem>>) target_semaphore(%arg24 : memref<!tpu.dma_semaphore, #tpu.memory_space<semaphore_mem>>)
    } else {
    }
    %gt3A_128 = arith.constant 6 : i32
    %gt3A_129 = arith.cmpi sgt, %select_n3A, %gt3A_128 : i32
    %convert_element_type3A_130 = arith.extui %gt3A_129 : i1 to i32
    %cond3A_131 = arith.constant 0 : i32
    %cond3A_132 = arith.cmpi ne, %convert_element_type3A_130, %cond3A_131 : i32
    scf.if %cond3A_132 {
      %add3A_400 = arith.constant 6 : i32
      %add3A_401 = arith.addi %add3A_4, %add3A_400 : i32
      %mul3A_402 = arith.constant 128 : i32
      %mul3A_403 = arith.muli %add3A_401, %mul3A_402 : i32
      %dma_wait3A = arith.constant 0 : i32
      %dma_wait3A_404 = arith.constant 0 : i32
      %dma_wait3A_405 = tpu.memref_slice %arg8[%dma_wait3A, %dma_wait3A_404] : memref<1x128xi32, #tpu.memory_space<vmem>> -> memref<1x128xi32, #tpu.memory_space<vmem>>
      %dma_wait3A_406 = tpu.memref_squeeze %dma_wait3A_405 : memref<1x128xi32, #tpu.memory_space<vmem>> -> memref<128xi32, #tpu.memory_space<vmem>>
      %dma_wait3A_407 = tpu.memref_slice %arg3[%mul3A_403] : memref<100000xi32, #tpu.memory_space<hbm>> -> memref<128xi32, #tpu.memory_space<hbm>>
      %dma_wait3A_408 = arith.constant 0 : i32
      %dma_wait3A_409 = tpu.memref_slice %arg8[%dma_wait3A, %dma_wait3A_408] : memref<1x128xi32, #tpu.memory_space<vmem>> -> memref<1x128xi32, #tpu.memory_space<vmem>>
      %dma_wait3A_410 = tpu.memref_squeeze %dma_wait3A_409 : memref<1x128xi32, #tpu.memory_space<vmem>> -> memref<128xi32, #tpu.memory_space<vmem>>
      %dma_wait3A_411 = tpu.memref_slice %arg3[%mul3A_403] : memref<100000xi32, #tpu.memory_space<hbm>> -> memref<128xi32, #tpu.memory_space<hbm>>
      tpu.wait_dma2 semaphore(%arg21 : memref<!tpu.dma_semaphore, #tpu.memory_space<semaphore_mem>>) src(%dma_wait3A_411 : memref<128xi32, #tpu.memory_space<hbm>>) dst(%dma_wait3A_410 : memref<128xi32, #tpu.memory_space<vmem>>)
      %add3A_412 = arith.constant 6 : i32
      %add3A_413 = arith.addi %add3A_4, %add3A_412 : i32
      %mul3A_414 = arith.constant 128 : i32
      %mul3A_415 = arith.muli %add3A_413, %mul3A_414 : i32
      %dma_wait3A_416 = arith.constant 0 : i32
      %dma_wait3A_417 = tpu.memref_slice %arg2[%mul3A_415, %dma_wait3A_416] : memref<100000x128xf32, #tpu.memory_space<hbm>> -> memref<128x128xf32, #tpu.memory_space<hbm>>
      %dma_wait3A_418 = arith.constant 0 : i32
      %dma_wait3A_419 = tpu.memref_slice %arg2[%mul3A_415, %dma_wait3A_418] : memref<100000x128xf32, #tpu.memory_space<hbm>> -> memref<128x128xf32, #tpu.memory_space<hbm>>
      tpu.wait_dma2 semaphore(%arg25 : memref<!tpu.dma_semaphore, #tpu.memory_space<semaphore_mem>>) src(%dma_wait3A_419 : memref<128x128xf32, #tpu.memory_space<hbm>>) dst(%arg12 : memref<128x128xf32, #tpu.memory_space<vmem>>)
      %dma_start3A = arith.constant 0 : i32
      %dma_start3A_420 = arith.constant 0 : i32
      %dma_start3A_421 = tpu.memref_slice %arg8[%dma_start3A, %dma_start3A_420] : memref<1x128xi32, #tpu.memory_space<vmem>> -> memref<1x128xi32, #tpu.memory_space<vmem>>
      %dma_start3A_422 = tpu.memref_squeeze %dma_start3A_421 : memref<1x128xi32, #tpu.memory_space<vmem>> -> memref<128xi32, #tpu.memory_space<vmem>>
      %dma_start3A_423 = arith.constant 0 : i32
      %dma_start3A_424 = arith.constant 0 : i32
      %dma_start3A_425 = tpu.memref_slice %arg18[%dma_start3A_423, %dma_start3A_424] : memref<1024x128xf32, #tpu.memory_space<vmem_shared>> -> memref<1024x128xf32, #tpu.memory_space<vmem_shared>>
      tpu.enqueue_indirect_dma source(%arg12 : memref<128x128xf32, #tpu.memory_space<vmem>>) target(%dma_start3A_425 : memref<1024x128xf32, #tpu.memory_space<vmem_shared>>) offsets(%dma_start3A_422 : memref<128xi32, #tpu.memory_space<vmem>>) semaphore(%arg29 : memref<!tpu.dma_semaphore, #tpu.memory_space<semaphore_mem>>) {add = true}
      %scan3A_426 = arith.constant 0 : i32
      %scan3A_427 = arith.constant 8 : i32
      %scan3A_428 = arith.addi %scan3A_426, %scan3A_427 : i32
      %scan3A_429 = arith.constant 1 : i32
      scf.for %scan3A_431 = %scan3A_426 to %scan3A_428 step %scan3A_429  : i32 {
        %mul3A_432 = arith.constant 16 : i32
        %mul3A_433 = arith.muli %scan3A_431, %mul3A_432 : i32
        %add3A_434 = arith.constant 0 : i32
        %add3A_435 = arith.addi %add3A_434, %mul3A_433 : i32
        %get3A = arith.constant 0 : i32
        %get3A_436 = arith.index_cast %get3A : i32 to index
        %get3A_437 = arith.index_cast %add3A_435 : i32 to index
        %get3A_438 = tpu.vector_load %arg8[%get3A_436, %get3A_437] {strides = array<i32>} : memref<1x128xi32, #tpu.memory_space<vmem>>, vector<16xi32>,
        tpu.vector_store_idx %arg16[%get3A_438], %broadcast_in_dim3A_9 {add = true} : memref<1024xf32, #tpu.memory_space<vmem>>[vector<16xi32>], vector<16xf32>,
      }
      %scan3A_430 = arith.constant 8 : i32
    } else {
    }
    %gt3A_133 = arith.constant 6 : i32
    %gt3A_134 = arith.cmpi sgt, %select_n3A, %gt3A_133 : i32
    %convert_element_type3A_135 = arith.extui %gt3A_134 : i1 to i32
    %cond3A_136 = arith.constant 0 : i32
    %cond3A_137 = arith.cmpi ne, %convert_element_type3A_135, %cond3A_136 : i32
    scf.if %cond3A_137 {
      %dma_wait3A = arith.constant 0 : i32
      %dma_wait3A_400 = arith.constant 0 : i32
      %dma_wait3A_401 = tpu.memref_slice %arg8[%dma_wait3A, %dma_wait3A_400] : memref<1x128xi32, #tpu.memory_space<vmem>> -> memref<1x128xi32, #tpu.memory_space<vmem>>
      %dma_wait3A_402 = tpu.memref_squeeze %dma_wait3A_401 : memref<1x128xi32, #tpu.memory_space<vmem>> -> memref<128xi32, #tpu.memory_space<vmem>>
      %dma_wait3A_403 = arith.constant 0 : i32
      %dma_wait3A_404 = arith.constant 0 : i32
      %dma_wait3A_405 = tpu.memref_slice %arg18[%dma_wait3A_403, %dma_wait3A_404] : memref<1024x128xf32, #tpu.memory_space<vmem_shared>> -> memref<1024x128xf32, #tpu.memory_space<vmem_shared>>
      tpu.wait_indirect_dma semaphore(%arg29 : memref<!tpu.dma_semaphore, #tpu.memory_space<semaphore_mem>>) src(%arg12 : memref<128x128xf32, #tpu.memory_space<vmem>>) dst(%dma_wait3A_405 : memref<1024x128xf32, #tpu.memory_space<vmem_shared>>)
    } else {
    }
    %gt3A_138 = arith.constant 10 : i32
    %gt3A_139 = arith.cmpi sgt, %select_n3A, %gt3A_138 : i32
    %convert_element_type3A_140 = arith.extui %gt3A_139 : i1 to i32
    %cond3A_141 = arith.constant 0 : i32
    %cond3A_142 = arith.cmpi ne, %convert_element_type3A_140, %cond3A_141 : i32
    scf.if %cond3A_142 {
      %add3A_400 = arith.constant 10 : i32
      %add3A_401 = arith.addi %add3A_4, %add3A_400 : i32
      %mul3A_402 = arith.constant 128 : i32
      %mul3A_403 = arith.muli %add3A_401, %mul3A_402 : i32
      %dma_start3A = arith.constant 0 : i32
      %dma_start3A_404 = arith.constant 0 : i32
      %dma_start3A_405 = tpu.memref_slice %arg8[%dma_start3A, %dma_start3A_404] : memref<1x128xi32, #tpu.memory_space<vmem>> -> memref<1x128xi32, #tpu.memory_space<vmem>>
      %dma_start3A_406 = tpu.memref_squeeze %dma_start3A_405 : memref<1x128xi32, #tpu.memory_space<vmem>> -> memref<128xi32, #tpu.memory_space<vmem>>
      %dma_start3A_407 = tpu.memref_slice %arg3[%mul3A_403] : memref<100000xi32, #tpu.memory_space<hbm>> -> memref<128xi32, #tpu.memory_space<hbm>>
      %dma_start3A_408 = arith.constant 0 : i32
      %dma_start3A_409 = tpu.memref_slice %arg8[%dma_start3A, %dma_start3A_408] : memref<1x128xi32, #tpu.memory_space<vmem>> -> memref<1x128xi32, #tpu.memory_space<vmem>>
      %dma_start3A_410 = tpu.memref_squeeze %dma_start3A_409 : memref<1x128xi32, #tpu.memory_space<vmem>> -> memref<128xi32, #tpu.memory_space<vmem>>
      %dma_start3A_411 = tpu.memref_slice %arg3[%mul3A_403] : memref<100000xi32, #tpu.memory_space<hbm>> -> memref<128xi32, #tpu.memory_space<hbm>>
      tpu.enqueue_dma source(%dma_start3A_411 : memref<128xi32, #tpu.memory_space<hbm>>) target(%dma_start3A_410 : memref<128xi32, #tpu.memory_space<vmem>>) target_semaphore(%arg21 : memref<!tpu.dma_semaphore, #tpu.memory_space<semaphore_mem>>)
      %add3A_412 = arith.constant 10 : i32
      %add3A_413 = arith.addi %add3A_4, %add3A_412 : i32
      %mul3A_414 = arith.constant 128 : i32
      %mul3A_415 = arith.muli %add3A_413, %mul3A_414 : i32
      %dma_start3A_416 = arith.constant 0 : i32
      %dma_start3A_417 = tpu.memref_slice %arg2[%mul3A_415, %dma_start3A_416] : memref<100000x128xf32, #tpu.memory_space<hbm>> -> memref<128x128xf32, #tpu.memory_space<hbm>>
      %dma_start3A_418 = arith.constant 0 : i32
      %dma_start3A_419 = tpu.memref_slice %arg2[%mul3A_415, %dma_start3A_418] : memref<100000x128xf32, #tpu.memory_space<hbm>> -> memref<128x128xf32, #tpu.memory_space<hbm>>
      tpu.enqueue_dma source(%dma_start3A_419 : memref<128x128xf32, #tpu.memory_space<hbm>>) target(%arg12 : memref<128x128xf32, #tpu.memory_space<vmem>>) target_semaphore(%arg25 : memref<!tpu.dma_semaphore, #tpu.memory_space<semaphore_mem>>)
    } else {
    }
    %gt3A_143 = arith.constant 7 : i32
    %gt3A_144 = arith.cmpi sgt, %select_n3A, %gt3A_143 : i32
    %convert_element_type3A_145 = arith.extui %gt3A_144 : i1 to i32
    %cond3A_146 = arith.constant 0 : i32
    %cond3A_147 = arith.cmpi ne, %convert_element_type3A_145, %cond3A_146 : i32
    scf.if %cond3A_147 {
      %add3A_400 = arith.constant 7 : i32
      %add3A_401 = arith.addi %add3A_4, %add3A_400 : i32
      %mul3A_402 = arith.constant 128 : i32
      %mul3A_403 = arith.muli %add3A_401, %mul3A_402 : i32
      %dma_wait3A = arith.constant 0 : i32
      %dma_wait3A_404 = arith.constant 0 : i32
      %dma_wait3A_405 = tpu.memref_slice %arg9[%dma_wait3A, %dma_wait3A_404] : memref<1x128xi32, #tpu.memory_space<vmem>> -> memref<1x128xi32, #tpu.memory_space<vmem>>
      %dma_wait3A_406 = tpu.memref_squeeze %dma_wait3A_405 : memref<1x128xi32, #tpu.memory_space<vmem>> -> memref<128xi32, #tpu.memory_space<vmem>>
      %dma_wait3A_407 = tpu.memref_slice %arg3[%mul3A_403] : memref<100000xi32, #tpu.memory_space<hbm>> -> memref<128xi32, #tpu.memory_space<hbm>>
      %dma_wait3A_408 = arith.constant 0 : i32
      %dma_wait3A_409 = tpu.memref_slice %arg9[%dma_wait3A, %dma_wait3A_408] : memref<1x128xi32, #tpu.memory_space<vmem>> -> memref<1x128xi32, #tpu.memory_space<vmem>>
      %dma_wait3A_410 = tpu.memref_squeeze %dma_wait3A_409 : memref<1x128xi32, #tpu.memory_space<vmem>> -> memref<128xi32, #tpu.memory_space<vmem>>
      %dma_wait3A_411 = tpu.memref_slice %arg3[%mul3A_403] : memref<100000xi32, #tpu.memory_space<hbm>> -> memref<128xi32, #tpu.memory_space<hbm>>
      tpu.wait_dma2 semaphore(%arg22 : memref<!tpu.dma_semaphore, #tpu.memory_space<semaphore_mem>>) src(%dma_wait3A_411 : memref<128xi32, #tpu.memory_space<hbm>>) dst(%dma_wait3A_410 : memref<128xi32, #tpu.memory_space<vmem>>)
      %add3A_412 = arith.constant 7 : i32
      %add3A_413 = arith.addi %add3A_4, %add3A_412 : i32
      %mul3A_414 = arith.constant 128 : i32
      %mul3A_415 = arith.muli %add3A_413, %mul3A_414 : i32
      %dma_wait3A_416 = arith.constant 0 : i32
      %dma_wait3A_417 = tpu.memref_slice %arg2[%mul3A_415, %dma_wait3A_416] : memref<100000x128xf32, #tpu.memory_space<hbm>> -> memref<128x128xf32, #tpu.memory_space<hbm>>
      %dma_wait3A_418 = arith.constant 0 : i32
      %dma_wait3A_419 = tpu.memref_slice %arg2[%mul3A_415, %dma_wait3A_418] : memref<100000x128xf32, #tpu.memory_space<hbm>> -> memref<128x128xf32, #tpu.memory_space<hbm>>
      tpu.wait_dma2 semaphore(%arg26 : memref<!tpu.dma_semaphore, #tpu.memory_space<semaphore_mem>>) src(%dma_wait3A_419 : memref<128x128xf32, #tpu.memory_space<hbm>>) dst(%arg13 : memref<128x128xf32, #tpu.memory_space<vmem>>)
      %dma_start3A = arith.constant 0 : i32
      %dma_start3A_420 = arith.constant 0 : i32
      %dma_start3A_421 = tpu.memref_slice %arg9[%dma_start3A, %dma_start3A_420] : memref<1x128xi32, #tpu.memory_space<vmem>> -> memref<1x128xi32, #tpu.memory_space<vmem>>
      %dma_start3A_422 = tpu.memref_squeeze %dma_start3A_421 : memref<1x128xi32, #tpu.memory_space<vmem>> -> memref<128xi32, #tpu.memory_space<vmem>>
      %dma_start3A_423 = arith.constant 0 : i32
      %dma_start3A_424 = arith.constant 0 : i32
      %dma_start3A_425 = tpu.memref_slice %arg18[%dma_start3A_423, %dma_start3A_424] : memref<1024x128xf32, #tpu.memory_space<vmem_shared>> -> memref<1024x128xf32, #tpu.memory_space<vmem_shared>>
      tpu.enqueue_indirect_dma source(%arg13 : memref<128x128xf32, #tpu.memory_space<vmem>>) target(%dma_start3A_425 : memref<1024x128xf32, #tpu.memory_space<vmem_shared>>) offsets(%dma_start3A_422 : memref<128xi32, #tpu.memory_space<vmem>>) semaphore(%arg30 : memref<!tpu.dma_semaphore, #tpu.memory_space<semaphore_mem>>) {add = true}
      %scan3A_426 = arith.constant 0 : i32
      %scan3A_427 = arith.constant 8 : i32
      %scan3A_428 = arith.addi %scan3A_426, %scan3A_427 : i32
      %scan3A_429 = arith.constant 1 : i32
      scf.for %scan3A_431 = %scan3A_426 to %scan3A_428 step %scan3A_429  : i32 {
        %mul3A_432 = arith.constant 16 : i32
        %mul3A_433 = arith.muli %scan3A_431, %mul3A_432 : i32
        %add3A_434 = arith.constant 0 : i32
        %add3A_435 = arith.addi %add3A_434, %mul3A_433 : i32
        %get3A = arith.constant 0 : i32
        %get3A_436 = arith.index_cast %get3A : i32 to index
        %get3A_437 = arith.index_cast %add3A_435 : i32 to index
        %get3A_438 = tpu.vector_load %arg9[%get3A_436, %get3A_437] {strides = array<i32>} : memref<1x128xi32, #tpu.memory_space<vmem>>, vector<16xi32>,
        tpu.vector_store_idx %arg16[%get3A_438], %broadcast_in_dim3A_9 {add = true} : memref<1024xf32, #tpu.memory_space<vmem>>[vector<16xi32>], vector<16xf32>,
      }
      %scan3A_430 = arith.constant 8 : i32
    } else {
    }
    %gt3A_148 = arith.constant 7 : i32
    %gt3A_149 = arith.cmpi sgt, %select_n3A, %gt3A_148 : i32
    %convert_element_type3A_150 = arith.extui %gt3A_149 : i1 to i32
    %cond3A_151 = arith.constant 0 : i32
    %cond3A_152 = arith.cmpi ne, %convert_element_type3A_150, %cond3A_151 : i32
    scf.if %cond3A_152 {
      %dma_wait3A = arith.constant 0 : i32
      %dma_wait3A_400 = arith.constant 0 : i32
      %dma_wait3A_401 = tpu.memref_slice %arg9[%dma_wait3A, %dma_wait3A_400] : memref<1x128xi32, #tpu.memory_space<vmem>> -> memref<1x128xi32, #tpu.memory_space<vmem>>
      %dma_wait3A_402 = tpu.memref_squeeze %dma_wait3A_401 : memref<1x128xi32, #tpu.memory_space<vmem>> -> memref<128xi32, #tpu.memory_space<vmem>>
      %dma_wait3A_403 = arith.constant 0 : i32
      %dma_wait3A_404 = arith.constant 0 : i32
      %dma_wait3A_405 = tpu.memref_slice %arg18[%dma_wait3A_403, %dma_wait3A_404] : memref<1024x128xf32, #tpu.memory_space<vmem_shared>> -> memref<1024x128xf32, #tpu.memory_space<vmem_shared>>
      tpu.wait_indirect_dma semaphore(%arg30 : memref<!tpu.dma_semaphore, #tpu.memory_space<semaphore_mem>>) src(%arg13 : memref<128x128xf32, #tpu.memory_space<vmem>>) dst(%dma_wait3A_405 : memref<1024x128xf32, #tpu.memory_space<vmem_shared>>)
    } else {
    }
    %gt3A_153 = arith.constant 11 : i32
    %gt3A_154 = arith.cmpi sgt, %select_n3A, %gt3A_153 : i32
    %convert_element_type3A_155 = arith.extui %gt3A_154 : i1 to i32
    %cond3A_156 = arith.constant 0 : i32
    %cond3A_157 = arith.cmpi ne, %convert_element_type3A_155, %cond3A_156 : i32
    scf.if %cond3A_157 {
      %add3A_400 = arith.constant 11 : i32
      %add3A_401 = arith.addi %add3A_4, %add3A_400 : i32
      %mul3A_402 = arith.constant 128 : i32
      %mul3A_403 = arith.muli %add3A_401, %mul3A_402 : i32
      %dma_start3A = arith.constant 0 : i32
      %dma_start3A_404 = arith.constant 0 : i32
      %dma_start3A_405 = tpu.memref_slice %arg9[%dma_start3A, %dma_start3A_404] : memref<1x128xi32, #tpu.memory_space<vmem>> -> memref<1x128xi32, #tpu.memory_space<vmem>>
      %dma_start3A_406 = tpu.memref_squeeze %dma_start3A_405 : memref<1x128xi32, #tpu.memory_space<vmem>> -> memref<128xi32, #tpu.memory_space<vmem>>
      %dma_start3A_407 = tpu.memref_slice %arg3[%mul3A_403] : memref<100000xi32, #tpu.memory_space<hbm>> -> memref<128xi32, #tpu.memory_space<hbm>>
      %dma_start3A_408 = arith.constant 0 : i32
      %dma_start3A_409 = tpu.memref_slice %arg9[%dma_start3A, %dma_start3A_408] : memref<1x128xi32, #tpu.memory_space<vmem>> -> memref<1x128xi32, #tpu.memory_space<vmem>>
      %dma_start3A_410 = tpu.memref_squeeze %dma_start3A_409 : memref<1x128xi32, #tpu.memory_space<vmem>> -> memref<128xi32, #tpu.memory_space<vmem>>
      %dma_start3A_411 = tpu.memref_slice %arg3[%mul3A_403] : memref<100000xi32, #tpu.memory_space<hbm>> -> memref<128xi32, #tpu.memory_space<hbm>>
      tpu.enqueue_dma source(%dma_start3A_411 : memref<128xi32, #tpu.memory_space<hbm>>) target(%dma_start3A_410 : memref<128xi32, #tpu.memory_space<vmem>>) target_semaphore(%arg22 : memref<!tpu.dma_semaphore, #tpu.memory_space<semaphore_mem>>)
      %add3A_412 = arith.constant 11 : i32
      %add3A_413 = arith.addi %add3A_4, %add3A_412 : i32
      %mul3A_414 = arith.constant 128 : i32
      %mul3A_415 = arith.muli %add3A_413, %mul3A_414 : i32
      %dma_start3A_416 = arith.constant 0 : i32
      %dma_start3A_417 = tpu.memref_slice %arg2[%mul3A_415, %dma_start3A_416] : memref<100000x128xf32, #tpu.memory_space<hbm>> -> memref<128x128xf32, #tpu.memory_space<hbm>>
      %dma_start3A_418 = arith.constant 0 : i32
      %dma_start3A_419 = tpu.memref_slice %arg2[%mul3A_415, %dma_start3A_418] : memref<100000x128xf32, #tpu.memory_space<hbm>> -> memref<128x128xf32, #tpu.memory_space<hbm>>
      tpu.enqueue_dma source(%dma_start3A_419 : memref<128x128xf32, #tpu.memory_space<hbm>>) target(%arg13 : memref<128x128xf32, #tpu.memory_space<vmem>>) target_semaphore(%arg26 : memref<!tpu.dma_semaphore, #tpu.memory_space<semaphore_mem>>)
    } else {
    }
    %gt3A_158 = arith.constant 8 : i32
    %gt3A_159 = arith.cmpi sgt, %select_n3A, %gt3A_158 : i32
    %convert_element_type3A_160 = arith.extui %gt3A_159 : i1 to i32
    %cond3A_161 = arith.constant 0 : i32
    %cond3A_162 = arith.cmpi ne, %convert_element_type3A_160, %cond3A_161 : i32
    scf.if %cond3A_162 {
      %add3A_400 = arith.constant 8 : i32
      %add3A_401 = arith.addi %add3A_4, %add3A_400 : i32
      %mul3A_402 = arith.constant 128 : i32
      %mul3A_403 = arith.muli %add3A_401, %mul3A_402 : i32
      %dma_wait3A = arith.constant 0 : i32
      %dma_wait3A_404 = arith.constant 0 : i32
      %dma_wait3A_405 = tpu.memref_slice %arg6[%dma_wait3A, %dma_wait3A_404] : memref<1x128xi32, #tpu.memory_space<vmem>> -> memref<1x128xi32, #tpu.memory_space<vmem>>
      %dma_wait3A_406 = tpu.memref_squeeze %dma_wait3A_405 : memref<1x128xi32, #tpu.memory_space<vmem>> -> memref<128xi32, #tpu.memory_space<vmem>>
      %dma_wait3A_407 = tpu.memref_slice %arg3[%mul3A_403] : memref<100000xi32, #tpu.memory_space<hbm>> -> memref<128xi32, #tpu.memory_space<hbm>>
      %dma_wait3A_408 = arith.constant 0 : i32
      %dma_wait3A_409 = tpu.memref_slice %arg6[%dma_wait3A, %dma_wait3A_408] : memref<1x128xi32, #tpu.memory_space<vmem>> -> memref<1x128xi32, #tpu.memory_space<vmem>>
      %dma_wait3A_410 = tpu.memref_squeeze %dma_wait3A_409 : memref<1x128xi32, #tpu.memory_space<vmem>> -> memref<128xi32, #tpu.memory_space<vmem>>
      %dma_wait3A_411 = tpu.memref_slice %arg3[%mul3A_403] : memref<100000xi32, #tpu.memory_space<hbm>> -> memref<128xi32, #tpu.memory_space<hbm>>
      tpu.wait_dma2 semaphore(%arg19 : memref<!tpu.dma_semaphore, #tpu.memory_space<semaphore_mem>>) src(%dma_wait3A_411 : memref<128xi32, #tpu.memory_space<hbm>>) dst(%dma_wait3A_410 : memref<128xi32, #tpu.memory_space<vmem>>)
      %add3A_412 = arith.constant 8 : i32
      %add3A_413 = arith.addi %add3A_4, %add3A_412 : i32
      %mul3A_414 = arith.constant 128 : i32
      %mul3A_415 = arith.muli %add3A_413, %mul3A_414 : i32
      %dma_wait3A_416 = arith.constant 0 : i32
      %dma_wait3A_417 = tpu.memref_slice %arg2[%mul3A_415, %dma_wait3A_416] : memref<100000x128xf32, #tpu.memory_space<hbm>> -> memref<128x128xf32, #tpu.memory_space<hbm>>
      %dma_wait3A_418 = arith.constant 0 : i32
      %dma_wait3A_419 = tpu.memref_slice %arg2[%mul3A_415, %dma_wait3A_418] : memref<100000x128xf32, #tpu.memory_space<hbm>> -> memref<128x128xf32, #tpu.memory_space<hbm>>
      tpu.wait_dma2 semaphore(%arg23 : memref<!tpu.dma_semaphore, #tpu.memory_space<semaphore_mem>>) src(%dma_wait3A_419 : memref<128x128xf32, #tpu.memory_space<hbm>>) dst(%arg10 : memref<128x128xf32, #tpu.memory_space<vmem>>)
      %dma_start3A = arith.constant 0 : i32
      %dma_start3A_420 = arith.constant 0 : i32
      %dma_start3A_421 = tpu.memref_slice %arg6[%dma_start3A, %dma_start3A_420] : memref<1x128xi32, #tpu.memory_space<vmem>> -> memref<1x128xi32, #tpu.memory_space<vmem>>
      %dma_start3A_422 = tpu.memref_squeeze %dma_start3A_421 : memref<1x128xi32, #tpu.memory_space<vmem>> -> memref<128xi32, #tpu.memory_space<vmem>>
      %dma_start3A_423 = arith.constant 0 : i32
      %dma_start3A_424 = arith.constant 0 : i32
      %dma_start3A_425 = tpu.memref_slice %arg18[%dma_start3A_423, %dma_start3A_424] : memref<1024x128xf32, #tpu.memory_space<vmem_shared>> -> memref<1024x128xf32, #tpu.memory_space<vmem_shared>>
      tpu.enqueue_indirect_dma source(%arg10 : memref<128x128xf32, #tpu.memory_space<vmem>>) target(%dma_start3A_425 : memref<1024x128xf32, #tpu.memory_space<vmem_shared>>) offsets(%dma_start3A_422 : memref<128xi32, #tpu.memory_space<vmem>>) semaphore(%arg27 : memref<!tpu.dma_semaphore, #tpu.memory_space<semaphore_mem>>) {add = true}
      %scan3A_426 = arith.constant 0 : i32
      %scan3A_427 = arith.constant 8 : i32
      %scan3A_428 = arith.addi %scan3A_426, %scan3A_427 : i32
      %scan3A_429 = arith.constant 1 : i32
      scf.for %scan3A_431 = %scan3A_426 to %scan3A_428 step %scan3A_429  : i32 {
        %mul3A_432 = arith.constant 16 : i32
        %mul3A_433 = arith.muli %scan3A_431, %mul3A_432 : i32
        %add3A_434 = arith.constant 0 : i32
        %add3A_435 = arith.addi %add3A_434, %mul3A_433 : i32
        %get3A = arith.constant 0 : i32
        %get3A_436 = arith.index_cast %get3A : i32 to index
        %get3A_437 = arith.index_cast %add3A_435 : i32 to index
        %get3A_438 = tpu.vector_load %arg6[%get3A_436, %get3A_437] {strides = array<i32>} : memref<1x128xi32, #tpu.memory_space<vmem>>, vector<16xi32>,
        tpu.vector_store_idx %arg16[%get3A_438], %broadcast_in_dim3A_9 {add = true} : memref<1024xf32, #tpu.memory_space<vmem>>[vector<16xi32>], vector<16xf32>,
      }
      %scan3A_430 = arith.constant 8 : i32
    } else {
    }
    %gt3A_163 = arith.constant 8 : i32
    %gt3A_164 = arith.cmpi sgt, %select_n3A, %gt3A_163 : i32
    %convert_element_type3A_165 = arith.extui %gt3A_164 : i1 to i32
    %cond3A_166 = arith.constant 0 : i32
    %cond3A_167 = arith.cmpi ne, %convert_element_type3A_165, %cond3A_166 : i32
    scf.if %cond3A_167 {
      %dma_wait3A = arith.constant 0 : i32
      %dma_wait3A_400 = arith.constant 0 : i32
      %dma_wait3A_401 = tpu.memref_slice %arg6[%dma_wait3A, %dma_wait3A_400] : memref<1x128xi32, #tpu.memory_space<vmem>> -> memref<1x128xi32, #tpu.memory_space<vmem>>
      %dma_wait3A_402 = tpu.memref_squeeze %dma_wait3A_401 : memref<1x128xi32, #tpu.memory_space<vmem>> -> memref<128xi32, #tpu.memory_space<vmem>>
      %dma_wait3A_403 = arith.constant 0 : i32
      %dma_wait3A_404 = arith.constant 0 : i32
      %dma_wait3A_405 = tpu.memref_slice %arg18[%dma_wait3A_403, %dma_wait3A_404] : memref<1024x128xf32, #tpu.memory_space<vmem_shared>> -> memref<1024x128xf32, #tpu.memory_space<vmem_shared>>
      tpu.wait_indirect_dma semaphore(%arg27 : memref<!tpu.dma_semaphore, #tpu.memory_space<semaphore_mem>>) src(%arg10 : memref<128x128xf32, #tpu.memory_space<vmem>>) dst(%dma_wait3A_405 : memref<1024x128xf32, #tpu.memory_space<vmem_shared>>)
    } else {
    }
    %gt3A_168 = arith.constant 12 : i32
    %gt3A_169 = arith.cmpi sgt, %select_n3A, %gt3A_168 : i32
    %convert_element_type3A_170 = arith.extui %gt3A_169 : i1 to i32
    %cond3A_171 = arith.constant 0 : i32
    %cond3A_172 = arith.cmpi ne, %convert_element_type3A_170, %cond3A_171 : i32
    scf.if %cond3A_172 {
      %add3A_400 = arith.constant 12 : i32
      %add3A_401 = arith.addi %add3A_4, %add3A_400 : i32
      %mul3A_402 = arith.constant 128 : i32
      %mul3A_403 = arith.muli %add3A_401, %mul3A_402 : i32
      %dma_start3A = arith.constant 0 : i32
      %dma_start3A_404 = arith.constant 0 : i32
      %dma_start3A_405 = tpu.memref_slice %arg6[%dma_start3A, %dma_start3A_404] : memref<1x128xi32, #tpu.memory_space<vmem>> -> memref<1x128xi32, #tpu.memory_space<vmem>>
      %dma_start3A_406 = tpu.memref_squeeze %dma_start3A_405 : memref<1x128xi32, #tpu.memory_space<vmem>> -> memref<128xi32, #tpu.memory_space<vmem>>
      %dma_start3A_407 = tpu.memref_slice %arg3[%mul3A_403] : memref<100000xi32, #tpu.memory_space<hbm>> -> memref<128xi32, #tpu.memory_space<hbm>>
      %dma_start3A_408 = arith.constant 0 : i32
      %dma_start3A_409 = tpu.memref_slice %arg6[%dma_start3A, %dma_start3A_408] : memref<1x128xi32, #tpu.memory_space<vmem>> -> memref<1x128xi32, #tpu.memory_space<vmem>>
      %dma_start3A_410 = tpu.memref_squeeze %dma_start3A_409 : memref<1x128xi32, #tpu.memory_space<vmem>> -> memref<128xi32, #tpu.memory_space<vmem>>
      %dma_start3A_411 = tpu.memref_slice %arg3[%mul3A_403] : memref<100000xi32, #tpu.memory_space<hbm>> -> memref<128xi32, #tpu.memory_space<hbm>>
      tpu.enqueue_dma source(%dma_start3A_411 : memref<128xi32, #tpu.memory_space<hbm>>) target(%dma_start3A_410 : memref<128xi32, #tpu.memory_space<vmem>>) target_semaphore(%arg19 : memref<!tpu.dma_semaphore, #tpu.memory_space<semaphore_mem>>)
      %add3A_412 = arith.constant 12 : i32
      %add3A_413 = arith.addi %add3A_4, %add3A_412 : i32
      %mul3A_414 = arith.constant 128 : i32
      %mul3A_415 = arith.muli %add3A_413, %mul3A_414 : i32
      %dma_start3A_416 = arith.constant 0 : i32
      %dma_start3A_417 = tpu.memref_slice %arg2[%mul3A_415, %dma_start3A_416] : memref<100000x128xf32, #tpu.memory_space<hbm>> -> memref<128x128xf32, #tpu.memory_space<hbm>>
      %dma_start3A_418 = arith.constant 0 : i32
      %dma_start3A_419 = tpu.memref_slice %arg2[%mul3A_415, %dma_start3A_418] : memref<100000x128xf32, #tpu.memory_space<hbm>> -> memref<128x128xf32, #tpu.memory_space<hbm>>
      tpu.enqueue_dma source(%dma_start3A_419 : memref<128x128xf32, #tpu.memory_space<hbm>>) target(%arg10 : memref<128x128xf32, #tpu.memory_space<vmem>>) target_semaphore(%arg23 : memref<!tpu.dma_semaphore, #tpu.memory_space<semaphore_mem>>)
    } else {
    }
    %gt3A_173 = arith.constant 9 : i32
    %gt3A_174 = arith.cmpi sgt, %select_n3A, %gt3A_173 : i32
    %convert_element_type3A_175 = arith.extui %gt3A_174 : i1 to i32
    %cond3A_176 = arith.constant 0 : i32
    %cond3A_177 = arith.cmpi ne, %convert_element_type3A_175, %cond3A_176 : i32
    scf.if %cond3A_177 {
      %add3A_400 = arith.constant 9 : i32
      %add3A_401 = arith.addi %add3A_4, %add3A_400 : i32
      %mul3A_402 = arith.constant 128 : i32
      %mul3A_403 = arith.muli %add3A_401, %mul3A_402 : i32
      %dma_wait3A = arith.constant 0 : i32
      %dma_wait3A_404 = arith.constant 0 : i32
      %dma_wait3A_405 = tpu.memref_slice %arg7[%dma_wait3A, %dma_wait3A_404] : memref<1x128xi32, #tpu.memory_space<vmem>> -> memref<1x128xi32, #tpu.memory_space<vmem>>
      %dma_wait3A_406 = tpu.memref_squeeze %dma_wait3A_405 : memref<1x128xi32, #tpu.memory_space<vmem>> -> memref<128xi32, #tpu.memory_space<vmem>>
      %dma_wait3A_407 = tpu.memref_slice %arg3[%mul3A_403] : memref<100000xi32, #tpu.memory_space<hbm>> -> memref<128xi32, #tpu.memory_space<hbm>>
      %dma_wait3A_408 = arith.constant 0 : i32
      %dma_wait3A_409 = tpu.memref_slice %arg7[%dma_wait3A, %dma_wait3A_408] : memref<1x128xi32, #tpu.memory_space<vmem>> -> memref<1x128xi32, #tpu.memory_space<vmem>>
      %dma_wait3A_410 = tpu.memref_squeeze %dma_wait3A_409 : memref<1x128xi32, #tpu.memory_space<vmem>> -> memref<128xi32, #tpu.memory_space<vmem>>
      %dma_wait3A_411 = tpu.memref_slice %arg3[%mul3A_403] : memref<100000xi32, #tpu.memory_space<hbm>> -> memref<128xi32, #tpu.memory_space<hbm>>
      tpu.wait_dma2 semaphore(%arg20 : memref<!tpu.dma_semaphore, #tpu.memory_space<semaphore_mem>>) src(%dma_wait3A_411 : memref<128xi32, #tpu.memory_space<hbm>>) dst(%dma_wait3A_410 : memref<128xi32, #tpu.memory_space<vmem>>)
      %add3A_412 = arith.constant 9 : i32
      %add3A_413 = arith.addi %add3A_4, %add3A_412 : i32
      %mul3A_414 = arith.constant 128 : i32
      %mul3A_415 = arith.muli %add3A_413, %mul3A_414 : i32
      %dma_wait3A_416 = arith.constant 0 : i32
      %dma_wait3A_417 = tpu.memref_slice %arg2[%mul3A_415, %dma_wait3A_416] : memref<100000x128xf32, #tpu.memory_space<hbm>> -> memref<128x128xf32, #tpu.memory_space<hbm>>
      %dma_wait3A_418 = arith.constant 0 : i32
      %dma_wait3A_419 = tpu.memref_slice %arg2[%mul3A_415, %dma_wait3A_418] : memref<100000x128xf32, #tpu.memory_space<hbm>> -> memref<128x128xf32, #tpu.memory_space<hbm>>
      tpu.wait_dma2 semaphore(%arg24 : memref<!tpu.dma_semaphore, #tpu.memory_space<semaphore_mem>>) src(%dma_wait3A_419 : memref<128x128xf32, #tpu.memory_space<hbm>>) dst(%arg11 : memref<128x128xf32, #tpu.memory_space<vmem>>)
      %dma_start3A = arith.constant 0 : i32
      %dma_start3A_420 = arith.constant 0 : i32
      %dma_start3A_421 = tpu.memref_slice %arg7[%dma_start3A, %dma_start3A_420] : memref<1x128xi32, #tpu.memory_space<vmem>> -> memref<1x128xi32, #tpu.memory_space<vmem>>
      %dma_start3A_422 = tpu.memref_squeeze %dma_start3A_421 : memref<1x128xi32, #tpu.memory_space<vmem>> -> memref<128xi32, #tpu.memory_space<vmem>>
      %dma_start3A_423 = arith.constant 0 : i32
      %dma_start3A_424 = arith.constant 0 : i32
      %dma_start3A_425 = tpu.memref_slice %arg18[%dma_start3A_423, %dma_start3A_424] : memref<1024x128xf32, #tpu.memory_space<vmem_shared>> -> memref<1024x128xf32, #tpu.memory_space<vmem_shared>>
      tpu.enqueue_indirect_dma source(%arg11 : memref<128x128xf32, #tpu.memory_space<vmem>>) target(%dma_start3A_425 : memref<1024x128xf32, #tpu.memory_space<vmem_shared>>) offsets(%dma_start3A_422 : memref<128xi32, #tpu.memory_space<vmem>>) semaphore(%arg28 : memref<!tpu.dma_semaphore, #tpu.memory_space<semaphore_mem>>) {add = true}
      %scan3A_426 = arith.constant 0 : i32
      %scan3A_427 = arith.constant 8 : i32
      %scan3A_428 = arith.addi %scan3A_426, %scan3A_427 : i32
      %scan3A_429 = arith.constant 1 : i32
      scf.for %scan3A_431 = %scan3A_426 to %scan3A_428 step %scan3A_429  : i32 {
        %mul3A_432 = arith.constant 16 : i32
        %mul3A_433 = arith.muli %scan3A_431, %mul3A_432 : i32
        %add3A_434 = arith.constant 0 : i32
        %add3A_435 = arith.addi %add3A_434, %mul3A_433 : i32
        %get3A = arith.constant 0 : i32
        %get3A_436 = arith.index_cast %get3A : i32 to index
        %get3A_437 = arith.index_cast %add3A_435 : i32 to index
        %get3A_438 = tpu.vector_load %arg7[%get3A_436, %get3A_437] {strides = array<i32>} : memref<1x128xi32, #tpu.memory_space<vmem>>, vector<16xi32>,
        tpu.vector_store_idx %arg16[%get3A_438], %broadcast_in_dim3A_9 {add = true} : memref<1024xf32, #tpu.memory_space<vmem>>[vector<16xi32>], vector<16xf32>,
      }
      %scan3A_430 = arith.constant 8 : i32
    } else {
    }
    %gt3A_178 = arith.constant 9 : i32
    %gt3A_179 = arith.cmpi sgt, %select_n3A, %gt3A_178 : i32
    %convert_element_type3A_180 = arith.extui %gt3A_179 : i1 to i32
    %cond3A_181 = arith.constant 0 : i32
    %cond3A_182 = arith.cmpi ne, %convert_element_type3A_180, %cond3A_181 : i32
    scf.if %cond3A_182 {
      %dma_wait3A = arith.constant 0 : i32
      %dma_wait3A_400 = arith.constant 0 : i32
      %dma_wait3A_401 = tpu.memref_slice %arg7[%dma_wait3A, %dma_wait3A_400] : memref<1x128xi32, #tpu.memory_space<vmem>> -> memref<1x128xi32, #tpu.memory_space<vmem>>
      %dma_wait3A_402 = tpu.memref_squeeze %dma_wait3A_401 : memref<1x128xi32, #tpu.memory_space<vmem>> -> memref<128xi32, #tpu.memory_space<vmem>>
      %dma_wait3A_403 = arith.constant 0 : i32
      %dma_wait3A_404 = arith.constant 0 : i32
      %dma_wait3A_405 = tpu.memref_slice %arg18[%dma_wait3A_403, %dma_wait3A_404] : memref<1024x128xf32, #tpu.memory_space<vmem_shared>> -> memref<1024x128xf32, #tpu.memory_space<vmem_shared>>
      tpu.wait_indirect_dma semaphore(%arg28 : memref<!tpu.dma_semaphore, #tpu.memory_space<semaphore_mem>>) src(%arg11 : memref<128x128xf32, #tpu.memory_space<vmem>>) dst(%dma_wait3A_405 : memref<1024x128xf32, #tpu.memory_space<vmem_shared>>)
    } else {
    }
    %gt3A_183 = arith.constant 13 : i32
    %gt3A_184 = arith.cmpi sgt, %select_n3A, %gt3A_183 : i32
    %convert_element_type3A_185 = arith.extui %gt3A_184 : i1 to i32
    %cond3A_186 = arith.constant 0 : i32
    %cond3A_187 = arith.cmpi ne, %convert_element_type3A_185, %cond3A_186 : i32
    scf.if %cond3A_187 {
      %add3A_400 = arith.constant 13 : i32
      %add3A_401 = arith.addi %add3A_4, %add3A_400 : i32
      %mul3A_402 = arith.constant 128 : i32
      %mul3A_403 = arith.muli %add3A_401, %mul3A_402 : i32
      %dma_start3A = arith.constant 0 : i32
      %dma_start3A_404 = arith.constant 0 : i32
      %dma_start3A_405 = tpu.memref_slice %arg7[%dma_start3A, %dma_start3A_404] : memref<1x128xi32, #tpu.memory_space<vmem>> -> memref<1x128xi32, #tpu.memory_space<vmem>>
      %dma_start3A_406 = tpu.memref_squeeze %dma_start3A_405 : memref<1x128xi32, #tpu.memory_space<vmem>> -> memref<128xi32, #tpu.memory_space<vmem>>
      %dma_start3A_407 = tpu.memref_slice %arg3[%mul3A_403] : memref<100000xi32, #tpu.memory_space<hbm>> -> memref<128xi32, #tpu.memory_space<hbm>>
      %dma_start3A_408 = arith.constant 0 : i32
      %dma_start3A_409 = tpu.memref_slice %arg7[%dma_start3A, %dma_start3A_408] : memref<1x128xi32, #tpu.memory_space<vmem>> -> memref<1x128xi32, #tpu.memory_space<vmem>>
      %dma_start3A_410 = tpu.memref_squeeze %dma_start3A_409 : memref<1x128xi32, #tpu.memory_space<vmem>> -> memref<128xi32, #tpu.memory_space<vmem>>
      %dma_start3A_411 = tpu.memref_slice %arg3[%mul3A_403] : memref<100000xi32, #tpu.memory_space<hbm>> -> memref<128xi32, #tpu.memory_space<hbm>>
      tpu.enqueue_dma source(%dma_start3A_411 : memref<128xi32, #tpu.memory_space<hbm>>) target(%dma_start3A_410 : memref<128xi32, #tpu.memory_space<vmem>>) target_semaphore(%arg20 : memref<!tpu.dma_semaphore, #tpu.memory_space<semaphore_mem>>)
      %add3A_412 = arith.constant 13 : i32
      %add3A_413 = arith.addi %add3A_4, %add3A_412 : i32
      %mul3A_414 = arith.constant 128 : i32
      %mul3A_415 = arith.muli %add3A_413, %mul3A_414 : i32
      %dma_start3A_416 = arith.constant 0 : i32
      %dma_start3A_417 = tpu.memref_slice %arg2[%mul3A_415, %dma_start3A_416] : memref<100000x128xf32, #tpu.memory_space<hbm>> -> memref<128x128xf32, #tpu.memory_space<hbm>>
      %dma_start3A_418 = arith.constant 0 : i32
      %dma_start3A_419 = tpu.memref_slice %arg2[%mul3A_415, %dma_start3A_418] : memref<100000x128xf32, #tpu.memory_space<hbm>> -> memref<128x128xf32, #tpu.memory_space<hbm>>
      tpu.enqueue_dma source(%dma_start3A_419 : memref<128x128xf32, #tpu.memory_space<hbm>>) target(%arg11 : memref<128x128xf32, #tpu.memory_space<vmem>>) target_semaphore(%arg24 : memref<!tpu.dma_semaphore, #tpu.memory_space<semaphore_mem>>)
    } else {
    }
    %gt3A_188 = arith.constant 10 : i32
    %gt3A_189 = arith.cmpi sgt, %select_n3A, %gt3A_188 : i32
    %convert_element_type3A_190 = arith.extui %gt3A_189 : i1 to i32
    %cond3A_191 = arith.constant 0 : i32
    %cond3A_192 = arith.cmpi ne, %convert_element_type3A_190, %cond3A_191 : i32
    scf.if %cond3A_192 {
      %add3A_400 = arith.constant 10 : i32
      %add3A_401 = arith.addi %add3A_4, %add3A_400 : i32
      %mul3A_402 = arith.constant 128 : i32
      %mul3A_403 = arith.muli %add3A_401, %mul3A_402 : i32
      %dma_wait3A = arith.constant 0 : i32
      %dma_wait3A_404 = arith.constant 0 : i32
      %dma_wait3A_405 = tpu.memref_slice %arg8[%dma_wait3A, %dma_wait3A_404] : memref<1x128xi32, #tpu.memory_space<vmem>> -> memref<1x128xi32, #tpu.memory_space<vmem>>
      %dma_wait3A_406 = tpu.memref_squeeze %dma_wait3A_405 : memref<1x128xi32, #tpu.memory_space<vmem>> -> memref<128xi32, #tpu.memory_space<vmem>>
      %dma_wait3A_407 = tpu.memref_slice %arg3[%mul3A_403] : memref<100000xi32, #tpu.memory_space<hbm>> -> memref<128xi32, #tpu.memory_space<hbm>>
      %dma_wait3A_408 = arith.constant 0 : i32
      %dma_wait3A_409 = tpu.memref_slice %arg8[%dma_wait3A, %dma_wait3A_408] : memref<1x128xi32, #tpu.memory_space<vmem>> -> memref<1x128xi32, #tpu.memory_space<vmem>>
      %dma_wait3A_410 = tpu.memref_squeeze %dma_wait3A_409 : memref<1x128xi32, #tpu.memory_space<vmem>> -> memref<128xi32, #tpu.memory_space<vmem>>
      %dma_wait3A_411 = tpu.memref_slice %arg3[%mul3A_403] : memref<100000xi32, #tpu.memory_space<hbm>> -> memref<128xi32, #tpu.memory_space<hbm>>
      tpu.wait_dma2 semaphore(%arg21 : memref<!tpu.dma_semaphore, #tpu.memory_space<semaphore_mem>>) src(%dma_wait3A_411 : memref<128xi32, #tpu.memory_space<hbm>>) dst(%dma_wait3A_410 : memref<128xi32, #tpu.memory_space<vmem>>)
      %add3A_412 = arith.constant 10 : i32
      %add3A_413 = arith.addi %add3A_4, %add3A_412 : i32
      %mul3A_414 = arith.constant 128 : i32
      %mul3A_415 = arith.muli %add3A_413, %mul3A_414 : i32
      %dma_wait3A_416 = arith.constant 0 : i32
      %dma_wait3A_417 = tpu.memref_slice %arg2[%mul3A_415, %dma_wait3A_416] : memref<100000x128xf32, #tpu.memory_space<hbm>> -> memref<128x128xf32, #tpu.memory_space<hbm>>
      %dma_wait3A_418 = arith.constant 0 : i32
      %dma_wait3A_419 = tpu.memref_slice %arg2[%mul3A_415, %dma_wait3A_418] : memref<100000x128xf32, #tpu.memory_space<hbm>> -> memref<128x128xf32, #tpu.memory_space<hbm>>
      tpu.wait_dma2 semaphore(%arg25 : memref<!tpu.dma_semaphore, #tpu.memory_space<semaphore_mem>>) src(%dma_wait3A_419 : memref<128x128xf32, #tpu.memory_space<hbm>>) dst(%arg12 : memref<128x128xf32, #tpu.memory_space<vmem>>)
      %dma_start3A = arith.constant 0 : i32
      %dma_start3A_420 = arith.constant 0 : i32
      %dma_start3A_421 = tpu.memref_slice %arg8[%dma_start3A, %dma_start3A_420] : memref<1x128xi32, #tpu.memory_space<vmem>> -> memref<1x128xi32, #tpu.memory_space<vmem>>
      %dma_start3A_422 = tpu.memref_squeeze %dma_start3A_421 : memref<1x128xi32, #tpu.memory_space<vmem>> -> memref<128xi32, #tpu.memory_space<vmem>>
      %dma_start3A_423 = arith.constant 0 : i32
      %dma_start3A_424 = arith.constant 0 : i32
      %dma_start3A_425 = tpu.memref_slice %arg18[%dma_start3A_423, %dma_start3A_424] : memref<1024x128xf32, #tpu.memory_space<vmem_shared>> -> memref<1024x128xf32, #tpu.memory_space<vmem_shared>>
      tpu.enqueue_indirect_dma source(%arg12 : memref<128x128xf32, #tpu.memory_space<vmem>>) target(%dma_start3A_425 : memref<1024x128xf32, #tpu.memory_space<vmem_shared>>) offsets(%dma_start3A_422 : memref<128xi32, #tpu.memory_space<vmem>>) semaphore(%arg29 : memref<!tpu.dma_semaphore, #tpu.memory_space<semaphore_mem>>) {add = true}
      %scan3A_426 = arith.constant 0 : i32
      %scan3A_427 = arith.constant 8 : i32
      %scan3A_428 = arith.addi %scan3A_426, %scan3A_427 : i32
      %scan3A_429 = arith.constant 1 : i32
      scf.for %scan3A_431 = %scan3A_426 to %scan3A_428 step %scan3A_429  : i32 {
        %mul3A_432 = arith.constant 16 : i32
        %mul3A_433 = arith.muli %scan3A_431, %mul3A_432 : i32
        %add3A_434 = arith.constant 0 : i32
        %add3A_435 = arith.addi %add3A_434, %mul3A_433 : i32
        %get3A = arith.constant 0 : i32
        %get3A_436 = arith.index_cast %get3A : i32 to index
        %get3A_437 = arith.index_cast %add3A_435 : i32 to index
        %get3A_438 = tpu.vector_load %arg8[%get3A_436, %get3A_437] {strides = array<i32>} : memref<1x128xi32, #tpu.memory_space<vmem>>, vector<16xi32>,
        tpu.vector_store_idx %arg16[%get3A_438], %broadcast_in_dim3A_9 {add = true} : memref<1024xf32, #tpu.memory_space<vmem>>[vector<16xi32>], vector<16xf32>,
      }
      %scan3A_430 = arith.constant 8 : i32
    } else {
    }
    %gt3A_193 = arith.constant 10 : i32
    %gt3A_194 = arith.cmpi sgt, %select_n3A, %gt3A_193 : i32
    %convert_element_type3A_195 = arith.extui %gt3A_194 : i1 to i32
    %cond3A_196 = arith.constant 0 : i32
    %cond3A_197 = arith.cmpi ne, %convert_element_type3A_195, %cond3A_196 : i32
    scf.if %cond3A_197 {
      %dma_wait3A = arith.constant 0 : i32
      %dma_wait3A_400 = arith.constant 0 : i32
      %dma_wait3A_401 = tpu.memref_slice %arg8[%dma_wait3A, %dma_wait3A_400] : memref<1x128xi32, #tpu.memory_space<vmem>> -> memref<1x128xi32, #tpu.memory_space<vmem>>
      %dma_wait3A_402 = tpu.memref_squeeze %dma_wait3A_401 : memref<1x128xi32, #tpu.memory_space<vmem>> -> memref<128xi32, #tpu.memory_space<vmem>>
      %dma_wait3A_403 = arith.constant 0 : i32
      %dma_wait3A_404 = arith.constant 0 : i32
      %dma_wait3A_405 = tpu.memref_slice %arg18[%dma_wait3A_403, %dma_wait3A_404] : memref<1024x128xf32, #tpu.memory_space<vmem_shared>> -> memref<1024x128xf32, #tpu.memory_space<vmem_shared>>
      tpu.wait_indirect_dma semaphore(%arg29 : memref<!tpu.dma_semaphore, #tpu.memory_space<semaphore_mem>>) src(%arg12 : memref<128x128xf32, #tpu.memory_space<vmem>>) dst(%dma_wait3A_405 : memref<1024x128xf32, #tpu.memory_space<vmem_shared>>)
    } else {
    }
    %gt3A_198 = arith.constant 14 : i32
    %gt3A_199 = arith.cmpi sgt, %select_n3A, %gt3A_198 : i32
    %convert_element_type3A_200 = arith.extui %gt3A_199 : i1 to i32
    %cond3A_201 = arith.constant 0 : i32
    %cond3A_202 = arith.cmpi ne, %convert_element_type3A_200, %cond3A_201 : i32
    scf.if %cond3A_202 {
      %add3A_400 = arith.constant 14 : i32
      %add3A_401 = arith.addi %add3A_4, %add3A_400 : i32
      %mul3A_402 = arith.constant 128 : i32
      %mul3A_403 = arith.muli %add3A_401, %mul3A_402 : i32
      %dma_start3A = arith.constant 0 : i32
      %dma_start3A_404 = arith.constant 0 : i32
      %dma_start3A_405 = tpu.memref_slice %arg8[%dma_start3A, %dma_start3A_404] : memref<1x128xi32, #tpu.memory_space<vmem>> -> memref<1x128xi32, #tpu.memory_space<vmem>>
      %dma_start3A_406 = tpu.memref_squeeze %dma_start3A_405 : memref<1x128xi32, #tpu.memory_space<vmem>> -> memref<128xi32, #tpu.memory_space<vmem>>
      %dma_start3A_407 = tpu.memref_slice %arg3[%mul3A_403] : memref<100000xi32, #tpu.memory_space<hbm>> -> memref<128xi32, #tpu.memory_space<hbm>>
      %dma_start3A_408 = arith.constant 0 : i32
      %dma_start3A_409 = tpu.memref_slice %arg8[%dma_start3A, %dma_start3A_408] : memref<1x128xi32, #tpu.memory_space<vmem>> -> memref<1x128xi32, #tpu.memory_space<vmem>>
      %dma_start3A_410 = tpu.memref_squeeze %dma_start3A_409 : memref<1x128xi32, #tpu.memory_space<vmem>> -> memref<128xi32, #tpu.memory_space<vmem>>
      %dma_start3A_411 = tpu.memref_slice %arg3[%mul3A_403] : memref<100000xi32, #tpu.memory_space<hbm>> -> memref<128xi32, #tpu.memory_space<hbm>>
      tpu.enqueue_dma source(%dma_start3A_411 : memref<128xi32, #tpu.memory_space<hbm>>) target(%dma_start3A_410 : memref<128xi32, #tpu.memory_space<vmem>>) target_semaphore(%arg21 : memref<!tpu.dma_semaphore, #tpu.memory_space<semaphore_mem>>)
      %add3A_412 = arith.constant 14 : i32
      %add3A_413 = arith.addi %add3A_4, %add3A_412 : i32
      %mul3A_414 = arith.constant 128 : i32
      %mul3A_415 = arith.muli %add3A_413, %mul3A_414 : i32
      %dma_start3A_416 = arith.constant 0 : i32
      %dma_start3A_417 = tpu.memref_slice %arg2[%mul3A_415, %dma_start3A_416] : memref<100000x128xf32, #tpu.memory_space<hbm>> -> memref<128x128xf32, #tpu.memory_space<hbm>>
      %dma_start3A_418 = arith.constant 0 : i32
      %dma_start3A_419 = tpu.memref_slice %arg2[%mul3A_415, %dma_start3A_418] : memref<100000x128xf32, #tpu.memory_space<hbm>> -> memref<128x128xf32, #tpu.memory_space<hbm>>
      tpu.enqueue_dma source(%dma_start3A_419 : memref<128x128xf32, #tpu.memory_space<hbm>>) target(%arg12 : memref<128x128xf32, #tpu.memory_space<vmem>>) target_semaphore(%arg25 : memref<!tpu.dma_semaphore, #tpu.memory_space<semaphore_mem>>)
    } else {
    }
    %gt3A_203 = arith.constant 11 : i32
    %gt3A_204 = arith.cmpi sgt, %select_n3A, %gt3A_203 : i32
    %convert_element_type3A_205 = arith.extui %gt3A_204 : i1 to i32
    %cond3A_206 = arith.constant 0 : i32
    %cond3A_207 = arith.cmpi ne, %convert_element_type3A_205, %cond3A_206 : i32
    scf.if %cond3A_207 {
      %add3A_400 = arith.constant 11 : i32
      %add3A_401 = arith.addi %add3A_4, %add3A_400 : i32
      %mul3A_402 = arith.constant 128 : i32
      %mul3A_403 = arith.muli %add3A_401, %mul3A_402 : i32
      %dma_wait3A = arith.constant 0 : i32
      %dma_wait3A_404 = arith.constant 0 : i32
      %dma_wait3A_405 = tpu.memref_slice %arg9[%dma_wait3A, %dma_wait3A_404] : memref<1x128xi32, #tpu.memory_space<vmem>> -> memref<1x128xi32, #tpu.memory_space<vmem>>
      %dma_wait3A_406 = tpu.memref_squeeze %dma_wait3A_405 : memref<1x128xi32, #tpu.memory_space<vmem>> -> memref<128xi32, #tpu.memory_space<vmem>>
      %dma_wait3A_407 = tpu.memref_slice %arg3[%mul3A_403] : memref<100000xi32, #tpu.memory_space<hbm>> -> memref<128xi32, #tpu.memory_space<hbm>>
      %dma_wait3A_408 = arith.constant 0 : i32
      %dma_wait3A_409 = tpu.memref_slice %arg9[%dma_wait3A, %dma_wait3A_408] : memref<1x128xi32, #tpu.memory_space<vmem>> -> memref<1x128xi32, #tpu.memory_space<vmem>>
      %dma_wait3A_410 = tpu.memref_squeeze %dma_wait3A_409 : memref<1x128xi32, #tpu.memory_space<vmem>> -> memref<128xi32, #tpu.memory_space<vmem>>
      %dma_wait3A_411 = tpu.memref_slice %arg3[%mul3A_403] : memref<100000xi32, #tpu.memory_space<hbm>> -> memref<128xi32, #tpu.memory_space<hbm>>
      tpu.wait_dma2 semaphore(%arg22 : memref<!tpu.dma_semaphore, #tpu.memory_space<semaphore_mem>>) src(%dma_wait3A_411 : memref<128xi32, #tpu.memory_space<hbm>>) dst(%dma_wait3A_410 : memref<128xi32, #tpu.memory_space<vmem>>)
      %add3A_412 = arith.constant 11 : i32
      %add3A_413 = arith.addi %add3A_4, %add3A_412 : i32
      %mul3A_414 = arith.constant 128 : i32
      %mul3A_415 = arith.muli %add3A_413, %mul3A_414 : i32
      %dma_wait3A_416 = arith.constant 0 : i32
      %dma_wait3A_417 = tpu.memref_slice %arg2[%mul3A_415, %dma_wait3A_416] : memref<100000x128xf32, #tpu.memory_space<hbm>> -> memref<128x128xf32, #tpu.memory_space<hbm>>
      %dma_wait3A_418 = arith.constant 0 : i32
      %dma_wait3A_419 = tpu.memref_slice %arg2[%mul3A_415, %dma_wait3A_418] : memref<100000x128xf32, #tpu.memory_space<hbm>> -> memref<128x128xf32, #tpu.memory_space<hbm>>
      tpu.wait_dma2 semaphore(%arg26 : memref<!tpu.dma_semaphore, #tpu.memory_space<semaphore_mem>>) src(%dma_wait3A_419 : memref<128x128xf32, #tpu.memory_space<hbm>>) dst(%arg13 : memref<128x128xf32, #tpu.memory_space<vmem>>)
      %dma_start3A = arith.constant 0 : i32
      %dma_start3A_420 = arith.constant 0 : i32
      %dma_start3A_421 = tpu.memref_slice %arg9[%dma_start3A, %dma_start3A_420] : memref<1x128xi32, #tpu.memory_space<vmem>> -> memref<1x128xi32, #tpu.memory_space<vmem>>
      %dma_start3A_422 = tpu.memref_squeeze %dma_start3A_421 : memref<1x128xi32, #tpu.memory_space<vmem>> -> memref<128xi32, #tpu.memory_space<vmem>>
      %dma_start3A_423 = arith.constant 0 : i32
      %dma_start3A_424 = arith.constant 0 : i32
      %dma_start3A_425 = tpu.memref_slice %arg18[%dma_start3A_423, %dma_start3A_424] : memref<1024x128xf32, #tpu.memory_space<vmem_shared>> -> memref<1024x128xf32, #tpu.memory_space<vmem_shared>>
      tpu.enqueue_indirect_dma source(%arg13 : memref<128x128xf32, #tpu.memory_space<vmem>>) target(%dma_start3A_425 : memref<1024x128xf32, #tpu.memory_space<vmem_shared>>) offsets(%dma_start3A_422 : memref<128xi32, #tpu.memory_space<vmem>>) semaphore(%arg30 : memref<!tpu.dma_semaphore, #tpu.memory_space<semaphore_mem>>) {add = true}
      %scan3A_426 = arith.constant 0 : i32
      %scan3A_427 = arith.constant 8 : i32
      %scan3A_428 = arith.addi %scan3A_426, %scan3A_427 : i32
      %scan3A_429 = arith.constant 1 : i32
      scf.for %scan3A_431 = %scan3A_426 to %scan3A_428 step %scan3A_429  : i32 {
        %mul3A_432 = arith.constant 16 : i32
        %mul3A_433 = arith.muli %scan3A_431, %mul3A_432 : i32
        %add3A_434 = arith.constant 0 : i32
        %add3A_435 = arith.addi %add3A_434, %mul3A_433 : i32
        %get3A = arith.constant 0 : i32
        %get3A_436 = arith.index_cast %get3A : i32 to index
        %get3A_437 = arith.index_cast %add3A_435 : i32 to index
        %get3A_438 = tpu.vector_load %arg9[%get3A_436, %get3A_437] {strides = array<i32>} : memref<1x128xi32, #tpu.memory_space<vmem>>, vector<16xi32>,
        tpu.vector_store_idx %arg16[%get3A_438], %broadcast_in_dim3A_9 {add = true} : memref<1024xf32, #tpu.memory_space<vmem>>[vector<16xi32>], vector<16xf32>,
      }
      %scan3A_430 = arith.constant 8 : i32
    } else {
    }
    %gt3A_208 = arith.constant 11 : i32
    %gt3A_209 = arith.cmpi sgt, %select_n3A, %gt3A_208 : i32
    %convert_element_type3A_210 = arith.extui %gt3A_209 : i1 to i32
    %cond3A_211 = arith.constant 0 : i32
    %cond3A_212 = arith.cmpi ne, %convert_element_type3A_210, %cond3A_211 : i32
    scf.if %cond3A_212 {
      %dma_wait3A = arith.constant 0 : i32
      %dma_wait3A_400 = arith.constant 0 : i32
      %dma_wait3A_401 = tpu.memref_slice %arg9[%dma_wait3A, %dma_wait3A_400] : memref<1x128xi32, #tpu.memory_space<vmem>> -> memref<1x128xi32, #tpu.memory_space<vmem>>
      %dma_wait3A_402 = tpu.memref_squeeze %dma_wait3A_401 : memref<1x128xi32, #tpu.memory_space<vmem>> -> memref<128xi32, #tpu.memory_space<vmem>>
      %dma_wait3A_403 = arith.constant 0 : i32
      %dma_wait3A_404 = arith.constant 0 : i32
      %dma_wait3A_405 = tpu.memref_slice %arg18[%dma_wait3A_403, %dma_wait3A_404] : memref<1024x128xf32, #tpu.memory_space<vmem_shared>> -> memref<1024x128xf32, #tpu.memory_space<vmem_shared>>
      tpu.wait_indirect_dma semaphore(%arg30 : memref<!tpu.dma_semaphore, #tpu.memory_space<semaphore_mem>>) src(%arg13 : memref<128x128xf32, #tpu.memory_space<vmem>>) dst(%dma_wait3A_405 : memref<1024x128xf32, #tpu.memory_space<vmem_shared>>)
    } else {
    }
    %gt3A_213 = arith.constant 15 : i32
    %gt3A_214 = arith.cmpi sgt, %select_n3A, %gt3A_213 : i32
    %convert_element_type3A_215 = arith.extui %gt3A_214 : i1 to i32
    %cond3A_216 = arith.constant 0 : i32
    %cond3A_217 = arith.cmpi ne, %convert_element_type3A_215, %cond3A_216 : i32
    scf.if %cond3A_217 {
      %add3A_400 = arith.constant 15 : i32
      %add3A_401 = arith.addi %add3A_4, %add3A_400 : i32
      %mul3A_402 = arith.constant 128 : i32
      %mul3A_403 = arith.muli %add3A_401, %mul3A_402 : i32
      %dma_start3A = arith.constant 0 : i32
      %dma_start3A_404 = arith.constant 0 : i32
      %dma_start3A_405 = tpu.memref_slice %arg9[%dma_start3A, %dma_start3A_404] : memref<1x128xi32, #tpu.memory_space<vmem>> -> memref<1x128xi32, #tpu.memory_space<vmem>>
      %dma_start3A_406 = tpu.memref_squeeze %dma_start3A_405 : memref<1x128xi32, #tpu.memory_space<vmem>> -> memref<128xi32, #tpu.memory_space<vmem>>
      %dma_start3A_407 = tpu.memref_slice %arg3[%mul3A_403] : memref<100000xi32, #tpu.memory_space<hbm>> -> memref<128xi32, #tpu.memory_space<hbm>>
      %dma_start3A_408 = arith.constant 0 : i32
      %dma_start3A_409 = tpu.memref_slice %arg9[%dma_start3A, %dma_start3A_408] : memref<1x128xi32, #tpu.memory_space<vmem>> -> memref<1x128xi32, #tpu.memory_space<vmem>>
      %dma_start3A_410 = tpu.memref_squeeze %dma_start3A_409 : memref<1x128xi32, #tpu.memory_space<vmem>> -> memref<128xi32, #tpu.memory_space<vmem>>
      %dma_start3A_411 = tpu.memref_slice %arg3[%mul3A_403] : memref<100000xi32, #tpu.memory_space<hbm>> -> memref<128xi32, #tpu.memory_space<hbm>>
      tpu.enqueue_dma source(%dma_start3A_411 : memref<128xi32, #tpu.memory_space<hbm>>) target(%dma_start3A_410 : memref<128xi32, #tpu.memory_space<vmem>>) target_semaphore(%arg22 : memref<!tpu.dma_semaphore, #tpu.memory_space<semaphore_mem>>)
      %add3A_412 = arith.constant 15 : i32
      %add3A_413 = arith.addi %add3A_4, %add3A_412 : i32
      %mul3A_414 = arith.constant 128 : i32
      %mul3A_415 = arith.muli %add3A_413, %mul3A_414 : i32
      %dma_start3A_416 = arith.constant 0 : i32
      %dma_start3A_417 = tpu.memref_slice %arg2[%mul3A_415, %dma_start3A_416] : memref<100000x128xf32, #tpu.memory_space<hbm>> -> memref<128x128xf32, #tpu.memory_space<hbm>>
      %dma_start3A_418 = arith.constant 0 : i32
      %dma_start3A_419 = tpu.memref_slice %arg2[%mul3A_415, %dma_start3A_418] : memref<100000x128xf32, #tpu.memory_space<hbm>> -> memref<128x128xf32, #tpu.memory_space<hbm>>
      tpu.enqueue_dma source(%dma_start3A_419 : memref<128x128xf32, #tpu.memory_space<hbm>>) target(%arg13 : memref<128x128xf32, #tpu.memory_space<vmem>>) target_semaphore(%arg26 : memref<!tpu.dma_semaphore, #tpu.memory_space<semaphore_mem>>)
    } else {
    }
    %gt3A_218 = arith.constant 12 : i32
    %gt3A_219 = arith.cmpi sgt, %select_n3A, %gt3A_218 : i32
    %convert_element_type3A_220 = arith.extui %gt3A_219 : i1 to i32
    %cond3A_221 = arith.constant 0 : i32
    %cond3A_222 = arith.cmpi ne, %convert_element_type3A_220, %cond3A_221 : i32
    scf.if %cond3A_222 {
      %add3A_400 = arith.constant 12 : i32
      %add3A_401 = arith.addi %add3A_4, %add3A_400 : i32
      %mul3A_402 = arith.constant 128 : i32
      %mul3A_403 = arith.muli %add3A_401, %mul3A_402 : i32
      %dma_wait3A = arith.constant 0 : i32
      %dma_wait3A_404 = arith.constant 0 : i32
      %dma_wait3A_405 = tpu.memref_slice %arg6[%dma_wait3A, %dma_wait3A_404] : memref<1x128xi32, #tpu.memory_space<vmem>> -> memref<1x128xi32, #tpu.memory_space<vmem>>
      %dma_wait3A_406 = tpu.memref_squeeze %dma_wait3A_405 : memref<1x128xi32, #tpu.memory_space<vmem>> -> memref<128xi32, #tpu.memory_space<vmem>>
      %dma_wait3A_407 = tpu.memref_slice %arg3[%mul3A_403] : memref<100000xi32, #tpu.memory_space<hbm>> -> memref<128xi32, #tpu.memory_space<hbm>>
      %dma_wait3A_408 = arith.constant 0 : i32
      %dma_wait3A_409 = tpu.memref_slice %arg6[%dma_wait3A, %dma_wait3A_408] : memref<1x128xi32, #tpu.memory_space<vmem>> -> memref<1x128xi32, #tpu.memory_space<vmem>>
      %dma_wait3A_410 = tpu.memref_squeeze %dma_wait3A_409 : memref<1x128xi32, #tpu.memory_space<vmem>> -> memref<128xi32, #tpu.memory_space<vmem>>
      %dma_wait3A_411 = tpu.memref_slice %arg3[%mul3A_403] : memref<100000xi32, #tpu.memory_space<hbm>> -> memref<128xi32, #tpu.memory_space<hbm>>
      tpu.wait_dma2 semaphore(%arg19 : memref<!tpu.dma_semaphore, #tpu.memory_space<semaphore_mem>>) src(%dma_wait3A_411 : memref<128xi32, #tpu.memory_space<hbm>>) dst(%dma_wait3A_410 : memref<128xi32, #tpu.memory_space<vmem>>)
      %add3A_412 = arith.constant 12 : i32
      %add3A_413 = arith.addi %add3A_4, %add3A_412 : i32
      %mul3A_414 = arith.constant 128 : i32
      %mul3A_415 = arith.muli %add3A_413, %mul3A_414 : i32
      %dma_wait3A_416 = arith.constant 0 : i32
      %dma_wait3A_417 = tpu.memref_slice %arg2[%mul3A_415, %dma_wait3A_416] : memref<100000x128xf32, #tpu.memory_space<hbm>> -> memref<128x128xf32, #tpu.memory_space<hbm>>
      %dma_wait3A_418 = arith.constant 0 : i32
      %dma_wait3A_419 = tpu.memref_slice %arg2[%mul3A_415, %dma_wait3A_418] : memref<100000x128xf32, #tpu.memory_space<hbm>> -> memref<128x128xf32, #tpu.memory_space<hbm>>
      tpu.wait_dma2 semaphore(%arg23 : memref<!tpu.dma_semaphore, #tpu.memory_space<semaphore_mem>>) src(%dma_wait3A_419 : memref<128x128xf32, #tpu.memory_space<hbm>>) dst(%arg10 : memref<128x128xf32, #tpu.memory_space<vmem>>)
      %dma_start3A = arith.constant 0 : i32
      %dma_start3A_420 = arith.constant 0 : i32
      %dma_start3A_421 = tpu.memref_slice %arg6[%dma_start3A, %dma_start3A_420] : memref<1x128xi32, #tpu.memory_space<vmem>> -> memref<1x128xi32, #tpu.memory_space<vmem>>
      %dma_start3A_422 = tpu.memref_squeeze %dma_start3A_421 : memref<1x128xi32, #tpu.memory_space<vmem>> -> memref<128xi32, #tpu.memory_space<vmem>>
      %dma_start3A_423 = arith.constant 0 : i32
      %dma_start3A_424 = arith.constant 0 : i32
      %dma_start3A_425 = tpu.memref_slice %arg18[%dma_start3A_423, %dma_start3A_424] : memref<1024x128xf32, #tpu.memory_space<vmem_shared>> -> memref<1024x128xf32, #tpu.memory_space<vmem_shared>>
      tpu.enqueue_indirect_dma source(%arg10 : memref<128x128xf32, #tpu.memory_space<vmem>>) target(%dma_start3A_425 : memref<1024x128xf32, #tpu.memory_space<vmem_shared>>) offsets(%dma_start3A_422 : memref<128xi32, #tpu.memory_space<vmem>>) semaphore(%arg27 : memref<!tpu.dma_semaphore, #tpu.memory_space<semaphore_mem>>) {add = true}
      %scan3A_426 = arith.constant 0 : i32
      %scan3A_427 = arith.constant 8 : i32
      %scan3A_428 = arith.addi %scan3A_426, %scan3A_427 : i32
      %scan3A_429 = arith.constant 1 : i32
      scf.for %scan3A_431 = %scan3A_426 to %scan3A_428 step %scan3A_429  : i32 {
        %mul3A_432 = arith.constant 16 : i32
        %mul3A_433 = arith.muli %scan3A_431, %mul3A_432 : i32
        %add3A_434 = arith.constant 0 : i32
        %add3A_435 = arith.addi %add3A_434, %mul3A_433 : i32
        %get3A = arith.constant 0 : i32
        %get3A_436 = arith.index_cast %get3A : i32 to index
        %get3A_437 = arith.index_cast %add3A_435 : i32 to index
        %get3A_438 = tpu.vector_load %arg6[%get3A_436, %get3A_437] {strides = array<i32>} : memref<1x128xi32, #tpu.memory_space<vmem>>, vector<16xi32>,
        tpu.vector_store_idx %arg16[%get3A_438], %broadcast_in_dim3A_9 {add = true} : memref<1024xf32, #tpu.memory_space<vmem>>[vector<16xi32>], vector<16xf32>,
      }
      %scan3A_430 = arith.constant 8 : i32
    } else {
    }
    %gt3A_223 = arith.constant 12 : i32
    %gt3A_224 = arith.cmpi sgt, %select_n3A, %gt3A_223 : i32
    %convert_element_type3A_225 = arith.extui %gt3A_224 : i1 to i32
    %cond3A_226 = arith.constant 0 : i32
    %cond3A_227 = arith.cmpi ne, %convert_element_type3A_225, %cond3A_226 : i32
    scf.if %cond3A_227 {
      %dma_wait3A = arith.constant 0 : i32
      %dma_wait3A_400 = arith.constant 0 : i32
      %dma_wait3A_401 = tpu.memref_slice %arg6[%dma_wait3A, %dma_wait3A_400] : memref<1x128xi32, #tpu.memory_space<vmem>> -> memref<1x128xi32, #tpu.memory_space<vmem>>
      %dma_wait3A_402 = tpu.memref_squeeze %dma_wait3A_401 : memref<1x128xi32, #tpu.memory_space<vmem>> -> memref<128xi32, #tpu.memory_space<vmem>>
      %dma_wait3A_403 = arith.constant 0 : i32
      %dma_wait3A_404 = arith.constant 0 : i32
      %dma_wait3A_405 = tpu.memref_slice %arg18[%dma_wait3A_403, %dma_wait3A_404] : memref<1024x128xf32, #tpu.memory_space<vmem_shared>> -> memref<1024x128xf32, #tpu.memory_space<vmem_shared>>
      tpu.wait_indirect_dma semaphore(%arg27 : memref<!tpu.dma_semaphore, #tpu.memory_space<semaphore_mem>>) src(%arg10 : memref<128x128xf32, #tpu.memory_space<vmem>>) dst(%dma_wait3A_405 : memref<1024x128xf32, #tpu.memory_space<vmem_shared>>)
    } else {
    }
    %gt3A_228 = arith.constant 16 : i32
    %gt3A_229 = arith.cmpi sgt, %select_n3A, %gt3A_228 : i32
    %convert_element_type3A_230 = arith.extui %gt3A_229 : i1 to i32
    %cond3A_231 = arith.constant 0 : i32
    %cond3A_232 = arith.cmpi ne, %convert_element_type3A_230, %cond3A_231 : i32
    scf.if %cond3A_232 {
      %add3A_400 = arith.constant 16 : i32
      %add3A_401 = arith.addi %add3A_4, %add3A_400 : i32
      %mul3A_402 = arith.constant 128 : i32
      %mul3A_403 = arith.muli %add3A_401, %mul3A_402 : i32
      %dma_start3A = arith.constant 0 : i32
      %dma_start3A_404 = arith.constant 0 : i32
      %dma_start3A_405 = tpu.memref_slice %arg6[%dma_start3A, %dma_start3A_404] : memref<1x128xi32, #tpu.memory_space<vmem>> -> memref<1x128xi32, #tpu.memory_space<vmem>>
      %dma_start3A_406 = tpu.memref_squeeze %dma_start3A_405 : memref<1x128xi32, #tpu.memory_space<vmem>> -> memref<128xi32, #tpu.memory_space<vmem>>
      %dma_start3A_407 = tpu.memref_slice %arg3[%mul3A_403] : memref<100000xi32, #tpu.memory_space<hbm>> -> memref<128xi32, #tpu.memory_space<hbm>>
      %dma_start3A_408 = arith.constant 0 : i32
      %dma_start3A_409 = tpu.memref_slice %arg6[%dma_start3A, %dma_start3A_408] : memref<1x128xi32, #tpu.memory_space<vmem>> -> memref<1x128xi32, #tpu.memory_space<vmem>>
      %dma_start3A_410 = tpu.memref_squeeze %dma_start3A_409 : memref<1x128xi32, #tpu.memory_space<vmem>> -> memref<128xi32, #tpu.memory_space<vmem>>
      %dma_start3A_411 = tpu.memref_slice %arg3[%mul3A_403] : memref<100000xi32, #tpu.memory_space<hbm>> -> memref<128xi32, #tpu.memory_space<hbm>>
      tpu.enqueue_dma source(%dma_start3A_411 : memref<128xi32, #tpu.memory_space<hbm>>) target(%dma_start3A_410 : memref<128xi32, #tpu.memory_space<vmem>>) target_semaphore(%arg19 : memref<!tpu.dma_semaphore, #tpu.memory_space<semaphore_mem>>)
      %add3A_412 = arith.constant 16 : i32
      %add3A_413 = arith.addi %add3A_4, %add3A_412 : i32
      %mul3A_414 = arith.constant 128 : i32
      %mul3A_415 = arith.muli %add3A_413, %mul3A_414 : i32
      %dma_start3A_416 = arith.constant 0 : i32
      %dma_start3A_417 = tpu.memref_slice %arg2[%mul3A_415, %dma_start3A_416] : memref<100000x128xf32, #tpu.memory_space<hbm>> -> memref<128x128xf32, #tpu.memory_space<hbm>>
      %dma_start3A_418 = arith.constant 0 : i32
      %dma_start3A_419 = tpu.memref_slice %arg2[%mul3A_415, %dma_start3A_418] : memref<100000x128xf32, #tpu.memory_space<hbm>> -> memref<128x128xf32, #tpu.memory_space<hbm>>
      tpu.enqueue_dma source(%dma_start3A_419 : memref<128x128xf32, #tpu.memory_space<hbm>>) target(%arg10 : memref<128x128xf32, #tpu.memory_space<vmem>>) target_semaphore(%arg23 : memref<!tpu.dma_semaphore, #tpu.memory_space<semaphore_mem>>)
    } else {
    }
    %gt3A_233 = arith.constant 13 : i32
    %gt3A_234 = arith.cmpi sgt, %select_n3A, %gt3A_233 : i32
    %convert_element_type3A_235 = arith.extui %gt3A_234 : i1 to i32
    %cond3A_236 = arith.constant 0 : i32
    %cond3A_237 = arith.cmpi ne, %convert_element_type3A_235, %cond3A_236 : i32
    scf.if %cond3A_237 {
      %add3A_400 = arith.constant 13 : i32
      %add3A_401 = arith.addi %add3A_4, %add3A_400 : i32
      %mul3A_402 = arith.constant 128 : i32
      %mul3A_403 = arith.muli %add3A_401, %mul3A_402 : i32
      %dma_wait3A = arith.constant 0 : i32
      %dma_wait3A_404 = arith.constant 0 : i32
      %dma_wait3A_405 = tpu.memref_slice %arg7[%dma_wait3A, %dma_wait3A_404] : memref<1x128xi32, #tpu.memory_space<vmem>> -> memref<1x128xi32, #tpu.memory_space<vmem>>
      %dma_wait3A_406 = tpu.memref_squeeze %dma_wait3A_405 : memref<1x128xi32, #tpu.memory_space<vmem>> -> memref<128xi32, #tpu.memory_space<vmem>>
      %dma_wait3A_407 = tpu.memref_slice %arg3[%mul3A_403] : memref<100000xi32, #tpu.memory_space<hbm>> -> memref<128xi32, #tpu.memory_space<hbm>>
      %dma_wait3A_408 = arith.constant 0 : i32
      %dma_wait3A_409 = tpu.memref_slice %arg7[%dma_wait3A, %dma_wait3A_408] : memref<1x128xi32, #tpu.memory_space<vmem>> -> memref<1x128xi32, #tpu.memory_space<vmem>>
      %dma_wait3A_410 = tpu.memref_squeeze %dma_wait3A_409 : memref<1x128xi32, #tpu.memory_space<vmem>> -> memref<128xi32, #tpu.memory_space<vmem>>
      %dma_wait3A_411 = tpu.memref_slice %arg3[%mul3A_403] : memref<100000xi32, #tpu.memory_space<hbm>> -> memref<128xi32, #tpu.memory_space<hbm>>
      tpu.wait_dma2 semaphore(%arg20 : memref<!tpu.dma_semaphore, #tpu.memory_space<semaphore_mem>>) src(%dma_wait3A_411 : memref<128xi32, #tpu.memory_space<hbm>>) dst(%dma_wait3A_410 : memref<128xi32, #tpu.memory_space<vmem>>)
      %add3A_412 = arith.constant 13 : i32
      %add3A_413 = arith.addi %add3A_4, %add3A_412 : i32
      %mul3A_414 = arith.constant 128 : i32
      %mul3A_415 = arith.muli %add3A_413, %mul3A_414 : i32
      %dma_wait3A_416 = arith.constant 0 : i32
      %dma_wait3A_417 = tpu.memref_slice %arg2[%mul3A_415, %dma_wait3A_416] : memref<100000x128xf32, #tpu.memory_space<hbm>> -> memref<128x128xf32, #tpu.memory_space<hbm>>
      %dma_wait3A_418 = arith.constant 0 : i32
      %dma_wait3A_419 = tpu.memref_slice %arg2[%mul3A_415, %dma_wait3A_418] : memref<100000x128xf32, #tpu.memory_space<hbm>> -> memref<128x128xf32, #tpu.memory_space<hbm>>
      tpu.wait_dma2 semaphore(%arg24 : memref<!tpu.dma_semaphore, #tpu.memory_space<semaphore_mem>>) src(%dma_wait3A_419 : memref<128x128xf32, #tpu.memory_space<hbm>>) dst(%arg11 : memref<128x128xf32, #tpu.memory_space<vmem>>)
      %dma_start3A = arith.constant 0 : i32
      %dma_start3A_420 = arith.constant 0 : i32
      %dma_start3A_421 = tpu.memref_slice %arg7[%dma_start3A, %dma_start3A_420] : memref<1x128xi32, #tpu.memory_space<vmem>> -> memref<1x128xi32, #tpu.memory_space<vmem>>
      %dma_start3A_422 = tpu.memref_squeeze %dma_start3A_421 : memref<1x128xi32, #tpu.memory_space<vmem>> -> memref<128xi32, #tpu.memory_space<vmem>>
      %dma_start3A_423 = arith.constant 0 : i32
      %dma_start3A_424 = arith.constant 0 : i32
      %dma_start3A_425 = tpu.memref_slice %arg18[%dma_start3A_423, %dma_start3A_424] : memref<1024x128xf32, #tpu.memory_space<vmem_shared>> -> memref<1024x128xf32, #tpu.memory_space<vmem_shared>>
      tpu.enqueue_indirect_dma source(%arg11 : memref<128x128xf32, #tpu.memory_space<vmem>>) target(%dma_start3A_425 : memref<1024x128xf32, #tpu.memory_space<vmem_shared>>) offsets(%dma_start3A_422 : memref<128xi32, #tpu.memory_space<vmem>>) semaphore(%arg28 : memref<!tpu.dma_semaphore, #tpu.memory_space<semaphore_mem>>) {add = true}
      %scan3A_426 = arith.constant 0 : i32
      %scan3A_427 = arith.constant 8 : i32
      %scan3A_428 = arith.addi %scan3A_426, %scan3A_427 : i32
      %scan3A_429 = arith.constant 1 : i32
      scf.for %scan3A_431 = %scan3A_426 to %scan3A_428 step %scan3A_429  : i32 {
        %mul3A_432 = arith.constant 16 : i32
        %mul3A_433 = arith.muli %scan3A_431, %mul3A_432 : i32
        %add3A_434 = arith.constant 0 : i32
        %add3A_435 = arith.addi %add3A_434, %mul3A_433 : i32
        %get3A = arith.constant 0 : i32
        %get3A_436 = arith.index_cast %get3A : i32 to index
        %get3A_437 = arith.index_cast %add3A_435 : i32 to index
        %get3A_438 = tpu.vector_load %arg7[%get3A_436, %get3A_437] {strides = array<i32>} : memref<1x128xi32, #tpu.memory_space<vmem>>, vector<16xi32>,
        tpu.vector_store_idx %arg16[%get3A_438], %broadcast_in_dim3A_9 {add = true} : memref<1024xf32, #tpu.memory_space<vmem>>[vector<16xi32>], vector<16xf32>,
      }
      %scan3A_430 = arith.constant 8 : i32
    } else {
    }
    %gt3A_238 = arith.constant 13 : i32
    %gt3A_239 = arith.cmpi sgt, %select_n3A, %gt3A_238 : i32
    %convert_element_type3A_240 = arith.extui %gt3A_239 : i1 to i32
    %cond3A_241 = arith.constant 0 : i32
    %cond3A_242 = arith.cmpi ne, %convert_element_type3A_240, %cond3A_241 : i32
    scf.if %cond3A_242 {
      %dma_wait3A = arith.constant 0 : i32
      %dma_wait3A_400 = arith.constant 0 : i32
      %dma_wait3A_401 = tpu.memref_slice %arg7[%dma_wait3A, %dma_wait3A_400] : memref<1x128xi32, #tpu.memory_space<vmem>> -> memref<1x128xi32, #tpu.memory_space<vmem>>
      %dma_wait3A_402 = tpu.memref_squeeze %dma_wait3A_401 : memref<1x128xi32, #tpu.memory_space<vmem>> -> memref<128xi32, #tpu.memory_space<vmem>>
      %dma_wait3A_403 = arith.constant 0 : i32
      %dma_wait3A_404 = arith.constant 0 : i32
      %dma_wait3A_405 = tpu.memref_slice %arg18[%dma_wait3A_403, %dma_wait3A_404] : memref<1024x128xf32, #tpu.memory_space<vmem_shared>> -> memref<1024x128xf32, #tpu.memory_space<vmem_shared>>
      tpu.wait_indirect_dma semaphore(%arg28 : memref<!tpu.dma_semaphore, #tpu.memory_space<semaphore_mem>>) src(%arg11 : memref<128x128xf32, #tpu.memory_space<vmem>>) dst(%dma_wait3A_405 : memref<1024x128xf32, #tpu.memory_space<vmem_shared>>)
    } else {
    }
    %gt3A_243 = arith.constant 17 : i32
    %gt3A_244 = arith.cmpi sgt, %select_n3A, %gt3A_243 : i32
    %convert_element_type3A_245 = arith.extui %gt3A_244 : i1 to i32
    %cond3A_246 = arith.constant 0 : i32
    %cond3A_247 = arith.cmpi ne, %convert_element_type3A_245, %cond3A_246 : i32
    scf.if %cond3A_247 {
      %add3A_400 = arith.constant 17 : i32
      %add3A_401 = arith.addi %add3A_4, %add3A_400 : i32
      %mul3A_402 = arith.constant 128 : i32
      %mul3A_403 = arith.muli %add3A_401, %mul3A_402 : i32
      %dma_start3A = arith.constant 0 : i32
      %dma_start3A_404 = arith.constant 0 : i32
      %dma_start3A_405 = tpu.memref_slice %arg7[%dma_start3A, %dma_start3A_404] : memref<1x128xi32, #tpu.memory_space<vmem>> -> memref<1x128xi32, #tpu.memory_space<vmem>>
      %dma_start3A_406 = tpu.memref_squeeze %dma_start3A_405 : memref<1x128xi32, #tpu.memory_space<vmem>> -> memref<128xi32, #tpu.memory_space<vmem>>
      %dma_start3A_407 = tpu.memref_slice %arg3[%mul3A_403] : memref<100000xi32, #tpu.memory_space<hbm>> -> memref<128xi32, #tpu.memory_space<hbm>>
      %dma_start3A_408 = arith.constant 0 : i32
      %dma_start3A_409 = tpu.memref_slice %arg7[%dma_start3A, %dma_start3A_408] : memref<1x128xi32, #tpu.memory_space<vmem>> -> memref<1x128xi32, #tpu.memory_space<vmem>>
      %dma_start3A_410 = tpu.memref_squeeze %dma_start3A_409 : memref<1x128xi32, #tpu.memory_space<vmem>> -> memref<128xi32, #tpu.memory_space<vmem>>
      %dma_start3A_411 = tpu.memref_slice %arg3[%mul3A_403] : memref<100000xi32, #tpu.memory_space<hbm>> -> memref<128xi32, #tpu.memory_space<hbm>>
      tpu.enqueue_dma source(%dma_start3A_411 : memref<128xi32, #tpu.memory_space<hbm>>) target(%dma_start3A_410 : memref<128xi32, #tpu.memory_space<vmem>>) target_semaphore(%arg20 : memref<!tpu.dma_semaphore, #tpu.memory_space<semaphore_mem>>)
      %add3A_412 = arith.constant 17 : i32
      %add3A_413 = arith.addi %add3A_4, %add3A_412 : i32
      %mul3A_414 = arith.constant 128 : i32
      %mul3A_415 = arith.muli %add3A_413, %mul3A_414 : i32
      %dma_start3A_416 = arith.constant 0 : i32
      %dma_start3A_417 = tpu.memref_slice %arg2[%mul3A_415, %dma_start3A_416] : memref<100000x128xf32, #tpu.memory_space<hbm>> -> memref<128x128xf32, #tpu.memory_space<hbm>>
      %dma_start3A_418 = arith.constant 0 : i32
      %dma_start3A_419 = tpu.memref_slice %arg2[%mul3A_415, %dma_start3A_418] : memref<100000x128xf32, #tpu.memory_space<hbm>> -> memref<128x128xf32, #tpu.memory_space<hbm>>
      tpu.enqueue_dma source(%dma_start3A_419 : memref<128x128xf32, #tpu.memory_space<hbm>>) target(%arg11 : memref<128x128xf32, #tpu.memory_space<vmem>>) target_semaphore(%arg24 : memref<!tpu.dma_semaphore, #tpu.memory_space<semaphore_mem>>)
    } else {
    }
    %gt3A_248 = arith.constant 14 : i32
    %gt3A_249 = arith.cmpi sgt, %select_n3A, %gt3A_248 : i32
    %convert_element_type3A_250 = arith.extui %gt3A_249 : i1 to i32
    %cond3A_251 = arith.constant 0 : i32
    %cond3A_252 = arith.cmpi ne, %convert_element_type3A_250, %cond3A_251 : i32
    scf.if %cond3A_252 {
      %add3A_400 = arith.constant 14 : i32
      %add3A_401 = arith.addi %add3A_4, %add3A_400 : i32
      %mul3A_402 = arith.constant 128 : i32
      %mul3A_403 = arith.muli %add3A_401, %mul3A_402 : i32
      %dma_wait3A = arith.constant 0 : i32
      %dma_wait3A_404 = arith.constant 0 : i32
      %dma_wait3A_405 = tpu.memref_slice %arg8[%dma_wait3A, %dma_wait3A_404] : memref<1x128xi32, #tpu.memory_space<vmem>> -> memref<1x128xi32, #tpu.memory_space<vmem>>
      %dma_wait3A_406 = tpu.memref_squeeze %dma_wait3A_405 : memref<1x128xi32, #tpu.memory_space<vmem>> -> memref<128xi32, #tpu.memory_space<vmem>>
      %dma_wait3A_407 = tpu.memref_slice %arg3[%mul3A_403] : memref<100000xi32, #tpu.memory_space<hbm>> -> memref<128xi32, #tpu.memory_space<hbm>>
      %dma_wait3A_408 = arith.constant 0 : i32
      %dma_wait3A_409 = tpu.memref_slice %arg8[%dma_wait3A, %dma_wait3A_408] : memref<1x128xi32, #tpu.memory_space<vmem>> -> memref<1x128xi32, #tpu.memory_space<vmem>>
      %dma_wait3A_410 = tpu.memref_squeeze %dma_wait3A_409 : memref<1x128xi32, #tpu.memory_space<vmem>> -> memref<128xi32, #tpu.memory_space<vmem>>
      %dma_wait3A_411 = tpu.memref_slice %arg3[%mul3A_403] : memref<100000xi32, #tpu.memory_space<hbm>> -> memref<128xi32, #tpu.memory_space<hbm>>
      tpu.wait_dma2 semaphore(%arg21 : memref<!tpu.dma_semaphore, #tpu.memory_space<semaphore_mem>>) src(%dma_wait3A_411 : memref<128xi32, #tpu.memory_space<hbm>>) dst(%dma_wait3A_410 : memref<128xi32, #tpu.memory_space<vmem>>)
      %add3A_412 = arith.constant 14 : i32
      %add3A_413 = arith.addi %add3A_4, %add3A_412 : i32
      %mul3A_414 = arith.constant 128 : i32
      %mul3A_415 = arith.muli %add3A_413, %mul3A_414 : i32
      %dma_wait3A_416 = arith.constant 0 : i32
      %dma_wait3A_417 = tpu.memref_slice %arg2[%mul3A_415, %dma_wait3A_416] : memref<100000x128xf32, #tpu.memory_space<hbm>> -> memref<128x128xf32, #tpu.memory_space<hbm>>
      %dma_wait3A_418 = arith.constant 0 : i32
      %dma_wait3A_419 = tpu.memref_slice %arg2[%mul3A_415, %dma_wait3A_418] : memref<100000x128xf32, #tpu.memory_space<hbm>> -> memref<128x128xf32, #tpu.memory_space<hbm>>
      tpu.wait_dma2 semaphore(%arg25 : memref<!tpu.dma_semaphore, #tpu.memory_space<semaphore_mem>>) src(%dma_wait3A_419 : memref<128x128xf32, #tpu.memory_space<hbm>>) dst(%arg12 : memref<128x128xf32, #tpu.memory_space<vmem>>)
      %dma_start3A = arith.constant 0 : i32
      %dma_start3A_420 = arith.constant 0 : i32
      %dma_start3A_421 = tpu.memref_slice %arg8[%dma_start3A, %dma_start3A_420] : memref<1x128xi32, #tpu.memory_space<vmem>> -> memref<1x128xi32, #tpu.memory_space<vmem>>
      %dma_start3A_422 = tpu.memref_squeeze %dma_start3A_421 : memref<1x128xi32, #tpu.memory_space<vmem>> -> memref<128xi32, #tpu.memory_space<vmem>>
      %dma_start3A_423 = arith.constant 0 : i32
      %dma_start3A_424 = arith.constant 0 : i32
      %dma_start3A_425 = tpu.memref_slice %arg18[%dma_start3A_423, %dma_start3A_424] : memref<1024x128xf32, #tpu.memory_space<vmem_shared>> -> memref<1024x128xf32, #tpu.memory_space<vmem_shared>>
      tpu.enqueue_indirect_dma source(%arg12 : memref<128x128xf32, #tpu.memory_space<vmem>>) target(%dma_start3A_425 : memref<1024x128xf32, #tpu.memory_space<vmem_shared>>) offsets(%dma_start3A_422 : memref<128xi32, #tpu.memory_space<vmem>>) semaphore(%arg29 : memref<!tpu.dma_semaphore, #tpu.memory_space<semaphore_mem>>) {add = true}
      %scan3A_426 = arith.constant 0 : i32
      %scan3A_427 = arith.constant 8 : i32
      %scan3A_428 = arith.addi %scan3A_426, %scan3A_427 : i32
      %scan3A_429 = arith.constant 1 : i32
      scf.for %scan3A_431 = %scan3A_426 to %scan3A_428 step %scan3A_429  : i32 {
        %mul3A_432 = arith.constant 16 : i32
        %mul3A_433 = arith.muli %scan3A_431, %mul3A_432 : i32
        %add3A_434 = arith.constant 0 : i32
        %add3A_435 = arith.addi %add3A_434, %mul3A_433 : i32
        %get3A = arith.constant 0 : i32
        %get3A_436 = arith.index_cast %get3A : i32 to index
        %get3A_437 = arith.index_cast %add3A_435 : i32 to index
        %get3A_438 = tpu.vector_load %arg8[%get3A_436, %get3A_437] {strides = array<i32>} : memref<1x128xi32, #tpu.memory_space<vmem>>, vector<16xi32>,
        tpu.vector_store_idx %arg16[%get3A_438], %broadcast_in_dim3A_9 {add = true} : memref<1024xf32, #tpu.memory_space<vmem>>[vector<16xi32>], vector<16xf32>,
      }
      %scan3A_430 = arith.constant 8 : i32
    } else {
    }
    %gt3A_253 = arith.constant 14 : i32
    %gt3A_254 = arith.cmpi sgt, %select_n3A, %gt3A_253 : i32
    %convert_element_type3A_255 = arith.extui %gt3A_254 : i1 to i32
    %cond3A_256 = arith.constant 0 : i32
    %cond3A_257 = arith.cmpi ne, %convert_element_type3A_255, %cond3A_256 : i32
    scf.if %cond3A_257 {
      %dma_wait3A = arith.constant 0 : i32
      %dma_wait3A_400 = arith.constant 0 : i32
      %dma_wait3A_401 = tpu.memref_slice %arg8[%dma_wait3A, %dma_wait3A_400] : memref<1x128xi32, #tpu.memory_space<vmem>> -> memref<1x128xi32, #tpu.memory_space<vmem>>
      %dma_wait3A_402 = tpu.memref_squeeze %dma_wait3A_401 : memref<1x128xi32, #tpu.memory_space<vmem>> -> memref<128xi32, #tpu.memory_space<vmem>>
      %dma_wait3A_403 = arith.constant 0 : i32
      %dma_wait3A_404 = arith.constant 0 : i32
      %dma_wait3A_405 = tpu.memref_slice %arg18[%dma_wait3A_403, %dma_wait3A_404] : memref<1024x128xf32, #tpu.memory_space<vmem_shared>> -> memref<1024x128xf32, #tpu.memory_space<vmem_shared>>
      tpu.wait_indirect_dma semaphore(%arg29 : memref<!tpu.dma_semaphore, #tpu.memory_space<semaphore_mem>>) src(%arg12 : memref<128x128xf32, #tpu.memory_space<vmem>>) dst(%dma_wait3A_405 : memref<1024x128xf32, #tpu.memory_space<vmem_shared>>)
    } else {
    }
    %gt3A_258 = arith.constant 18 : i32
    %gt3A_259 = arith.cmpi sgt, %select_n3A, %gt3A_258 : i32
    %convert_element_type3A_260 = arith.extui %gt3A_259 : i1 to i32
    %cond3A_261 = arith.constant 0 : i32
    %cond3A_262 = arith.cmpi ne, %convert_element_type3A_260, %cond3A_261 : i32
    scf.if %cond3A_262 {
      %add3A_400 = arith.constant 18 : i32
      %add3A_401 = arith.addi %add3A_4, %add3A_400 : i32
      %mul3A_402 = arith.constant 128 : i32
      %mul3A_403 = arith.muli %add3A_401, %mul3A_402 : i32
      %dma_start3A = arith.constant 0 : i32
      %dma_start3A_404 = arith.constant 0 : i32
      %dma_start3A_405 = tpu.memref_slice %arg8[%dma_start3A, %dma_start3A_404] : memref<1x128xi32, #tpu.memory_space<vmem>> -> memref<1x128xi32, #tpu.memory_space<vmem>>
      %dma_start3A_406 = tpu.memref_squeeze %dma_start3A_405 : memref<1x128xi32, #tpu.memory_space<vmem>> -> memref<128xi32, #tpu.memory_space<vmem>>
      %dma_start3A_407 = tpu.memref_slice %arg3[%mul3A_403] : memref<100000xi32, #tpu.memory_space<hbm>> -> memref<128xi32, #tpu.memory_space<hbm>>
      %dma_start3A_408 = arith.constant 0 : i32
      %dma_start3A_409 = tpu.memref_slice %arg8[%dma_start3A, %dma_start3A_408] : memref<1x128xi32, #tpu.memory_space<vmem>> -> memref<1x128xi32, #tpu.memory_space<vmem>>
      %dma_start3A_410 = tpu.memref_squeeze %dma_start3A_409 : memref<1x128xi32, #tpu.memory_space<vmem>> -> memref<128xi32, #tpu.memory_space<vmem>>
      %dma_start3A_411 = tpu.memref_slice %arg3[%mul3A_403] : memref<100000xi32, #tpu.memory_space<hbm>> -> memref<128xi32, #tpu.memory_space<hbm>>
      tpu.enqueue_dma source(%dma_start3A_411 : memref<128xi32, #tpu.memory_space<hbm>>) target(%dma_start3A_410 : memref<128xi32, #tpu.memory_space<vmem>>) target_semaphore(%arg21 : memref<!tpu.dma_semaphore, #tpu.memory_space<semaphore_mem>>)
      %add3A_412 = arith.constant 18 : i32
      %add3A_413 = arith.addi %add3A_4, %add3A_412 : i32
      %mul3A_414 = arith.constant 128 : i32
      %mul3A_415 = arith.muli %add3A_413, %mul3A_414 : i32
      %dma_start3A_416 = arith.constant 0 : i32
      %dma_start3A_417 = tpu.memref_slice %arg2[%mul3A_415, %dma_start3A_416] : memref<100000x128xf32, #tpu.memory_space<hbm>> -> memref<128x128xf32, #tpu.memory_space<hbm>>
      %dma_start3A_418 = arith.constant 0 : i32
      %dma_start3A_419 = tpu.memref_slice %arg2[%mul3A_415, %dma_start3A_418] : memref<100000x128xf32, #tpu.memory_space<hbm>> -> memref<128x128xf32, #tpu.memory_space<hbm>>
      tpu.enqueue_dma source(%dma_start3A_419 : memref<128x128xf32, #tpu.memory_space<hbm>>) target(%arg12 : memref<128x128xf32, #tpu.memory_space<vmem>>) target_semaphore(%arg25 : memref<!tpu.dma_semaphore, #tpu.memory_space<semaphore_mem>>)
    } else {
    }
    %gt3A_263 = arith.constant 15 : i32
    %gt3A_264 = arith.cmpi sgt, %select_n3A, %gt3A_263 : i32
    %convert_element_type3A_265 = arith.extui %gt3A_264 : i1 to i32
    %cond3A_266 = arith.constant 0 : i32
    %cond3A_267 = arith.cmpi ne, %convert_element_type3A_265, %cond3A_266 : i32
    scf.if %cond3A_267 {
      %add3A_400 = arith.constant 15 : i32
      %add3A_401 = arith.addi %add3A_4, %add3A_400 : i32
      %mul3A_402 = arith.constant 128 : i32
      %mul3A_403 = arith.muli %add3A_401, %mul3A_402 : i32
      %dma_wait3A = arith.constant 0 : i32
      %dma_wait3A_404 = arith.constant 0 : i32
      %dma_wait3A_405 = tpu.memref_slice %arg9[%dma_wait3A, %dma_wait3A_404] : memref<1x128xi32, #tpu.memory_space<vmem>> -> memref<1x128xi32, #tpu.memory_space<vmem>>
      %dma_wait3A_406 = tpu.memref_squeeze %dma_wait3A_405 : memref<1x128xi32, #tpu.memory_space<vmem>> -> memref<128xi32, #tpu.memory_space<vmem>>
      %dma_wait3A_407 = tpu.memref_slice %arg3[%mul3A_403] : memref<100000xi32, #tpu.memory_space<hbm>> -> memref<128xi32, #tpu.memory_space<hbm>>
      %dma_wait3A_408 = arith.constant 0 : i32
      %dma_wait3A_409 = tpu.memref_slice %arg9[%dma_wait3A, %dma_wait3A_408] : memref<1x128xi32, #tpu.memory_space<vmem>> -> memref<1x128xi32, #tpu.memory_space<vmem>>
      %dma_wait3A_410 = tpu.memref_squeeze %dma_wait3A_409 : memref<1x128xi32, #tpu.memory_space<vmem>> -> memref<128xi32, #tpu.memory_space<vmem>>
      %dma_wait3A_411 = tpu.memref_slice %arg3[%mul3A_403] : memref<100000xi32, #tpu.memory_space<hbm>> -> memref<128xi32, #tpu.memory_space<hbm>>
      tpu.wait_dma2 semaphore(%arg22 : memref<!tpu.dma_semaphore, #tpu.memory_space<semaphore_mem>>) src(%dma_wait3A_411 : memref<128xi32, #tpu.memory_space<hbm>>) dst(%dma_wait3A_410 : memref<128xi32, #tpu.memory_space<vmem>>)
      %add3A_412 = arith.constant 15 : i32
      %add3A_413 = arith.addi %add3A_4, %add3A_412 : i32
      %mul3A_414 = arith.constant 128 : i32
      %mul3A_415 = arith.muli %add3A_413, %mul3A_414 : i32
      %dma_wait3A_416 = arith.constant 0 : i32
      %dma_wait3A_417 = tpu.memref_slice %arg2[%mul3A_415, %dma_wait3A_416] : memref<100000x128xf32, #tpu.memory_space<hbm>> -> memref<128x128xf32, #tpu.memory_space<hbm>>
      %dma_wait3A_418 = arith.constant 0 : i32
      %dma_wait3A_419 = tpu.memref_slice %arg2[%mul3A_415, %dma_wait3A_418] : memref<100000x128xf32, #tpu.memory_space<hbm>> -> memref<128x128xf32, #tpu.memory_space<hbm>>
      tpu.wait_dma2 semaphore(%arg26 : memref<!tpu.dma_semaphore, #tpu.memory_space<semaphore_mem>>) src(%dma_wait3A_419 : memref<128x128xf32, #tpu.memory_space<hbm>>) dst(%arg13 : memref<128x128xf32, #tpu.memory_space<vmem>>)
      %dma_start3A = arith.constant 0 : i32
      %dma_start3A_420 = arith.constant 0 : i32
      %dma_start3A_421 = tpu.memref_slice %arg9[%dma_start3A, %dma_start3A_420] : memref<1x128xi32, #tpu.memory_space<vmem>> -> memref<1x128xi32, #tpu.memory_space<vmem>>
      %dma_start3A_422 = tpu.memref_squeeze %dma_start3A_421 : memref<1x128xi32, #tpu.memory_space<vmem>> -> memref<128xi32, #tpu.memory_space<vmem>>
      %dma_start3A_423 = arith.constant 0 : i32
      %dma_start3A_424 = arith.constant 0 : i32
      %dma_start3A_425 = tpu.memref_slice %arg18[%dma_start3A_423, %dma_start3A_424] : memref<1024x128xf32, #tpu.memory_space<vmem_shared>> -> memref<1024x128xf32, #tpu.memory_space<vmem_shared>>
      tpu.enqueue_indirect_dma source(%arg13 : memref<128x128xf32, #tpu.memory_space<vmem>>) target(%dma_start3A_425 : memref<1024x128xf32, #tpu.memory_space<vmem_shared>>) offsets(%dma_start3A_422 : memref<128xi32, #tpu.memory_space<vmem>>) semaphore(%arg30 : memref<!tpu.dma_semaphore, #tpu.memory_space<semaphore_mem>>) {add = true}
      %scan3A_426 = arith.constant 0 : i32
      %scan3A_427 = arith.constant 8 : i32
      %scan3A_428 = arith.addi %scan3A_426, %scan3A_427 : i32
      %scan3A_429 = arith.constant 1 : i32
      scf.for %scan3A_431 = %scan3A_426 to %scan3A_428 step %scan3A_429  : i32 {
        %mul3A_432 = arith.constant 16 : i32
        %mul3A_433 = arith.muli %scan3A_431, %mul3A_432 : i32
        %add3A_434 = arith.constant 0 : i32
        %add3A_435 = arith.addi %add3A_434, %mul3A_433 : i32
        %get3A = arith.constant 0 : i32
        %get3A_436 = arith.index_cast %get3A : i32 to index
        %get3A_437 = arith.index_cast %add3A_435 : i32 to index
        %get3A_438 = tpu.vector_load %arg9[%get3A_436, %get3A_437] {strides = array<i32>} : memref<1x128xi32, #tpu.memory_space<vmem>>, vector<16xi32>,
        tpu.vector_store_idx %arg16[%get3A_438], %broadcast_in_dim3A_9 {add = true} : memref<1024xf32, #tpu.memory_space<vmem>>[vector<16xi32>], vector<16xf32>,
      }
      %scan3A_430 = arith.constant 8 : i32
    } else {
    }
    %gt3A_268 = arith.constant 15 : i32
    %gt3A_269 = arith.cmpi sgt, %select_n3A, %gt3A_268 : i32
    %convert_element_type3A_270 = arith.extui %gt3A_269 : i1 to i32
    %cond3A_271 = arith.constant 0 : i32
    %cond3A_272 = arith.cmpi ne, %convert_element_type3A_270, %cond3A_271 : i32
    scf.if %cond3A_272 {
      %dma_wait3A = arith.constant 0 : i32
      %dma_wait3A_400 = arith.constant 0 : i32
      %dma_wait3A_401 = tpu.memref_slice %arg9[%dma_wait3A, %dma_wait3A_400] : memref<1x128xi32, #tpu.memory_space<vmem>> -> memref<1x128xi32, #tpu.memory_space<vmem>>
      %dma_wait3A_402 = tpu.memref_squeeze %dma_wait3A_401 : memref<1x128xi32, #tpu.memory_space<vmem>> -> memref<128xi32, #tpu.memory_space<vmem>>
      %dma_wait3A_403 = arith.constant 0 : i32
      %dma_wait3A_404 = arith.constant 0 : i32
      %dma_wait3A_405 = tpu.memref_slice %arg18[%dma_wait3A_403, %dma_wait3A_404] : memref<1024x128xf32, #tpu.memory_space<vmem_shared>> -> memref<1024x128xf32, #tpu.memory_space<vmem_shared>>
      tpu.wait_indirect_dma semaphore(%arg30 : memref<!tpu.dma_semaphore, #tpu.memory_space<semaphore_mem>>) src(%arg13 : memref<128x128xf32, #tpu.memory_space<vmem>>) dst(%dma_wait3A_405 : memref<1024x128xf32, #tpu.memory_space<vmem_shared>>)
    } else {
    }
    %gt3A_273 = arith.constant 19 : i32
    %gt3A_274 = arith.cmpi sgt, %select_n3A, %gt3A_273 : i32
    %convert_element_type3A_275 = arith.extui %gt3A_274 : i1 to i32
    %cond3A_276 = arith.constant 0 : i32
    %cond3A_277 = arith.cmpi ne, %convert_element_type3A_275, %cond3A_276 : i32
    scf.if %cond3A_277 {
      %add3A_400 = arith.constant 19 : i32
      %add3A_401 = arith.addi %add3A_4, %add3A_400 : i32
      %mul3A_402 = arith.constant 128 : i32
      %mul3A_403 = arith.muli %add3A_401, %mul3A_402 : i32
      %dma_start3A = arith.constant 0 : i32
      %dma_start3A_404 = arith.constant 0 : i32
      %dma_start3A_405 = tpu.memref_slice %arg9[%dma_start3A, %dma_start3A_404] : memref<1x128xi32, #tpu.memory_space<vmem>> -> memref<1x128xi32, #tpu.memory_space<vmem>>
      %dma_start3A_406 = tpu.memref_squeeze %dma_start3A_405 : memref<1x128xi32, #tpu.memory_space<vmem>> -> memref<128xi32, #tpu.memory_space<vmem>>
      %dma_start3A_407 = tpu.memref_slice %arg3[%mul3A_403] : memref<100000xi32, #tpu.memory_space<hbm>> -> memref<128xi32, #tpu.memory_space<hbm>>
      %dma_start3A_408 = arith.constant 0 : i32
      %dma_start3A_409 = tpu.memref_slice %arg9[%dma_start3A, %dma_start3A_408] : memref<1x128xi32, #tpu.memory_space<vmem>> -> memref<1x128xi32, #tpu.memory_space<vmem>>
      %dma_start3A_410 = tpu.memref_squeeze %dma_start3A_409 : memref<1x128xi32, #tpu.memory_space<vmem>> -> memref<128xi32, #tpu.memory_space<vmem>>
      %dma_start3A_411 = tpu.memref_slice %arg3[%mul3A_403] : memref<100000xi32, #tpu.memory_space<hbm>> -> memref<128xi32, #tpu.memory_space<hbm>>
      tpu.enqueue_dma source(%dma_start3A_411 : memref<128xi32, #tpu.memory_space<hbm>>) target(%dma_start3A_410 : memref<128xi32, #tpu.memory_space<vmem>>) target_semaphore(%arg22 : memref<!tpu.dma_semaphore, #tpu.memory_space<semaphore_mem>>)
      %add3A_412 = arith.constant 19 : i32
      %add3A_413 = arith.addi %add3A_4, %add3A_412 : i32
      %mul3A_414 = arith.constant 128 : i32
      %mul3A_415 = arith.muli %add3A_413, %mul3A_414 : i32
      %dma_start3A_416 = arith.constant 0 : i32
      %dma_start3A_417 = tpu.memref_slice %arg2[%mul3A_415, %dma_start3A_416] : memref<100000x128xf32, #tpu.memory_space<hbm>> -> memref<128x128xf32, #tpu.memory_space<hbm>>
      %dma_start3A_418 = arith.constant 0 : i32
      %dma_start3A_419 = tpu.memref_slice %arg2[%mul3A_415, %dma_start3A_418] : memref<100000x128xf32, #tpu.memory_space<hbm>> -> memref<128x128xf32, #tpu.memory_space<hbm>>
      tpu.enqueue_dma source(%dma_start3A_419 : memref<128x128xf32, #tpu.memory_space<hbm>>) target(%arg13 : memref<128x128xf32, #tpu.memory_space<vmem>>) target_semaphore(%arg26 : memref<!tpu.dma_semaphore, #tpu.memory_space<semaphore_mem>>)
    } else {
    }
    %gt3A_278 = arith.constant 16 : i32
    %gt3A_279 = arith.cmpi sgt, %select_n3A, %gt3A_278 : i32
    %convert_element_type3A_280 = arith.extui %gt3A_279 : i1 to i32
    %cond3A_281 = arith.constant 0 : i32
    %cond3A_282 = arith.cmpi ne, %convert_element_type3A_280, %cond3A_281 : i32
    scf.if %cond3A_282 {
      %add3A_400 = arith.constant 16 : i32
      %add3A_401 = arith.addi %add3A_4, %add3A_400 : i32
      %mul3A_402 = arith.constant 128 : i32
      %mul3A_403 = arith.muli %add3A_401, %mul3A_402 : i32
      %dma_wait3A = arith.constant 0 : i32
      %dma_wait3A_404 = arith.constant 0 : i32
      %dma_wait3A_405 = tpu.memref_slice %arg6[%dma_wait3A, %dma_wait3A_404] : memref<1x128xi32, #tpu.memory_space<vmem>> -> memref<1x128xi32, #tpu.memory_space<vmem>>
      %dma_wait3A_406 = tpu.memref_squeeze %dma_wait3A_405 : memref<1x128xi32, #tpu.memory_space<vmem>> -> memref<128xi32, #tpu.memory_space<vmem>>
      %dma_wait3A_407 = tpu.memref_slice %arg3[%mul3A_403] : memref<100000xi32, #tpu.memory_space<hbm>> -> memref<128xi32, #tpu.memory_space<hbm>>
      %dma_wait3A_408 = arith.constant 0 : i32
      %dma_wait3A_409 = tpu.memref_slice %arg6[%dma_wait3A, %dma_wait3A_408] : memref<1x128xi32, #tpu.memory_space<vmem>> -> memref<1x128xi32, #tpu.memory_space<vmem>>
      %dma_wait3A_410 = tpu.memref_squeeze %dma_wait3A_409 : memref<1x128xi32, #tpu.memory_space<vmem>> -> memref<128xi32, #tpu.memory_space<vmem>>
      %dma_wait3A_411 = tpu.memref_slice %arg3[%mul3A_403] : memref<100000xi32, #tpu.memory_space<hbm>> -> memref<128xi32, #tpu.memory_space<hbm>>
      tpu.wait_dma2 semaphore(%arg19 : memref<!tpu.dma_semaphore, #tpu.memory_space<semaphore_mem>>) src(%dma_wait3A_411 : memref<128xi32, #tpu.memory_space<hbm>>) dst(%dma_wait3A_410 : memref<128xi32, #tpu.memory_space<vmem>>)
      %add3A_412 = arith.constant 16 : i32
      %add3A_413 = arith.addi %add3A_4, %add3A_412 : i32
      %mul3A_414 = arith.constant 128 : i32
      %mul3A_415 = arith.muli %add3A_413, %mul3A_414 : i32
      %dma_wait3A_416 = arith.constant 0 : i32
      %dma_wait3A_417 = tpu.memref_slice %arg2[%mul3A_415, %dma_wait3A_416] : memref<100000x128xf32, #tpu.memory_space<hbm>> -> memref<128x128xf32, #tpu.memory_space<hbm>>
      %dma_wait3A_418 = arith.constant 0 : i32
      %dma_wait3A_419 = tpu.memref_slice %arg2[%mul3A_415, %dma_wait3A_418] : memref<100000x128xf32, #tpu.memory_space<hbm>> -> memref<128x128xf32, #tpu.memory_space<hbm>>
      tpu.wait_dma2 semaphore(%arg23 : memref<!tpu.dma_semaphore, #tpu.memory_space<semaphore_mem>>) src(%dma_wait3A_419 : memref<128x128xf32, #tpu.memory_space<hbm>>) dst(%arg10 : memref<128x128xf32, #tpu.memory_space<vmem>>)
      %dma_start3A = arith.constant 0 : i32
      %dma_start3A_420 = arith.constant 0 : i32
      %dma_start3A_421 = tpu.memref_slice %arg6[%dma_start3A, %dma_start3A_420] : memref<1x128xi32, #tpu.memory_space<vmem>> -> memref<1x128xi32, #tpu.memory_space<vmem>>
      %dma_start3A_422 = tpu.memref_squeeze %dma_start3A_421 : memref<1x128xi32, #tpu.memory_space<vmem>> -> memref<128xi32, #tpu.memory_space<vmem>>
      %dma_start3A_423 = arith.constant 0 : i32
      %dma_start3A_424 = arith.constant 0 : i32
      %dma_start3A_425 = tpu.memref_slice %arg18[%dma_start3A_423, %dma_start3A_424] : memref<1024x128xf32, #tpu.memory_space<vmem_shared>> -> memref<1024x128xf32, #tpu.memory_space<vmem_shared>>
      tpu.enqueue_indirect_dma source(%arg10 : memref<128x128xf32, #tpu.memory_space<vmem>>) target(%dma_start3A_425 : memref<1024x128xf32, #tpu.memory_space<vmem_shared>>) offsets(%dma_start3A_422 : memref<128xi32, #tpu.memory_space<vmem>>) semaphore(%arg27 : memref<!tpu.dma_semaphore, #tpu.memory_space<semaphore_mem>>) {add = true}
      %scan3A_426 = arith.constant 0 : i32
      %scan3A_427 = arith.constant 8 : i32
      %scan3A_428 = arith.addi %scan3A_426, %scan3A_427 : i32
      %scan3A_429 = arith.constant 1 : i32
      scf.for %scan3A_431 = %scan3A_426 to %scan3A_428 step %scan3A_429  : i32 {
        %mul3A_432 = arith.constant 16 : i32
        %mul3A_433 = arith.muli %scan3A_431, %mul3A_432 : i32
        %add3A_434 = arith.constant 0 : i32
        %add3A_435 = arith.addi %add3A_434, %mul3A_433 : i32
        %get3A = arith.constant 0 : i32
        %get3A_436 = arith.index_cast %get3A : i32 to index
        %get3A_437 = arith.index_cast %add3A_435 : i32 to index
        %get3A_438 = tpu.vector_load %arg6[%get3A_436, %get3A_437] {strides = array<i32>} : memref<1x128xi32, #tpu.memory_space<vmem>>, vector<16xi32>,
        tpu.vector_store_idx %arg16[%get3A_438], %broadcast_in_dim3A_9 {add = true} : memref<1024xf32, #tpu.memory_space<vmem>>[vector<16xi32>], vector<16xf32>,
      }
      %scan3A_430 = arith.constant 8 : i32
    } else {
    }
    %gt3A_283 = arith.constant 16 : i32
    %gt3A_284 = arith.cmpi sgt, %select_n3A, %gt3A_283 : i32
    %convert_element_type3A_285 = arith.extui %gt3A_284 : i1 to i32
    %cond3A_286 = arith.constant 0 : i32
    %cond3A_287 = arith.cmpi ne, %convert_element_type3A_285, %cond3A_286 : i32
    scf.if %cond3A_287 {
      %dma_wait3A = arith.constant 0 : i32
      %dma_wait3A_400 = arith.constant 0 : i32
      %dma_wait3A_401 = tpu.memref_slice %arg6[%dma_wait3A, %dma_wait3A_400] : memref<1x128xi32, #tpu.memory_space<vmem>> -> memref<1x128xi32, #tpu.memory_space<vmem>>
      %dma_wait3A_402 = tpu.memref_squeeze %dma_wait3A_401 : memref<1x128xi32, #tpu.memory_space<vmem>> -> memref<128xi32, #tpu.memory_space<vmem>>
      %dma_wait3A_403 = arith.constant 0 : i32
      %dma_wait3A_404 = arith.constant 0 : i32
      %dma_wait3A_405 = tpu.memref_slice %arg18[%dma_wait3A_403, %dma_wait3A_404] : memref<1024x128xf32, #tpu.memory_space<vmem_shared>> -> memref<1024x128xf32, #tpu.memory_space<vmem_shared>>
      tpu.wait_indirect_dma semaphore(%arg27 : memref<!tpu.dma_semaphore, #tpu.memory_space<semaphore_mem>>) src(%arg10 : memref<128x128xf32, #tpu.memory_space<vmem>>) dst(%dma_wait3A_405 : memref<1024x128xf32, #tpu.memory_space<vmem_shared>>)
    } else {
    }
    %gt3A_288 = arith.constant 20 : i32
    %gt3A_289 = arith.cmpi sgt, %select_n3A, %gt3A_288 : i32
    %convert_element_type3A_290 = arith.extui %gt3A_289 : i1 to i32
    %cond3A_291 = arith.constant 0 : i32
    %cond3A_292 = arith.cmpi ne, %convert_element_type3A_290, %cond3A_291 : i32
    scf.if %cond3A_292 {
      %add3A_400 = arith.constant 20 : i32
      %add3A_401 = arith.addi %add3A_4, %add3A_400 : i32
      %mul3A_402 = arith.constant 128 : i32
      %mul3A_403 = arith.muli %add3A_401, %mul3A_402 : i32
      %dma_start3A = arith.constant 0 : i32
      %dma_start3A_404 = arith.constant 0 : i32
      %dma_start3A_405 = tpu.memref_slice %arg6[%dma_start3A, %dma_start3A_404] : memref<1x128xi32, #tpu.memory_space<vmem>> -> memref<1x128xi32, #tpu.memory_space<vmem>>
      %dma_start3A_406 = tpu.memref_squeeze %dma_start3A_405 : memref<1x128xi32, #tpu.memory_space<vmem>> -> memref<128xi32, #tpu.memory_space<vmem>>
      %dma_start3A_407 = tpu.memref_slice %arg3[%mul3A_403] : memref<100000xi32, #tpu.memory_space<hbm>> -> memref<128xi32, #tpu.memory_space<hbm>>
      %dma_start3A_408 = arith.constant 0 : i32
      %dma_start3A_409 = tpu.memref_slice %arg6[%dma_start3A, %dma_start3A_408] : memref<1x128xi32, #tpu.memory_space<vmem>> -> memref<1x128xi32, #tpu.memory_space<vmem>>
      %dma_start3A_410 = tpu.memref_squeeze %dma_start3A_409 : memref<1x128xi32, #tpu.memory_space<vmem>> -> memref<128xi32, #tpu.memory_space<vmem>>
      %dma_start3A_411 = tpu.memref_slice %arg3[%mul3A_403] : memref<100000xi32, #tpu.memory_space<hbm>> -> memref<128xi32, #tpu.memory_space<hbm>>
      tpu.enqueue_dma source(%dma_start3A_411 : memref<128xi32, #tpu.memory_space<hbm>>) target(%dma_start3A_410 : memref<128xi32, #tpu.memory_space<vmem>>) target_semaphore(%arg19 : memref<!tpu.dma_semaphore, #tpu.memory_space<semaphore_mem>>)
      %add3A_412 = arith.constant 20 : i32
      %add3A_413 = arith.addi %add3A_4, %add3A_412 : i32
      %mul3A_414 = arith.constant 128 : i32
      %mul3A_415 = arith.muli %add3A_413, %mul3A_414 : i32
      %dma_start3A_416 = arith.constant 0 : i32
      %dma_start3A_417 = tpu.memref_slice %arg2[%mul3A_415, %dma_start3A_416] : memref<100000x128xf32, #tpu.memory_space<hbm>> -> memref<128x128xf32, #tpu.memory_space<hbm>>
      %dma_start3A_418 = arith.constant 0 : i32
      %dma_start3A_419 = tpu.memref_slice %arg2[%mul3A_415, %dma_start3A_418] : memref<100000x128xf32, #tpu.memory_space<hbm>> -> memref<128x128xf32, #tpu.memory_space<hbm>>
      tpu.enqueue_dma source(%dma_start3A_419 : memref<128x128xf32, #tpu.memory_space<hbm>>) target(%arg10 : memref<128x128xf32, #tpu.memory_space<vmem>>) target_semaphore(%arg23 : memref<!tpu.dma_semaphore, #tpu.memory_space<semaphore_mem>>)
    } else {
    }
    %gt3A_293 = arith.constant 17 : i32
    %gt3A_294 = arith.cmpi sgt, %select_n3A, %gt3A_293 : i32
    %convert_element_type3A_295 = arith.extui %gt3A_294 : i1 to i32
    %cond3A_296 = arith.constant 0 : i32
    %cond3A_297 = arith.cmpi ne, %convert_element_type3A_295, %cond3A_296 : i32
    scf.if %cond3A_297 {
      %add3A_400 = arith.constant 17 : i32
      %add3A_401 = arith.addi %add3A_4, %add3A_400 : i32
      %mul3A_402 = arith.constant 128 : i32
      %mul3A_403 = arith.muli %add3A_401, %mul3A_402 : i32
      %dma_wait3A = arith.constant 0 : i32
      %dma_wait3A_404 = arith.constant 0 : i32
      %dma_wait3A_405 = tpu.memref_slice %arg7[%dma_wait3A, %dma_wait3A_404] : memref<1x128xi32, #tpu.memory_space<vmem>> -> memref<1x128xi32, #tpu.memory_space<vmem>>
      %dma_wait3A_406 = tpu.memref_squeeze %dma_wait3A_405 : memref<1x128xi32, #tpu.memory_space<vmem>> -> memref<128xi32, #tpu.memory_space<vmem>>
      %dma_wait3A_407 = tpu.memref_slice %arg3[%mul3A_403] : memref<100000xi32, #tpu.memory_space<hbm>> -> memref<128xi32, #tpu.memory_space<hbm>>
      %dma_wait3A_408 = arith.constant 0 : i32
      %dma_wait3A_409 = tpu.memref_slice %arg7[%dma_wait3A, %dma_wait3A_408] : memref<1x128xi32, #tpu.memory_space<vmem>> -> memref<1x128xi32, #tpu.memory_space<vmem>>
      %dma_wait3A_410 = tpu.memref_squeeze %dma_wait3A_409 : memref<1x128xi32, #tpu.memory_space<vmem>> -> memref<128xi32, #tpu.memory_space<vmem>>
      %dma_wait3A_411 = tpu.memref_slice %arg3[%mul3A_403] : memref<100000xi32, #tpu.memory_space<hbm>> -> memref<128xi32, #tpu.memory_space<hbm>>
      tpu.wait_dma2 semaphore(%arg20 : memref<!tpu.dma_semaphore, #tpu.memory_space<semaphore_mem>>) src(%dma_wait3A_411 : memref<128xi32, #tpu.memory_space<hbm>>) dst(%dma_wait3A_410 : memref<128xi32, #tpu.memory_space<vmem>>)
      %add3A_412 = arith.constant 17 : i32
      %add3A_413 = arith.addi %add3A_4, %add3A_412 : i32
      %mul3A_414 = arith.constant 128 : i32
      %mul3A_415 = arith.muli %add3A_413, %mul3A_414 : i32
      %dma_wait3A_416 = arith.constant 0 : i32
      %dma_wait3A_417 = tpu.memref_slice %arg2[%mul3A_415, %dma_wait3A_416] : memref<100000x128xf32, #tpu.memory_space<hbm>> -> memref<128x128xf32, #tpu.memory_space<hbm>>
      %dma_wait3A_418 = arith.constant 0 : i32
      %dma_wait3A_419 = tpu.memref_slice %arg2[%mul3A_415, %dma_wait3A_418] : memref<100000x128xf32, #tpu.memory_space<hbm>> -> memref<128x128xf32, #tpu.memory_space<hbm>>
      tpu.wait_dma2 semaphore(%arg24 : memref<!tpu.dma_semaphore, #tpu.memory_space<semaphore_mem>>) src(%dma_wait3A_419 : memref<128x128xf32, #tpu.memory_space<hbm>>) dst(%arg11 : memref<128x128xf32, #tpu.memory_space<vmem>>)
      %dma_start3A = arith.constant 0 : i32
      %dma_start3A_420 = arith.constant 0 : i32
      %dma_start3A_421 = tpu.memref_slice %arg7[%dma_start3A, %dma_start3A_420] : memref<1x128xi32, #tpu.memory_space<vmem>> -> memref<1x128xi32, #tpu.memory_space<vmem>>
      %dma_start3A_422 = tpu.memref_squeeze %dma_start3A_421 : memref<1x128xi32, #tpu.memory_space<vmem>> -> memref<128xi32, #tpu.memory_space<vmem>>
      %dma_start3A_423 = arith.constant 0 : i32
      %dma_start3A_424 = arith.constant 0 : i32
      %dma_start3A_425 = tpu.memref_slice %arg18[%dma_start3A_423, %dma_start3A_424] : memref<1024x128xf32, #tpu.memory_space<vmem_shared>> -> memref<1024x128xf32, #tpu.memory_space<vmem_shared>>
      tpu.enqueue_indirect_dma source(%arg11 : memref<128x128xf32, #tpu.memory_space<vmem>>) target(%dma_start3A_425 : memref<1024x128xf32, #tpu.memory_space<vmem_shared>>) offsets(%dma_start3A_422 : memref<128xi32, #tpu.memory_space<vmem>>) semaphore(%arg28 : memref<!tpu.dma_semaphore, #tpu.memory_space<semaphore_mem>>) {add = true}
      %scan3A_426 = arith.constant 0 : i32
      %scan3A_427 = arith.constant 8 : i32
      %scan3A_428 = arith.addi %scan3A_426, %scan3A_427 : i32
      %scan3A_429 = arith.constant 1 : i32
      scf.for %scan3A_431 = %scan3A_426 to %scan3A_428 step %scan3A_429  : i32 {
        %mul3A_432 = arith.constant 16 : i32
        %mul3A_433 = arith.muli %scan3A_431, %mul3A_432 : i32
        %add3A_434 = arith.constant 0 : i32
        %add3A_435 = arith.addi %add3A_434, %mul3A_433 : i32
        %get3A = arith.constant 0 : i32
        %get3A_436 = arith.index_cast %get3A : i32 to index
        %get3A_437 = arith.index_cast %add3A_435 : i32 to index
        %get3A_438 = tpu.vector_load %arg7[%get3A_436, %get3A_437] {strides = array<i32>} : memref<1x128xi32, #tpu.memory_space<vmem>>, vector<16xi32>,
        tpu.vector_store_idx %arg16[%get3A_438], %broadcast_in_dim3A_9 {add = true} : memref<1024xf32, #tpu.memory_space<vmem>>[vector<16xi32>], vector<16xf32>,
      }
      %scan3A_430 = arith.constant 8 : i32
    } else {
    }
    %gt3A_298 = arith.constant 17 : i32
    %gt3A_299 = arith.cmpi sgt, %select_n3A, %gt3A_298 : i32
    %convert_element_type3A_300 = arith.extui %gt3A_299 : i1 to i32
    %cond3A_301 = arith.constant 0 : i32
    %cond3A_302 = arith.cmpi ne, %convert_element_type3A_300, %cond3A_301 : i32
    scf.if %cond3A_302 {
      %dma_wait3A = arith.constant 0 : i32
      %dma_wait3A_400 = arith.constant 0 : i32
      %dma_wait3A_401 = tpu.memref_slice %arg7[%dma_wait3A, %dma_wait3A_400] : memref<1x128xi32, #tpu.memory_space<vmem>> -> memref<1x128xi32, #tpu.memory_space<vmem>>
      %dma_wait3A_402 = tpu.memref_squeeze %dma_wait3A_401 : memref<1x128xi32, #tpu.memory_space<vmem>> -> memref<128xi32, #tpu.memory_space<vmem>>
      %dma_wait3A_403 = arith.constant 0 : i32
      %dma_wait3A_404 = arith.constant 0 : i32
      %dma_wait3A_405 = tpu.memref_slice %arg18[%dma_wait3A_403, %dma_wait3A_404] : memref<1024x128xf32, #tpu.memory_space<vmem_shared>> -> memref<1024x128xf32, #tpu.memory_space<vmem_shared>>
      tpu.wait_indirect_dma semaphore(%arg28 : memref<!tpu.dma_semaphore, #tpu.memory_space<semaphore_mem>>) src(%arg11 : memref<128x128xf32, #tpu.memory_space<vmem>>) dst(%dma_wait3A_405 : memref<1024x128xf32, #tpu.memory_space<vmem_shared>>)
    } else {
    }
    %gt3A_303 = arith.constant 21 : i32
    %gt3A_304 = arith.cmpi sgt, %select_n3A, %gt3A_303 : i32
    %convert_element_type3A_305 = arith.extui %gt3A_304 : i1 to i32
    %cond3A_306 = arith.constant 0 : i32
    %cond3A_307 = arith.cmpi ne, %convert_element_type3A_305, %cond3A_306 : i32
    scf.if %cond3A_307 {
      %add3A_400 = arith.constant 21 : i32
      %add3A_401 = arith.addi %add3A_4, %add3A_400 : i32
      %mul3A_402 = arith.constant 128 : i32
      %mul3A_403 = arith.muli %add3A_401, %mul3A_402 : i32
      %dma_start3A = arith.constant 0 : i32
      %dma_start3A_404 = arith.constant 0 : i32
      %dma_start3A_405 = tpu.memref_slice %arg7[%dma_start3A, %dma_start3A_404] : memref<1x128xi32, #tpu.memory_space<vmem>> -> memref<1x128xi32, #tpu.memory_space<vmem>>
      %dma_start3A_406 = tpu.memref_squeeze %dma_start3A_405 : memref<1x128xi32, #tpu.memory_space<vmem>> -> memref<128xi32, #tpu.memory_space<vmem>>
      %dma_start3A_407 = tpu.memref_slice %arg3[%mul3A_403] : memref<100000xi32, #tpu.memory_space<hbm>> -> memref<128xi32, #tpu.memory_space<hbm>>
      %dma_start3A_408 = arith.constant 0 : i32
      %dma_start3A_409 = tpu.memref_slice %arg7[%dma_start3A, %dma_start3A_408] : memref<1x128xi32, #tpu.memory_space<vmem>> -> memref<1x128xi32, #tpu.memory_space<vmem>>
      %dma_start3A_410 = tpu.memref_squeeze %dma_start3A_409 : memref<1x128xi32, #tpu.memory_space<vmem>> -> memref<128xi32, #tpu.memory_space<vmem>>
      %dma_start3A_411 = tpu.memref_slice %arg3[%mul3A_403] : memref<100000xi32, #tpu.memory_space<hbm>> -> memref<128xi32, #tpu.memory_space<hbm>>
      tpu.enqueue_dma source(%dma_start3A_411 : memref<128xi32, #tpu.memory_space<hbm>>) target(%dma_start3A_410 : memref<128xi32, #tpu.memory_space<vmem>>) target_semaphore(%arg20 : memref<!tpu.dma_semaphore, #tpu.memory_space<semaphore_mem>>)
      %add3A_412 = arith.constant 21 : i32
      %add3A_413 = arith.addi %add3A_4, %add3A_412 : i32
      %mul3A_414 = arith.constant 128 : i32
      %mul3A_415 = arith.muli %add3A_413, %mul3A_414 : i32
      %dma_start3A_416 = arith.constant 0 : i32
      %dma_start3A_417 = tpu.memref_slice %arg2[%mul3A_415, %dma_start3A_416] : memref<100000x128xf32, #tpu.memory_space<hbm>> -> memref<128x128xf32, #tpu.memory_space<hbm>>
      %dma_start3A_418 = arith.constant 0 : i32
      %dma_start3A_419 = tpu.memref_slice %arg2[%mul3A_415, %dma_start3A_418] : memref<100000x128xf32, #tpu.memory_space<hbm>> -> memref<128x128xf32, #tpu.memory_space<hbm>>
      tpu.enqueue_dma source(%dma_start3A_419 : memref<128x128xf32, #tpu.memory_space<hbm>>) target(%arg11 : memref<128x128xf32, #tpu.memory_space<vmem>>) target_semaphore(%arg24 : memref<!tpu.dma_semaphore, #tpu.memory_space<semaphore_mem>>)
    } else {
    }
    %gt3A_308 = arith.constant 18 : i32
    %gt3A_309 = arith.cmpi sgt, %select_n3A, %gt3A_308 : i32
    %convert_element_type3A_310 = arith.extui %gt3A_309 : i1 to i32
    %cond3A_311 = arith.constant 0 : i32
    %cond3A_312 = arith.cmpi ne, %convert_element_type3A_310, %cond3A_311 : i32
    scf.if %cond3A_312 {
      %add3A_400 = arith.constant 18 : i32
      %add3A_401 = arith.addi %add3A_4, %add3A_400 : i32
      %mul3A_402 = arith.constant 128 : i32
      %mul3A_403 = arith.muli %add3A_401, %mul3A_402 : i32
      %dma_wait3A = arith.constant 0 : i32
      %dma_wait3A_404 = arith.constant 0 : i32
      %dma_wait3A_405 = tpu.memref_slice %arg8[%dma_wait3A, %dma_wait3A_404] : memref<1x128xi32, #tpu.memory_space<vmem>> -> memref<1x128xi32, #tpu.memory_space<vmem>>
      %dma_wait3A_406 = tpu.memref_squeeze %dma_wait3A_405 : memref<1x128xi32, #tpu.memory_space<vmem>> -> memref<128xi32, #tpu.memory_space<vmem>>
      %dma_wait3A_407 = tpu.memref_slice %arg3[%mul3A_403] : memref<100000xi32, #tpu.memory_space<hbm>> -> memref<128xi32, #tpu.memory_space<hbm>>
      %dma_wait3A_408 = arith.constant 0 : i32
      %dma_wait3A_409 = tpu.memref_slice %arg8[%dma_wait3A, %dma_wait3A_408] : memref<1x128xi32, #tpu.memory_space<vmem>> -> memref<1x128xi32, #tpu.memory_space<vmem>>
      %dma_wait3A_410 = tpu.memref_squeeze %dma_wait3A_409 : memref<1x128xi32, #tpu.memory_space<vmem>> -> memref<128xi32, #tpu.memory_space<vmem>>
      %dma_wait3A_411 = tpu.memref_slice %arg3[%mul3A_403] : memref<100000xi32, #tpu.memory_space<hbm>> -> memref<128xi32, #tpu.memory_space<hbm>>
      tpu.wait_dma2 semaphore(%arg21 : memref<!tpu.dma_semaphore, #tpu.memory_space<semaphore_mem>>) src(%dma_wait3A_411 : memref<128xi32, #tpu.memory_space<hbm>>) dst(%dma_wait3A_410 : memref<128xi32, #tpu.memory_space<vmem>>)
      %add3A_412 = arith.constant 18 : i32
      %add3A_413 = arith.addi %add3A_4, %add3A_412 : i32
      %mul3A_414 = arith.constant 128 : i32
      %mul3A_415 = arith.muli %add3A_413, %mul3A_414 : i32
      %dma_wait3A_416 = arith.constant 0 : i32
      %dma_wait3A_417 = tpu.memref_slice %arg2[%mul3A_415, %dma_wait3A_416] : memref<100000x128xf32, #tpu.memory_space<hbm>> -> memref<128x128xf32, #tpu.memory_space<hbm>>
      %dma_wait3A_418 = arith.constant 0 : i32
      %dma_wait3A_419 = tpu.memref_slice %arg2[%mul3A_415, %dma_wait3A_418] : memref<100000x128xf32, #tpu.memory_space<hbm>> -> memref<128x128xf32, #tpu.memory_space<hbm>>
      tpu.wait_dma2 semaphore(%arg25 : memref<!tpu.dma_semaphore, #tpu.memory_space<semaphore_mem>>) src(%dma_wait3A_419 : memref<128x128xf32, #tpu.memory_space<hbm>>) dst(%arg12 : memref<128x128xf32, #tpu.memory_space<vmem>>)
      %dma_start3A = arith.constant 0 : i32
      %dma_start3A_420 = arith.constant 0 : i32
      %dma_start3A_421 = tpu.memref_slice %arg8[%dma_start3A, %dma_start3A_420] : memref<1x128xi32, #tpu.memory_space<vmem>> -> memref<1x128xi32, #tpu.memory_space<vmem>>
      %dma_start3A_422 = tpu.memref_squeeze %dma_start3A_421 : memref<1x128xi32, #tpu.memory_space<vmem>> -> memref<128xi32, #tpu.memory_space<vmem>>
      %dma_start3A_423 = arith.constant 0 : i32
      %dma_start3A_424 = arith.constant 0 : i32
      %dma_start3A_425 = tpu.memref_slice %arg18[%dma_start3A_423, %dma_start3A_424] : memref<1024x128xf32, #tpu.memory_space<vmem_shared>> -> memref<1024x128xf32, #tpu.memory_space<vmem_shared>>
      tpu.enqueue_indirect_dma source(%arg12 : memref<128x128xf32, #tpu.memory_space<vmem>>) target(%dma_start3A_425 : memref<1024x128xf32, #tpu.memory_space<vmem_shared>>) offsets(%dma_start3A_422 : memref<128xi32, #tpu.memory_space<vmem>>) semaphore(%arg29 : memref<!tpu.dma_semaphore, #tpu.memory_space<semaphore_mem>>) {add = true}
      %scan3A_426 = arith.constant 0 : i32
      %scan3A_427 = arith.constant 8 : i32
      %scan3A_428 = arith.addi %scan3A_426, %scan3A_427 : i32
      %scan3A_429 = arith.constant 1 : i32
      scf.for %scan3A_431 = %scan3A_426 to %scan3A_428 step %scan3A_429  : i32 {
        %mul3A_432 = arith.constant 16 : i32
        %mul3A_433 = arith.muli %scan3A_431, %mul3A_432 : i32
        %add3A_434 = arith.constant 0 : i32
        %add3A_435 = arith.addi %add3A_434, %mul3A_433 : i32
        %get3A = arith.constant 0 : i32
        %get3A_436 = arith.index_cast %get3A : i32 to index
        %get3A_437 = arith.index_cast %add3A_435 : i32 to index
        %get3A_438 = tpu.vector_load %arg8[%get3A_436, %get3A_437] {strides = array<i32>} : memref<1x128xi32, #tpu.memory_space<vmem>>, vector<16xi32>,
        tpu.vector_store_idx %arg16[%get3A_438], %broadcast_in_dim3A_9 {add = true} : memref<1024xf32, #tpu.memory_space<vmem>>[vector<16xi32>], vector<16xf32>,
      }
      %scan3A_430 = arith.constant 8 : i32
    } else {
    }
    %gt3A_313 = arith.constant 18 : i32
    %gt3A_314 = arith.cmpi sgt, %select_n3A, %gt3A_313 : i32
    %convert_element_type3A_315 = arith.extui %gt3A_314 : i1 to i32
    %cond3A_316 = arith.constant 0 : i32
    %cond3A_317 = arith.cmpi ne, %convert_element_type3A_315, %cond3A_316 : i32
    scf.if %cond3A_317 {
      %dma_wait3A = arith.constant 0 : i32
      %dma_wait3A_400 = arith.constant 0 : i32
      %dma_wait3A_401 = tpu.memref_slice %arg8[%dma_wait3A, %dma_wait3A_400] : memref<1x128xi32, #tpu.memory_space<vmem>> -> memref<1x128xi32, #tpu.memory_space<vmem>>
      %dma_wait3A_402 = tpu.memref_squeeze %dma_wait3A_401 : memref<1x128xi32, #tpu.memory_space<vmem>> -> memref<128xi32, #tpu.memory_space<vmem>>
      %dma_wait3A_403 = arith.constant 0 : i32
      %dma_wait3A_404 = arith.constant 0 : i32
      %dma_wait3A_405 = tpu.memref_slice %arg18[%dma_wait3A_403, %dma_wait3A_404] : memref<1024x128xf32, #tpu.memory_space<vmem_shared>> -> memref<1024x128xf32, #tpu.memory_space<vmem_shared>>
      tpu.wait_indirect_dma semaphore(%arg29 : memref<!tpu.dma_semaphore, #tpu.memory_space<semaphore_mem>>) src(%arg12 : memref<128x128xf32, #tpu.memory_space<vmem>>) dst(%dma_wait3A_405 : memref<1024x128xf32, #tpu.memory_space<vmem_shared>>)
    } else {
    }
    %gt3A_318 = arith.constant 22 : i32
    %gt3A_319 = arith.cmpi sgt, %select_n3A, %gt3A_318 : i32
    %convert_element_type3A_320 = arith.extui %gt3A_319 : i1 to i32
    %cond3A_321 = arith.constant 0 : i32
    %cond3A_322 = arith.cmpi ne, %convert_element_type3A_320, %cond3A_321 : i32
    scf.if %cond3A_322 {
      %add3A_400 = arith.constant 22 : i32
      %add3A_401 = arith.addi %add3A_4, %add3A_400 : i32
      %mul3A_402 = arith.constant 128 : i32
      %mul3A_403 = arith.muli %add3A_401, %mul3A_402 : i32
      %dma_start3A = arith.constant 0 : i32
      %dma_start3A_404 = arith.constant 0 : i32
      %dma_start3A_405 = tpu.memref_slice %arg8[%dma_start3A, %dma_start3A_404] : memref<1x128xi32, #tpu.memory_space<vmem>> -> memref<1x128xi32, #tpu.memory_space<vmem>>
      %dma_start3A_406 = tpu.memref_squeeze %dma_start3A_405 : memref<1x128xi32, #tpu.memory_space<vmem>> -> memref<128xi32, #tpu.memory_space<vmem>>
      %dma_start3A_407 = tpu.memref_slice %arg3[%mul3A_403] : memref<100000xi32, #tpu.memory_space<hbm>> -> memref<128xi32, #tpu.memory_space<hbm>>
      %dma_start3A_408 = arith.constant 0 : i32
      %dma_start3A_409 = tpu.memref_slice %arg8[%dma_start3A, %dma_start3A_408] : memref<1x128xi32, #tpu.memory_space<vmem>> -> memref<1x128xi32, #tpu.memory_space<vmem>>
      %dma_start3A_410 = tpu.memref_squeeze %dma_start3A_409 : memref<1x128xi32, #tpu.memory_space<vmem>> -> memref<128xi32, #tpu.memory_space<vmem>>
      %dma_start3A_411 = tpu.memref_slice %arg3[%mul3A_403] : memref<100000xi32, #tpu.memory_space<hbm>> -> memref<128xi32, #tpu.memory_space<hbm>>
      tpu.enqueue_dma source(%dma_start3A_411 : memref<128xi32, #tpu.memory_space<hbm>>) target(%dma_start3A_410 : memref<128xi32, #tpu.memory_space<vmem>>) target_semaphore(%arg21 : memref<!tpu.dma_semaphore, #tpu.memory_space<semaphore_mem>>)
      %add3A_412 = arith.constant 22 : i32
      %add3A_413 = arith.addi %add3A_4, %add3A_412 : i32
      %mul3A_414 = arith.constant 128 : i32
      %mul3A_415 = arith.muli %add3A_413, %mul3A_414 : i32
      %dma_start3A_416 = arith.constant 0 : i32
      %dma_start3A_417 = tpu.memref_slice %arg2[%mul3A_415, %dma_start3A_416] : memref<100000x128xf32, #tpu.memory_space<hbm>> -> memref<128x128xf32, #tpu.memory_space<hbm>>
      %dma_start3A_418 = arith.constant 0 : i32
      %dma_start3A_419 = tpu.memref_slice %arg2[%mul3A_415, %dma_start3A_418] : memref<100000x128xf32, #tpu.memory_space<hbm>> -> memref<128x128xf32, #tpu.memory_space<hbm>>
      tpu.enqueue_dma source(%dma_start3A_419 : memref<128x128xf32, #tpu.memory_space<hbm>>) target(%arg12 : memref<128x128xf32, #tpu.memory_space<vmem>>) target_semaphore(%arg25 : memref<!tpu.dma_semaphore, #tpu.memory_space<semaphore_mem>>)
    } else {
    }
    %gt3A_323 = arith.constant 19 : i32
    %gt3A_324 = arith.cmpi sgt, %select_n3A, %gt3A_323 : i32
    %convert_element_type3A_325 = arith.extui %gt3A_324 : i1 to i32
    %cond3A_326 = arith.constant 0 : i32
    %cond3A_327 = arith.cmpi ne, %convert_element_type3A_325, %cond3A_326 : i32
    scf.if %cond3A_327 {
      %add3A_400 = arith.constant 19 : i32
      %add3A_401 = arith.addi %add3A_4, %add3A_400 : i32
      %mul3A_402 = arith.constant 128 : i32
      %mul3A_403 = arith.muli %add3A_401, %mul3A_402 : i32
      %dma_wait3A = arith.constant 0 : i32
      %dma_wait3A_404 = arith.constant 0 : i32
      %dma_wait3A_405 = tpu.memref_slice %arg9[%dma_wait3A, %dma_wait3A_404] : memref<1x128xi32, #tpu.memory_space<vmem>> -> memref<1x128xi32, #tpu.memory_space<vmem>>
      %dma_wait3A_406 = tpu.memref_squeeze %dma_wait3A_405 : memref<1x128xi32, #tpu.memory_space<vmem>> -> memref<128xi32, #tpu.memory_space<vmem>>
      %dma_wait3A_407 = tpu.memref_slice %arg3[%mul3A_403] : memref<100000xi32, #tpu.memory_space<hbm>> -> memref<128xi32, #tpu.memory_space<hbm>>
      %dma_wait3A_408 = arith.constant 0 : i32
      %dma_wait3A_409 = tpu.memref_slice %arg9[%dma_wait3A, %dma_wait3A_408] : memref<1x128xi32, #tpu.memory_space<vmem>> -> memref<1x128xi32, #tpu.memory_space<vmem>>
      %dma_wait3A_410 = tpu.memref_squeeze %dma_wait3A_409 : memref<1x128xi32, #tpu.memory_space<vmem>> -> memref<128xi32, #tpu.memory_space<vmem>>
      %dma_wait3A_411 = tpu.memref_slice %arg3[%mul3A_403] : memref<100000xi32, #tpu.memory_space<hbm>> -> memref<128xi32, #tpu.memory_space<hbm>>
      tpu.wait_dma2 semaphore(%arg22 : memref<!tpu.dma_semaphore, #tpu.memory_space<semaphore_mem>>) src(%dma_wait3A_411 : memref<128xi32, #tpu.memory_space<hbm>>) dst(%dma_wait3A_410 : memref<128xi32, #tpu.memory_space<vmem>>)
      %add3A_412 = arith.constant 19 : i32
      %add3A_413 = arith.addi %add3A_4, %add3A_412 : i32
      %mul3A_414 = arith.constant 128 : i32
      %mul3A_415 = arith.muli %add3A_413, %mul3A_414 : i32
      %dma_wait3A_416 = arith.constant 0 : i32
      %dma_wait3A_417 = tpu.memref_slice %arg2[%mul3A_415, %dma_wait3A_416] : memref<100000x128xf32, #tpu.memory_space<hbm>> -> memref<128x128xf32, #tpu.memory_space<hbm>>
      %dma_wait3A_418 = arith.constant 0 : i32
      %dma_wait3A_419 = tpu.memref_slice %arg2[%mul3A_415, %dma_wait3A_418] : memref<100000x128xf32, #tpu.memory_space<hbm>> -> memref<128x128xf32, #tpu.memory_space<hbm>>
      tpu.wait_dma2 semaphore(%arg26 : memref<!tpu.dma_semaphore, #tpu.memory_space<semaphore_mem>>) src(%dma_wait3A_419 : memref<128x128xf32, #tpu.memory_space<hbm>>) dst(%arg13 : memref<128x128xf32, #tpu.memory_space<vmem>>)
      %dma_start3A = arith.constant 0 : i32
      %dma_start3A_420 = arith.constant 0 : i32
      %dma_start3A_421 = tpu.memref_slice %arg9[%dma_start3A, %dma_start3A_420] : memref<1x128xi32, #tpu.memory_space<vmem>> -> memref<1x128xi32, #tpu.memory_space<vmem>>
      %dma_start3A_422 = tpu.memref_squeeze %dma_start3A_421 : memref<1x128xi32, #tpu.memory_space<vmem>> -> memref<128xi32, #tpu.memory_space<vmem>>
      %dma_start3A_423 = arith.constant 0 : i32
      %dma_start3A_424 = arith.constant 0 : i32
      %dma_start3A_425 = tpu.memref_slice %arg18[%dma_start3A_423, %dma_start3A_424] : memref<1024x128xf32, #tpu.memory_space<vmem_shared>> -> memref<1024x128xf32, #tpu.memory_space<vmem_shared>>
      tpu.enqueue_indirect_dma source(%arg13 : memref<128x128xf32, #tpu.memory_space<vmem>>) target(%dma_start3A_425 : memref<1024x128xf32, #tpu.memory_space<vmem_shared>>) offsets(%dma_start3A_422 : memref<128xi32, #tpu.memory_space<vmem>>) semaphore(%arg30 : memref<!tpu.dma_semaphore, #tpu.memory_space<semaphore_mem>>) {add = true}
      %scan3A_426 = arith.constant 0 : i32
      %scan3A_427 = arith.constant 8 : i32
      %scan3A_428 = arith.addi %scan3A_426, %scan3A_427 : i32
      %scan3A_429 = arith.constant 1 : i32
      scf.for %scan3A_431 = %scan3A_426 to %scan3A_428 step %scan3A_429  : i32 {
        %mul3A_432 = arith.constant 16 : i32
        %mul3A_433 = arith.muli %scan3A_431, %mul3A_432 : i32
        %add3A_434 = arith.constant 0 : i32
        %add3A_435 = arith.addi %add3A_434, %mul3A_433 : i32
        %get3A = arith.constant 0 : i32
        %get3A_436 = arith.index_cast %get3A : i32 to index
        %get3A_437 = arith.index_cast %add3A_435 : i32 to index
        %get3A_438 = tpu.vector_load %arg9[%get3A_436, %get3A_437] {strides = array<i32>} : memref<1x128xi32, #tpu.memory_space<vmem>>, vector<16xi32>,
        tpu.vector_store_idx %arg16[%get3A_438], %broadcast_in_dim3A_9 {add = true} : memref<1024xf32, #tpu.memory_space<vmem>>[vector<16xi32>], vector<16xf32>,
      }
      %scan3A_430 = arith.constant 8 : i32
    } else {
    }
    %gt3A_328 = arith.constant 19 : i32
    %gt3A_329 = arith.cmpi sgt, %select_n3A, %gt3A_328 : i32
    %convert_element_type3A_330 = arith.extui %gt3A_329 : i1 to i32
    %cond3A_331 = arith.constant 0 : i32
    %cond3A_332 = arith.cmpi ne, %convert_element_type3A_330, %cond3A_331 : i32
    scf.if %cond3A_332 {
      %dma_wait3A = arith.constant 0 : i32
      %dma_wait3A_400 = arith.constant 0 : i32
      %dma_wait3A_401 = tpu.memref_slice %arg9[%dma_wait3A, %dma_wait3A_400] : memref<1x128xi32, #tpu.memory_space<vmem>> -> memref<1x128xi32, #tpu.memory_space<vmem>>
      %dma_wait3A_402 = tpu.memref_squeeze %dma_wait3A_401 : memref<1x128xi32, #tpu.memory_space<vmem>> -> memref<128xi32, #tpu.memory_space<vmem>>
      %dma_wait3A_403 = arith.constant 0 : i32
      %dma_wait3A_404 = arith.constant 0 : i32
      %dma_wait3A_405 = tpu.memref_slice %arg18[%dma_wait3A_403, %dma_wait3A_404] : memref<1024x128xf32, #tpu.memory_space<vmem_shared>> -> memref<1024x128xf32, #tpu.memory_space<vmem_shared>>
      tpu.wait_indirect_dma semaphore(%arg30 : memref<!tpu.dma_semaphore, #tpu.memory_space<semaphore_mem>>) src(%arg13 : memref<128x128xf32, #tpu.memory_space<vmem>>) dst(%dma_wait3A_405 : memref<1024x128xf32, #tpu.memory_space<vmem_shared>>)
    } else {
    }
    %gt3A_333 = arith.constant 23 : i32
    %gt3A_334 = arith.cmpi sgt, %select_n3A, %gt3A_333 : i32
    %convert_element_type3A_335 = arith.extui %gt3A_334 : i1 to i32
    %cond3A_336 = arith.constant 0 : i32
    %cond3A_337 = arith.cmpi ne, %convert_element_type3A_335, %cond3A_336 : i32
    scf.if %cond3A_337 {
      %add3A_400 = arith.constant 23 : i32
      %add3A_401 = arith.addi %add3A_4, %add3A_400 : i32
      %mul3A_402 = arith.constant 128 : i32
      %mul3A_403 = arith.muli %add3A_401, %mul3A_402 : i32
      %dma_start3A = arith.constant 0 : i32
      %dma_start3A_404 = arith.constant 0 : i32
      %dma_start3A_405 = tpu.memref_slice %arg9[%dma_start3A, %dma_start3A_404] : memref<1x128xi32, #tpu.memory_space<vmem>> -> memref<1x128xi32, #tpu.memory_space<vmem>>
      %dma_start3A_406 = tpu.memref_squeeze %dma_start3A_405 : memref<1x128xi32, #tpu.memory_space<vmem>> -> memref<128xi32, #tpu.memory_space<vmem>>
      %dma_start3A_407 = tpu.memref_slice %arg3[%mul3A_403] : memref<100000xi32, #tpu.memory_space<hbm>> -> memref<128xi32, #tpu.memory_space<hbm>>
      %dma_start3A_408 = arith.constant 0 : i32
      %dma_start3A_409 = tpu.memref_slice %arg9[%dma_start3A, %dma_start3A_408] : memref<1x128xi32, #tpu.memory_space<vmem>> -> memref<1x128xi32, #tpu.memory_space<vmem>>
      %dma_start3A_410 = tpu.memref_squeeze %dma_start3A_409 : memref<1x128xi32, #tpu.memory_space<vmem>> -> memref<128xi32, #tpu.memory_space<vmem>>
      %dma_start3A_411 = tpu.memref_slice %arg3[%mul3A_403] : memref<100000xi32, #tpu.memory_space<hbm>> -> memref<128xi32, #tpu.memory_space<hbm>>
      tpu.enqueue_dma source(%dma_start3A_411 : memref<128xi32, #tpu.memory_space<hbm>>) target(%dma_start3A_410 : memref<128xi32, #tpu.memory_space<vmem>>) target_semaphore(%arg22 : memref<!tpu.dma_semaphore, #tpu.memory_space<semaphore_mem>>)
      %add3A_412 = arith.constant 23 : i32
      %add3A_413 = arith.addi %add3A_4, %add3A_412 : i32
      %mul3A_414 = arith.constant 128 : i32
      %mul3A_415 = arith.muli %add3A_413, %mul3A_414 : i32
      %dma_start3A_416 = arith.constant 0 : i32
      %dma_start3A_417 = tpu.memref_slice %arg2[%mul3A_415, %dma_start3A_416] : memref<100000x128xf32, #tpu.memory_space<hbm>> -> memref<128x128xf32, #tpu.memory_space<hbm>>
      %dma_start3A_418 = arith.constant 0 : i32
      %dma_start3A_419 = tpu.memref_slice %arg2[%mul3A_415, %dma_start3A_418] : memref<100000x128xf32, #tpu.memory_space<hbm>> -> memref<128x128xf32, #tpu.memory_space<hbm>>
      tpu.enqueue_dma source(%dma_start3A_419 : memref<128x128xf32, #tpu.memory_space<hbm>>) target(%arg13 : memref<128x128xf32, #tpu.memory_space<vmem>>) target_semaphore(%arg26 : memref<!tpu.dma_semaphore, #tpu.memory_space<semaphore_mem>>)
    } else {
    }
    %gt3A_338 = arith.constant 20 : i32
    %gt3A_339 = arith.cmpi sgt, %select_n3A, %gt3A_338 : i32
    %convert_element_type3A_340 = arith.extui %gt3A_339 : i1 to i32
    %cond3A_341 = arith.constant 0 : i32
    %cond3A_342 = arith.cmpi ne, %convert_element_type3A_340, %cond3A_341 : i32
    scf.if %cond3A_342 {
      %add3A_400 = arith.constant 20 : i32
      %add3A_401 = arith.addi %add3A_4, %add3A_400 : i32
      %mul3A_402 = arith.constant 128 : i32
      %mul3A_403 = arith.muli %add3A_401, %mul3A_402 : i32
      %dma_wait3A = arith.constant 0 : i32
      %dma_wait3A_404 = arith.constant 0 : i32
      %dma_wait3A_405 = tpu.memref_slice %arg6[%dma_wait3A, %dma_wait3A_404] : memref<1x128xi32, #tpu.memory_space<vmem>> -> memref<1x128xi32, #tpu.memory_space<vmem>>
      %dma_wait3A_406 = tpu.memref_squeeze %dma_wait3A_405 : memref<1x128xi32, #tpu.memory_space<vmem>> -> memref<128xi32, #tpu.memory_space<vmem>>
      %dma_wait3A_407 = tpu.memref_slice %arg3[%mul3A_403] : memref<100000xi32, #tpu.memory_space<hbm>> -> memref<128xi32, #tpu.memory_space<hbm>>
      %dma_wait3A_408 = arith.constant 0 : i32
      %dma_wait3A_409 = tpu.memref_slice %arg6[%dma_wait3A, %dma_wait3A_408] : memref<1x128xi32, #tpu.memory_space<vmem>> -> memref<1x128xi32, #tpu.memory_space<vmem>>
      %dma_wait3A_410 = tpu.memref_squeeze %dma_wait3A_409 : memref<1x128xi32, #tpu.memory_space<vmem>> -> memref<128xi32, #tpu.memory_space<vmem>>
      %dma_wait3A_411 = tpu.memref_slice %arg3[%mul3A_403] : memref<100000xi32, #tpu.memory_space<hbm>> -> memref<128xi32, #tpu.memory_space<hbm>>
      tpu.wait_dma2 semaphore(%arg19 : memref<!tpu.dma_semaphore, #tpu.memory_space<semaphore_mem>>) src(%dma_wait3A_411 : memref<128xi32, #tpu.memory_space<hbm>>) dst(%dma_wait3A_410 : memref<128xi32, #tpu.memory_space<vmem>>)
      %add3A_412 = arith.constant 20 : i32
      %add3A_413 = arith.addi %add3A_4, %add3A_412 : i32
      %mul3A_414 = arith.constant 128 : i32
      %mul3A_415 = arith.muli %add3A_413, %mul3A_414 : i32
      %dma_wait3A_416 = arith.constant 0 : i32
      %dma_wait3A_417 = tpu.memref_slice %arg2[%mul3A_415, %dma_wait3A_416] : memref<100000x128xf32, #tpu.memory_space<hbm>> -> memref<128x128xf32, #tpu.memory_space<hbm>>
      %dma_wait3A_418 = arith.constant 0 : i32
      %dma_wait3A_419 = tpu.memref_slice %arg2[%mul3A_415, %dma_wait3A_418] : memref<100000x128xf32, #tpu.memory_space<hbm>> -> memref<128x128xf32, #tpu.memory_space<hbm>>
      tpu.wait_dma2 semaphore(%arg23 : memref<!tpu.dma_semaphore, #tpu.memory_space<semaphore_mem>>) src(%dma_wait3A_419 : memref<128x128xf32, #tpu.memory_space<hbm>>) dst(%arg10 : memref<128x128xf32, #tpu.memory_space<vmem>>)
      %dma_start3A = arith.constant 0 : i32
      %dma_start3A_420 = arith.constant 0 : i32
      %dma_start3A_421 = tpu.memref_slice %arg6[%dma_start3A, %dma_start3A_420] : memref<1x128xi32, #tpu.memory_space<vmem>> -> memref<1x128xi32, #tpu.memory_space<vmem>>
      %dma_start3A_422 = tpu.memref_squeeze %dma_start3A_421 : memref<1x128xi32, #tpu.memory_space<vmem>> -> memref<128xi32, #tpu.memory_space<vmem>>
      %dma_start3A_423 = arith.constant 0 : i32
      %dma_start3A_424 = arith.constant 0 : i32
      %dma_start3A_425 = tpu.memref_slice %arg18[%dma_start3A_423, %dma_start3A_424] : memref<1024x128xf32, #tpu.memory_space<vmem_shared>> -> memref<1024x128xf32, #tpu.memory_space<vmem_shared>>
      tpu.enqueue_indirect_dma source(%arg10 : memref<128x128xf32, #tpu.memory_space<vmem>>) target(%dma_start3A_425 : memref<1024x128xf32, #tpu.memory_space<vmem_shared>>) offsets(%dma_start3A_422 : memref<128xi32, #tpu.memory_space<vmem>>) semaphore(%arg27 : memref<!tpu.dma_semaphore, #tpu.memory_space<semaphore_mem>>) {add = true}
      %scan3A_426 = arith.constant 0 : i32
      %scan3A_427 = arith.constant 8 : i32
      %scan3A_428 = arith.addi %scan3A_426, %scan3A_427 : i32
      %scan3A_429 = arith.constant 1 : i32
      scf.for %scan3A_431 = %scan3A_426 to %scan3A_428 step %scan3A_429  : i32 {
        %mul3A_432 = arith.constant 16 : i32
        %mul3A_433 = arith.muli %scan3A_431, %mul3A_432 : i32
        %add3A_434 = arith.constant 0 : i32
        %add3A_435 = arith.addi %add3A_434, %mul3A_433 : i32
        %get3A = arith.constant 0 : i32
        %get3A_436 = arith.index_cast %get3A : i32 to index
        %get3A_437 = arith.index_cast %add3A_435 : i32 to index
        %get3A_438 = tpu.vector_load %arg6[%get3A_436, %get3A_437] {strides = array<i32>} : memref<1x128xi32, #tpu.memory_space<vmem>>, vector<16xi32>,
        tpu.vector_store_idx %arg16[%get3A_438], %broadcast_in_dim3A_9 {add = true} : memref<1024xf32, #tpu.memory_space<vmem>>[vector<16xi32>], vector<16xf32>,
      }
      %scan3A_430 = arith.constant 8 : i32
    } else {
    }
    %gt3A_343 = arith.constant 20 : i32
    %gt3A_344 = arith.cmpi sgt, %select_n3A, %gt3A_343 : i32
    %convert_element_type3A_345 = arith.extui %gt3A_344 : i1 to i32
    %cond3A_346 = arith.constant 0 : i32
    %cond3A_347 = arith.cmpi ne, %convert_element_type3A_345, %cond3A_346 : i32
    scf.if %cond3A_347 {
      %dma_wait3A = arith.constant 0 : i32
      %dma_wait3A_400 = arith.constant 0 : i32
      %dma_wait3A_401 = tpu.memref_slice %arg6[%dma_wait3A, %dma_wait3A_400] : memref<1x128xi32, #tpu.memory_space<vmem>> -> memref<1x128xi32, #tpu.memory_space<vmem>>
      %dma_wait3A_402 = tpu.memref_squeeze %dma_wait3A_401 : memref<1x128xi32, #tpu.memory_space<vmem>> -> memref<128xi32, #tpu.memory_space<vmem>>
      %dma_wait3A_403 = arith.constant 0 : i32
      %dma_wait3A_404 = arith.constant 0 : i32
      %dma_wait3A_405 = tpu.memref_slice %arg18[%dma_wait3A_403, %dma_wait3A_404] : memref<1024x128xf32, #tpu.memory_space<vmem_shared>> -> memref<1024x128xf32, #tpu.memory_space<vmem_shared>>
      tpu.wait_indirect_dma semaphore(%arg27 : memref<!tpu.dma_semaphore, #tpu.memory_space<semaphore_mem>>) src(%arg10 : memref<128x128xf32, #tpu.memory_space<vmem>>) dst(%dma_wait3A_405 : memref<1024x128xf32, #tpu.memory_space<vmem_shared>>)
    } else {
    }
    %gt3A_348 = arith.constant 24 : i32
    %gt3A_349 = arith.cmpi sgt, %select_n3A, %gt3A_348 : i32
    %convert_element_type3A_350 = arith.extui %gt3A_349 : i1 to i32
    %cond3A_351 = arith.constant 0 : i32
    %cond3A_352 = arith.cmpi ne, %convert_element_type3A_350, %cond3A_351 : i32
    scf.if %cond3A_352 {
      %add3A_400 = arith.constant 24 : i32
      %add3A_401 = arith.addi %add3A_4, %add3A_400 : i32
      %mul3A_402 = arith.constant 128 : i32
      %mul3A_403 = arith.muli %add3A_401, %mul3A_402 : i32
      %dma_start3A = arith.constant 0 : i32
      %dma_start3A_404 = arith.constant 0 : i32
      %dma_start3A_405 = tpu.memref_slice %arg6[%dma_start3A, %dma_start3A_404] : memref<1x128xi32, #tpu.memory_space<vmem>> -> memref<1x128xi32, #tpu.memory_space<vmem>>
      %dma_start3A_406 = tpu.memref_squeeze %dma_start3A_405 : memref<1x128xi32, #tpu.memory_space<vmem>> -> memref<128xi32, #tpu.memory_space<vmem>>
      %dma_start3A_407 = tpu.memref_slice %arg3[%mul3A_403] : memref<100000xi32, #tpu.memory_space<hbm>> -> memref<128xi32, #tpu.memory_space<hbm>>
      %dma_start3A_408 = arith.constant 0 : i32
      %dma_start3A_409 = tpu.memref_slice %arg6[%dma_start3A, %dma_start3A_408] : memref<1x128xi32, #tpu.memory_space<vmem>> -> memref<1x128xi32, #tpu.memory_space<vmem>>
      %dma_start3A_410 = tpu.memref_squeeze %dma_start3A_409 : memref<1x128xi32, #tpu.memory_space<vmem>> -> memref<128xi32, #tpu.memory_space<vmem>>
      %dma_start3A_411 = tpu.memref_slice %arg3[%mul3A_403] : memref<100000xi32, #tpu.memory_space<hbm>> -> memref<128xi32, #tpu.memory_space<hbm>>
      tpu.enqueue_dma source(%dma_start3A_411 : memref<128xi32, #tpu.memory_space<hbm>>) target(%dma_start3A_410 : memref<128xi32, #tpu.memory_space<vmem>>) target_semaphore(%arg19 : memref<!tpu.dma_semaphore, #tpu.memory_space<semaphore_mem>>)
      %add3A_412 = arith.constant 24 : i32
      %add3A_413 = arith.addi %add3A_4, %add3A_412 : i32
      %mul3A_414 = arith.constant 128 : i32
      %mul3A_415 = arith.muli %add3A_413, %mul3A_414 : i32
      %dma_start3A_416 = arith.constant 0 : i32
      %dma_start3A_417 = tpu.memref_slice %arg2[%mul3A_415, %dma_start3A_416] : memref<100000x128xf32, #tpu.memory_space<hbm>> -> memref<128x128xf32, #tpu.memory_space<hbm>>
      %dma_start3A_418 = arith.constant 0 : i32
      %dma_start3A_419 = tpu.memref_slice %arg2[%mul3A_415, %dma_start3A_418] : memref<100000x128xf32, #tpu.memory_space<hbm>> -> memref<128x128xf32, #tpu.memory_space<hbm>>
      tpu.enqueue_dma source(%dma_start3A_419 : memref<128x128xf32, #tpu.memory_space<hbm>>) target(%arg10 : memref<128x128xf32, #tpu.memory_space<vmem>>) target_semaphore(%arg23 : memref<!tpu.dma_semaphore, #tpu.memory_space<semaphore_mem>>)
    } else {
    }
    %gt3A_353 = arith.constant 21 : i32
    %gt3A_354 = arith.cmpi sgt, %select_n3A, %gt3A_353 : i32
    %convert_element_type3A_355 = arith.extui %gt3A_354 : i1 to i32
    %cond3A_356 = arith.constant 0 : i32
    %cond3A_357 = arith.cmpi ne, %convert_element_type3A_355, %cond3A_356 : i32
    scf.if %cond3A_357 {
      %add3A_400 = arith.constant 21 : i32
      %add3A_401 = arith.addi %add3A_4, %add3A_400 : i32
      %mul3A_402 = arith.constant 128 : i32
      %mul3A_403 = arith.muli %add3A_401, %mul3A_402 : i32
      %dma_wait3A = arith.constant 0 : i32
      %dma_wait3A_404 = arith.constant 0 : i32
      %dma_wait3A_405 = tpu.memref_slice %arg7[%dma_wait3A, %dma_wait3A_404] : memref<1x128xi32, #tpu.memory_space<vmem>> -> memref<1x128xi32, #tpu.memory_space<vmem>>
      %dma_wait3A_406 = tpu.memref_squeeze %dma_wait3A_405 : memref<1x128xi32, #tpu.memory_space<vmem>> -> memref<128xi32, #tpu.memory_space<vmem>>
      %dma_wait3A_407 = tpu.memref_slice %arg3[%mul3A_403] : memref<100000xi32, #tpu.memory_space<hbm>> -> memref<128xi32, #tpu.memory_space<hbm>>
      %dma_wait3A_408 = arith.constant 0 : i32
      %dma_wait3A_409 = tpu.memref_slice %arg7[%dma_wait3A, %dma_wait3A_408] : memref<1x128xi32, #tpu.memory_space<vmem>> -> memref<1x128xi32, #tpu.memory_space<vmem>>
      %dma_wait3A_410 = tpu.memref_squeeze %dma_wait3A_409 : memref<1x128xi32, #tpu.memory_space<vmem>> -> memref<128xi32, #tpu.memory_space<vmem>>
      %dma_wait3A_411 = tpu.memref_slice %arg3[%mul3A_403] : memref<100000xi32, #tpu.memory_space<hbm>> -> memref<128xi32, #tpu.memory_space<hbm>>
      tpu.wait_dma2 semaphore(%arg20 : memref<!tpu.dma_semaphore, #tpu.memory_space<semaphore_mem>>) src(%dma_wait3A_411 : memref<128xi32, #tpu.memory_space<hbm>>) dst(%dma_wait3A_410 : memref<128xi32, #tpu.memory_space<vmem>>)
      %add3A_412 = arith.constant 21 : i32
      %add3A_413 = arith.addi %add3A_4, %add3A_412 : i32
      %mul3A_414 = arith.constant 128 : i32
      %mul3A_415 = arith.muli %add3A_413, %mul3A_414 : i32
      %dma_wait3A_416 = arith.constant 0 : i32
      %dma_wait3A_417 = tpu.memref_slice %arg2[%mul3A_415, %dma_wait3A_416] : memref<100000x128xf32, #tpu.memory_space<hbm>> -> memref<128x128xf32, #tpu.memory_space<hbm>>
      %dma_wait3A_418 = arith.constant 0 : i32
      %dma_wait3A_419 = tpu.memref_slice %arg2[%mul3A_415, %dma_wait3A_418] : memref<100000x128xf32, #tpu.memory_space<hbm>> -> memref<128x128xf32, #tpu.memory_space<hbm>>
      tpu.wait_dma2 semaphore(%arg24 : memref<!tpu.dma_semaphore, #tpu.memory_space<semaphore_mem>>) src(%dma_wait3A_419 : memref<128x128xf32, #tpu.memory_space<hbm>>) dst(%arg11 : memref<128x128xf32, #tpu.memory_space<vmem>>)
      %dma_start3A = arith.constant 0 : i32
      %dma_start3A_420 = arith.constant 0 : i32
      %dma_start3A_421 = tpu.memref_slice %arg7[%dma_start3A, %dma_start3A_420] : memref<1x128xi32, #tpu.memory_space<vmem>> -> memref<1x128xi32, #tpu.memory_space<vmem>>
      %dma_start3A_422 = tpu.memref_squeeze %dma_start3A_421 : memref<1x128xi32, #tpu.memory_space<vmem>> -> memref<128xi32, #tpu.memory_space<vmem>>
      %dma_start3A_423 = arith.constant 0 : i32
      %dma_start3A_424 = arith.constant 0 : i32
      %dma_start3A_425 = tpu.memref_slice %arg18[%dma_start3A_423, %dma_start3A_424] : memref<1024x128xf32, #tpu.memory_space<vmem_shared>> -> memref<1024x128xf32, #tpu.memory_space<vmem_shared>>
      tpu.enqueue_indirect_dma source(%arg11 : memref<128x128xf32, #tpu.memory_space<vmem>>) target(%dma_start3A_425 : memref<1024x128xf32, #tpu.memory_space<vmem_shared>>) offsets(%dma_start3A_422 : memref<128xi32, #tpu.memory_space<vmem>>) semaphore(%arg28 : memref<!tpu.dma_semaphore, #tpu.memory_space<semaphore_mem>>) {add = true}
      %scan3A_426 = arith.constant 0 : i32
      %scan3A_427 = arith.constant 8 : i32
      %scan3A_428 = arith.addi %scan3A_426, %scan3A_427 : i32
      %scan3A_429 = arith.constant 1 : i32
      scf.for %scan3A_431 = %scan3A_426 to %scan3A_428 step %scan3A_429  : i32 {
        %mul3A_432 = arith.constant 16 : i32
        %mul3A_433 = arith.muli %scan3A_431, %mul3A_432 : i32
        %add3A_434 = arith.constant 0 : i32
        %add3A_435 = arith.addi %add3A_434, %mul3A_433 : i32
        %get3A = arith.constant 0 : i32
        %get3A_436 = arith.index_cast %get3A : i32 to index
        %get3A_437 = arith.index_cast %add3A_435 : i32 to index
        %get3A_438 = tpu.vector_load %arg7[%get3A_436, %get3A_437] {strides = array<i32>} : memref<1x128xi32, #tpu.memory_space<vmem>>, vector<16xi32>,
        tpu.vector_store_idx %arg16[%get3A_438], %broadcast_in_dim3A_9 {add = true} : memref<1024xf32, #tpu.memory_space<vmem>>[vector<16xi32>], vector<16xf32>,
      }
      %scan3A_430 = arith.constant 8 : i32
    } else {
    }
    %gt3A_358 = arith.constant 22 : i32
    %gt3A_359 = arith.cmpi sgt, %select_n3A, %gt3A_358 : i32
    %convert_element_type3A_360 = arith.extui %gt3A_359 : i1 to i32
    %cond3A_361 = arith.constant 0 : i32
    %cond3A_362 = arith.cmpi ne, %convert_element_type3A_360, %cond3A_361 : i32
    scf.if %cond3A_362 {
      %add3A_400 = arith.constant 22 : i32
      %add3A_401 = arith.addi %add3A_4, %add3A_400 : i32
      %mul3A_402 = arith.constant 128 : i32
      %mul3A_403 = arith.muli %add3A_401, %mul3A_402 : i32
      %dma_wait3A = arith.constant 0 : i32
      %dma_wait3A_404 = arith.constant 0 : i32
      %dma_wait3A_405 = tpu.memref_slice %arg8[%dma_wait3A, %dma_wait3A_404] : memref<1x128xi32, #tpu.memory_space<vmem>> -> memref<1x128xi32, #tpu.memory_space<vmem>>
      %dma_wait3A_406 = tpu.memref_squeeze %dma_wait3A_405 : memref<1x128xi32, #tpu.memory_space<vmem>> -> memref<128xi32, #tpu.memory_space<vmem>>
      %dma_wait3A_407 = tpu.memref_slice %arg3[%mul3A_403] : memref<100000xi32, #tpu.memory_space<hbm>> -> memref<128xi32, #tpu.memory_space<hbm>>
      %dma_wait3A_408 = arith.constant 0 : i32
      %dma_wait3A_409 = tpu.memref_slice %arg8[%dma_wait3A, %dma_wait3A_408] : memref<1x128xi32, #tpu.memory_space<vmem>> -> memref<1x128xi32, #tpu.memory_space<vmem>>
      %dma_wait3A_410 = tpu.memref_squeeze %dma_wait3A_409 : memref<1x128xi32, #tpu.memory_space<vmem>> -> memref<128xi32, #tpu.memory_space<vmem>>
      %dma_wait3A_411 = tpu.memref_slice %arg3[%mul3A_403] : memref<100000xi32, #tpu.memory_space<hbm>> -> memref<128xi32, #tpu.memory_space<hbm>>
      tpu.wait_dma2 semaphore(%arg21 : memref<!tpu.dma_semaphore, #tpu.memory_space<semaphore_mem>>) src(%dma_wait3A_411 : memref<128xi32, #tpu.memory_space<hbm>>) dst(%dma_wait3A_410 : memref<128xi32, #tpu.memory_space<vmem>>)
      %add3A_412 = arith.constant 22 : i32
      %add3A_413 = arith.addi %add3A_4, %add3A_412 : i32
      %mul3A_414 = arith.constant 128 : i32
      %mul3A_415 = arith.muli %add3A_413, %mul3A_414 : i32
      %dma_wait3A_416 = arith.constant 0 : i32
      %dma_wait3A_417 = tpu.memref_slice %arg2[%mul3A_415, %dma_wait3A_416] : memref<100000x128xf32, #tpu.memory_space<hbm>> -> memref<128x128xf32, #tpu.memory_space<hbm>>
      %dma_wait3A_418 = arith.constant 0 : i32
      %dma_wait3A_419 = tpu.memref_slice %arg2[%mul3A_415, %dma_wait3A_418] : memref<100000x128xf32, #tpu.memory_space<hbm>> -> memref<128x128xf32, #tpu.memory_space<hbm>>
      tpu.wait_dma2 semaphore(%arg25 : memref<!tpu.dma_semaphore, #tpu.memory_space<semaphore_mem>>) src(%dma_wait3A_419 : memref<128x128xf32, #tpu.memory_space<hbm>>) dst(%arg12 : memref<128x128xf32, #tpu.memory_space<vmem>>)
      %dma_start3A = arith.constant 0 : i32
      %dma_start3A_420 = arith.constant 0 : i32
      %dma_start3A_421 = tpu.memref_slice %arg8[%dma_start3A, %dma_start3A_420] : memref<1x128xi32, #tpu.memory_space<vmem>> -> memref<1x128xi32, #tpu.memory_space<vmem>>
      %dma_start3A_422 = tpu.memref_squeeze %dma_start3A_421 : memref<1x128xi32, #tpu.memory_space<vmem>> -> memref<128xi32, #tpu.memory_space<vmem>>
      %dma_start3A_423 = arith.constant 0 : i32
      %dma_start3A_424 = arith.constant 0 : i32
      %dma_start3A_425 = tpu.memref_slice %arg18[%dma_start3A_423, %dma_start3A_424] : memref<1024x128xf32, #tpu.memory_space<vmem_shared>> -> memref<1024x128xf32, #tpu.memory_space<vmem_shared>>
      tpu.enqueue_indirect_dma source(%arg12 : memref<128x128xf32, #tpu.memory_space<vmem>>) target(%dma_start3A_425 : memref<1024x128xf32, #tpu.memory_space<vmem_shared>>) offsets(%dma_start3A_422 : memref<128xi32, #tpu.memory_space<vmem>>) semaphore(%arg29 : memref<!tpu.dma_semaphore, #tpu.memory_space<semaphore_mem>>) {add = true}
      %scan3A_426 = arith.constant 0 : i32
      %scan3A_427 = arith.constant 8 : i32
      %scan3A_428 = arith.addi %scan3A_426, %scan3A_427 : i32
      %scan3A_429 = arith.constant 1 : i32
      scf.for %scan3A_431 = %scan3A_426 to %scan3A_428 step %scan3A_429  : i32 {
        %mul3A_432 = arith.constant 16 : i32
        %mul3A_433 = arith.muli %scan3A_431, %mul3A_432 : i32
        %add3A_434 = arith.constant 0 : i32
        %add3A_435 = arith.addi %add3A_434, %mul3A_433 : i32
        %get3A = arith.constant 0 : i32
        %get3A_436 = arith.index_cast %get3A : i32 to index
        %get3A_437 = arith.index_cast %add3A_435 : i32 to index
        %get3A_438 = tpu.vector_load %arg8[%get3A_436, %get3A_437] {strides = array<i32>} : memref<1x128xi32, #tpu.memory_space<vmem>>, vector<16xi32>,
        tpu.vector_store_idx %arg16[%get3A_438], %broadcast_in_dim3A_9 {add = true} : memref<1024xf32, #tpu.memory_space<vmem>>[vector<16xi32>], vector<16xf32>,
      }
      %scan3A_430 = arith.constant 8 : i32
    } else {
    }
    %gt3A_363 = arith.constant 23 : i32
    %gt3A_364 = arith.cmpi sgt, %select_n3A, %gt3A_363 : i32
    %convert_element_type3A_365 = arith.extui %gt3A_364 : i1 to i32
    %cond3A_366 = arith.constant 0 : i32
    %cond3A_367 = arith.cmpi ne, %convert_element_type3A_365, %cond3A_366 : i32
    scf.if %cond3A_367 {
      %add3A_400 = arith.constant 23 : i32
      %add3A_401 = arith.addi %add3A_4, %add3A_400 : i32
      %mul3A_402 = arith.constant 128 : i32
      %mul3A_403 = arith.muli %add3A_401, %mul3A_402 : i32
      %dma_wait3A = arith.constant 0 : i32
      %dma_wait3A_404 = arith.constant 0 : i32
      %dma_wait3A_405 = tpu.memref_slice %arg9[%dma_wait3A, %dma_wait3A_404] : memref<1x128xi32, #tpu.memory_space<vmem>> -> memref<1x128xi32, #tpu.memory_space<vmem>>
      %dma_wait3A_406 = tpu.memref_squeeze %dma_wait3A_405 : memref<1x128xi32, #tpu.memory_space<vmem>> -> memref<128xi32, #tpu.memory_space<vmem>>
      %dma_wait3A_407 = tpu.memref_slice %arg3[%mul3A_403] : memref<100000xi32, #tpu.memory_space<hbm>> -> memref<128xi32, #tpu.memory_space<hbm>>
      %dma_wait3A_408 = arith.constant 0 : i32
      %dma_wait3A_409 = tpu.memref_slice %arg9[%dma_wait3A, %dma_wait3A_408] : memref<1x128xi32, #tpu.memory_space<vmem>> -> memref<1x128xi32, #tpu.memory_space<vmem>>
      %dma_wait3A_410 = tpu.memref_squeeze %dma_wait3A_409 : memref<1x128xi32, #tpu.memory_space<vmem>> -> memref<128xi32, #tpu.memory_space<vmem>>
      %dma_wait3A_411 = tpu.memref_slice %arg3[%mul3A_403] : memref<100000xi32, #tpu.memory_space<hbm>> -> memref<128xi32, #tpu.memory_space<hbm>>
      tpu.wait_dma2 semaphore(%arg22 : memref<!tpu.dma_semaphore, #tpu.memory_space<semaphore_mem>>) src(%dma_wait3A_411 : memref<128xi32, #tpu.memory_space<hbm>>) dst(%dma_wait3A_410 : memref<128xi32, #tpu.memory_space<vmem>>)
      %add3A_412 = arith.constant 23 : i32
      %add3A_413 = arith.addi %add3A_4, %add3A_412 : i32
      %mul3A_414 = arith.constant 128 : i32
      %mul3A_415 = arith.muli %add3A_413, %mul3A_414 : i32
      %dma_wait3A_416 = arith.constant 0 : i32
      %dma_wait3A_417 = tpu.memref_slice %arg2[%mul3A_415, %dma_wait3A_416] : memref<100000x128xf32, #tpu.memory_space<hbm>> -> memref<128x128xf32, #tpu.memory_space<hbm>>
      %dma_wait3A_418 = arith.constant 0 : i32
      %dma_wait3A_419 = tpu.memref_slice %arg2[%mul3A_415, %dma_wait3A_418] : memref<100000x128xf32, #tpu.memory_space<hbm>> -> memref<128x128xf32, #tpu.memory_space<hbm>>
      tpu.wait_dma2 semaphore(%arg26 : memref<!tpu.dma_semaphore, #tpu.memory_space<semaphore_mem>>) src(%dma_wait3A_419 : memref<128x128xf32, #tpu.memory_space<hbm>>) dst(%arg13 : memref<128x128xf32, #tpu.memory_space<vmem>>)
      %dma_start3A = arith.constant 0 : i32
      %dma_start3A_420 = arith.constant 0 : i32
      %dma_start3A_421 = tpu.memref_slice %arg9[%dma_start3A, %dma_start3A_420] : memref<1x128xi32, #tpu.memory_space<vmem>> -> memref<1x128xi32, #tpu.memory_space<vmem>>
      %dma_start3A_422 = tpu.memref_squeeze %dma_start3A_421 : memref<1x128xi32, #tpu.memory_space<vmem>> -> memref<128xi32, #tpu.memory_space<vmem>>
      %dma_start3A_423 = arith.constant 0 : i32
      %dma_start3A_424 = arith.constant 0 : i32
      %dma_start3A_425 = tpu.memref_slice %arg18[%dma_start3A_423, %dma_start3A_424] : memref<1024x128xf32, #tpu.memory_space<vmem_shared>> -> memref<1024x128xf32, #tpu.memory_space<vmem_shared>>
      tpu.enqueue_indirect_dma source(%arg13 : memref<128x128xf32, #tpu.memory_space<vmem>>) target(%dma_start3A_425 : memref<1024x128xf32, #tpu.memory_space<vmem_shared>>) offsets(%dma_start3A_422 : memref<128xi32, #tpu.memory_space<vmem>>) semaphore(%arg30 : memref<!tpu.dma_semaphore, #tpu.memory_space<semaphore_mem>>) {add = true}
      %scan3A_426 = arith.constant 0 : i32
      %scan3A_427 = arith.constant 8 : i32
      %scan3A_428 = arith.addi %scan3A_426, %scan3A_427 : i32
      %scan3A_429 = arith.constant 1 : i32
      scf.for %scan3A_431 = %scan3A_426 to %scan3A_428 step %scan3A_429  : i32 {
        %mul3A_432 = arith.constant 16 : i32
        %mul3A_433 = arith.muli %scan3A_431, %mul3A_432 : i32
        %add3A_434 = arith.constant 0 : i32
        %add3A_435 = arith.addi %add3A_434, %mul3A_433 : i32
        %get3A = arith.constant 0 : i32
        %get3A_436 = arith.index_cast %get3A : i32 to index
        %get3A_437 = arith.index_cast %add3A_435 : i32 to index
        %get3A_438 = tpu.vector_load %arg9[%get3A_436, %get3A_437] {strides = array<i32>} : memref<1x128xi32, #tpu.memory_space<vmem>>, vector<16xi32>,
        tpu.vector_store_idx %arg16[%get3A_438], %broadcast_in_dim3A_9 {add = true} : memref<1024xf32, #tpu.memory_space<vmem>>[vector<16xi32>], vector<16xf32>,
      }
      %scan3A_430 = arith.constant 8 : i32
    } else {
    }
    %gt3A_368 = arith.constant 24 : i32
    %gt3A_369 = arith.cmpi sgt, %select_n3A, %gt3A_368 : i32
    %convert_element_type3A_370 = arith.extui %gt3A_369 : i1 to i32
    %cond3A_371 = arith.constant 0 : i32
    %cond3A_372 = arith.cmpi ne, %convert_element_type3A_370, %cond3A_371 : i32
    scf.if %cond3A_372 {
      %add3A_400 = arith.constant 24 : i32
      %add3A_401 = arith.addi %add3A_4, %add3A_400 : i32
      %mul3A_402 = arith.constant 128 : i32
      %mul3A_403 = arith.muli %add3A_401, %mul3A_402 : i32
      %dma_wait3A = arith.constant 0 : i32
      %dma_wait3A_404 = arith.constant 0 : i32
      %dma_wait3A_405 = tpu.memref_slice %arg6[%dma_wait3A, %dma_wait3A_404] : memref<1x128xi32, #tpu.memory_space<vmem>> -> memref<1x128xi32, #tpu.memory_space<vmem>>
      %dma_wait3A_406 = tpu.memref_squeeze %dma_wait3A_405 : memref<1x128xi32, #tpu.memory_space<vmem>> -> memref<128xi32, #tpu.memory_space<vmem>>
      %dma_wait3A_407 = tpu.memref_slice %arg3[%mul3A_403] : memref<100000xi32, #tpu.memory_space<hbm>> -> memref<128xi32, #tpu.memory_space<hbm>>
      %dma_wait3A_408 = arith.constant 0 : i32
      %dma_wait3A_409 = tpu.memref_slice %arg6[%dma_wait3A, %dma_wait3A_408] : memref<1x128xi32, #tpu.memory_space<vmem>> -> memref<1x128xi32, #tpu.memory_space<vmem>>
      %dma_wait3A_410 = tpu.memref_squeeze %dma_wait3A_409 : memref<1x128xi32, #tpu.memory_space<vmem>> -> memref<128xi32, #tpu.memory_space<vmem>>
      %dma_wait3A_411 = tpu.memref_slice %arg3[%mul3A_403] : memref<100000xi32, #tpu.memory_space<hbm>> -> memref<128xi32, #tpu.memory_space<hbm>>
      tpu.wait_dma2 semaphore(%arg19 : memref<!tpu.dma_semaphore, #tpu.memory_space<semaphore_mem>>) src(%dma_wait3A_411 : memref<128xi32, #tpu.memory_space<hbm>>) dst(%dma_wait3A_410 : memref<128xi32, #tpu.memory_space<vmem>>)
      %add3A_412 = arith.constant 24 : i32
      %add3A_413 = arith.addi %add3A_4, %add3A_412 : i32
      %mul3A_414 = arith.constant 128 : i32
      %mul3A_415 = arith.muli %add3A_413, %mul3A_414 : i32
      %dma_wait3A_416 = arith.constant 0 : i32
      %dma_wait3A_417 = tpu.memref_slice %arg2[%mul3A_415, %dma_wait3A_416] : memref<100000x128xf32, #tpu.memory_space<hbm>> -> memref<128x128xf32, #tpu.memory_space<hbm>>
      %dma_wait3A_418 = arith.constant 0 : i32
      %dma_wait3A_419 = tpu.memref_slice %arg2[%mul3A_415, %dma_wait3A_418] : memref<100000x128xf32, #tpu.memory_space<hbm>> -> memref<128x128xf32, #tpu.memory_space<hbm>>
      tpu.wait_dma2 semaphore(%arg23 : memref<!tpu.dma_semaphore, #tpu.memory_space<semaphore_mem>>) src(%dma_wait3A_419 : memref<128x128xf32, #tpu.memory_space<hbm>>) dst(%arg10 : memref<128x128xf32, #tpu.memory_space<vmem>>)
      %dma_start3A = arith.constant 0 : i32
      %dma_start3A_420 = arith.constant 0 : i32
      %dma_start3A_421 = tpu.memref_slice %arg6[%dma_start3A, %dma_start3A_420] : memref<1x128xi32, #tpu.memory_space<vmem>> -> memref<1x128xi32, #tpu.memory_space<vmem>>
      %dma_start3A_422 = tpu.memref_squeeze %dma_start3A_421 : memref<1x128xi32, #tpu.memory_space<vmem>> -> memref<128xi32, #tpu.memory_space<vmem>>
      %dma_start3A_423 = arith.constant 0 : i32
      %dma_start3A_424 = arith.constant 0 : i32
      %dma_start3A_425 = tpu.memref_slice %arg18[%dma_start3A_423, %dma_start3A_424] : memref<1024x128xf32, #tpu.memory_space<vmem_shared>> -> memref<1024x128xf32, #tpu.memory_space<vmem_shared>>
      tpu.enqueue_indirect_dma source(%arg10 : memref<128x128xf32, #tpu.memory_space<vmem>>) target(%dma_start3A_425 : memref<1024x128xf32, #tpu.memory_space<vmem_shared>>) offsets(%dma_start3A_422 : memref<128xi32, #tpu.memory_space<vmem>>) semaphore(%arg27 : memref<!tpu.dma_semaphore, #tpu.memory_space<semaphore_mem>>) {add = true}
      %scan3A_426 = arith.constant 0 : i32
      %scan3A_427 = arith.constant 8 : i32
      %scan3A_428 = arith.addi %scan3A_426, %scan3A_427 : i32
      %scan3A_429 = arith.constant 1 : i32
      scf.for %scan3A_431 = %scan3A_426 to %scan3A_428 step %scan3A_429  : i32 {
        %mul3A_432 = arith.constant 16 : i32
        %mul3A_433 = arith.muli %scan3A_431, %mul3A_432 : i32
        %add3A_434 = arith.constant 0 : i32
        %add3A_435 = arith.addi %add3A_434, %mul3A_433 : i32
        %get3A = arith.constant 0 : i32
        %get3A_436 = arith.index_cast %get3A : i32 to index
        %get3A_437 = arith.index_cast %add3A_435 : i32 to index
        %get3A_438 = tpu.vector_load %arg6[%get3A_436, %get3A_437] {strides = array<i32>} : memref<1x128xi32, #tpu.memory_space<vmem>>, vector<16xi32>,
        tpu.vector_store_idx %arg16[%get3A_438], %broadcast_in_dim3A_9 {add = true} : memref<1024xf32, #tpu.memory_space<vmem>>[vector<16xi32>], vector<16xf32>,
      }
      %scan3A_430 = arith.constant 8 : i32
    } else {
    }
    %gt3A_373 = arith.constant 21 : i32
    %gt3A_374 = arith.cmpi sgt, %select_n3A, %gt3A_373 : i32
    %convert_element_type3A_375 = arith.extui %gt3A_374 : i1 to i32
    %cond3A_376 = arith.constant 0 : i32
    %cond3A_377 = arith.cmpi ne, %convert_element_type3A_375, %cond3A_376 : i32
    scf.if %cond3A_377 {
      %dma_wait3A = arith.constant 0 : i32
      %dma_wait3A_400 = arith.constant 0 : i32
      %dma_wait3A_401 = tpu.memref_slice %arg7[%dma_wait3A, %dma_wait3A_400] : memref<1x128xi32, #tpu.memory_space<vmem>> -> memref<1x128xi32, #tpu.memory_space<vmem>>
      %dma_wait3A_402 = tpu.memref_squeeze %dma_wait3A_401 : memref<1x128xi32, #tpu.memory_space<vmem>> -> memref<128xi32, #tpu.memory_space<vmem>>
      %dma_wait3A_403 = arith.constant 0 : i32
      %dma_wait3A_404 = arith.constant 0 : i32
      %dma_wait3A_405 = tpu.memref_slice %arg18[%dma_wait3A_403, %dma_wait3A_404] : memref<1024x128xf32, #tpu.memory_space<vmem_shared>> -> memref<1024x128xf32, #tpu.memory_space<vmem_shared>>
      tpu.wait_indirect_dma semaphore(%arg28 : memref<!tpu.dma_semaphore, #tpu.memory_space<semaphore_mem>>) src(%arg11 : memref<128x128xf32, #tpu.memory_space<vmem>>) dst(%dma_wait3A_405 : memref<1024x128xf32, #tpu.memory_space<vmem_shared>>)
    } else {
    }
    %gt3A_378 = arith.constant 22 : i32
    %gt3A_379 = arith.cmpi sgt, %select_n3A, %gt3A_378 : i32
    %convert_element_type3A_380 = arith.extui %gt3A_379 : i1 to i32
    %cond3A_381 = arith.constant 0 : i32
    %cond3A_382 = arith.cmpi ne, %convert_element_type3A_380, %cond3A_381 : i32
    scf.if %cond3A_382 {
      %dma_wait3A = arith.constant 0 : i32
      %dma_wait3A_400 = arith.constant 0 : i32
      %dma_wait3A_401 = tpu.memref_slice %arg8[%dma_wait3A, %dma_wait3A_400] : memref<1x128xi32, #tpu.memory_space<vmem>> -> memref<1x128xi32, #tpu.memory_space<vmem>>
      %dma_wait3A_402 = tpu.memref_squeeze %dma_wait3A_401 : memref<1x128xi32, #tpu.memory_space<vmem>> -> memref<128xi32, #tpu.memory_space<vmem>>
      %dma_wait3A_403 = arith.constant 0 : i32
      %dma_wait3A_404 = arith.constant 0 : i32
      %dma_wait3A_405 = tpu.memref_slice %arg18[%dma_wait3A_403, %dma_wait3A_404] : memref<1024x128xf32, #tpu.memory_space<vmem_shared>> -> memref<1024x128xf32, #tpu.memory_space<vmem_shared>>
      tpu.wait_indirect_dma semaphore(%arg29 : memref<!tpu.dma_semaphore, #tpu.memory_space<semaphore_mem>>) src(%arg12 : memref<128x128xf32, #tpu.memory_space<vmem>>) dst(%dma_wait3A_405 : memref<1024x128xf32, #tpu.memory_space<vmem_shared>>)
    } else {
    }
    %gt3A_383 = arith.constant 23 : i32
    %gt3A_384 = arith.cmpi sgt, %select_n3A, %gt3A_383 : i32
    %convert_element_type3A_385 = arith.extui %gt3A_384 : i1 to i32
    %cond3A_386 = arith.constant 0 : i32
    %cond3A_387 = arith.cmpi ne, %convert_element_type3A_385, %cond3A_386 : i32
    scf.if %cond3A_387 {
      %dma_wait3A = arith.constant 0 : i32
      %dma_wait3A_400 = arith.constant 0 : i32
      %dma_wait3A_401 = tpu.memref_slice %arg9[%dma_wait3A, %dma_wait3A_400] : memref<1x128xi32, #tpu.memory_space<vmem>> -> memref<1x128xi32, #tpu.memory_space<vmem>>
      %dma_wait3A_402 = tpu.memref_squeeze %dma_wait3A_401 : memref<1x128xi32, #tpu.memory_space<vmem>> -> memref<128xi32, #tpu.memory_space<vmem>>
      %dma_wait3A_403 = arith.constant 0 : i32
      %dma_wait3A_404 = arith.constant 0 : i32
      %dma_wait3A_405 = tpu.memref_slice %arg18[%dma_wait3A_403, %dma_wait3A_404] : memref<1024x128xf32, #tpu.memory_space<vmem_shared>> -> memref<1024x128xf32, #tpu.memory_space<vmem_shared>>
      tpu.wait_indirect_dma semaphore(%arg30 : memref<!tpu.dma_semaphore, #tpu.memory_space<semaphore_mem>>) src(%arg13 : memref<128x128xf32, #tpu.memory_space<vmem>>) dst(%dma_wait3A_405 : memref<1024x128xf32, #tpu.memory_space<vmem_shared>>)
    } else {
    }
    %gt3A_388 = arith.constant 24 : i32
    %gt3A_389 = arith.cmpi sgt, %select_n3A, %gt3A_388 : i32
    %convert_element_type3A_390 = arith.extui %gt3A_389 : i1 to i32
    %cond3A_391 = arith.constant 0 : i32
    %cond3A_392 = arith.cmpi ne, %convert_element_type3A_390, %cond3A_391 : i32
    scf.if %cond3A_392 {
      %dma_wait3A = arith.constant 0 : i32
      %dma_wait3A_400 = arith.constant 0 : i32
      %dma_wait3A_401 = tpu.memref_slice %arg6[%dma_wait3A, %dma_wait3A_400] : memref<1x128xi32, #tpu.memory_space<vmem>> -> memref<1x128xi32, #tpu.memory_space<vmem>>
      %dma_wait3A_402 = tpu.memref_squeeze %dma_wait3A_401 : memref<1x128xi32, #tpu.memory_space<vmem>> -> memref<128xi32, #tpu.memory_space<vmem>>
      %dma_wait3A_403 = arith.constant 0 : i32
      %dma_wait3A_404 = arith.constant 0 : i32
      %dma_wait3A_405 = tpu.memref_slice %arg18[%dma_wait3A_403, %dma_wait3A_404] : memref<1024x128xf32, #tpu.memory_space<vmem_shared>> -> memref<1024x128xf32, #tpu.memory_space<vmem_shared>>
      tpu.wait_indirect_dma semaphore(%arg27 : memref<!tpu.dma_semaphore, #tpu.memory_space<semaphore_mem>>) src(%arg10 : memref<128x128xf32, #tpu.memory_space<vmem>>) dst(%dma_wait3A_405 : memref<1024x128xf32, #tpu.memory_space<vmem_shared>>)
    } else {
    }
    %eq3A = arith.constant 31 : i32
    %eq3A_393 = arith.cmpi eq, %add3A, %eq3A : i32
    %convert_element_type3A_394 = arith.extui %eq3A_393 : i1 to i32
    %cond3A_395 = arith.constant 0 : i32
    %cond3A_396 = arith.cmpi ne, %convert_element_type3A_394, %cond3A_395 : i32
    scf.if %cond3A_396 {
      %run_scoped3A = arith.constant 0 : i32
      "tpu.region"() ({
        %run_scoped3A_406 = tpu.sem_alloc : memref<!tpu.dma_semaphore, #tpu.memory_space<semaphore_mem>>
        %dma_start3A = arith.constant 0 : i32
        %dma_start3A_407 = tpu.memref_slice %arg14[%run_scoped3A, %dma_start3A] : memref<1x32xi32, #tpu.memory_space<vmem>> -> memref<1x32xi32, #tpu.memory_space<vmem>>
        %dma_start3A_408 = tpu.memref_squeeze %dma_start3A_407 : memref<1x32xi32, #tpu.memory_space<vmem>> -> memref<32xi32, #tpu.memory_space<vmem>>
        %dma_start3A_409 = arith.constant 99968 : i32
        %dma_start3A_410 = tpu.memref_slice %arg3[%dma_start3A_409] : memref<100000xi32, #tpu.memory_space<hbm>> -> memref<32xi32, #tpu.memory_space<hbm>>
        %dma_start3A_411 = arith.constant 0 : i32
        %dma_start3A_412 = tpu.memref_slice %arg14[%run_scoped3A, %dma_start3A_411] : memref<1x32xi32, #tpu.memory_space<vmem>> -> memref<1x32xi32, #tpu.memory_space<vmem>>
        %dma_start3A_413 = tpu.memref_squeeze %dma_start3A_412 : memref<1x32xi32, #tpu.memory_space<vmem>> -> memref<32xi32, #tpu.memory_space<vmem>>
        %dma_start3A_414 = arith.constant 99968 : i32
        %dma_start3A_415 = tpu.memref_slice %arg3[%dma_start3A_414] : memref<100000xi32, #tpu.memory_space<hbm>> -> memref<32xi32, #tpu.memory_space<hbm>>
        tpu.enqueue_dma source(%dma_start3A_415 : memref<32xi32, #tpu.memory_space<hbm>>) target(%dma_start3A_413 : memref<32xi32, #tpu.memory_space<vmem>>) target_semaphore(%run_scoped3A_406 : memref<!tpu.dma_semaphore, #tpu.memory_space<semaphore_mem>>)
        %dma_wait3A = arith.constant 0 : i32
        %dma_wait3A_416 = tpu.memref_slice %arg14[%run_scoped3A, %dma_wait3A] : memref<1x32xi32, #tpu.memory_space<vmem>> -> memref<1x32xi32, #tpu.memory_space<vmem>>
        %dma_wait3A_417 = tpu.memref_squeeze %dma_wait3A_416 : memref<1x32xi32, #tpu.memory_space<vmem>> -> memref<32xi32, #tpu.memory_space<vmem>>
        %dma_wait3A_418 = arith.constant 99968 : i32
        %dma_wait3A_419 = tpu.memref_slice %arg3[%dma_wait3A_418] : memref<100000xi32, #tpu.memory_space<hbm>> -> memref<32xi32, #tpu.memory_space<hbm>>
        %dma_wait3A_420 = arith.constant 0 : i32
        %dma_wait3A_421 = tpu.memref_slice %arg14[%run_scoped3A, %dma_wait3A_420] : memref<1x32xi32, #tpu.memory_space<vmem>> -> memref<1x32xi32, #tpu.memory_space<vmem>>
        %dma_wait3A_422 = tpu.memref_squeeze %dma_wait3A_421 : memref<1x32xi32, #tpu.memory_space<vmem>> -> memref<32xi32, #tpu.memory_space<vmem>>
        %dma_wait3A_423 = arith.constant 99968 : i32
        %dma_wait3A_424 = tpu.memref_slice %arg3[%dma_wait3A_423] : memref<100000xi32, #tpu.memory_space<hbm>> -> memref<32xi32, #tpu.memory_space<hbm>>
        tpu.wait_dma2 semaphore(%run_scoped3A_406 : memref<!tpu.dma_semaphore, #tpu.memory_space<semaphore_mem>>) src(%dma_wait3A_424 : memref<32xi32, #tpu.memory_space<hbm>>) dst(%dma_wait3A_422 : memref<32xi32, #tpu.memory_space<vmem>>)
        tpu.yield
      }) : () -> ()
      "tpu.region"() ({
        %run_scoped3A_406 = tpu.sem_alloc : memref<!tpu.dma_semaphore, #tpu.memory_space<semaphore_mem>>
        %dma_start3A = arith.constant 99968 : i32
        %dma_start3A_407 = arith.constant 0 : i32
        %dma_start3A_408 = tpu.memref_slice %arg2[%dma_start3A, %dma_start3A_407] : memref<100000x128xf32, #tpu.memory_space<hbm>> -> memref<32x128xf32, #tpu.memory_space<hbm>>
        %dma_start3A_409 = arith.constant 99968 : i32
        %dma_start3A_410 = arith.constant 0 : i32
        %dma_start3A_411 = tpu.memref_slice %arg2[%dma_start3A_409, %dma_start3A_410] : memref<100000x128xf32, #tpu.memory_space<hbm>> -> memref<32x128xf32, #tpu.memory_space<hbm>>
        tpu.enqueue_dma source(%dma_start3A_411 : memref<32x128xf32, #tpu.memory_space<hbm>>) target(%arg15 : memref<32x128xf32, #tpu.memory_space<vmem>>) target_semaphore(%run_scoped3A_406 : memref<!tpu.dma_semaphore, #tpu.memory_space<semaphore_mem>>)
        %dma_wait3A = arith.constant 99968 : i32
        %dma_wait3A_412 = arith.constant 0 : i32
        %dma_wait3A_413 = tpu.memref_slice %arg2[%dma_wait3A, %dma_wait3A_412] : memref<100000x128xf32, #tpu.memory_space<hbm>> -> memref<32x128xf32, #tpu.memory_space<hbm>>
        %dma_wait3A_414 = arith.constant 99968 : i32
        %dma_wait3A_415 = arith.constant 0 : i32
        %dma_wait3A_416 = tpu.memref_slice %arg2[%dma_wait3A_414, %dma_wait3A_415] : memref<100000x128xf32, #tpu.memory_space<hbm>> -> memref<32x128xf32, #tpu.memory_space<hbm>>
        tpu.wait_dma2 semaphore(%run_scoped3A_406 : memref<!tpu.dma_semaphore, #tpu.memory_space<semaphore_mem>>) src(%dma_wait3A_416 : memref<32x128xf32, #tpu.memory_space<hbm>>) dst(%arg15 : memref<32x128xf32, #tpu.memory_space<vmem>>)
        tpu.yield
      }) : () -> ()
      %run_scoped3A_400 = arith.constant 0 : i32
      "tpu.region"() ({
        %run_scoped3A_406 = tpu.sem_alloc : memref<!tpu.dma_semaphore, #tpu.memory_space<semaphore_mem>>
        %dma_start3A = arith.constant 0 : i32
        %dma_start3A_407 = tpu.memref_slice %arg14[%run_scoped3A_400, %dma_start3A] : memref<1x32xi32, #tpu.memory_space<vmem>> -> memref<1x32xi32, #tpu.memory_space<vmem>>
        %dma_start3A_408 = tpu.memref_squeeze %dma_start3A_407 : memref<1x32xi32, #tpu.memory_space<vmem>> -> memref<32xi32, #tpu.memory_space<vmem>>
        %dma_start3A_409 = arith.constant 0 : i32
        %dma_start3A_410 = arith.constant 0 : i32
        %dma_start3A_411 = tpu.memref_slice %arg18[%dma_start3A_409, %dma_start3A_410] : memref<1024x128xf32, #tpu.memory_space<vmem_shared>> -> memref<1024x128xf32, #tpu.memory_space<vmem_shared>>
        tpu.enqueue_indirect_dma source(%arg15 : memref<32x128xf32, #tpu.memory_space<vmem>>) target(%dma_start3A_411 : memref<1024x128xf32, #tpu.memory_space<vmem_shared>>) offsets(%dma_start3A_408 : memref<32xi32, #tpu.memory_space<vmem>>) semaphore(%run_scoped3A_406 : memref<!tpu.dma_semaphore, #tpu.memory_space<semaphore_mem>>) {add = true}
        %dma_wait3A = arith.constant 0 : i32
        %dma_wait3A_412 = tpu.memref_slice %arg14[%run_scoped3A_400, %dma_wait3A] : memref<1x32xi32, #tpu.memory_space<vmem>> -> memref<1x32xi32, #tpu.memory_space<vmem>>
        %dma_wait3A_413 = tpu.memref_squeeze %dma_wait3A_412 : memref<1x32xi32, #tpu.memory_space<vmem>> -> memref<32xi32, #tpu.memory_space<vmem>>
        %dma_wait3A_414 = arith.constant 0 : i32
        %dma_wait3A_415 = arith.constant 0 : i32
        %dma_wait3A_416 = tpu.memref_slice %arg18[%dma_wait3A_414, %dma_wait3A_415] : memref<1024x128xf32, #tpu.memory_space<vmem_shared>> -> memref<1024x128xf32, #tpu.memory_space<vmem_shared>>
        tpu.wait_indirect_dma semaphore(%run_scoped3A_406 : memref<!tpu.dma_semaphore, #tpu.memory_space<semaphore_mem>>) src(%arg15 : memref<32x128xf32, #tpu.memory_space<vmem>>) dst(%dma_wait3A_416 : memref<1024x128xf32, #tpu.memory_space<vmem_shared>>)
        tpu.yield
      }) : () -> ()
      %scan3A_401 = arith.constant 0 : i32
      %scan3A_402 = arith.constant 2 : i32
      %scan3A_403 = arith.addi %scan3A_401, %scan3A_402 : i32
      %scan3A_404 = arith.constant 1 : i32
      scf.for %scan3A_406 = %scan3A_401 to %scan3A_403 step %scan3A_404  : i32 {
        %mul3A_407 = arith.constant 16 : i32
        %mul3A_408 = arith.muli %scan3A_406, %mul3A_407 : i32
        %add3A_409 = arith.constant 0 : i32
        %add3A_410 = arith.addi %add3A_409, %mul3A_408 : i32
        %get3A = arith.constant 0 : i32
        %get3A_411 = arith.index_cast %get3A : i32 to index
        %get3A_412 = arith.index_cast %add3A_410 : i32 to index
        %get3A_413 = tpu.vector_load %arg14[%get3A_411, %get3A_412] {strides = array<i32>} : memref<1x32xi32, #tpu.memory_space<vmem>>, vector<16xi32>,
        tpu.vector_store_idx %arg16[%get3A_413], %broadcast_in_dim3A_9 {add = true} : memref<1024xf32, #tpu.memory_space<vmem>>[vector<16xi32>], vector<16xf32>,
      }
      %scan3A_405 = arith.constant 2 : i32
    } else {
    }
    %barrier3A_397 = arith.constant 0 : index
    tpu.barrier barrier_id(%barrier3A_397)
    %mul3A_398 = arith.constant 64 : i32
    %mul3A_399 = arith.muli %arg1, %mul3A_398 : i32
    "tpu.region"() ({
      %run_scoped3A = tpu.sem_alloc : memref<!tpu.dma_semaphore, #tpu.memory_space<semaphore_mem>>
      %dma_start3A = arith.constant 0 : i32
      %dma_start3A_400 = tpu.memref_slice %arg4[%arg0, %mul3A_399, %dma_start3A] : memref<2x1024x128xf32, #tpu.memory_space<hbm>> -> memref<1x64x128xf32, #tpu.memory_space<hbm>>
      %dma_start3A_401 = tpu.memref_squeeze %dma_start3A_400 : memref<1x64x128xf32, #tpu.memory_space<hbm>> -> memref<64x128xf32, #tpu.memory_space<hbm>>
      %dma_start3A_402 = arith.constant 0 : i32
      %dma_start3A_403 = tpu.memref_slice %arg18[%mul3A_399, %dma_start3A_402] : memref<1024x128xf32, #tpu.memory_space<vmem_shared>> -> memref<64x128xf32, #tpu.memory_space<vmem_shared>>
      tpu.enqueue_dma source(%dma_start3A_403 : memref<64x128xf32, #tpu.memory_space<vmem_shared>>) target(%dma_start3A_401 : memref<64x128xf32, #tpu.memory_space<hbm>>) target_semaphore(%run_scoped3A : memref<!tpu.dma_semaphore, #tpu.memory_space<semaphore_mem>>)
      %dma_wait3A = arith.constant 0 : i32
      %dma_wait3A_404 = tpu.memref_slice %arg4[%arg0, %mul3A_399, %dma_wait3A] : memref<2x1024x128xf32, #tpu.memory_space<hbm>> -> memref<1x64x128xf32, #tpu.memory_space<hbm>>
      %dma_wait3A_405 = tpu.memref_squeeze %dma_wait3A_404 : memref<1x64x128xf32, #tpu.memory_space<hbm>> -> memref<64x128xf32, #tpu.memory_space<hbm>>
      %dma_wait3A_406 = arith.constant 0 : i32
      %dma_wait3A_407 = tpu.memref_slice %arg18[%mul3A_399, %dma_wait3A_406] : memref<1024x128xf32, #tpu.memory_space<vmem_shared>> -> memref<64x128xf32, #tpu.memory_space<vmem_shared>>
      tpu.wait_dma2 semaphore(%run_scoped3A : memref<!tpu.dma_semaphore, #tpu.memory_space<semaphore_mem>>) src(%dma_wait3A_407 : memref<64x128xf32, #tpu.memory_space<vmem_shared>>) dst(%dma_wait3A_405 : memref<64x128xf32, #tpu.memory_space<hbm>>)
      tpu.yield
    }) : () -> ()
    "tpu.region"() ({
      %run_scoped3A = tpu.sem_alloc : memref<!tpu.dma_semaphore, #tpu.memory_space<semaphore_mem>>
      %dma_start3A = arith.constant 0 : i32
      %dma_start3A_400 = tpu.memref_slice %arg5[%add3A, %dma_start3A] : memref<32x1024xf32, #tpu.memory_space<hbm>> -> memref<1x1024xf32, #tpu.memory_space<hbm>>
      %dma_start3A_401 = tpu.memref_squeeze %dma_start3A_400 : memref<1x1024xf32, #tpu.memory_space<hbm>> -> memref<1024xf32, #tpu.memory_space<hbm>>
      %dma_start3A_402 = arith.constant 0 : i32
      %dma_start3A_403 = tpu.memref_slice %arg5[%add3A, %dma_start3A_402] : memref<32x1024xf32, #tpu.memory_space<hbm>> -> memref<1x1024xf32, #tpu.memory_space<hbm>>
      %dma_start3A_404 = tpu.memref_squeeze %dma_start3A_403 : memref<1x1024xf32, #tpu.memory_space<hbm>> -> memref<1024xf32, #tpu.memory_space<hbm>>
      tpu.enqueue_dma source(%arg16 : memref<1024xf32, #tpu.memory_space<vmem>>) target(%dma_start3A_404 : memref<1024xf32, #tpu.memory_space<hbm>>) target_semaphore(%run_scoped3A : memref<!tpu.dma_semaphore, #tpu.memory_space<semaphore_mem>>)
      %dma_wait3A = arith.constant 0 : i32
      %dma_wait3A_405 = tpu.memref_slice %arg5[%add3A, %dma_wait3A] : memref<32x1024xf32, #tpu.memory_space<hbm>> -> memref<1x1024xf32, #tpu.memory_space<hbm>>
      %dma_wait3A_406 = tpu.memref_squeeze %dma_wait3A_405 : memref<1x1024xf32, #tpu.memory_space<hbm>> -> memref<1024xf32, #tpu.memory_space<hbm>>
      %dma_wait3A_407 = arith.constant 0 : i32
      %dma_wait3A_408 = tpu.memref_slice %arg5[%add3A, %dma_wait3A_407] : memref<32x1024xf32, #tpu.memory_space<hbm>> -> memref<1x1024xf32, #tpu.memory_space<hbm>>
      %dma_wait3A_409 = tpu.memref_squeeze %dma_wait3A_408 : memref<1x1024xf32, #tpu.memory_space<hbm>> -> memref<1024xf32, #tpu.memory_space<hbm>>
      tpu.wait_dma2 semaphore(%run_scoped3A : memref<!tpu.dma_semaphore, #tpu.memory_space<semaphore_mem>>) src(%arg16 : memref<1024xf32, #tpu.memory_space<vmem>>) dst(%dma_wait3A_409 : memref<1024xf32, #tpu.memory_space<hbm>>)
      tpu.yield
    }) : () -> ()
    return
  }
}

module attributes {stable_mosaic.version = 14 : i64} {
  func.func @_combine_tc(%arg0: memref<2x1024x128xf32, #tpu.memory_space<vmem>>, %arg1: memref<32x1024xf32, #tpu.memory_space<vmem>>, %arg2: memref<1024x128xf32, #tpu.memory_space<vmem>>) attributes {dimension_semantics = [], scalar_prefetch = 0 : i64, scratch_operands = 0 : i64, tpu.core_type = #tpu.core_type<tc>} {
    %get3A = arith.constant 0 : index
    %get3A_0 = arith.constant 0 : index
    %get3A_1 = arith.constant 0 : index
    %get3A_2 = vector.load %arg0[%get3A, %get3A_0, %get3A_1] : memref<2x1024x128xf32, #tpu.memory_space<vmem>>, vector<1x1024x128xf32>
    %get3A_3 = vector.shape_cast %get3A_2 : vector<1x1024x128xf32> to vector<1024x128xf32>
    %get3A_4 = arith.constant 1 : index
    %get3A_5 = arith.constant 0 : index
    %get3A_6 = arith.constant 0 : index
    %get3A_7 = vector.load %arg0[%get3A_4, %get3A_5, %get3A_6] : memref<2x1024x128xf32, #tpu.memory_space<vmem>>, vector<1x1024x128xf32>
    %get3A_8 = vector.shape_cast %get3A_7 : vector<1x1024x128xf32> to vector<1024x128xf32>
    %add3A = arith.addf %get3A_3, %get3A_8 : vector<1024x128xf32>
    %get3A_9 = arith.constant 0 : index
    %get3A_10 = arith.constant 0 : index
    %get3A_11 = vector.load %arg1[%get3A_9, %get3A_10] : memref<32x1024xf32, #tpu.memory_space<vmem>>, vector<32x1024xf32>
    %reduce_sum3A = arith.constant dense<0.000000e+00> : vector<1024xf32>
    %reduce_sum3A_12 = vector.multi_reduction <add>, %get3A_11, %reduce_sum3A [0] : vector<32x1024xf32> to vector<1024xf32>
    %max3A = arith.constant 1.000000e+00 : f32
    %max3A_13 = vector.broadcast %max3A : f32 to vector<1024xf32>
    %max3A_14 = arith.maximumf %reduce_sum3A_12, %max3A_13 : vector<1024xf32>
    %broadcast_in_dim3A = vector.shape_cast %max3A_14 : vector<1024xf32> to vector<1024x1xf32>
    %div3A = vector.broadcast %broadcast_in_dim3A : vector<1024x1xf32> to vector<1024x128xf32>
    %div3A_15 = arith.divf %add3A, %div3A : vector<1024x128xf32>
    %swap3A = arith.constant 0 : index
    %swap3A_16 = arith.constant 0 : index
    %swap3A_17 = vector.load %arg2[%swap3A, %swap3A_16] : memref<1024x128xf32, #tpu.memory_space<vmem>>, vector<1024x128xf32>
    tpu.vector_store %arg2[%swap3A, %swap3A_16], %div3A_15 {strides = array<i32>} : memref<1024x128xf32, #tpu.memory_space<vmem>>, vector<1024x128xf32>,
    return
  }
}

</mosaic_0001>

<sc_bundles>
// kernel: kernel.4.cloned.1.call-start
scs
__scs_entry_jumppad:
0x0: {  	(pc) =	sbr.rel $0x88, $3  }
0x1: {  	(tag) =	ssettag $0x0;
	lr =	simm.s32 $0x1  }
0x2: {  	[smem:$0x3F9F] =	sst lr;
	_ =	strace $0xD0000000  }
0x3: {  	_ = 	snop  }
0x4: {  	_ = 	snop  }
0x5: {  	_ = 	snop  }
0x6: {  	_ = 	snop  }
0x7: {  	_ = 	snop  }
__scs_overlays_trampoline_lowered:
0x8: {  	[smem:$0x3FAE] =	sst s0  }
0x9: {  	[smem:$0x3FAF] =	sst s1  }
0xa: {  	[smem:$0x3FB0] =	sst s2  }
0xb: {  	[smem:$0x3FB1] =	sst s3  }
0xc: {  	[smem:$0x3FB2] =	sst s4  }
0xd: {  	[smem:$0x3FB3] =	sst s5  }
0xe: {  	[smem:$0x3FB4] =	sst s6  }
0xf: {  	[smem:$0x3FB5] =	sst s7  }
0x10: {  	[smem:$0x3FB6] =	sst s8  }
0x11: {  	[smem:$0x3FB7] =	sst s9;
	s0 =	simm.s32 @!p0 $0x0  }
0x12: {  	s1 =	sld [smem:$0x3F9D];
	s0 =	simm.s32 @p0 $0x1  }
0x13: {  	[smem:$0x3FB8] =	sst s0;
	s0 =	simm.s32 @!p1 $0x0  }
0x14: {  	s2 =	sld [smem:$0x3F9C];
	s0 =	simm.s32 @p1 $0x1  }
0x15: {  	[smem:$0x3FB9] =	sst s0;
	s0 =	simm.s32 @!p2 $0x0  }
0x16: {  	s3 =	sld [smem:$0x3FDB];
	s0 =	simm.s32 @p2 $0x1  }
0x17: {  	s4 =	simm.s32 $0x1BF5;
	[smem:$0x3FBB] =	sst s0  }
0x18: {  	s0 =	sld [smem:$0x3F9E];
	_ =	swait.ge [sflag:s4], $0x0  }
0x19: {  	s7 =	sld [smem:$0x3F9F]  }
0x1a: {  	s8 =	sadd.s32 $0xFFFFE003, lr  }
0x1b: {  	s9 =	sadd.s32 $0xFFFFFEF7, lr;
	s5 =	simm.s32 $0xFFFFFFFF;
	p2 =	slt.u32 s8, $0xFFFFF086  }
0x1c: {  	p1 =	slt.u32 s9, $0xF7A;
	s5 =	simm.s32 @!p2 $0x0  }
0x1d: {  	s5 =	simm.s32 @p1 $0x1;
	p0 =	seq.s32 s7, s2  }
0x1e: {  	s7 =	smul.u32 @!p0 $0xF7A, s2;
	p2 =	seq.s32 @!p0 s5, $0x0  }
0x1f: {  	s9 =	smul.u32 $0xF7A, s1;
	s8 =	simm.s32 @!p0 $0x1BF5;
	p2 =	por !p2, p0  }
0x20: {  	[sflag:s8] =	ssyncset.s32 @!p0 $0xFFFFF086;
	s6 =	sadd.s32 @!p0 s3, s7;
	s7 =	simm.s32 @!p0 $0x108  }
0x21: {  	s3 =	sadd.s32 s3, s9;
	s6 =	sadd.s32 @!p0 $0x88, s6;
	s7 =	simm.s32 @p2 $0x1082  }
0x22: {  	[simem:s7], [sflag:s8] =	dma.local @!p0 [hbm:s6], $0xF7A  }
0x23: {  	s9 =	sor.u32 $0xD0000000, s2;
	s6 =	simm.s32 $0x108;
	_ =	swait.ge @!p0 [sflag:s8], $0x0  }
0x24: {  	s3 =	sadd.s32 $0x88, s3;
	s6 =	simm.s32 @!p1 $0x1082;
	[sflag:s4] =	ssyncset.s32 $0xFFFFF086  }
0x25: {  	[simem:s6], [sflag:s4] =	dma.local [hbm:s3], $0xF7A  }
0x26: {  	[smem:$0x3F9F] =	sst s1;
	(tag) =	ssettag s2;
	_ =	strace s9  }
0x27: {  	s1 =	sld [smem:$0x3FAF]  }
0x28: {  	s2 =	sld [smem:$0x3FB0]  }
0x29: {  	s4 =	sld [smem:$0x3FB2]  }
0x2a: {  	p0 =	seq.s32 s5, $0x0;
	s5 =	sld [smem:$0x3FB3]  }
0x2b: {  	s6 =	sld [smem:$0x3FB4]  }
0x2c: {  	s7 =	sld [smem:$0x3FB5]  }
0x2d: {  	s3 =	simm.s32 $0x108;
	s8 =	sld [smem:$0x3FB6]  }
0x2e: {  	s3 =	simm.s32 @!p0 $0x1082;
	s9 =	sld [smem:$0x3FB7]  }
0x2f: {  	lr =	sadd.s32 s0, s3;
	s0 =	sld [smem:$0x3FAE]  }
0x30: {  	s3 =	sld [smem:$0x3FB1]  }
0x31: {  	[smem:$0x3FBA] =	sst s10  }
0x32: {  	s10 =	sld [smem:$0x3FB8];
	_ =	sdelay $0x3  }
0x33: {  	p0 =	seq.s32 s10, $0x1;
	s10 =	sld [smem:$0x3FBA];
	_ =	sdelay $0x3  }
0x34: {  	[smem:$0x3FBA] =	sst s10  }
0x35: {  	s10 =	sld [smem:$0x3FB9];
	_ =	sdelay $0x3  }
0x36: {  	p1 =	seq.s32 s10, $0x1;
	s10 =	sld [smem:$0x3FBA];
	_ =	sdelay $0x3  }
0x37: {  	[smem:$0x3FBA] =	sst s10  }
0x38: {  	s10 =	sld [smem:$0x3FBB]  }
0x39: {  	_ = 	snop;
	(pc) =	sbr.ind lr, $3  }
0x3a: {  	_ = 	snop  }
0x3b: {  	_ = 	snop  }
0x3c: {  	p2 =	seq.s32 s10, $0x1;
	s10 =	sld [smem:$0x3FBA]  }
0x3d: {  	_ =	shalt  }
0x3e: {  	_ =	shalt  }
0x3f: {  	_ =	shalt  }
0x40: {  	_ =	shalt  }
0x41: {  	_ =	shalt  }
0x42: {  	_ =	shalt  }
0x43: {  	_ =	shalt  }
0x44: {  	_ =	shalt  }
0x45: {  	_ =	shalt  }
0x46: {  	_ =	shalt  }
0x47: {  	_ =	shalt  }
0x48: {  	_ =	shalt  }
0x49: {  	_ =	shalt  }
0x4a: {  	_ =	shalt  }
0x4b: {  	_ =	shalt  }
0x4c: {  	_ =	shalt  }
0x4d: {  	_ =	shalt  }
0x4e: {  	_ =	shalt  }
0x4f: {  	_ =	shalt  }
0x50: {  	_ =	shalt  }
0x51: {  	_ =	shalt  }
0x52: {  	_ =	shalt  }
0x53: {  	_ =	shalt  }
0x54: {  	_ =	shalt  }
0x55: {  	_ =	shalt  }
0x56: {  	_ =	shalt  }
0x57: {  	_ =	shalt  }
0x58: {  	_ =	shalt  }
0x59: {  	_ =	shalt  }
0x5a: {  	_ =	shalt  }
0x5b: {  	_ =	shalt  }
0x5c: {  	_ =	shalt  }
0x5d: {  	_ =	shalt  }
0x5e: {  	_ =	shalt  }
0x5f: {  	_ =	shalt  }
0x60: {  	_ =	shalt  }
0x61: {  	_ =	shalt  }
0x62: {  	_ =	shalt  }
0x63: {  	_ =	shalt  }
0x64: {  	_ =	shalt  }
0x65: {  	_ =	shalt  }
0x66: {  	_ =	shalt  }
0x67: {  	_ =	shalt  }
0x68: {  	_ =	shalt  }
0x69: {  	_ =	shalt  }
0x6a: {  	_ =	shalt  }
0x6b: {  	_ =	shalt  }
0x6c: {  	_ =	shalt  }
0x6d: {  	_ =	shalt  }
0x6e: {  	_ =	shalt  }
0x6f: {  	_ =	shalt  }
0x70: {  	_ =	shalt  }
0x71: {  	_ =	shalt  }
0x72: {  	_ =	shalt  }
0x73: {  	_ =	shalt  }
0x74: {  	_ =	shalt  }
0x75: {  	_ =	shalt  }
0x76: {  	_ =	shalt  }
0x77: {  	_ =	shalt  }
0x78: {  	_ =	shalt  }
0x79: {  	_ =	shalt  }
0x7a: {  	_ =	shalt  }
0x7b: {  	_ =	shalt  }
0x7c: {  	_ =	shalt  }
0x7d: {  	_ =	shalt  }
0x7e: {  	_ =	shalt  }
0x7f: {  	_ =	shalt  }
0x80: {  	_ =	shalt  }
0x81: {  	_ =	shalt  }
0x82: {  	_ =	shalt  }
0x83: {  	_ =	shalt  }
0x84: {  	_ =	shalt  }
0x85: {  	_ =	shalt  }
0x86: {  	_ =	shalt  }
0x87: {  	_ =	shalt  }
.Lfunc_end0:
.L_simem_size_0:
called_computation_lowered:
.L_overlay_start_0:
0x88: {  	s2 =	sld [smem:$0x3FD9]  }
0x89: {  	s3 =	sld [smem:$0x3FFE];
	_ =	sdelay $0x1  }
0x8a: {  	s1 =	srdreg.scid  }
0x8b: {  	s0 =	sand.u32 $0x1, s1  }
0x8c: {  	s17 =	sshll.u32 s0, $0xA;
	s2 =	sadd.s32 s3, s2  }
0x8d: {  	s2 =	sadd.s32 s2, s17  }
0x8e: {  	[smem:$0x3FC6] =	sst s2  }
0x8f: {  	_ = 	snop  }
0x90: {  	s2 =	sld [smem:$0x3FC9]  }
0x91: {  	s18 =	sld [smem:$0x3FC8]  }
0x92: {  	s4 =	sld [smem:$0x3FD0];
	(tm) =	ssettm $0x1  }
0x93: {  	s5 =	sld [smem:$0x3FFB];
	_ =	sdelay $0x3  }
0x94: {  	_ =	strace s5  }
0x95: {  	s5 =	sld [smem:$0x3FFC];
	_ =	sdelay $0x3  }
0x96: {  	_ =	strace s5  }
0x97: {  	s5 =	sld [smem:$0x3FFD];
	_ =	sdelay $0x3  }
0x98: {  	_ =	strace s5  }
0x99: {  	_ =	strace $0x8FFFFFFF  }
0x9a: {  	s19 =	sld [smem:$0x3FDB];
	_ =	sdelay $0x1  }
0x9b: {  	s6 =	simm.s32 $_scs_section_size  }
0x9c: {  	s7 =	simm.s32 $_size__tile_overlayer_lowered;
	s8 =	simm.s32 $_tile_overlayer_lowered  }
0x9d: {  	s22 =	simm.s32 $0x1BFF;
	s21 =	sshll.u32 s8, $0x1;
	s5 =	sadd.s32 s6, s19  }
0x9e: {  	s9 =	simm.s32 $0x0;
	s20 =	sshll.u32 s7, $0x1;
	s7 =	sadd.s32 s21, s5  }
0x9f: {  	[timem:s9], [sflag:s22] =	dma.local [hbm:s7], s20  }
0xa0: {  	_ =	swait.ge [sflag:s22], s20  }
0xa1: {  	s6 =	ssub.s32 $0x0, s20;
	[sflag:s22] =	ssyncset.done $0x0  }
0xa2: {  	[sflag:s22] =	ssyncadd.s32 s6;
	_ =	sdelay $0x1  }
0xa3: {  	s23 =	simm.s32 $0x1B8B  }
0xa4: {  	_ =	swait.ge [sflag:s23], $0x1  }
0xa5: {  	[sflag:s23] =	ssyncset.done $0x0  }
0xa6: {  	s25 =	simm.s32 $0x1B8E;
	s24 =	sld [smem:$0x3FFE];
	[sflag:s23] =	ssyncadd.s32 $0xFFFFFFFF  }
0xa7: {  	s26 =	simm.s32 $execute0_lowered;
	[smem:$0x3FD2] =	sst s25  }
0xa8: {  	s7 =	sshll.u32 s26, $0x1;
	_ =	strace $0x80000046;
	[dreg:$0x1] =	wrdreg $0xFFFFFFFF  }
0xa9: {  	s28 =	simm.s32 $_size_execute0_lowered;
	s5 =	sadd.s32 s5, s7;
	[dreg:$0x0] =	wrdreg $0x0  }
0xaa: {  	s7 =	sshll.u32 s28, $0x1;
	[dreg:$0x2] =	wrdreg s5  }
0xab: {  	[dreg:$0x3] =	wrdreg s7  }
0xac: {  	[dreg:$0x4] =	wrdreg $0xC0  }
0xad: {  	_ =	task [dreg:s9], $0x5FFFF  }
0xae: {  	[dreg:$0x1] =	wrdreg $0xFFFFFFFF  }
0xaf: {  	[dreg:$0x0] =	wrdreg $0x60  }
0xb0: {  	[dreg:$0x2] =	wrdreg s2  }
0xb1: {  	[dreg:$0x3] =	wrdreg s18  }
0xb2: {  	[dreg:$0x4] =	wrdreg s24  }
0xb3: {  	[dreg:$0x5] =	wrdreg s4  }
0xb4: {  	[dreg:$0x6] =	wrdreg $0x136800  }
0xb5: {  	[dreg:$0x7] =	wrdreg $0x9  }
0xb6: {  	_ =	task.clear_ibuf [dreg:s9], $0x8FFFF;
	_ =	strace $0x90000046  }
0xb7: {  	s29 =	simm.s32 $0x9;
	_ =	strace $0x80000048  }
0xb8: {  	_ =	swait.ge [sflag:s29], $0x1  }
0xb9: {  	[sflag:s29] =	ssyncadd.s32 $0xFFFFFFFF  }
0xba: {  	_ =	strace $0x90000048  }
0xbb: {  	_ =	sfence  }
0xbc: {  	s30 =	sld [smem:$0x0];
	_ =	sdelay $0x2  }
0xbd: {  	s31 =	sshll.u32 s1, $0xD;
	s1 =	sshrl.u32 s1, $0x2  }
0xbe: {  	s3 =	sand.u32 $0x4000, s31;
	s1 =	sadd.s32 s1, s30  }
0xbf: {  	s0 =	sor.u32 s3, s0;
	s1 =	sshll.u32 s1, $0x11  }
0xc0: {  	s0 =	sor.u32 s1, s0  }
0xc1: {  	s0 =	sadd.s32 $0x8F2B, s0  }
0xc2: {  	[sflag:s0] =	ssyncadd.remote.s32 $0x1  }
0xc3: {  	_ =	sfence.sel $0xFFFF  }
0xc4: {  	[dreg:$0x0] =	wrdreg $0xFFFFFFFF;
	(pc) =	sbr.abs _section_cstart, $3  }
0xc5: {  	[dreg:$0x1] =	wrdreg $0xFFFFFFFF  }
0xc6: {  	_ =	task.clear_ibuf [dreg:s9], $0x2FFFF;
	_ =	strace $0x9FFFFFFF  }
0xc7: {  	(tm) =	ssettm $0x7FFFFFFF  }
tec
execute0_lowered:
.L_overlay_start_1:
0x0: {  	(tag) =	ssettag $0x1  }
0x1: {  	s0 =	rddreg [dreg:$0x0]  }
0x2: {  	s1 =	rddreg [dreg:$0x1]  }
0x3: {  	s4 =	rddreg [dreg:$0x2]  }
0x4: {  	s2 =	srdreg.scid;
	s7 =	rddreg [dreg:$0x3]  }
0x5: {  	s3 =	simm.s32 $0x0;
	s6 =	sand.u32 $0x1, s2;
	s2 =	rddreg [dreg:$0x4]  }
0x6: {  	s14 =	stileid.u32;
	[smem:$0x7FF] =	sst s3  }
0x7: {  	s11 =	sshll.u32 s14, $0xA;
	s29 =	sshll.u32 s14, $0xD;
	s5 =	sshll.u32 s6, $0x4  }
0x8: {  	_ =	strace $0x80000047;
	s9 =	ssub.s32 $0x2, s6;
	s11 =	sadd.s32 s11, s4  }
0x9: {  	s31 =	sadd.s32 s29, s2;
	s6 =	sshll.u32 s6, $0xE;
	s8 =	sor.u32 s14, s5  }
0xa: {  	s12 =	sshrl.u32 s9, $0x1;
	[smem:$0x7E0] =	sst s31;
	s5 =	smul.u32 $0x18, s8  }
0xb: {  	s6 =	sadd.s32 s6, s11;
	s10 =	smin.u32 s8, $0xD;
	p0 =	sgt.u32 s8, $0xC  }
0xc: {  	s4 =	ssub.s32 s9, s12;
	p1 =	sne.s32 @p0 s8, $0x1F;
	s5 =	sadd.s32 s10, s5  }
0xd: {  	s21 =	sshll.u32 s5, $0x4;
	s22 =	sshll.u32 s5, $0xB;
	s5 =	sshll.u32 s5, $0x7  }
0xe: {  	p1 =	por p1, !p0;
	s9 =	sadd.s32 s1, s21;
	s23 =	sadd.s32 $0x80, s5  }
0xf: {  	s24 =	sadd.s32 $0x100, s5;
	s30 =	sadd.s32 $0x180, s5;
	s16 =	sadd.s32 $0x280, s5  }
0x10: {  	s21 =	sshll.u32 s14, $0x4;
	s14 =	sadd.s32 $0x580, s5;
	[dreg:$0x6] =	wrdreg s9  }
0x11: {  	s9 =	sadd.s32 s0, s22;
	s25 =	sshrl.u32 s23, $0x3;
	s13 =	sshrl.u32 s24, $0x3  }
0x12: {  	s28 =	sshll.u32 s24, $0x4;
	s10 =	sshrl.u32 s30, $0x3;
	s18 =	sshrl.u32 s16, $0x3  }
0x13: {  	s20 =	sshll.u32 s16, $0x4;
	s22 =	sshll.u32 s8, $0x7;
	[dreg:$0x7] =	wrdreg s9  }
0x14: {  	s9 =	sshll.u32 s23, $0x4;
	s12 =	sadd.s32 s1, s25;
	s26 =	sadd.s32 s1, s13  }
0x15: {  	s13 =	sadd.s32 $0x200, s5;
	s19 =	sadd.s32 s1, s18;
	s23 =	sadd.s32 $0x300, s5  }
0x16: {  	s11 =	sand.u32 $0xC00, s22;
	s25 =	sadd.s32 $0x380, s5;
	[dreg:$0x8] =	wrdreg s12  }
0x17: {  	s22 =	sadd.s32 $0x700, s5;
	s9 =	sadd.s32 s0, s9;
	[dreg:$0xa] =	wrdreg s26  }
0x18: {  	s12 =	sshll.u32 s30, $0x4;
	s15 =	sshrl.u32 s13, $0x3;
	s17 =	sshll.u32 s13, $0x4  }
0x19: {  	[dreg:$0x10] =	wrdreg s19;
	s24 =	sshrl.u32 s23, $0x3;
	s29 =	sshll.u32 s25, $0x4  }
0x1a: {  	s30 =	sadd.s32 $0x400, s5;
	[dreg:$0x9] =	wrdreg s9;
	s9 =	sadd.s32 s0, s28  }
0x1b: {  	s8 =	sshll.u32 s30, $0x4;
	[dreg:$0xb] =	wrdreg s9;
	s9 =	sadd.s32 s1, s10  }
0x1c: {  	s19 =	sadd.s32 $0x680, s5;
	s8 =	sadd.s32 s0, s8;
	[dreg:$0xc] =	wrdreg s9  }
0x1d: {  	s28 =	sshrl.u32 s25, $0x3;
	s9 =	sadd.s32 s0, s12;
	[dreg:$0x18] =	wrdreg s8  }
0x1e: {  	s31 =	sshrl.u32 s30, $0x3;
	[dreg:$0xd] =	wrdreg s9;
	s9 =	sadd.s32 s1, s15  }
0x1f: {  	s25 =	sadd.s32 $0x780, s5;
	[dreg:$0xe] =	wrdreg s9;
	s9 =	sadd.s32 s0, s17  }
0x20: {  	s15 =	sshrl.u32 s14, $0x3;
	s17 =	sadd.s32 $0x600, s5;
	[dreg:$0xf] =	wrdreg s9  }
0x21: {  	s9 =	sadd.s32 s0, s20;
	s18 =	sshrl.u32 s17, $0x3;
	s20 =	sshrl.u32 s19, $0x3  }
0x22: {  	[dreg:$0x11] =	wrdreg s9;
	s9 =	sand.u32 $0x70, s21;
	s21 =	sshll.u32 s19, $0x4  }
0x23: {  	s19 =	sadd.s32 $0xA80, s5;
	s7 =	sadd.s32 s7, s9;
	s9 =	sshll.u32 s23, $0x4  }
0x24: {  	s23 =	sshrl.u32 s22, $0x3;
	s7 =	sadd.s32 s11, s7;
	s26 =	sadd.s32 s0, s9  }
0x25: {  	s9 =	sadd.s32 $0x480, s5;
	s11 =	sadd.s32 $0x500, s5;
	[dreg:$0x12] =	wrdreg s7  }
0x26: {  	s7 =	sadd.s32 s1, s24;
	[dreg:$0x14] =	wrdreg s26;
	s10 =	sshrl.u32 s9, $0x3  }
0x27: {  	s12 =	sshrl.u32 s11, $0x3;
	s13 =	sshll.u32 s11, $0x4;
	s26 =	sshrl.u32 s25, $0x3  }
0x28: {  	s11 =	sadd.s32 $0x900, s5;
	[dreg:$0x13] =	wrdreg s7;
	s7 =	sadd.s32 s1, s28  }
0x29: {  	s8 =	sadd.s32 s1, s10;
	s28 =	sadd.s32 $0x800, s5;
	[dreg:$0x15] =	wrdreg s7  }
0x2a: {  	s7 =	sadd.s32 s0, s29;
	[dreg:$0x19] =	wrdreg s8;
	s8 =	sshll.u32 s14, $0x4  }
0x2b: {  	s29 =	sshrl.u32 s28, $0x3;
	[dreg:$0x16] =	wrdreg s7;
	s7 =	sadd.s32 s1, s31  }
0x2c: {  	s30 =	sshll.u32 s28, $0x4;
	s16 =	sadd.s32 s0, s8;
	[dreg:$0x17] =	wrdreg s7  }
0x2d: {  	s8 =	sadd.s32 s1, s18;
	s7 =	sshll.u32 s9, $0x4;
	[dreg:$0x1e] =	wrdreg s16  }
0x2e: {  	[dreg:$0x1f] =	wrdreg s8;
	s8 =	sshll.u32 s22, $0x4;
	s7 =	sadd.s32 s0, s7  }
0x2f: {  	s31 =	sadd.s32 $0x880, s5;
	s24 =	sadd.s32 s0, s8;
	[dreg:$0x1a] =	wrdreg s7  }
0x30: {  	s9 =	sshrl.u32 s31, $0x3;
	s8 =	sadd.s32 s1, s26;
	[smem:$0x7E5] =	sst s24  }
0x31: {  	s16 =	sadd.s32 $0xA00, s5;
	s7 =	sadd.s32 s1, s12;
	[smem:$0x7E6] =	sst s8  }
0x32: {  	s8 =	sshll.u32 s31, $0x4;
	s12 =	sshrl.u32 s11, $0x3;
	s24 =	sadd.s32 $0xB80, s5  }
0x33: {  	s31 =	smax.u32 s4, $0x1;
	s4 =	simm.s32 $0x80;
	[dreg:$0x1b] =	wrdreg s7  }
0x34: {  	s7 =	sadd.s32 s0, s13;
	s10 =	sadd.s32 s0, s8;
	[smem:$0x7FD] =	sst s31  }
0x35: {  	s13 =	sadd.s32 $0x980, s5;
	s8 =	sadd.s32 s1, s12;
	[dreg:$0x1c] =	wrdreg s7  }
0x36: {  	s26 =	sshll.u32 s24, $0x4;
	s12 =	simm.s32 $0x1;
	[smem:$0x7EB] =	sst s10  }
0x37: {  	s7 =	sadd.s32 s1, s15;
	[smem:$0x7EC] =	sst s8;
	s14 =	sshrl.u32 s13, $0x3  }
0x38: {  	s15 =	sshll.u32 s13, $0x4;
	s8 =	sshll.u32 s16, $0x4;
	s13 =	simm.s32 $0x5  }
0x39: {  	[dreg:$0x1d] =	wrdreg s7;
	s7 =	sshll.u32 s17, $0x4;
	s18 =	sadd.s32 s0, s8  }
0x3a: {  	s17 =	sshrl.u32 s16, $0x3;
	s7 =	sadd.s32 s0, s7;
	[smem:$0x7F1] =	sst s18  }
0x3b: {  	s16 =	simm.s32 $0x2;
	[smem:$0x7E1] =	sst s7;
	s7 =	sadd.s32 s1, s20  }
0x3c: {  	s18 =	simm.s32 $0xA;
	s20 =	sshrl.u32 s19, $0x3;
	[smem:$0x7E2] =	sst s7  }
0x3d: {  	s7 =	sadd.s32 s0, s21;
	s21 =	sadd.s32 $0xB00, s5;
	s8 =	sadd.s32 s1, s20  }
0x3e: {  	s5 =	sadd.s32 $0xC00, s5;
	[smem:$0x7E3] =	sst s7;
	s7 =	sadd.s32 s1, s23  }
0x3f: {  	[smem:$0x7F2] =	sst s8;
	s28 =	sshrl.u32 s5, $0x3;
	s5 =	sshll.u32 s5, $0x4  }
0x40: {  	[smem:$0x7E4] =	sst s7;
	s7 =	sshll.u32 s25, $0x4;
	s5 =	sadd.s32 s0, s5  }
0x41: {  	s20 =	simm.s32 $0x7;
	s7 =	sadd.s32 s0, s7;
	[smem:$0x7F9] =	sst s5  }
0x42: {  	s22 =	sshrl.u32 s21, $0x3;
	[smem:$0x7E7] =	sst s7;
	s7 =	sadd.s32 s1, s29  }
0x43: {  	s23 =	sshll.u32 s21, $0x4;
	s29 =	sadd.s32 s1, s28;
	[smem:$0x7E8] =	sst s7  }
0x44: {  	s8 =	simm.s32 $0xD;
	s7 =	sadd.s32 s0, s30;
	[smem:$0x7F8] =	sst s29  }
0x45: {  	s21 =	simm.s32 $0xB;
	[smem:$0x7E9] =	sst s7;
	s7 =	sadd.s32 s1, s9  }
0x46: {  	s30 =	sadd.s32 $0xC00, s6;
	[smem:$0x7EA] =	sst s7;
	s7 =	sshll.u32 s11, $0x4  }
0x47: {  	s25 =	sshrl.u32 s24, $0x3;
	[smem:$0x7FC] =	sst s30;
	s7 =	sadd.s32 s0, s7  }
0x48: {  	s24 =	simm.s32 $0xC;
	[smem:$0x7ED] =	sst s7;
	s7 =	sadd.s32 s1, s14  }
0x49: {  	s5 =	simm.s32 $0x4200;
	[smem:$0x7EE] =	sst s7;
	s7 =	sadd.s32 s0, s15  }
0x4a: {  	s6 =	simm.s32 $0x100;
	[smem:$0x7EF] =	sst s7;
	s7 =	sadd.s32 s1, s17  }
0x4b: {  	s9 =	simm.s32 $0x180;
	[smem:$0x7F0] =	sst s7;
	s7 =	sshll.u32 s19, $0x4  }
0x4c: {  	s11 =	simm.s32 $0xC200;
	s14 =	simm.s32 $0x11280;
	s7 =	sadd.s32 s0, s7  }
0x4d: {  	s15 =	simm.s32 $0x9;
	[smem:$0x7F3] =	sst s7;
	s7 =	sadd.s32 s1, s22  }
0x4e: {  	s17 =	simm.s32 $0x6;
	[smem:$0x7F4] =	sst s7;
	s7 =	sadd.s32 s0, s23  }
0x4f: {  	s19 =	simm.s32 $0x3;
	[smem:$0x7F5] =	sst s7;
	s7 =	sadd.s32 s1, s25  }
0x50: {  	s22 =	simm.s32 $0x4;
	s1 =	sadd.s32 $0x30D0, s1;
	[smem:$0x7F6] =	sst s7  }
0x51: {  	s23 =	simm.s32 $0x8;
	s7 =	sadd.s32 s0, s26;
	[smem:$0x7FA] =	sst s1  }
0x52: {  	s25 =	simm.s32 $0x0;
	s0 =	sadd.s32 $0x186800, s0;
	[smem:$0x7F7] =	sst s7  }
0x53: {  	v0 =	vimm.f32 $0.0e+00;
	v1 =	vimm.f32 $1.000000000e+00;
	s1 =	simm.s32 $0x200;
	[smem:$0x7FB] =	sst s0;
	s7 =	simm.s32 $0x8200  }
.LBB2_1:
0x54: {  	s0 =	rddreg [dreg:$0x6]  }
0x55: {  	[tilespmem:s3], [sflag:$0x1] =	stream.linear.gather [hbm4b:s0+s3], $0x80, $0x38;
	[tilespmem:$0x15680] =	vst v63  }
0x56: {  	s26 =	rddreg [dreg:$0x7]  }
0x57: {  	[tilespmem:s1], [sflag:$0x5] =	stream.linear.gather [hbm4b:s26+s3], $0x4000, $0x38;
	[tilespmem:$0x15680] =	vst v63  }
0x58: {  	s28 =	rddreg [dreg:$0x8]  }
0x59: {  	[tilespmem:s4], [sflag:$0x2] =	stream.linear.gather [hbm4b:s28+s3], $0x80, $0x38;
	[tilespmem:$0x15680] =	vst v63  }
0x5a: {  	s29 =	rddreg [dreg:$0x9]  }
0x5b: {  	[tilespmem:s5], [sflag:$0x6] =	stream.linear.gather [hbm4b:s29+s3], $0x4000, $0x38;
	[tilespmem:$0x15680] =	vst v63  }
0x5c: {  	s30 =	rddreg [dreg:$0xa]  }
0x5d: {  	[tilespmem:s6], [sflag:$0x3] =	stream.linear.gather [hbm4b:s30+s3], $0x80, $0x38;
	[tilespmem:$0x15680] =	vst v63  }
0x5e: {  	s31 =	rddreg [dreg:$0xb];
	s26 =	simm.s32 $0x0  }
0x5f: {  	[tilespmem:s7], [sflag:$0x7] =	stream.linear.gather [hbm4b:s31+s3], $0x4000, $0x38;
	[tilespmem:$0x15680] =	vst v63  }
.LBB2_2:
0x60: {  	p2 =	sne.s32 s26, $0xFC0  }
.Ltmp0:
0x61: {  	_ = 	snop;
	(pc) =	sbr.rel @p2 .LBB2_2-.Ltmp0, $3  }
0x62: {  	_ =	sdelay $0x1  }
0x63: {  	s28 =	sshra.s32 s26, $0x2  }
0x64: {  	s26 =	sadd.s32 $0x40, s26;
	[tilespmem:s28+$0x11280] =	vst v0  }
0x65: {  	s26 =	simm.s32 $0x0;
	s28 =	simm.s32 $0x200  }
.LBB2_4:
0x66: {  	p2 =	sne.s32 s28, $0x7E00;
	[tilespmem:s26+$0x116F0] =	vst v0  }
0x67: {  	[tilespmem:s26+$0x11680] =	vst v0  }
0x68: {  	[tilespmem:s26+$0x11690] =	vst v0  }
.Ltmp1:
0x69: {  	[tilespmem:s26+$0x116A0] =	vst v0;
	(pc) =	sbr.rel @p2 .LBB2_4-.Ltmp1, $4  }
0x6a: {  	[tilespmem:s26+$0x116B0] =	vst v0  }
0x6b: {  	[tilespmem:s26+$0x116C0] =	vst v0  }
0x6c: {  	[tilespmem:s26+$0x116D0] =	vst v0  }
0x6d: {  	[tilespmem:s26+$0x116E0] =	vst v0;
	s26 =	sshra.s32 s28, $0x2;
	s28 =	sadd.s32 $0x200, s28  }
0x6e: {  	[tilespmem:s26+$0x116F0] =	vst v0  }
0x6f: {  	[tilespmem:s26+$0x11680] =	vst v0  }
0x70: {  	[tilespmem:s26+$0x11690] =	vst v0  }
0x71: {  	[tilespmem:s26+$0x116A0] =	vst v0  }
0x72: {  	[tilespmem:s26+$0x116B0] =	vst v0  }
0x73: {  	[tilespmem:s26+$0x116C0] =	vst v0;
	s10 =	sld [smem:$0x7E0]  }
0x74: {  	[tilespmem:s26+$0x116D0] =	vst v0  }
0x75: {  	[tilespmem:s26+$0x116E0] =	vst v0;
	s0 =	simm.s32 $0x11680  }
0x76: {  	[spmem:s10] =	stream.linear.scatter [tilespmem:s0], [sflag:$0xD], $0x2000, $0x38;
	[tilespmem:$0x15680] =	vst v63  }
0x77: {  	_ =	swait.ge [sflag:s8], $0x2000  }
0x78: {  	[sflag:s8] =	ssyncset.done $0x0  }
0x79: {  	[sflag:s8] =	ssyncadd.s32 $0xFFFFE000  }
0x7a: {  	[bflag:$0x0] =	sbarrier.arrive $0xFFFF  }
0x7b: {  	s30 =	rddreg [dreg:$0xc]  }
0x7c: {  	[tilespmem:s9], [sflag:$0x4] =	stream.linear.gather [hbm4b:s30+s3], $0x80, $0x38;
	[tilespmem:$0x15680] =	vst v63  }
0x7d: {  	s31 =	rddreg [dreg:$0xd]  }
0x7e: {  	[tilespmem:s11], [sflag:$0x8] =	stream.linear.gather [hbm4b:s31+s3], $0x4000, $0x38;
	[tilespmem:$0x15680] =	vst v63  }
0x7f: {  	_ =	swait.ge [sflag:s12], $0x80  }
0x80: {  	[sflag:s12] =	ssyncset.done $0x0  }
0x81: {  	[sflag:s12] =	ssyncadd.s32 $0xFFFFFF80  }
0x82: {  	_ =	swait.ge [sflag:s13], $0x4000  }
0x83: {  	[sflag:s13] =	ssyncset.done $0x0  }
0x84: {  	[sflag:s13] =	ssyncadd.s32 $0xFFFFC000  }
0x85: {  	[spmem:s2] =	stream.indirect.scatter.add.f32 [tilespmem:s1], [sflag:$0x9], $0x80, s3, s4, $0xb8;
	[tilespmem:$0x15680] =	vst v63  }
0x86: {  	v2 =	vld [tilespmem:$0x0];
	_ =	sdelay $0x7  }
0x87: {  	[tilespmem:v2+s14+$0x0] =	vst.idx.add.f32.msk $0xffff, v1  }
0x88: {  	v2 =	vld [tilespmem:$0x10];
	_ =	sdelay $0x7  }
0x89: {  	[tilespmem:v2+s14+$0x0] =	vst.idx.add.f32.msk $0xffff, v1  }
0x8a: {  	v2 =	vld [tilespmem:$0x20];
	_ =	sdelay $0x7  }
0x8b: {  	[tilespmem:v2+s14+$0x0] =	vst.idx.add.f32.msk $0xffff, v1  }
0x8c: {  	v2 =	vld [tilespmem:$0x30];
	_ =	sdelay $0x7  }
0x8d: {  	[tilespmem:v2+s14+$0x0] =	vst.idx.add.f32.msk $0xffff, v1  }
0x8e: {  	v2 =	vld [tilespmem:$0x40];
	_ =	sdelay $0x7  }
0x8f: {  	[tilespmem:v2+s14+$0x0] =	vst.idx.add.f32.msk $0xffff, v1  }
0x90: {  	v2 =	vld [tilespmem:$0x50];
	_ =	sdelay $0x7  }
0x91: {  	[tilespmem:v2+s14+$0x0] =	vst.idx.add.f32.msk $0xffff, v1  }
0x92: {  	v2 =	vld [tilespmem:$0x60];
	_ =	sdelay $0x7  }
0x93: {  	[tilespmem:v2+s14+$0x0] =	vst.idx.add.f32.msk $0xffff, v1  }
0x94: {  	v2 =	vld [tilespmem:$0x70];
	_ =	sdelay $0x7  }
0x95: {  	[tilespmem:v2+s14+$0x0] =	vst.idx.add.f32.msk $0xffff, v1  }
0x96: {  	_ =	swait.ge [sflag:s15], $0x4000  }
0x97: {  	[sflag:s15] =	ssyncset.done $0x0  }
0x98: {  	s10 =	rddreg [dreg:$0xe];
	[sflag:s15] =	ssyncadd.s32 $0xFFFFC000  }
0x99: {  	[tilespmem:s3], [sflag:$0x1] =	stream.linear.gather [hbm4b:s10+s3], $0x80, $0x38;
	[tilespmem:$0x15680] =	vst v63  }
0x9a: {  	s26 =	rddreg [dreg:$0xf]  }
0x9b: {  	[tilespmem:s1], [sflag:$0x5] =	stream.linear.gather [hbm4b:s26+s3], $0x4000, $0x38;
	[tilespmem:$0x15680] =	vst v63  }
0x9c: {  	_ =	swait.ge [sflag:s16], $0x80  }
0x9d: {  	[sflag:s16] =	ssyncset.done $0x0  }
0x9e: {  	[sflag:s16] =	ssyncadd.s32 $0xFFFFFF80  }
0x9f: {  	_ =	swait.ge [sflag:s17], $0x4000  }
0xa0: {  	[sflag:s17] =	ssyncset.done $0x0  }
0xa1: {  	[sflag:s17] =	ssyncadd.s32 $0xFFFFC000  }
0xa2: {  	[spmem:s2] =	stream.indirect.scatter.add.f32 [tilespmem:s5], [sflag:$0xA], $0x80, s4, s4, $0xb8;
	[tilespmem:$0x15680] =	vst v63  }
0xa3: {  	v2 =	vld [tilespmem:$0x80];
	_ =	sdelay $0x7  }
0xa4: {  	[tilespmem:v2+s14+$0x0] =	vst.idx.add.f32.msk $0xffff, v1  }
0xa5: {  	v2 =	vld [tilespmem:$0x90];
	_ =	sdelay $0x7  }
0xa6: {  	[tilespmem:v2+s14+$0x0] =	vst.idx.add.f32.msk $0xffff, v1  }
0xa7: {  	v2 =	vld [tilespmem:$0xA0];
	_ =	sdelay $0x7  }
0xa8: {  	[tilespmem:v2+s14+$0x0] =	vst.idx.add.f32.msk $0xffff, v1  }
0xa9: {  	v2 =	vld [tilespmem:$0xB0];
	_ =	sdelay $0x7  }
0xaa: {  	[tilespmem:v2+s14+$0x0] =	vst.idx.add.f32.msk $0xffff, v1  }
0xab: {  	v2 =	vld [tilespmem:$0xC0];
	_ =	sdelay $0x7  }
0xac: {  	[tilespmem:v2+s14+$0x0] =	vst.idx.add.f32.msk $0xffff, v1  }
0xad: {  	v2 =	vld [tilespmem:$0xD0];
	_ =	sdelay $0x7  }
0xae: {  	[tilespmem:v2+s14+$0x0] =	vst.idx.add.f32.msk $0xffff, v1  }
0xaf: {  	v2 =	vld [tilespmem:$0xE0];
	_ =	sdelay $0x7  }
0xb0: {  	[tilespmem:v2+s14+$0x0] =	vst.idx.add.f32.msk $0xffff, v1  }
0xb1: {  	v2 =	vld [tilespmem:$0xF0];
	_ =	sdelay $0x7  }
0xb2: {  	[tilespmem:v2+s14+$0x0] =	vst.idx.add.f32.msk $0xffff, v1  }
0xb3: {  	_ =	swait.ge [sflag:s18], $0x4000  }
0xb4: {  	[sflag:s18] =	ssyncset.done $0x0  }
0xb5: {  	s28 =	rddreg [dreg:$0x10];
	[sflag:s18] =	ssyncadd.s32 $0xFFFFC000  }
0xb6: {  	[tilespmem:s4], [sflag:$0x2] =	stream.linear.gather [hbm4b:s28+s3], $0x80, $0x38;
	[tilespmem:$0x15680] =	vst v63  }
0xb7: {  	s29 =	rddreg [dreg:$0x11]  }
0xb8: {  	[tilespmem:s5], [sflag:$0x6] =	stream.linear.gather [hbm4b:s29+s3], $0x4000, $0x38;
	[tilespmem:$0x15680] =	vst v63  }
0xb9: {  	_ =	swait.ge [sflag:s19], $0x80  }
0xba: {  	[sflag:s19] =	ssyncset.done $0x0  }
0xbb: {  	[sflag:s19] =	ssyncadd.s32 $0xFFFFFF80  }
0xbc: {  	_ =	swait.ge [sflag:s20], $0x4000  }
0xbd: {  	[sflag:s20] =	ssyncset.done $0x0  }
0xbe: {  	[sflag:s20] =	ssyncadd.s32 $0xFFFFC000  }
0xbf: {  	[spmem:s2] =	stream.indirect.scatter.add.f32 [tilespmem:s7], [sflag:$0xB], $0x80, s6, s4, $0xb8;
	[tilespmem:$0x15680] =	vst v63  }
0xc0: {  	v2 =	vld [tilespmem:$0x100];
	_ =	sdelay $0x7  }
0xc1: {  	[tilespmem:v2+s14+$0x0] =	vst.idx.add.f32.msk $0xffff, v1  }
0xc2: {  	v2 =	vld [tilespmem:$0x110];
	_ =	sdelay $0x7  }
0xc3: {  	[tilespmem:v2+s14+$0x0] =	vst.idx.add.f32.msk $0xffff, v1  }
0xc4: {  	v2 =	vld [tilespmem:$0x120];
	_ =	sdelay $0x7  }
0xc5: {  	[tilespmem:v2+s14+$0x0] =	vst.idx.add.f32.msk $0xffff, v1  }
0xc6: {  	v2 =	vld [tilespmem:$0x130];
	_ =	sdelay $0x7  }
0xc7: {  	[tilespmem:v2+s14+$0x0] =	vst.idx.add.f32.msk $0xffff, v1  }
0xc8: {  	v2 =	vld [tilespmem:$0x140];
	_ =	sdelay $0x7  }
0xc9: {  	[tilespmem:v2+s14+$0x0] =	vst.idx.add.f32.msk $0xffff, v1  }
0xca: {  	v2 =	vld [tilespmem:$0x150];
	_ =	sdelay $0x7  }
0xcb: {  	[tilespmem:v2+s14+$0x0] =	vst.idx.add.f32.msk $0xffff, v1  }
0xcc: {  	v2 =	vld [tilespmem:$0x160];
	_ =	sdelay $0x7  }
0xcd: {  	[tilespmem:v2+s14+$0x0] =	vst.idx.add.f32.msk $0xffff, v1  }
0xce: {  	v2 =	vld [tilespmem:$0x170];
	_ =	sdelay $0x7  }
0xcf: {  	[tilespmem:v2+s14+$0x0] =	vst.idx.add.f32.msk $0xffff, v1  }
0xd0: {  	_ =	swait.ge [sflag:s21], $0x4000  }
0xd1: {  	[sflag:s21] =	ssyncset.done $0x0  }
0xd2: {  	s30 =	rddreg [dreg:$0x13];
	[sflag:s21] =	ssyncadd.s32 $0xFFFFC000  }
0xd3: {  	[tilespmem:s6], [sflag:$0x3] =	stream.linear.gather [hbm4b:s30+s3], $0x80, $0x38;
	[tilespmem:$0x15680] =	vst v63  }
0xd4: {  	s31 =	rddreg [dreg:$0x14]  }
0xd5: {  	[tilespmem:s7], [sflag:$0x7] =	stream.linear.gather [hbm4b:s31+s3], $0x4000, $0x38;
	[tilespmem:$0x15680] =	vst v63  }
0xd6: {  	_ =	swait.ge [sflag:s22], $0x80  }
0xd7: {  	[sflag:s22] =	ssyncset.done $0x0  }
0xd8: {  	[sflag:s22] =	ssyncadd.s32 $0xFFFFFF80  }
0xd9: {  	_ =	swait.ge [sflag:s23], $0x4000  }
0xda: {  	[sflag:s23] =	ssyncset.done $0x0  }
0xdb: {  	[sflag:s23] =	ssyncadd.s32 $0xFFFFC000  }
0xdc: {  	[spmem:s2] =	stream.indirect.scatter.add.f32 [tilespmem:s11], [sflag:$0xC], $0x80, s9, s4, $0xb8;
	[tilespmem:$0x15680] =	vst v63  }
0xdd: {  	v2 =	vld [tilespmem:$0x180];
	_ =	sdelay $0x7  }
0xde: {  	[tilespmem:v2+s14+$0x0] =	vst.idx.add.f32.msk $0xffff, v1  }
0xdf: {  	v2 =	vld [tilespmem:$0x190];
	_ =	sdelay $0x7  }
0xe0: {  	[tilespmem:v2+s14+$0x0] =	vst.idx.add.f32.msk $0xffff, v1  }
0xe1: {  	v2 =	vld [tilespmem:$0x1A0];
	_ =	sdelay $0x7  }
0xe2: {  	[tilespmem:v2+s14+$0x0] =	vst.idx.add.f32.msk $0xffff, v1  }
0xe3: {  	v2 =	vld [tilespmem:$0x1B0];
	_ =	sdelay $0x7  }
0xe4: {  	[tilespmem:v2+s14+$0x0] =	vst.idx.add.f32.msk $0xffff, v1  }
0xe5: {  	v2 =	vld [tilespmem:$0x1C0];
	_ =	sdelay $0x7  }
0xe6: {  	[tilespmem:v2+s14+$0x0] =	vst.idx.add.f32.msk $0xffff, v1  }
0xe7: {  	v2 =	vld [tilespmem:$0x1D0];
	_ =	sdelay $0x7  }
0xe8: {  	[tilespmem:v2+s14+$0x0] =	vst.idx.add.f32.msk $0xffff, v1  }
0xe9: {  	v2 =	vld [tilespmem:$0x1E0];
	_ =	sdelay $0x7  }
0xea: {  	[tilespmem:v2+s14+$0x0] =	vst.idx.add.f32.msk $0xffff, v1  }
0xeb: {  	v2 =	vld [tilespmem:$0x1F0];
	_ =	sdelay $0x7  }
0xec: {  	[tilespmem:v2+s14+$0x0] =	vst.idx.add.f32.msk $0xffff, v1  }
0xed: {  	_ =	swait.ge [sflag:s24], $0x4000  }
0xee: {  	[sflag:s24] =	ssyncset.done $0x0  }
0xef: {  	s10 =	rddreg [dreg:$0x15];
	[sflag:s24] =	ssyncadd.s32 $0xFFFFC000  }
0xf0: {  	[tilespmem:s9], [sflag:$0x4] =	stream.linear.gather [hbm4b:s10+s3], $0x80, $0x38;
	[tilespmem:$0x15680] =	vst v63  }
0xf1: {  	s26 =	rddreg [dreg:$0x16]  }
0xf2: {  	[tilespmem:s11], [sflag:$0x8] =	stream.linear.gather [hbm4b:s26+s3], $0x4000, $0x38;
	[tilespmem:$0x15680] =	vst v63  }
0xf3: {  	_ =	swait.ge [sflag:s12], $0x80  }
0xf4: {  	[sflag:s12] =	ssyncset.done $0x0  }
0xf5: {  	[sflag:s12] =	ssyncadd.s32 $0xFFFFFF80  }
0xf6: {  	_ =	swait.ge [sflag:s13], $0x4000  }
0xf7: {  	[sflag:s13] =	ssyncset.done $0x0  }
0xf8: {  	[sflag:s13] =	ssyncadd.s32 $0xFFFFC000  }
0xf9: {  	[spmem:s2] =	stream.indirect.scatter.add.f32 [tilespmem:s1], [sflag:$0x9], $0x80, s3, s4, $0xb8;
	[tilespmem:$0x15680] =	vst v63  }
0xfa: {  	v2 =	vld [tilespmem:$0x0];
	_ =	sdelay $0x7  }
0xfb: {  	[tilespmem:v2+s14+$0x0] =	vst.idx.add.f32.msk $0xffff, v1  }
0xfc: {  	v2 =	vld [tilespmem:$0x10];
	_ =	sdelay $0x7  }
0xfd: {  	[tilespmem:v2+s14+$0x0] =	vst.idx.add.f32.msk $0xffff, v1  }
0xfe: {  	v2 =	vld [tilespmem:$0x20];
	_ =	sdelay $0x7  }
0xff: {  	[tilespmem:v2+s14+$0x0] =	vst.idx.add.f32.msk $0xffff, v1  }
0x100: {  	v2 =	vld [tilespmem:$0x30];
	_ =	sdelay $0x7  }
0x101: {  	[tilespmem:v2+s14+$0x0] =	vst.idx.add.f32.msk $0xffff, v1  }
0x102: {  	v2 =	vld [tilespmem:$0x40];
	_ =	sdelay $0x7  }
0x103: {  	[tilespmem:v2+s14+$0x0] =	vst.idx.add.f32.msk $0xffff, v1  }
0x104: {  	v2 =	vld [tilespmem:$0x50];
	_ =	sdelay $0x7  }
0x105: {  	[tilespmem:v2+s14+$0x0] =	vst.idx.add.f32.msk $0xffff, v1  }
0x106: {  	v2 =	vld [tilespmem:$0x60];
	_ =	sdelay $0x7  }
0x107: {  	[tilespmem:v2+s14+$0x0] =	vst.idx.add.f32.msk $0xffff, v1  }
0x108: {  	v2 =	vld [tilespmem:$0x70];
	_ =	sdelay $0x7  }
0x109: {  	[tilespmem:v2+s14+$0x0] =	vst.idx.add.f32.msk $0xffff, v1  }
0x10a: {  	_ =	swait.ge [sflag:s15], $0x4000  }
0x10b: {  	[sflag:s15] =	ssyncset.done $0x0  }
0x10c: {  	s28 =	rddreg [dreg:$0x17];
	[sflag:s15] =	ssyncadd.s32 $0xFFFFC000  }
0x10d: {  	[tilespmem:s3], [sflag:$0x1] =	stream.linear.gather [hbm4b:s28+s3], $0x80, $0x38;
	[tilespmem:$0x15680] =	vst v63  }
0x10e: {  	s29 =	rddreg [dreg:$0x18]  }
0x10f: {  	[tilespmem:s1], [sflag:$0x5] =	stream.linear.gather [hbm4b:s29+s3], $0x4000, $0x38;
	[tilespmem:$0x15680] =	vst v63  }
0x110: {  	_ =	swait.ge [sflag:s16], $0x80  }
0x111: {  	[sflag:s16] =	ssyncset.done $0x0  }
0x112: {  	[sflag:s16] =	ssyncadd.s32 $0xFFFFFF80  }
0x113: {  	_ =	swait.ge [sflag:s17], $0x4000  }
0x114: {  	[sflag:s17] =	ssyncset.done $0x0  }
0x115: {  	[sflag:s17] =	ssyncadd.s32 $0xFFFFC000  }
0x116: {  	[spmem:s2] =	stream.indirect.scatter.add.f32 [tilespmem:s5], [sflag:$0xA], $0x80, s4, s4, $0xb8;
	[tilespmem:$0x15680] =	vst v63  }
0x117: {  	v2 =	vld [tilespmem:$0x80];
	_ =	sdelay $0x7  }
0x118: {  	[tilespmem:v2+s14+$0x0] =	vst.idx.add.f32.msk $0xffff, v1  }
0x119: {  	v2 =	vld [tilespmem:$0x90];
	_ =	sdelay $0x7  }
0x11a: {  	[tilespmem:v2+s14+$0x0] =	vst.idx.add.f32.msk $0xffff, v1  }
0x11b: {  	v2 =	vld [tilespmem:$0xA0];
	_ =	sdelay $0x7  }
0x11c: {  	[tilespmem:v2+s14+$0x0] =	vst.idx.add.f32.msk $0xffff, v1  }
0x11d: {  	v2 =	vld [tilespmem:$0xB0];
	_ =	sdelay $0x7  }
0x11e: {  	[tilespmem:v2+s14+$0x0] =	vst.idx.add.f32.msk $0xffff, v1  }
0x11f: {  	v2 =	vld [tilespmem:$0xC0];
	_ =	sdelay $0x7  }
0x120: {  	[tilespmem:v2+s14+$0x0] =	vst.idx.add.f32.msk $0xffff, v1  }
0x121: {  	v2 =	vld [tilespmem:$0xD0];
	_ =	sdelay $0x7  }
0x122: {  	[tilespmem:v2+s14+$0x0] =	vst.idx.add.f32.msk $0xffff, v1  }
0x123: {  	v2 =	vld [tilespmem:$0xE0];
	_ =	sdelay $0x7  }
0x124: {  	[tilespmem:v2+s14+$0x0] =	vst.idx.add.f32.msk $0xffff, v1  }
0x125: {  	v2 =	vld [tilespmem:$0xF0];
	_ =	sdelay $0x7  }
0x126: {  	[tilespmem:v2+s14+$0x0] =	vst.idx.add.f32.msk $0xffff, v1  }
0x127: {  	_ =	swait.ge [sflag:s18], $0x4000  }
0x128: {  	[sflag:s18] =	ssyncset.done $0x0  }
0x129: {  	s30 =	rddreg [dreg:$0x19];
	[sflag:s18] =	ssyncadd.s32 $0xFFFFC000  }
0x12a: {  	[tilespmem:s4], [sflag:$0x2] =	stream.linear.gather [hbm4b:s30+s3], $0x80, $0x38;
	[tilespmem:$0x15680] =	vst v63  }
0x12b: {  	s31 =	rddreg [dreg:$0x1a]  }
0x12c: {  	[tilespmem:s5], [sflag:$0x6] =	stream.linear.gather [hbm4b:s31+s3], $0x4000, $0x38;
	[tilespmem:$0x15680] =	vst v63  }
0x12d: {  	_ =	swait.ge [sflag:s19], $0x80  }
0x12e: {  	[sflag:s19] =	ssyncset.done $0x0  }
0x12f: {  	[sflag:s19] =	ssyncadd.s32 $0xFFFFFF80  }
0x130: {  	_ =	swait.ge [sflag:s20], $0x4000  }
0x131: {  	[sflag:s20] =	ssyncset.done $0x0  }
0x132: {  	[sflag:s20] =	ssyncadd.s32 $0xFFFFC000  }
0x133: {  	[spmem:s2] =	stream.indirect.scatter.add.f32 [tilespmem:s7], [sflag:$0xB], $0x80, s6, s4, $0xb8;
	[tilespmem:$0x15680] =	vst v63  }
0x134: {  	v2 =	vld [tilespmem:$0x100];
	_ =	sdelay $0x7  }
0x135: {  	[tilespmem:v2+s14+$0x0] =	vst.idx.add.f32.msk $0xffff, v1  }
0x136: {  	v2 =	vld [tilespmem:$0x110];
	_ =	sdelay $0x7  }
0x137: {  	[tilespmem:v2+s14+$0x0] =	vst.idx.add.f32.msk $0xffff, v1  }
0x138: {  	v2 =	vld [tilespmem:$0x120];
	_ =	sdelay $0x7  }
0x139: {  	[tilespmem:v2+s14+$0x0] =	vst.idx.add.f32.msk $0xffff, v1  }
0x13a: {  	v2 =	vld [tilespmem:$0x130];
	_ =	sdelay $0x7  }
0x13b: {  	[tilespmem:v2+s14+$0x0] =	vst.idx.add.f32.msk $0xffff, v1  }
0x13c: {  	v2 =	vld [tilespmem:$0x140];
	_ =	sdelay $0x7  }
0x13d: {  	[tilespmem:v2+s14+$0x0] =	vst.idx.add.f32.msk $0xffff, v1  }
0x13e: {  	v2 =	vld [tilespmem:$0x150];
	_ =	sdelay $0x7  }
0x13f: {  	[tilespmem:v2+s14+$0x0] =	vst.idx.add.f32.msk $0xffff, v1  }
0x140: {  	v2 =	vld [tilespmem:$0x160];
	_ =	sdelay $0x7  }
0x141: {  	[tilespmem:v2+s14+$0x0] =	vst.idx.add.f32.msk $0xffff, v1  }
0x142: {  	v2 =	vld [tilespmem:$0x170];
	_ =	sdelay $0x7  }
0x143: {  	[tilespmem:v2+s14+$0x0] =	vst.idx.add.f32.msk $0xffff, v1  }
0x144: {  	_ =	swait.ge [sflag:s21], $0x4000  }
0x145: {  	[sflag:s21] =	ssyncset.done $0x0  }
0x146: {  	s10 =	rddreg [dreg:$0x1b];
	[sflag:s21] =	ssyncadd.s32 $0xFFFFC000  }
0x147: {  	[tilespmem:s6], [sflag:$0x3] =	stream.linear.gather [hbm4b:s10+s3], $0x80, $0x38;
	[tilespmem:$0x15680] =	vst v63  }
0x148: {  	s26 =	rddreg [dreg:$0x1c]  }
0x149: {  	[tilespmem:s7], [sflag:$0x7] =	stream.linear.gather [hbm4b:s26+s3], $0x4000, $0x38;
	[tilespmem:$0x15680] =	vst v63  }
0x14a: {  	_ =	swait.ge [sflag:s22], $0x80  }
0x14b: {  	[sflag:s22] =	ssyncset.done $0x0  }
0x14c: {  	[sflag:s22] =	ssyncadd.s32 $0xFFFFFF80  }
0x14d: {  	_ =	swait.ge [sflag:s23], $0x4000  }
0x14e: {  	[sflag:s23] =	ssyncset.done $0x0  }
0x14f: {  	[sflag:s23] =	ssyncadd.s32 $0xFFFFC000  }
0x150: {  	[spmem:s2] =	stream.indirect.scatter.add.f32 [tilespmem:s11], [sflag:$0xC], $0x80, s9, s4, $0xb8;
	[tilespmem:$0x15680] =	vst v63  }
0x151: {  	v2 =	vld [tilespmem:$0x180];
	_ =	sdelay $0x7  }
0x152: {  	[tilespmem:v2+s14+$0x0] =	vst.idx.add.f32.msk $0xffff, v1  }
0x153: {  	v2 =	vld [tilespmem:$0x190];
	_ =	sdelay $0x7  }
0x154: {  	[tilespmem:v2+s14+$0x0] =	vst.idx.add.f32.msk $0xffff, v1  }
0x155: {  	v2 =	vld [tilespmem:$0x1A0];
	_ =	sdelay $0x7  }
0x156: {  	[tilespmem:v2+s14+$0x0] =	vst.idx.add.f32.msk $0xffff, v1  }
0x157: {  	v2 =	vld [tilespmem:$0x1B0];
	_ =	sdelay $0x7  }
0x158: {  	[tilespmem:v2+s14+$0x0] =	vst.idx.add.f32.msk $0xffff, v1  }
0x159: {  	v2 =	vld [tilespmem:$0x1C0];
	_ =	sdelay $0x7  }
0x15a: {  	[tilespmem:v2+s14+$0x0] =	vst.idx.add.f32.msk $0xffff, v1  }
0x15b: {  	v2 =	vld [tilespmem:$0x1D0];
	_ =	sdelay $0x7  }
0x15c: {  	[tilespmem:v2+s14+$0x0] =	vst.idx.add.f32.msk $0xffff, v1  }
0x15d: {  	v2 =	vld [tilespmem:$0x1E0];
	_ =	sdelay $0x7  }
0x15e: {  	[tilespmem:v2+s14+$0x0] =	vst.idx.add.f32.msk $0xffff, v1  }
0x15f: {  	v2 =	vld [tilespmem:$0x1F0];
	_ =	sdelay $0x7  }
0x160: {  	[tilespmem:v2+s14+$0x0] =	vst.idx.add.f32.msk $0xffff, v1  }
0x161: {  	_ =	swait.ge [sflag:s24], $0x4000  }
0x162: {  	[sflag:s24] =	ssyncset.done $0x0  }
0x163: {  	s28 =	rddreg [dreg:$0x1d];
	[sflag:s24] =	ssyncadd.s32 $0xFFFFC000  }
0x164: {  	[tilespmem:s9], [sflag:$0x4] =	stream.linear.gather [hbm4b:s28+s3], $0x80, $0x38;
	[tilespmem:$0x15680] =	vst v63  }
0x165: {  	s29 =	rddreg [dreg:$0x1e]  }
0x166: {  	[tilespmem:s11], [sflag:$0x8] =	stream.linear.gather [hbm4b:s29+s3], $0x4000, $0x38;
	[tilespmem:$0x15680] =	vst v63  }
0x167: {  	_ =	swait.ge [sflag:s12], $0x80  }
0x168: {  	[sflag:s12] =	ssyncset.done $0x0  }
0x169: {  	[sflag:s12] =	ssyncadd.s32 $0xFFFFFF80  }
0x16a: {  	_ =	swait.ge [sflag:s13], $0x4000  }
0x16b: {  	[sflag:s13] =	ssyncset.done $0x0  }
0x16c: {  	[sflag:s13] =	ssyncadd.s32 $0xFFFFC000  }
0x16d: {  	[spmem:s2] =	stream.indirect.scatter.add.f32 [tilespmem:s1], [sflag:$0x9], $0x80, s3, s4, $0xb8;
	[tilespmem:$0x15680] =	vst v63  }
0x16e: {  	v2 =	vld [tilespmem:$0x0];
	_ =	sdelay $0x7  }
0x16f: {  	[tilespmem:v2+s14+$0x0] =	vst.idx.add.f32.msk $0xffff, v1  }
0x170: {  	v2 =	vld [tilespmem:$0x10];
	_ =	sdelay $0x7  }
0x171: {  	[tilespmem:v2+s14+$0x0] =	vst.idx.add.f32.msk $0xffff, v1  }
0x172: {  	v2 =	vld [tilespmem:$0x20];
	_ =	sdelay $0x7  }
0x173: {  	[tilespmem:v2+s14+$0x0] =	vst.idx.add.f32.msk $0xffff, v1  }
0x174: {  	v2 =	vld [tilespmem:$0x30];
	_ =	sdelay $0x7  }
0x175: {  	[tilespmem:v2+s14+$0x0] =	vst.idx.add.f32.msk $0xffff, v1  }
0x176: {  	v2 =	vld [tilespmem:$0x40];
	_ =	sdelay $0x7  }
0x177: {  	[tilespmem:v2+s14+$0x0] =	vst.idx.add.f32.msk $0xffff, v1  }
0x178: {  	v2 =	vld [tilespmem:$0x50];
	_ =	sdelay $0x7  }
0x179: {  	[tilespmem:v2+s14+$0x0] =	vst.idx.add.f32.msk $0xffff, v1  }
0x17a: {  	v2 =	vld [tilespmem:$0x60];
	_ =	sdelay $0x7  }
0x17b: {  	[tilespmem:v2+s14+$0x0] =	vst.idx.add.f32.msk $0xffff, v1  }
0x17c: {  	v2 =	vld [tilespmem:$0x70];
	_ =	sdelay $0x7  }
0x17d: {  	[tilespmem:v2+s14+$0x0] =	vst.idx.add.f32.msk $0xffff, v1  }
0x17e: {  	_ =	swait.ge [sflag:s15], $0x4000  }
0x17f: {  	[sflag:s15] =	ssyncset.done $0x0;
	s30 =	rddreg [dreg:$0x1f]  }
0x180: {  	s31 =	sld [smem:$0x7E1];
	[sflag:s15] =	ssyncadd.s32 $0xFFFFC000  }
0x181: {  	[tilespmem:s3], [sflag:$0x1] =	stream.linear.gather [hbm4b:s30+s3], $0x80, $0x38;
	[tilespmem:$0x15680] =	vst v63  }
0x182: {  	_ = 	snop  }
0x183: {  	[tilespmem:s1], [sflag:$0x5] =	stream.linear.gather [hbm4b:s31+s3], $0x4000, $0x38;
	[tilespmem:$0x15680] =	vst v63  }
0x184: {  	_ =	swait.ge [sflag:s16], $0x80  }
0x185: {  	[sflag:s16] =	ssyncset.done $0x0  }
0x186: {  	[sflag:s16] =	ssyncadd.s32 $0xFFFFFF80  }
0x187: {  	_ =	swait.ge [sflag:s17], $0x4000  }
0x188: {  	[sflag:s17] =	ssyncset.done $0x0  }
0x189: {  	[sflag:s17] =	ssyncadd.s32 $0xFFFFC000  }
0x18a: {  	[spmem:s2] =	stream.indirect.scatter.add.f32 [tilespmem:s5], [sflag:$0xA], $0x80, s4, s4, $0xb8;
	[tilespmem:$0x15680] =	vst v63  }
0x18b: {  	v2 =	vld [tilespmem:$0x80];
	_ =	sdelay $0x7  }
0x18c: {  	[tilespmem:v2+s14+$0x0] =	vst.idx.add.f32.msk $0xffff, v1  }
0x18d: {  	v2 =	vld [tilespmem:$0x90];
	_ =	sdelay $0x7  }
0x18e: {  	[tilespmem:v2+s14+$0x0] =	vst.idx.add.f32.msk $0xffff, v1  }
0x18f: {  	v2 =	vld [tilespmem:$0xA0];
	_ =	sdelay $0x7  }
0x190: {  	[tilespmem:v2+s14+$0x0] =	vst.idx.add.f32.msk $0xffff, v1  }
0x191: {  	v2 =	vld [tilespmem:$0xB0];
	_ =	sdelay $0x7  }
0x192: {  	[tilespmem:v2+s14+$0x0] =	vst.idx.add.f32.msk $0xffff, v1  }
0x193: {  	v2 =	vld [tilespmem:$0xC0];
	_ =	sdelay $0x7  }
0x194: {  	[tilespmem:v2+s14+$0x0] =	vst.idx.add.f32.msk $0xffff, v1  }
0x195: {  	v2 =	vld [tilespmem:$0xD0];
	_ =	sdelay $0x7  }
0x196: {  	[tilespmem:v2+s14+$0x0] =	vst.idx.add.f32.msk $0xffff, v1  }
0x197: {  	v2 =	vld [tilespmem:$0xE0];
	_ =	sdelay $0x7  }
0x198: {  	[tilespmem:v2+s14+$0x0] =	vst.idx.add.f32.msk $0xffff, v1  }
0x199: {  	v2 =	vld [tilespmem:$0xF0];
	_ =	sdelay $0x7  }
0x19a: {  	[tilespmem:v2+s14+$0x0] =	vst.idx.add.f32.msk $0xffff, v1  }
0x19b: {  	_ =	swait.ge [sflag:s18], $0x4000  }
0x19c: {  	s10 =	sld [smem:$0x7E2]  }
0x19d: {  	[sflag:s18] =	ssyncset.done $0x0  }
0x19e: {  	s26 =	sld [smem:$0x7E3];
	[sflag:s18] =	ssyncadd.s32 $0xFFFFC000  }
0x19f: {  	[tilespmem:s4], [sflag:$0x2] =	stream.linear.gather [hbm4b:s10+s3], $0x80, $0x38;
	[tilespmem:$0x15680] =	vst v63  }
0x1a0: {  	_ = 	snop  }
0x1a1: {  	[tilespmem:s5], [sflag:$0x6] =	stream.linear.gather [hbm4b:s26+s3], $0x4000, $0x38;
	[tilespmem:$0x15680] =	vst v63  }
0x1a2: {  	_ =	swait.ge [sflag:s19], $0x80  }
0x1a3: {  	[sflag:s19] =	ssyncset.done $0x0  }
0x1a4: {  	[sflag:s19] =	ssyncadd.s32 $0xFFFFFF80  }
0x1a5: {  	_ =	swait.ge [sflag:s20], $0x4000  }
0x1a6: {  	[sflag:s20] =	ssyncset.done $0x0  }
0x1a7: {  	[sflag:s20] =	ssyncadd.s32 $0xFFFFC000  }
0x1a8: {  	[spmem:s2] =	stream.indirect.scatter.add.f32 [tilespmem:s7], [sflag:$0xB], $0x80, s6, s4, $0xb8;
	[tilespmem:$0x15680] =	vst v63  }
0x1a9: {  	v2 =	vld [tilespmem:$0x100];
	_ =	sdelay $0x7  }
0x1aa: {  	[tilespmem:v2+s14+$0x0] =	vst.idx.add.f32.msk $0xffff, v1  }
0x1ab: {  	v2 =	vld [tilespmem:$0x110];
	_ =	sdelay $0x7  }
0x1ac: {  	[tilespmem:v2+s14+$0x0] =	vst.idx.add.f32.msk $0xffff, v1  }
0x1ad: {  	v2 =	vld [tilespmem:$0x120];
	_ =	sdelay $0x7  }
0x1ae: {  	[tilespmem:v2+s14+$0x0] =	vst.idx.add.f32.msk $0xffff, v1  }
0x1af: {  	v2 =	vld [tilespmem:$0x130];
	_ =	sdelay $0x7  }
0x1b0: {  	[tilespmem:v2+s14+$0x0] =	vst.idx.add.f32.msk $0xffff, v1  }
0x1b1: {  	v2 =	vld [tilespmem:$0x140];
	_ =	sdelay $0x7  }
0x1b2: {  	[tilespmem:v2+s14+$0x0] =	vst.idx.add.f32.msk $0xffff, v1  }
0x1b3: {  	v2 =	vld [tilespmem:$0x150];
	_ =	sdelay $0x7  }
0x1b4: {  	[tilespmem:v2+s14+$0x0] =	vst.idx.add.f32.msk $0xffff, v1  }
0x1b5: {  	v2 =	vld [tilespmem:$0x160];
	_ =	sdelay $0x7  }
0x1b6: {  	[tilespmem:v2+s14+$0x0] =	vst.idx.add.f32.msk $0xffff, v1  }
0x1b7: {  	v2 =	vld [tilespmem:$0x170];
	_ =	sdelay $0x7  }
0x1b8: {  	[tilespmem:v2+s14+$0x0] =	vst.idx.add.f32.msk $0xffff, v1  }
0x1b9: {  	_ =	swait.ge [sflag:s21], $0x4000  }
0x1ba: {  	s28 =	sld [smem:$0x7E4]  }
0x1bb: {  	[sflag:s21] =	ssyncset.done $0x0  }
0x1bc: {  	s29 =	sld [smem:$0x7E5];
	[sflag:s21] =	ssyncadd.s32 $0xFFFFC000  }
0x1bd: {  	[tilespmem:s6], [sflag:$0x3] =	stream.linear.gather [hbm4b:s28+s3], $0x80, $0x38;
	[tilespmem:$0x15680] =	vst v63  }
0x1be: {  	_ = 	snop  }
0x1bf: {  	[tilespmem:s7], [sflag:$0x7] =	stream.linear.gather [hbm4b:s29+s3], $0x4000, $0x38;
	[tilespmem:$0x15680] =	vst v63  }
0x1c0: {  	_ =	swait.ge [sflag:s22], $0x80  }
0x1c1: {  	[sflag:s22] =	ssyncset.done $0x0  }
0x1c2: {  	[sflag:s22] =	ssyncadd.s32 $0xFFFFFF80  }
0x1c3: {  	_ =	swait.ge [sflag:s23], $0x4000  }
0x1c4: {  	[sflag:s23] =	ssyncset.done $0x0  }
0x1c5: {  	[sflag:s23] =	ssyncadd.s32 $0xFFFFC000  }
0x1c6: {  	[spmem:s2] =	stream.indirect.scatter.add.f32 [tilespmem:s11], [sflag:$0xC], $0x80, s9, s4, $0xb8;
	[tilespmem:$0x15680] =	vst v63  }
0x1c7: {  	v2 =	vld [tilespmem:$0x180];
	_ =	sdelay $0x7  }
0x1c8: {  	[tilespmem:v2+s14+$0x0] =	vst.idx.add.f32.msk $0xffff, v1  }
0x1c9: {  	v2 =	vld [tilespmem:$0x190];
	_ =	sdelay $0x7  }
0x1ca: {  	[tilespmem:v2+s14+$0x0] =	vst.idx.add.f32.msk $0xffff, v1  }
0x1cb: {  	v2 =	vld [tilespmem:$0x1A0];
	_ =	sdelay $0x7  }
0x1cc: {  	[tilespmem:v2+s14+$0x0] =	vst.idx.add.f32.msk $0xffff, v1  }
0x1cd: {  	v2 =	vld [tilespmem:$0x1B0];
	_ =	sdelay $0x7  }
0x1ce: {  	[tilespmem:v2+s14+$0x0] =	vst.idx.add.f32.msk $0xffff, v1  }
0x1cf: {  	v2 =	vld [tilespmem:$0x1C0];
	_ =	sdelay $0x7  }
0x1d0: {  	[tilespmem:v2+s14+$0x0] =	vst.idx.add.f32.msk $0xffff, v1  }
0x1d1: {  	v2 =	vld [tilespmem:$0x1D0];
	_ =	sdelay $0x7  }
0x1d2: {  	[tilespmem:v2+s14+$0x0] =	vst.idx.add.f32.msk $0xffff, v1  }
0x1d3: {  	v2 =	vld [tilespmem:$0x1E0];
	_ =	sdelay $0x7  }
0x1d4: {  	[tilespmem:v2+s14+$0x0] =	vst.idx.add.f32.msk $0xffff, v1  }
0x1d5: {  	v2 =	vld [tilespmem:$0x1F0];
	_ =	sdelay $0x7  }
0x1d6: {  	[tilespmem:v2+s14+$0x0] =	vst.idx.add.f32.msk $0xffff, v1  }
0x1d7: {  	_ =	swait.ge [sflag:s24], $0x4000  }
0x1d8: {  	s30 =	sld [smem:$0x7E6]  }
0x1d9: {  	[sflag:s24] =	ssyncset.done $0x0  }
0x1da: {  	s31 =	sld [smem:$0x7E7];
	[sflag:s24] =	ssyncadd.s32 $0xFFFFC000  }
0x1db: {  	[tilespmem:s9], [sflag:$0x4] =	stream.linear.gather [hbm4b:s30+s3], $0x80, $0x38;
	[tilespmem:$0x15680] =	vst v63  }
0x1dc: {  	_ = 	snop  }
0x1dd: {  	[tilespmem:s11], [sflag:$0x8] =	stream.linear.gather [hbm4b:s31+s3], $0x4000, $0x38;
	[tilespmem:$0x15680] =	vst v63  }
0x1de: {  	_ =	swait.ge [sflag:s12], $0x80  }
0x1df: {  	[sflag:s12] =	ssyncset.done $0x0  }
0x1e0: {  	[sflag:s12] =	ssyncadd.s32 $0xFFFFFF80  }
0x1e1: {  	_ =	swait.ge [sflag:s13], $0x4000  }
0x1e2: {  	[sflag:s13] =	ssyncset.done $0x0  }
0x1e3: {  	[sflag:s13] =	ssyncadd.s32 $0xFFFFC000  }
0x1e4: {  	[spmem:s2] =	stream.indirect.scatter.add.f32 [tilespmem:s1], [sflag:$0x9], $0x80, s3, s4, $0xb8;
	[tilespmem:$0x15680] =	vst v63  }
0x1e5: {  	v2 =	vld [tilespmem:$0x0];
	_ =	sdelay $0x7  }
0x1e6: {  	[tilespmem:v2+s14+$0x0] =	vst.idx.add.f32.msk $0xffff, v1  }
0x1e7: {  	v2 =	vld [tilespmem:$0x10];
	_ =	sdelay $0x7  }
0x1e8: {  	[tilespmem:v2+s14+$0x0] =	vst.idx.add.f32.msk $0xffff, v1  }
0x1e9: {  	v2 =	vld [tilespmem:$0x20];
	_ =	sdelay $0x7  }
0x1ea: {  	[tilespmem:v2+s14+$0x0] =	vst.idx.add.f32.msk $0xffff, v1  }
0x1eb: {  	v2 =	vld [tilespmem:$0x30];
	_ =	sdelay $0x7  }
0x1ec: {  	[tilespmem:v2+s14+$0x0] =	vst.idx.add.f32.msk $0xffff, v1  }
0x1ed: {  	v2 =	vld [tilespmem:$0x40];
	_ =	sdelay $0x7  }
0x1ee: {  	[tilespmem:v2+s14+$0x0] =	vst.idx.add.f32.msk $0xffff, v1  }
0x1ef: {  	v2 =	vld [tilespmem:$0x50];
	_ =	sdelay $0x7  }
0x1f0: {  	[tilespmem:v2+s14+$0x0] =	vst.idx.add.f32.msk $0xffff, v1  }
0x1f1: {  	v2 =	vld [tilespmem:$0x60];
	_ =	sdelay $0x7  }
0x1f2: {  	[tilespmem:v2+s14+$0x0] =	vst.idx.add.f32.msk $0xffff, v1  }
0x1f3: {  	v2 =	vld [tilespmem:$0x70];
	_ =	sdelay $0x7  }
0x1f4: {  	[tilespmem:v2+s14+$0x0] =	vst.idx.add.f32.msk $0xffff, v1  }
0x1f5: {  	_ =	swait.ge [sflag:s15], $0x4000  }
0x1f6: {  	s10 =	sld [smem:$0x7E8]  }
0x1f7: {  	[sflag:s15] =	ssyncset.done $0x0  }
0x1f8: {  	s26 =	sld [smem:$0x7E9];
	[sflag:s15] =	ssyncadd.s32 $0xFFFFC000  }
0x1f9: {  	[tilespmem:s3], [sflag:$0x1] =	stream.linear.gather [hbm4b:s10+s3], $0x80, $0x38;
	[tilespmem:$0x15680] =	vst v63  }
0x1fa: {  	_ = 	snop  }
0x1fb: {  	[tilespmem:s1], [sflag:$0x5] =	stream.linear.gather [hbm4b:s26+s3], $0x4000, $0x38;
	[tilespmem:$0x15680] =	vst v63  }
0x1fc: {  	_ =	swait.ge [sflag:s16], $0x80  }
0x1fd: {  	[sflag:s16] =	ssyncset.done $0x0  }
0x1fe: {  	[sflag:s16] =	ssyncadd.s32 $0xFFFFFF80  }
0x1ff: {  	_ =	swait.ge [sflag:s17], $0x4000  }
0x200: {  	[sflag:s17] =	ssyncset.done $0x0  }
0x201: {  	[sflag:s17] =	ssyncadd.s32 $0xFFFFC000  }
0x202: {  	[spmem:s2] =	stream.indirect.scatter.add.f32 [tilespmem:s5], [sflag:$0xA], $0x80, s4, s4, $0xb8;
	[tilespmem:$0x15680] =	vst v63  }
0x203: {  	v2 =	vld [tilespmem:$0x80];
	_ =	sdelay $0x7  }
0x204: {  	[tilespmem:v2+s14+$0x0] =	vst.idx.add.f32.msk $0xffff, v1  }
0x205: {  	v2 =	vld [tilespmem:$0x90];
	_ =	sdelay $0x7  }
0x206: {  	[tilespmem:v2+s14+$0x0] =	vst.idx.add.f32.msk $0xffff, v1  }
0x207: {  	v2 =	vld [tilespmem:$0xA0];
	_ =	sdelay $0x7  }
0x208: {  	[tilespmem:v2+s14+$0x0] =	vst.idx.add.f32.msk $0xffff, v1  }
0x209: {  	v2 =	vld [tilespmem:$0xB0];
	_ =	sdelay $0x7  }
0x20a: {  	[tilespmem:v2+s14+$0x0] =	vst.idx.add.f32.msk $0xffff, v1  }
0x20b: {  	v2 =	vld [tilespmem:$0xC0];
	_ =	sdelay $0x7  }
0x20c: {  	[tilespmem:v2+s14+$0x0] =	vst.idx.add.f32.msk $0xffff, v1  }
0x20d: {  	v2 =	vld [tilespmem:$0xD0];
	_ =	sdelay $0x7  }
0x20e: {  	[tilespmem:v2+s14+$0x0] =	vst.idx.add.f32.msk $0xffff, v1  }
0x20f: {  	v2 =	vld [tilespmem:$0xE0];
	_ =	sdelay $0x7  }
0x210: {  	[tilespmem:v2+s14+$0x0] =	vst.idx.add.f32.msk $0xffff, v1  }
0x211: {  	v2 =	vld [tilespmem:$0xF0];
	_ =	sdelay $0x7  }
0x212: {  	[tilespmem:v2+s14+$0x0] =	vst.idx.add.f32.msk $0xffff, v1  }
0x213: {  	_ =	swait.ge [sflag:s18], $0x4000  }
0x214: {  	s28 =	sld [smem:$0x7EA]  }
0x215: {  	[sflag:s18] =	ssyncset.done $0x0  }
0x216: {  	s29 =	sld [smem:$0x7EB];
	[sflag:s18] =	ssyncadd.s32 $0xFFFFC000  }
0x217: {  	[tilespmem:s4], [sflag:$0x2] =	stream.linear.gather [hbm4b:s28+s3], $0x80, $0x38;
	[tilespmem:$0x15680] =	vst v63  }
0x218: {  	_ = 	snop  }
0x219: {  	[tilespmem:s5], [sflag:$0x6] =	stream.linear.gather [hbm4b:s29+s3], $0x4000, $0x38;
	[tilespmem:$0x15680] =	vst v63  }
0x21a: {  	_ =	swait.ge [sflag:s19], $0x80  }
0x21b: {  	[sflag:s19] =	ssyncset.done $0x0  }
0x21c: {  	[sflag:s19] =	ssyncadd.s32 $0xFFFFFF80  }
0x21d: {  	_ =	swait.ge [sflag:s20], $0x4000  }
0x21e: {  	[sflag:s20] =	ssyncset.done $0x0  }
0x21f: {  	[sflag:s20] =	ssyncadd.s32 $0xFFFFC000  }
0x220: {  	[spmem:s2] =	stream.indirect.scatter.add.f32 [tilespmem:s7], [sflag:$0xB], $0x80, s6, s4, $0xb8;
	[tilespmem:$0x15680] =	vst v63  }
0x221: {  	v2 =	vld [tilespmem:$0x100];
	_ =	sdelay $0x7  }
0x222: {  	[tilespmem:v2+s14+$0x0] =	vst.idx.add.f32.msk $0xffff, v1  }
0x223: {  	v2 =	vld [tilespmem:$0x110];
	_ =	sdelay $0x7  }
0x224: {  	[tilespmem:v2+s14+$0x0] =	vst.idx.add.f32.msk $0xffff, v1  }
0x225: {  	v2 =	vld [tilespmem:$0x120];
	_ =	sdelay $0x7  }
0x226: {  	[tilespmem:v2+s14+$0x0] =	vst.idx.add.f32.msk $0xffff, v1  }
0x227: {  	v2 =	vld [tilespmem:$0x130];
	_ =	sdelay $0x7  }
0x228: {  	[tilespmem:v2+s14+$0x0] =	vst.idx.add.f32.msk $0xffff, v1  }
0x229: {  	v2 =	vld [tilespmem:$0x140];
	_ =	sdelay $0x7  }
0x22a: {  	[tilespmem:v2+s14+$0x0] =	vst.idx.add.f32.msk $0xffff, v1  }
0x22b: {  	v2 =	vld [tilespmem:$0x150];
	_ =	sdelay $0x7  }
0x22c: {  	[tilespmem:v2+s14+$0x0] =	vst.idx.add.f32.msk $0xffff, v1  }
0x22d: {  	v2 =	vld [tilespmem:$0x160];
	_ =	sdelay $0x7  }
0x22e: {  	[tilespmem:v2+s14+$0x0] =	vst.idx.add.f32.msk $0xffff, v1  }
0x22f: {  	v2 =	vld [tilespmem:$0x170];
	_ =	sdelay $0x7  }
0x230: {  	[tilespmem:v2+s14+$0x0] =	vst.idx.add.f32.msk $0xffff, v1  }
0x231: {  	_ =	swait.ge [sflag:s21], $0x4000  }
0x232: {  	s30 =	sld [smem:$0x7EC]  }
0x233: {  	[sflag:s21] =	ssyncset.done $0x0  }
0x234: {  	s31 =	sld [smem:$0x7ED];
	[sflag:s21] =	ssyncadd.s32 $0xFFFFC000  }
0x235: {  	[tilespmem:s6], [sflag:$0x3] =	stream.linear.gather [hbm4b:s30+s3], $0x80, $0x38;
	[tilespmem:$0x15680] =	vst v63  }
0x236: {  	_ = 	snop  }
0x237: {  	[tilespmem:s7], [sflag:$0x7] =	stream.linear.gather [hbm4b:s31+s3], $0x4000, $0x38;
	[tilespmem:$0x15680] =	vst v63  }
0x238: {  	_ =	swait.ge [sflag:s22], $0x80  }
0x239: {  	[sflag:s22] =	ssyncset.done $0x0  }
0x23a: {  	[sflag:s22] =	ssyncadd.s32 $0xFFFFFF80  }
0x23b: {  	_ =	swait.ge [sflag:s23], $0x4000  }
0x23c: {  	[sflag:s23] =	ssyncset.done $0x0  }
0x23d: {  	[sflag:s23] =	ssyncadd.s32 $0xFFFFC000  }
0x23e: {  	[spmem:s2] =	stream.indirect.scatter.add.f32 [tilespmem:s11], [sflag:$0xC], $0x80, s9, s4, $0xb8;
	[tilespmem:$0x15680] =	vst v63  }
0x23f: {  	v2 =	vld [tilespmem:$0x180];
	_ =	sdelay $0x7  }
0x240: {  	[tilespmem:v2+s14+$0x0] =	vst.idx.add.f32.msk $0xffff, v1  }
0x241: {  	v2 =	vld [tilespmem:$0x190];
	_ =	sdelay $0x7  }
0x242: {  	[tilespmem:v2+s14+$0x0] =	vst.idx.add.f32.msk $0xffff, v1  }
0x243: {  	v2 =	vld [tilespmem:$0x1A0];
	_ =	sdelay $0x7  }
0x244: {  	[tilespmem:v2+s14+$0x0] =	vst.idx.add.f32.msk $0xffff, v1  }
0x245: {  	v2 =	vld [tilespmem:$0x1B0];
	_ =	sdelay $0x7  }
0x246: {  	[tilespmem:v2+s14+$0x0] =	vst.idx.add.f32.msk $0xffff, v1  }
0x247: {  	v2 =	vld [tilespmem:$0x1C0];
	_ =	sdelay $0x7  }
0x248: {  	[tilespmem:v2+s14+$0x0] =	vst.idx.add.f32.msk $0xffff, v1  }
0x249: {  	v2 =	vld [tilespmem:$0x1D0];
	_ =	sdelay $0x7  }
0x24a: {  	[tilespmem:v2+s14+$0x0] =	vst.idx.add.f32.msk $0xffff, v1  }
0x24b: {  	v2 =	vld [tilespmem:$0x1E0];
	_ =	sdelay $0x7  }
0x24c: {  	[tilespmem:v2+s14+$0x0] =	vst.idx.add.f32.msk $0xffff, v1  }
0x24d: {  	v2 =	vld [tilespmem:$0x1F0];
	_ =	sdelay $0x7  }
0x24e: {  	[tilespmem:v2+s14+$0x0] =	vst.idx.add.f32.msk $0xffff, v1  }
0x24f: {  	_ =	swait.ge [sflag:s24], $0x4000  }
0x250: {  	s10 =	sld [smem:$0x7EE]  }
0x251: {  	[sflag:s24] =	ssyncset.done $0x0  }
0x252: {  	s26 =	sld [smem:$0x7EF];
	[sflag:s24] =	ssyncadd.s32 $0xFFFFC000  }
0x253: {  	[tilespmem:s9], [sflag:$0x4] =	stream.linear.gather [hbm4b:s10+s3], $0x80, $0x38;
	[tilespmem:$0x15680] =	vst v63  }
0x254: {  	_ = 	snop  }
0x255: {  	[tilespmem:s11], [sflag:$0x8] =	stream.linear.gather [hbm4b:s26+s3], $0x4000, $0x38;
	[tilespmem:$0x15680] =	vst v63  }
0x256: {  	_ =	swait.ge [sflag:s12], $0x80  }
0x257: {  	[sflag:s12] =	ssyncset.done $0x0  }
0x258: {  	[sflag:s12] =	ssyncadd.s32 $0xFFFFFF80  }
0x259: {  	_ =	swait.ge [sflag:s13], $0x4000  }
0x25a: {  	[sflag:s13] =	ssyncset.done $0x0  }
0x25b: {  	[sflag:s13] =	ssyncadd.s32 $0xFFFFC000  }
0x25c: {  	[spmem:s2] =	stream.indirect.scatter.add.f32 [tilespmem:s1], [sflag:$0x9], $0x80, s3, s4, $0xb8;
	[tilespmem:$0x15680] =	vst v63  }
0x25d: {  	v2 =	vld [tilespmem:$0x0];
	_ =	sdelay $0x7  }
0x25e: {  	[tilespmem:v2+s14+$0x0] =	vst.idx.add.f32.msk $0xffff, v1  }
0x25f: {  	v2 =	vld [tilespmem:$0x10];
	_ =	sdelay $0x7  }
0x260: {  	[tilespmem:v2+s14+$0x0] =	vst.idx.add.f32.msk $0xffff, v1  }
0x261: {  	v2 =	vld [tilespmem:$0x20];
	_ =	sdelay $0x7  }
0x262: {  	[tilespmem:v2+s14+$0x0] =	vst.idx.add.f32.msk $0xffff, v1  }
0x263: {  	v2 =	vld [tilespmem:$0x30];
	_ =	sdelay $0x7  }
0x264: {  	[tilespmem:v2+s14+$0x0] =	vst.idx.add.f32.msk $0xffff, v1  }
0x265: {  	v2 =	vld [tilespmem:$0x40];
	_ =	sdelay $0x7  }
0x266: {  	[tilespmem:v2+s14+$0x0] =	vst.idx.add.f32.msk $0xffff, v1  }
0x267: {  	v2 =	vld [tilespmem:$0x50];
	_ =	sdelay $0x7  }
0x268: {  	[tilespmem:v2+s14+$0x0] =	vst.idx.add.f32.msk $0xffff, v1  }
0x269: {  	v2 =	vld [tilespmem:$0x60];
	_ =	sdelay $0x7  }
0x26a: {  	[tilespmem:v2+s14+$0x0] =	vst.idx.add.f32.msk $0xffff, v1  }
0x26b: {  	v2 =	vld [tilespmem:$0x70];
	_ =	sdelay $0x7  }
0x26c: {  	[tilespmem:v2+s14+$0x0] =	vst.idx.add.f32.msk $0xffff, v1  }
0x26d: {  	_ =	swait.ge [sflag:s15], $0x4000  }
0x26e: {  	s28 =	sld [smem:$0x7F0]  }
0x26f: {  	[sflag:s15] =	ssyncset.done $0x0  }
0x270: {  	s29 =	sld [smem:$0x7F1];
	[sflag:s15] =	ssyncadd.s32 $0xFFFFC000  }
0x271: {  	[tilespmem:s3], [sflag:$0x1] =	stream.linear.gather [hbm4b:s28+s3], $0x80, $0x38;
	[tilespmem:$0x15680] =	vst v63  }
0x272: {  	_ = 	snop  }
0x273: {  	[tilespmem:s1], [sflag:$0x5] =	stream.linear.gather [hbm4b:s29+s3], $0x4000, $0x38;
	[tilespmem:$0x15680] =	vst v63  }
0x274: {  	_ =	swait.ge [sflag:s16], $0x80  }
0x275: {  	[sflag:s16] =	ssyncset.done $0x0  }
0x276: {  	[sflag:s16] =	ssyncadd.s32 $0xFFFFFF80  }
0x277: {  	_ =	swait.ge [sflag:s17], $0x4000  }
0x278: {  	[sflag:s17] =	ssyncset.done $0x0  }
0x279: {  	[sflag:s17] =	ssyncadd.s32 $0xFFFFC000  }
0x27a: {  	[spmem:s2] =	stream.indirect.scatter.add.f32 [tilespmem:s5], [sflag:$0xA], $0x80, s4, s4, $0xb8;
	[tilespmem:$0x15680] =	vst v63  }
0x27b: {  	v2 =	vld [tilespmem:$0x80];
	_ =	sdelay $0x7  }
0x27c: {  	[tilespmem:v2+s14+$0x0] =	vst.idx.add.f32.msk $0xffff, v1  }
0x27d: {  	v2 =	vld [tilespmem:$0x90];
	_ =	sdelay $0x7  }
0x27e: {  	[tilespmem:v2+s14+$0x0] =	vst.idx.add.f32.msk $0xffff, v1  }
0x27f: {  	v2 =	vld [tilespmem:$0xA0];
	_ =	sdelay $0x7  }
0x280: {  	[tilespmem:v2+s14+$0x0] =	vst.idx.add.f32.msk $0xffff, v1  }
0x281: {  	v2 =	vld [tilespmem:$0xB0];
	_ =	sdelay $0x7  }
0x282: {  	[tilespmem:v2+s14+$0x0] =	vst.idx.add.f32.msk $0xffff, v1  }
0x283: {  	v2 =	vld [tilespmem:$0xC0];
	_ =	sdelay $0x7  }
0x284: {  	[tilespmem:v2+s14+$0x0] =	vst.idx.add.f32.msk $0xffff, v1  }
0x285: {  	v2 =	vld [tilespmem:$0xD0];
	_ =	sdelay $0x7  }
0x286: {  	[tilespmem:v2+s14+$0x0] =	vst.idx.add.f32.msk $0xffff, v1  }
0x287: {  	v2 =	vld [tilespmem:$0xE0];
	_ =	sdelay $0x7  }
0x288: {  	[tilespmem:v2+s14+$0x0] =	vst.idx.add.f32.msk $0xffff, v1  }
0x289: {  	v2 =	vld [tilespmem:$0xF0];
	_ =	sdelay $0x7  }
0x28a: {  	[tilespmem:v2+s14+$0x0] =	vst.idx.add.f32.msk $0xffff, v1  }
0x28b: {  	_ =	swait.ge [sflag:s18], $0x4000  }
0x28c: {  	s30 =	sld [smem:$0x7F2]  }
0x28d: {  	[sflag:s18] =	ssyncset.done $0x0  }
0x28e: {  	s31 =	sld [smem:$0x7F3];
	[sflag:s18] =	ssyncadd.s32 $0xFFFFC000  }
0x28f: {  	[tilespmem:s4], [sflag:$0x2] =	stream.linear.gather [hbm4b:s30+s3], $0x80, $0x38;
	[tilespmem:$0x15680] =	vst v63  }
0x290: {  	_ = 	snop  }
0x291: {  	[tilespmem:s5], [sflag:$0x6] =	stream.linear.gather [hbm4b:s31+s3], $0x4000, $0x38;
	[tilespmem:$0x15680] =	vst v63  }
0x292: {  	_ =	swait.ge [sflag:s19], $0x80  }
0x293: {  	[sflag:s19] =	ssyncset.done $0x0  }
0x294: {  	[sflag:s19] =	ssyncadd.s32 $0xFFFFFF80  }
0x295: {  	_ =	swait.ge [sflag:s20], $0x4000  }
0x296: {  	[sflag:s20] =	ssyncset.done $0x0  }
0x297: {  	[sflag:s20] =	ssyncadd.s32 $0xFFFFC000  }
0x298: {  	[spmem:s2] =	stream.indirect.scatter.add.f32 [tilespmem:s7], [sflag:$0xB], $0x80, s6, s4, $0xb8;
	[tilespmem:$0x15680] =	vst v63  }
0x299: {  	v2 =	vld [tilespmem:$0x100];
	_ =	sdelay $0x7  }
0x29a: {  	[tilespmem:v2+s14+$0x0] =	vst.idx.add.f32.msk $0xffff, v1  }
0x29b: {  	v2 =	vld [tilespmem:$0x110];
	_ =	sdelay $0x7  }
0x29c: {  	[tilespmem:v2+s14+$0x0] =	vst.idx.add.f32.msk $0xffff, v1  }
0x29d: {  	v2 =	vld [tilespmem:$0x120];
	_ =	sdelay $0x7  }
0x29e: {  	[tilespmem:v2+s14+$0x0] =	vst.idx.add.f32.msk $0xffff, v1  }
0x29f: {  	v2 =	vld [tilespmem:$0x130];
	_ =	sdelay $0x7  }
0x2a0: {  	[tilespmem:v2+s14+$0x0] =	vst.idx.add.f32.msk $0xffff, v1  }
0x2a1: {  	v2 =	vld [tilespmem:$0x140];
	_ =	sdelay $0x7  }
0x2a2: {  	[tilespmem:v2+s14+$0x0] =	vst.idx.add.f32.msk $0xffff, v1  }
0x2a3: {  	v2 =	vld [tilespmem:$0x150];
	_ =	sdelay $0x7  }
0x2a4: {  	[tilespmem:v2+s14+$0x0] =	vst.idx.add.f32.msk $0xffff, v1  }
0x2a5: {  	v2 =	vld [tilespmem:$0x160];
	_ =	sdelay $0x7  }
0x2a6: {  	[tilespmem:v2+s14+$0x0] =	vst.idx.add.f32.msk $0xffff, v1  }
0x2a7: {  	v2 =	vld [tilespmem:$0x170];
	_ =	sdelay $0x7  }
0x2a8: {  	[tilespmem:v2+s14+$0x0] =	vst.idx.add.f32.msk $0xffff, v1  }
0x2a9: {  	_ =	swait.ge [sflag:s21], $0x4000  }
0x2aa: {  	s10 =	sld [smem:$0x7F4]  }
0x2ab: {  	[sflag:s21] =	ssyncset.done $0x0  }
0x2ac: {  	s26 =	sld [smem:$0x7F5];
	[sflag:s21] =	ssyncadd.s32 $0xFFFFC000  }
0x2ad: {  	[tilespmem:s6], [sflag:$0x3] =	stream.linear.gather [hbm4b:s10+s3], $0x80, $0x38;
	[tilespmem:$0x15680] =	vst v63  }
0x2ae: {  	_ = 	snop  }
0x2af: {  	[tilespmem:s7], [sflag:$0x7] =	stream.linear.gather [hbm4b:s26+s3], $0x4000, $0x38;
	[tilespmem:$0x15680] =	vst v63  }
0x2b0: {  	_ =	swait.ge [sflag:s22], $0x80  }
0x2b1: {  	[sflag:s22] =	ssyncset.done $0x0  }
0x2b2: {  	[sflag:s22] =	ssyncadd.s32 $0xFFFFFF80  }
0x2b3: {  	_ =	swait.ge [sflag:s23], $0x4000  }
0x2b4: {  	[sflag:s23] =	ssyncset.done $0x0  }
0x2b5: {  	[sflag:s23] =	ssyncadd.s32 $0xFFFFC000  }
0x2b6: {  	[spmem:s2] =	stream.indirect.scatter.add.f32 [tilespmem:s11], [sflag:$0xC], $0x80, s9, s4, $0xb8;
	[tilespmem:$0x15680] =	vst v63  }
0x2b7: {  	v2 =	vld [tilespmem:$0x180];
	_ =	sdelay $0x7  }
0x2b8: {  	[tilespmem:v2+s14+$0x0] =	vst.idx.add.f32.msk $0xffff, v1  }
0x2b9: {  	v2 =	vld [tilespmem:$0x190];
	_ =	sdelay $0x7  }
0x2ba: {  	[tilespmem:v2+s14+$0x0] =	vst.idx.add.f32.msk $0xffff, v1  }
0x2bb: {  	v2 =	vld [tilespmem:$0x1A0];
	_ =	sdelay $0x7  }
0x2bc: {  	[tilespmem:v2+s14+$0x0] =	vst.idx.add.f32.msk $0xffff, v1  }
0x2bd: {  	v2 =	vld [tilespmem:$0x1B0];
	_ =	sdelay $0x7  }
0x2be: {  	[tilespmem:v2+s14+$0x0] =	vst.idx.add.f32.msk $0xffff, v1  }
0x2bf: {  	v2 =	vld [tilespmem:$0x1C0];
	_ =	sdelay $0x7  }
0x2c0: {  	[tilespmem:v2+s14+$0x0] =	vst.idx.add.f32.msk $0xffff, v1  }
0x2c1: {  	v2 =	vld [tilespmem:$0x1D0];
	_ =	sdelay $0x7  }
0x2c2: {  	[tilespmem:v2+s14+$0x0] =	vst.idx.add.f32.msk $0xffff, v1  }
0x2c3: {  	v2 =	vld [tilespmem:$0x1E0];
	_ =	sdelay $0x7  }
0x2c4: {  	[tilespmem:v2+s14+$0x0] =	vst.idx.add.f32.msk $0xffff, v1  }
0x2c5: {  	v2 =	vld [tilespmem:$0x1F0];
	_ =	sdelay $0x7  }
0x2c6: {  	[tilespmem:v2+s14+$0x0] =	vst.idx.add.f32.msk $0xffff, v1  }
0x2c7: {  	_ =	swait.ge [sflag:s24], $0x4000  }
0x2c8: {  	s28 =	sld [smem:$0x7F6]  }
0x2c9: {  	[sflag:s24] =	ssyncset.done $0x0  }
0x2ca: {  	s29 =	sld [smem:$0x7F7];
	[sflag:s24] =	ssyncadd.s32 $0xFFFFC000  }
0x2cb: {  	[tilespmem:s9], [sflag:$0x4] =	stream.linear.gather [hbm4b:s28+s3], $0x80, $0x38;
	[tilespmem:$0x15680] =	vst v63  }
0x2cc: {  	_ = 	snop  }
0x2cd: {  	[tilespmem:s11], [sflag:$0x8] =	stream.linear.gather [hbm4b:s29+s3], $0x4000, $0x38;
	[tilespmem:$0x15680] =	vst v63  }
0x2ce: {  	_ =	swait.ge [sflag:s12], $0x80  }
0x2cf: {  	[sflag:s12] =	ssyncset.done $0x0  }
0x2d0: {  	[sflag:s12] =	ssyncadd.s32 $0xFFFFFF80  }
0x2d1: {  	_ =	swait.ge [sflag:s13], $0x4000  }
0x2d2: {  	[sflag:s13] =	ssyncset.done $0x0  }
0x2d3: {  	[sflag:s13] =	ssyncadd.s32 $0xFFFFC000  }
0x2d4: {  	[spmem:s2] =	stream.indirect.scatter.add.f32 [tilespmem:s1], [sflag:$0x9], $0x80, s3, s4, $0xb8;
	[tilespmem:$0x15680] =	vst v63  }
0x2d5: {  	v2 =	vld [tilespmem:$0x0];
	_ =	sdelay $0x7  }
0x2d6: {  	[tilespmem:v2+s14+$0x0] =	vst.idx.add.f32.msk $0xffff, v1  }
0x2d7: {  	v2 =	vld [tilespmem:$0x10];
	_ =	sdelay $0x7  }
0x2d8: {  	[tilespmem:v2+s14+$0x0] =	vst.idx.add.f32.msk $0xffff, v1  }
0x2d9: {  	v2 =	vld [tilespmem:$0x20];
	_ =	sdelay $0x7  }
0x2da: {  	[tilespmem:v2+s14+$0x0] =	vst.idx.add.f32.msk $0xffff, v1  }
0x2db: {  	v2 =	vld [tilespmem:$0x30];
	_ =	sdelay $0x7  }
0x2dc: {  	[tilespmem:v2+s14+$0x0] =	vst.idx.add.f32.msk $0xffff, v1  }
0x2dd: {  	v2 =	vld [tilespmem:$0x40];
	_ =	sdelay $0x7  }
0x2de: {  	[tilespmem:v2+s14+$0x0] =	vst.idx.add.f32.msk $0xffff, v1  }
0x2df: {  	v2 =	vld [tilespmem:$0x50];
	_ =	sdelay $0x7  }
0x2e0: {  	[tilespmem:v2+s14+$0x0] =	vst.idx.add.f32.msk $0xffff, v1  }
0x2e1: {  	v2 =	vld [tilespmem:$0x60];
	_ =	sdelay $0x7  }
0x2e2: {  	[tilespmem:v2+s14+$0x0] =	vst.idx.add.f32.msk $0xffff, v1  }
0x2e3: {  	v2 =	vld [tilespmem:$0x70];
	_ =	sdelay $0x7  }
0x2e4: {  	[tilespmem:v2+s14+$0x0] =	vst.idx.add.f32.msk $0xffff, v1  }
0x2e5: {  	_ =	swait.ge [sflag:s15], $0x4000  }
0x2e6: {  	s0 =	sld [smem:$0x7F8]  }
0x2e7: {  	[sflag:s15] =	ssyncset.done $0x0  }
0x2e8: {  	s26 =	simm.s32 @!p0 $0x0;
	[sflag:s15] =	ssyncadd.s32 $0xFFFFC000  }
0x2e9: {  	[tilespmem:s26], [sflag:$0x1] =	stream.linear.gather @!p0 [hbm4b:s0+s26], $0x80, $0x38;
	[tilespmem:$0x15680] =	vst v63  }
0x2ea: {  	s0 =	sld [smem:$0x7F9];
	_ =	sdelay $0x1  }
0x2eb: {  	s28 =	simm.s32 @!p0 $0x200  }
0x2ec: {  	[tilespmem:s28], [sflag:$0x5] =	stream.linear.gather @!p0 [hbm4b:s0+s26], $0x4000, $0x38;
	[tilespmem:$0x15680] =	vst v63  }
0x2ed: {  	_ =	swait.ge [sflag:s16], $0x80  }
0x2ee: {  	[sflag:s16] =	ssyncset.done $0x0  }
0x2ef: {  	[sflag:s16] =	ssyncadd.s32 $0xFFFFFF80  }
0x2f0: {  	_ =	swait.ge [sflag:s17], $0x4000  }
0x2f1: {  	[sflag:s17] =	ssyncset.done $0x0  }
0x2f2: {  	[sflag:s17] =	ssyncadd.s32 $0xFFFFC000  }
0x2f3: {  	[spmem:s2] =	stream.indirect.scatter.add.f32 [tilespmem:s5], [sflag:$0xA], $0x80, s4, s4, $0xb8;
	[tilespmem:$0x15680] =	vst v63  }
0x2f4: {  	v2 =	vld [tilespmem:$0x80];
	_ =	sdelay $0x7  }
0x2f5: {  	[tilespmem:v2+s14+$0x0] =	vst.idx.add.f32.msk $0xffff, v1  }
0x2f6: {  	v2 =	vld [tilespmem:$0x90];
	_ =	sdelay $0x7  }
0x2f7: {  	[tilespmem:v2+s14+$0x0] =	vst.idx.add.f32.msk $0xffff, v1  }
0x2f8: {  	v2 =	vld [tilespmem:$0xA0];
	_ =	sdelay $0x7  }
0x2f9: {  	[tilespmem:v2+s14+$0x0] =	vst.idx.add.f32.msk $0xffff, v1  }
0x2fa: {  	v2 =	vld [tilespmem:$0xB0];
	_ =	sdelay $0x7  }
0x2fb: {  	[tilespmem:v2+s14+$0x0] =	vst.idx.add.f32.msk $0xffff, v1  }
0x2fc: {  	v2 =	vld [tilespmem:$0xC0];
	_ =	sdelay $0x7  }
0x2fd: {  	[tilespmem:v2+s14+$0x0] =	vst.idx.add.f32.msk $0xffff, v1  }
0x2fe: {  	v2 =	vld [tilespmem:$0xD0];
	_ =	sdelay $0x7  }
0x2ff: {  	[tilespmem:v2+s14+$0x0] =	vst.idx.add.f32.msk $0xffff, v1  }
0x300: {  	v2 =	vld [tilespmem:$0xE0];
	_ =	sdelay $0x7  }
0x301: {  	[tilespmem:v2+s14+$0x0] =	vst.idx.add.f32.msk $0xffff, v1  }
0x302: {  	v2 =	vld [tilespmem:$0xF0];
	_ =	sdelay $0x7  }
0x303: {  	[tilespmem:v2+s14+$0x0] =	vst.idx.add.f32.msk $0xffff, v1  }
0x304: {  	_ =	swait.ge [sflag:s19], $0x80  }
0x305: {  	[sflag:s19] =	ssyncset.done $0x0  }
0x306: {  	[sflag:s19] =	ssyncadd.s32 $0xFFFFFF80  }
0x307: {  	_ =	swait.ge [sflag:s20], $0x4000  }
0x308: {  	[sflag:s20] =	ssyncset.done $0x0  }
0x309: {  	[sflag:s20] =	ssyncadd.s32 $0xFFFFC000  }
0x30a: {  	[spmem:s2] =	stream.indirect.scatter.add.f32 [tilespmem:s7], [sflag:$0xB], $0x80, s6, s4, $0xb8;
	[tilespmem:$0x15680] =	vst v63  }
0x30b: {  	v2 =	vld [tilespmem:$0x100];
	_ =	sdelay $0x7  }
0x30c: {  	[tilespmem:v2+s14+$0x0] =	vst.idx.add.f32.msk $0xffff, v1  }
0x30d: {  	v2 =	vld [tilespmem:$0x110];
	_ =	sdelay $0x7  }
0x30e: {  	[tilespmem:v2+s14+$0x0] =	vst.idx.add.f32.msk $0xffff, v1  }
0x30f: {  	v2 =	vld [tilespmem:$0x120];
	_ =	sdelay $0x7  }
0x310: {  	[tilespmem:v2+s14+$0x0] =	vst.idx.add.f32.msk $0xffff, v1  }
0x311: {  	v2 =	vld [tilespmem:$0x130];
	_ =	sdelay $0x7  }
0x312: {  	[tilespmem:v2+s14+$0x0] =	vst.idx.add.f32.msk $0xffff, v1  }
0x313: {  	v2 =	vld [tilespmem:$0x140];
	_ =	sdelay $0x7  }
0x314: {  	[tilespmem:v2+s14+$0x0] =	vst.idx.add.f32.msk $0xffff, v1  }
0x315: {  	v2 =	vld [tilespmem:$0x150];
	_ =	sdelay $0x7  }
0x316: {  	[tilespmem:v2+s14+$0x0] =	vst.idx.add.f32.msk $0xffff, v1  }
0x317: {  	v2 =	vld [tilespmem:$0x160];
	_ =	sdelay $0x7  }
0x318: {  	[tilespmem:v2+s14+$0x0] =	vst.idx.add.f32.msk $0xffff, v1  }
0x319: {  	v2 =	vld [tilespmem:$0x170];
	_ =	sdelay $0x7  }
0x31a: {  	[tilespmem:v2+s14+$0x0] =	vst.idx.add.f32.msk $0xffff, v1  }
0x31b: {  	_ =	swait.ge [sflag:s22], $0x80  }
0x31c: {  	[sflag:s22] =	ssyncset.done $0x0  }
0x31d: {  	[sflag:s22] =	ssyncadd.s32 $0xFFFFFF80  }
0x31e: {  	_ =	swait.ge [sflag:s23], $0x4000  }
0x31f: {  	[sflag:s23] =	ssyncset.done $0x0  }
0x320: {  	[sflag:s23] =	ssyncadd.s32 $0xFFFFC000  }
0x321: {  	[spmem:s2] =	stream.indirect.scatter.add.f32 [tilespmem:s11], [sflag:$0xC], $0x80, s9, s4, $0xb8;
	[tilespmem:$0x15680] =	vst v63  }
0x322: {  	v2 =	vld [tilespmem:$0x180];
	_ =	sdelay $0x7  }
0x323: {  	[tilespmem:v2+s14+$0x0] =	vst.idx.add.f32.msk $0xffff, v1  }
0x324: {  	v2 =	vld [tilespmem:$0x190];
	_ =	sdelay $0x7  }
0x325: {  	[tilespmem:v2+s14+$0x0] =	vst.idx.add.f32.msk $0xffff, v1  }
0x326: {  	v2 =	vld [tilespmem:$0x1A0];
	_ =	sdelay $0x7  }
0x327: {  	[tilespmem:v2+s14+$0x0] =	vst.idx.add.f32.msk $0xffff, v1  }
0x328: {  	v2 =	vld [tilespmem:$0x1B0];
	_ =	sdelay $0x7  }
0x329: {  	[tilespmem:v2+s14+$0x0] =	vst.idx.add.f32.msk $0xffff, v1  }
0x32a: {  	v2 =	vld [tilespmem:$0x1C0];
	_ =	sdelay $0x7  }
0x32b: {  	[tilespmem:v2+s14+$0x0] =	vst.idx.add.f32.msk $0xffff, v1  }
0x32c: {  	v2 =	vld [tilespmem:$0x1D0];
	_ =	sdelay $0x7  }
0x32d: {  	[tilespmem:v2+s14+$0x0] =	vst.idx.add.f32.msk $0xffff, v1  }
0x32e: {  	v2 =	vld [tilespmem:$0x1E0];
	_ =	sdelay $0x7  }
0x32f: {  	[tilespmem:v2+s14+$0x0] =	vst.idx.add.f32.msk $0xffff, v1  }
0x330: {  	v2 =	vld [tilespmem:$0x1F0];
	_ =	sdelay $0x7  }
0x331: {  	s29 =	simm.s32 @p0 $0xA;
	[tilespmem:v2+s14+$0x0] =	vst.idx.add.f32.msk $0xffff, v1  }
0x332: {  	_ =	swait.ge @p0 [sflag:s29], $0x4000  }
0x333: {  	[sflag:s29] =	ssyncset.done @p0 $0x0  }
0x334: {  	[sflag:s29] =	ssyncadd.s32 @p0 $0xFFFFC000;
	s29 =	simm.s32 @p0 $0xB  }
0x335: {  	_ =	swait.ge @p0 [sflag:s29], $0x4000  }
0x336: {  	[sflag:s29] =	ssyncset.done @p0 $0x0  }
0x337: {  	[sflag:s29] =	ssyncadd.s32 @p0 $0xFFFFC000;
	s29 =	simm.s32 @p0 $0xC  }
0x338: {  	_ =	swait.ge @p0 [sflag:s29], $0x4000  }
0x339: {  	s0 =	sld [smem:$0x7FA]  }
0x33a: {  	s30 =	simm.s32 @!p1 $0x10200;
	[sflag:s29] =	ssyncset.done @p0 $0x0  }
0x33b: {  	s31 =	simm.s32 @!p1 $0xD;
	[sflag:s29] =	ssyncadd.s32 @p0 $0xFFFFC000;
	s29 =	simm.s32 @!p1 $0x0  }
0x33c: {  	[tilespmem:s30], [sflag:$0xD] =	stream.linear.gather @!p1 [hbm4b:s0+s29], $0x20, $0x38;
	[tilespmem:$0x15680] =	vst v63  }
0x33d: {  	_ =	swait.ge @!p1 [sflag:s31], $0x20  }
0x33e: {  	s10 =	sld [smem:$0x7FB]  }
0x33f: {  	[sflag:s31] =	ssyncset.done @!p1 $0x0  }
0x340: {  	s0 =	simm.s32 @!p1 $0x10280;
	[sflag:s31] =	ssyncadd.s32 @!p1 $0xFFFFFFE0  }
0x341: {  	[tilespmem:s0], [sflag:$0xD] =	stream.linear.gather @!p1 [hbm4b:s10+s29], $0x1000, $0x38;
	[tilespmem:$0x15680] =	vst v63  }
0x342: {  	_ =	swait.ge @!p1 [sflag:s31], $0x1000  }
0x343: {  	[sflag:s31] =	ssyncset.done @!p1 $0x0  }
0x344: {  	s29 =	simm.s32 @!p1 $0x20;
	[sflag:s31] =	ssyncadd.s32 @!p1 $0xFFFFF000  }
0x345: {  	[spmem:s2] =	stream.indirect.scatter.add.f32 @!p1 [tilespmem:s0], [sflag:$0xD], $0x80, s30, s29, $0xb8;
	[tilespmem:$0x15680] =	vst v63  }
0x346: {  	_ =	swait.ge @!p1 [sflag:s31], $0x1000  }
0x347: {  	[sflag:s31] =	ssyncset.done @!p1 $0x0  }
0x348: {  	[sflag:s31] =	ssyncadd.s32 @!p1 $0xFFFFF000  }
0x349: {  	v2 =	vld @!p1 [tilespmem:$0x10200];
	_ =	sdelay $0x6  }
0x34a: {  	v3 =	vimm.f32 @!p1 $1.000000000e+00;
	s0 =	simm.s32 @!p1 $0x11280  }
0x34b: {  	[tilespmem:v2+s0+$0x0] =	vst.idx.add.f32.msk @!p1 $0xffff, v3  }
0x34c: {  	v2 =	vld @!p1 [tilespmem:$0x10210];
	_ =	sdelay $0x7  }
0x34d: {  	[tilespmem:v2+s0+$0x0] =	vst.idx.add.f32.msk @!p1 $0xffff, v3;
	s0 =	simm.s32 @!p0 $0x1  }
0x34e: {  	_ =	swait.ge @!p0 [sflag:s0], $0x80  }
0x34f: {  	[sflag:s0] =	ssyncset.done @!p0 $0x0  }
0x350: {  	[sflag:s0] =	ssyncadd.s32 @!p0 $0xFFFFFF80;
	s0 =	simm.s32 @!p0 $0x5  }
0x351: {  	_ =	swait.ge @!p0 [sflag:s0], $0x4000  }
0x352: {  	[sflag:s0] =	ssyncset.done @!p0 $0x0  }
0x353: {  	[sflag:s0] =	ssyncadd.s32 @!p0 $0xFFFFC000;
	s0 =	simm.s32 @!p0 $0x80  }
0x354: {  	[spmem:s2] =	stream.indirect.scatter.add.f32 @!p0 [tilespmem:s28], [sflag:$0x9], $0x80, s26, s0, $0xb8;
	[tilespmem:$0x15680] =	vst v63  }
0x355: {  	v2 =	vld @!p0 [tilespmem:$0x0];
	_ =	sdelay $0x6  }
0x356: {  	v3 =	vimm.f32 @!p0 $1.000000000e+00;
	s0 =	simm.s32 @!p0 $0x11280  }
0x357: {  	[tilespmem:v2+s0+$0x0] =	vst.idx.add.f32.msk @!p0 $0xffff, v3  }
0x358: {  	v2 =	vld @!p0 [tilespmem:$0x10];
	_ =	sdelay $0x7  }
0x359: {  	[tilespmem:v2+s0+$0x0] =	vst.idx.add.f32.msk @!p0 $0xffff, v3  }
0x35a: {  	v2 =	vld @!p0 [tilespmem:$0x20];
	_ =	sdelay $0x7  }
0x35b: {  	[tilespmem:v2+s0+$0x0] =	vst.idx.add.f32.msk @!p0 $0xffff, v3  }
0x35c: {  	v2 =	vld @!p0 [tilespmem:$0x30];
	_ =	sdelay $0x7  }
0x35d: {  	[tilespmem:v2+s0+$0x0] =	vst.idx.add.f32.msk @!p0 $0xffff, v3  }
0x35e: {  	v2 =	vld @!p0 [tilespmem:$0x40];
	_ =	sdelay $0x7  }
0x35f: {  	[tilespmem:v2+s0+$0x0] =	vst.idx.add.f32.msk @!p0 $0xffff, v3  }
0x360: {  	v2 =	vld @!p0 [tilespmem:$0x50];
	_ =	sdelay $0x7  }
0x361: {  	[tilespmem:v2+s0+$0x0] =	vst.idx.add.f32.msk @!p0 $0xffff, v3  }
0x362: {  	v2 =	vld @!p0 [tilespmem:$0x60];
	_ =	sdelay $0x7  }
0x363: {  	[tilespmem:v2+s0+$0x0] =	vst.idx.add.f32.msk @!p0 $0xffff, v3  }
0x364: {  	v2 =	vld @!p0 [tilespmem:$0x70];
	_ =	sdelay $0x7  }
0x365: {  	[tilespmem:v2+s0+$0x0] =	vst.idx.add.f32.msk @!p0 $0xffff, v3;
	s0 =	simm.s32 @!p0 $0xA  }
0x366: {  	_ =	swait.ge @!p0 [sflag:s0], $0x4000  }
0x367: {  	[sflag:s0] =	ssyncset.done @!p0 $0x0  }
0x368: {  	[sflag:s0] =	ssyncadd.s32 @!p0 $0xFFFFC000;
	s0 =	simm.s32 @!p0 $0xB  }
0x369: {  	_ =	swait.ge @!p0 [sflag:s0], $0x4000  }
0x36a: {  	[sflag:s0] =	ssyncset.done @!p0 $0x0  }
0x36b: {  	[sflag:s0] =	ssyncadd.s32 @!p0 $0xFFFFC000;
	s0 =	simm.s32 @!p0 $0xC  }
0x36c: {  	_ =	swait.ge @!p0 [sflag:s0], $0x4000  }
0x36d: {  	[sflag:s0] =	ssyncset.done @!p0 $0x0  }
0x36e: {  	[sflag:s0] =	ssyncadd.s32 @!p0 $0xFFFFC000;
	s0 =	simm.s32 @!p0 $0x9  }
0x36f: {  	_ =	swait.ge @!p0 [sflag:s0], $0x4000  }
0x370: {  	[sflag:s0] =	ssyncset.done @!p0 $0x0  }
0x371: {  	[sflag:s0] =	ssyncadd.s32 @!p0 $0xFFFFC000  }
0x372: {  	[bflag:$0x0] =	sbarrier.arrive $0xFFFF  }
0x373: {  	s31 =	sld [smem:$0x7E0]  }
0x374: {  	s30 =	stileid.u32;
	s28 =	sld [smem:$0x7FC]  }
0x375: {  	s0 =	sshll.u32 s30, $0x6  }
0x376: {  	s0 =	sor.u32 $0x1C0D, s0;
	s10 =	sshrl.u32 s31, $0x3  }
0x377: {  	[hbm:s28], [sflag:s0] =	dma.local [spmem:s10], $0x400  }
0x378: {  	_ =	swait.ge [sflag:s8], $0x400  }
0x379: {  	[sflag:s8] =	ssyncset.done $0x0  }
0x37a: {  	s30 =	simm.s32 $0x400;
	s29 =	rddreg [dreg:$0x12];
	[sflag:s8] =	ssyncadd.s32 $0xFFFFFC00  }
0x37b: {  	[hbm4b:s29+s4] =	stream.strided.scatter [tilespmem:s14], [sflag:$0xD], $0x400, s30, s4, $0x38;
	[tilespmem:$0x15680] =	vst v63  }
0x37c: {  	_ =	swait.ge [sflag:s8], $0x400  }
0x37d: {  	s31 =	sld [smem:$0x7FD];
	_ =	sdelay $0x1  }
0x37e: {  	s25 =	sadd.s32 $0x1, s25  }
0x37f: {  	p2 =	sne.s32 s25, s31  }
.Ltmp2:
0x380: {  	_ = 	snop;
	(pc) =	sbr.rel @p2 .LBB2_1-.Ltmp2, $3  }
0x381: {  	_ =	sdelay $0x1  }
0x382: {  	[sflag:s8] =	ssyncset.done $0x0  }
0x383: {  	[sflag:s8] =	ssyncadd.s32 $0xFFFFFC00  }
0x384: {  	_ =	sfence.sel $0x180000  }
0x385: {  	[bflag:$0x0] =	sbarrier.arrive $0xFFFF  }
0x386: {  	_ =	strace $0x90000047  }
0x387: {  	s0 =	stileid.u32;
	[bflag:$0x2] =	sbarrier.arrive $0xFFFF  }
0x388: {  	p0 =	sne.s32 s0, $0x0;
	s0 =	rddreg [dreg:$0x5]  }
0x389: {  	s0 =	sadd.s32 @!p0 $0x100000, s0  }
0x38a: {  	[sflag:s0] =	ssyncadd.tile.s32 @!p0 $0x1;
	_ =	shalt  }
.Lfunc_end2:
_tile_overlayer_lowered:
.L_overlay_start_2:
0x38b: {  	(tag) =	ssettag $0x2  }
0x38c: {  	s0 =	rddreg [dreg:$0x0];
	s2 =	stileid.u32  }
0x38d: {  	s1 =	rddreg [dreg:$0x1];
	p0 =	sne.s32 s2, $0x0  }
0x38e: {  	s3 =	rddreg [dreg:$0x2];
	[bflag:$0x3] =	sbarrier.arrive $0xFFFF;
	s2 =	simm.s32 @!p0 $0x1C0D  }
0x38f: {  	[timem:s3], [sflag:s2] =	dma.local @!p0 [hbm:s0], s1  }
0x390: {  	s0 =	simm.s32 @!p0 $0xD  }
0x391: {  	_ =	swait.ge @!p0 [sflag:s0], s1  }
0x392: {  	s1 =	ssub.s32 @!p0 $0x0, s1;
	[sflag:s0] =	ssyncset.done @!p0 $0x0  }
0x393: {  	[sflag:s0] =	ssyncadd.s32 @!p0 s1  }
0x394: {  	[bflag:$0x3] =	sbarrier.arrive $0xFFFF  }
0x395: {  	_ =	shalt  }

</sc_bundles>
